<compile_context>
chip_gen: v7x
topology: tpu7x:2x2x1
jax: 0.10.2.dev20260603
libtpu: 0.0.44.dev20260713+nightly
codegen_flags: <defaults>
</compile_context>

<pallas_src>
import functools

import jax
import jax.numpy as jnp
from jax import lax
from jax.experimental import pallas as pl
from jax.experimental.pallas import tpu as pltpu
from jax.experimental.pallas import tpu_sc as plsc

N_NODES = 10000
N_EDGES = 320000
NODE_DIM = 128
Z_ROWS = 256

NC = 2
NS = 16
L = 16

NODES_PAD = 10240
NODES_PER_TILE = NODES_PAD // (NC * NS)
SUB = 40
N_SUB = NODES_PER_TILE // SUB
NX = 4
NZ = 3
EBLK = 128
NBLK_BASE = 156
EDGES_BASE = NBLK_BASE * EBLK
ECHUNKS = 4
ECH_BLKS = NBLK_BASE // ECHUNKS
ECH = ECH_BLKS * EBLK
UNROLL = 8


def _body(x_hbm, edges_hbm, zin_hbm, zout_hbm, out_hbm,
          ebuf0a, ebuf0b, ebuf1, hist_in, hist_out, shared, zsh, cbuf,
          idx_in, idx_out, xb, zib, zob,
          sem_e0, sem_e0b, sem_e1, sem_c, sem_z,
          sem_x, sem_zi, sem_zo, sem_st):
    c = lax.axis_index("c")
    s = lax.axis_index("s")

    zeros = jnp.zeros((L,), jnp.int32)
    ones = jnp.ones((L,), jnp.int32)

    w = c * NS + s
    gbase = w * NODES_PER_TILE

    def issue_x(k):
        bx = k % NX
        nbase = gbase + k * SUB

        @pl.when(nbase < N_NODES)
        def _():
            if k >= NX:
                pltpu.make_async_copy(
                    xb[bx], out_hbm.at[pl.ds(gbase + (k - NX) * SUB, SUB)],
                    sem_st[bx]).wait()
            pltpu.async_copy(x_hbm.at[pl.ds(nbase, SUB)], xb[bx], sem_x[bx])

    def issue_z(k):
        bz = k % NZ
        nbase = gbase + k * SUB

        @pl.when(nbase < N_NODES)
        def _():
            pltpu.async_copy(
                zsh.at[idx_in.at[pl.ds(k * SUB, SUB)]], zib[bz], sem_zi[bz])
            pltpu.async_copy(
                zsh.at[idx_out.at[pl.ds(k * SUB, SUB)]], zob[bz], sem_zo[bz])

    @pl.when(s == 0)
    def _():
        pltpu.async_copy(zin_hbm, zsh.at[pl.ds(0, Z_ROWS)], sem_z)
        pltpu.async_copy(zout_hbm, zsh.at[pl.ds(Z_ROWS, Z_ROWS)], sem_z)

    ecol0 = (s * NBLK_BASE + jnp.minimum(s, 4)) * EBLK
    has_extra = s < 4
    eb = (ebuf0a, ebuf0b)
    sem_e = (sem_e0, sem_e0b)

    def issue_e(t):
        pltpu.async_copy(
            edges_hbm.at[:, pl.ds(ecol0 + t * ECH, ECH)], eb[t % 2],
            sem_e[t % 2])

    issue_e(0)
    issue_e(1)

    @pl.when(has_extra)
    def _():
        pltpu.async_copy(
            edges_hbm.at[:, pl.ds(ecol0 + EDGES_BASE, EBLK)], ebuf1, sem_e1)

    for k in range(NX - 2):
        issue_x(k)

    with jax.named_scope("p1_zero"):
        def zero_body(i, _):
            for u in range(8):
                hist_in[pl.ds((i * 8 + u) * L, L)] = zeros
                hist_out[pl.ds((i * 8 + u) * L, L)] = zeros
            return _

        lax.fori_loop(0, NODES_PAD // (8 * L), zero_body, None)

    def scatter_batch(ebuf, offs):
        srcs = [ebuf[0, pl.ds(o, L)] for o in offs]
        dsts = [ebuf[1, pl.ds(o, L)] for o in offs]
        for u in range(len(offs)):
            plsc.addupdate_scatter(hist_out, [srcs[u]], ones)
            plsc.addupdate_scatter(hist_in, [dsts[u]], ones)

    with jax.named_scope("p1_scatter"):
        for t in range(ECHUNKS):
            with jax.named_scope("p1_ewait"):
                pltpu.make_async_copy(
                    edges_hbm.at[:, pl.ds(ecol0 + t * ECH, ECH)], eb[t % 2],
                    sem_e[t % 2]).wait()
            def edge_body(i, _, _eb=eb[t % 2]):
                scatter_batch(
                    _eb, [(i * UNROLL + u) * L for u in range(UNROLL)])
                return _

            lax.fori_loop(0, ECH // (L * UNROLL), edge_body, None)
            if t + 2 < ECHUNKS:
                issue_e(t + 2)

        @pl.when(has_extra)
        def _():
            pltpu.make_async_copy(
                edges_hbm.at[:, pl.ds(ecol0 + EDGES_BASE, EBLK)], ebuf1,
                sem_e1).wait()
            scatter_batch(ebuf1, [u * L for u in range(EBLK // L)])

    @pl.when(s == 0)
    def _():
        pltpu.make_async_copy(
            zout_hbm, zsh.at[pl.ds(Z_ROWS, Z_ROWS)], sem_z).wait()
        pltpu.make_async_copy(
            zin_hbm, zsh.at[pl.ds(0, Z_ROWS)], sem_z).wait()

    with jax.named_scope("c_publish"):
        pltpu.sync_copy(hist_in, shared.at[pl.ds(s * NODES_PAD, NODES_PAD)])
        pltpu.sync_copy(
            hist_out, shared.at[pl.ds((NS + s) * NODES_PAD, NODES_PAD)])
    with jax.named_scope("c_barrier"):
        plsc.subcore_barrier()

    zmax = jnp.full((L,), Z_ROWS - 1, jnp.int32)

    def read_partials(which):
        cps = []
        for r in range(NS):
            cps.append(pltpu.async_copy(
                shared.at[pl.ds((which * NS + r) * NODES_PAD + gbase,
                                NODES_PER_TILE)],
                cbuf.at[pl.ds(r * NODES_PER_TILE, NODES_PER_TILE)],
                sem_c))
        return cps

    def combine(idx_ref, row_off):
        def comb_body(j, _):
            acc = cbuf[pl.ds(j * L, L)]
            for r in range(1, NS):
                acc = acc + cbuf[pl.ds(r * NODES_PER_TILE + j * L, L)]
            idx_ref[pl.ds(j * L, L)] = jnp.minimum(acc, zmax) + row_off
            return _

        lax.fori_loop(0, NODES_PER_TILE // L, comb_body, None)

    with jax.named_scope("c_read"):
        for cp in read_partials(0):
            cp.wait()
    with jax.named_scope("c_sum"):
        combine(idx_in, 0)
    with jax.named_scope("c_read2"):
        for cp in read_partials(1):
            cp.wait()
    with jax.named_scope("c_sum2"):
        combine(idx_out, Z_ROWS)

    with jax.named_scope("p2_zissue"):
        for k in range(NZ - 1):
            issue_z(k)

    def process(k):
        bx = k % NX
        bz = k % NZ
        nbase = gbase + k * SUB

        @pl.when(nbase < N_NODES)
        def _():
            with jax.named_scope("p2_waitx"):
                pltpu.make_async_copy(
                    x_hbm.at[pl.ds(nbase, SUB)], xb[bx], sem_x[bx]).wait()
            with jax.named_scope("p2_waitz"):
                pltpu.make_async_copy(
                    zsh.at[idx_in.at[pl.ds(k * SUB, SUB)]], zib[bz],
                    sem_zi[bz]).wait()
                pltpu.make_async_copy(
                    zsh.at[idx_out.at[pl.ds(k * SUB, SUB)]], zob[bz],
                    sem_zo[bz]).wait()

            def add_body(r, _):
                for cc in range(NODE_DIM // L):
                    sl = pl.ds(cc * L, L)
                    xb[bx][r, sl] = (
                        xb[bx][r, sl] + zib[bz][r, sl] + zob[bz][r, sl])
                return _

            with jax.named_scope("p2_add"):
                lax.fori_loop(0, SUB, add_body, None)
            pltpu.async_copy(xb[bx], out_hbm.at[pl.ds(nbase, SUB)],
                             sem_st[bx])

    with jax.named_scope("p2"):
        for k in range(N_SUB):
            if k + NZ - 1 < N_SUB:
                issue_z(k + NZ - 1)
            if k + NX - 2 < N_SUB:
                issue_x(k + NX - 2)
            process(k)

    for k in range(max(0, N_SUB - NX), N_SUB):
        bx = k % NX
        nbase = gbase + k * SUB

        @pl.when(nbase < N_NODES)
        def _():
            pltpu.make_async_copy(
                xb[bx], out_hbm.at[pl.ds(nbase, SUB)], sem_st[bx]).wait()


def _flat_body(x_hbm, edges_hbm, zin_hbm, zout_hbm, out_hbm, *scratch):
    (ebuf0a, ebuf0b, ebuf1, hist_in, hist_out, shared, zsh, cbuf,
     idx_in, idx_out,
     xb0, xb1, xb2, xb3, zib0, zib1, zib2, zob0, zob1, zob2,
     sem_e0, sem_e0b, sem_e1, sem_c, sem_z,
     sx0, sx1, sx2, sx3, szi0, szi1, szi2, szo0, szo1, szo2,
     st0, st1, st2, st3) = scratch
    _body(x_hbm, edges_hbm, zin_hbm, zout_hbm, out_hbm,
          ebuf0a, ebuf0b, ebuf1, hist_in, hist_out, shared, zsh, cbuf,
          idx_in, idx_out,
          (xb0, xb1, xb2, xb3), (zib0, zib1, zib2), (zob0, zob1, zob2),
          sem_e0, sem_e0b, sem_e1, sem_c, sem_z,
          (sx0, sx1, sx2, sx3), (szi0, szi1, szi2), (szo0, szo1, szo2),
          (st0, st1, st2, st3))


@jax.jit
def _centrality(x, edge_index, z_in, z_out):
    mesh = plsc.VectorSubcoreMesh(core_axis_name="c", subcore_axis_name="s")
    run = functools.partial(
        pl.kernel,
        out_type=jax.ShapeDtypeStruct((N_NODES, NODE_DIM), jnp.float32),
        mesh=mesh,
        compiler_params=pltpu.CompilerParams(needs_layout_passes=False),
        scratch_types=[
            pltpu.VMEM((2, ECH), jnp.int32),
            pltpu.VMEM((2, ECH), jnp.int32),
            pltpu.VMEM((2, EBLK), jnp.int32),
            pltpu.VMEM((NODES_PAD,), jnp.int32),
            pltpu.VMEM((NODES_PAD,), jnp.int32),
            pltpu.VMEM_SHARED((2 * NS * NODES_PAD,), jnp.int32),
            pltpu.VMEM_SHARED((2 * Z_ROWS, NODE_DIM), jnp.float32),
            pltpu.VMEM((NS * NODES_PER_TILE,), jnp.int32),
            pltpu.VMEM((NODES_PER_TILE,), jnp.int32),
            pltpu.VMEM((NODES_PER_TILE,), jnp.int32),
        ]
        + [pltpu.VMEM((SUB, NODE_DIM), jnp.float32)] * (NX + 2 * NZ)
        + [pltpu.SemaphoreType.DMA] * (5 + NX + 2 * NZ + NX),
    )(_flat_body)
    return run(x, edge_index, z_in, z_out)


def kernel(x, edge_index, z_in, z_out):
    return _centrality(x, edge_index.astype(jnp.int32), z_in, z_out)

# --- scband reference (transcript-rebuilt; emitter-appended) ---
"""Pipeline reference for scband-centrality-encoding-72816875537092 (READ-ONLY COPY).

The authoritative reference and input builder live on the scoring server;
editing this copy changes nothing except your own understanding.
"""

import jax, jax.numpy as jnp
import numpy as np

N_NODES = 10000
N_EDGES = 320000
NODE_DIM = 128
MAX_IN_DEGREE = 256
MAX_OUT_DEGREE = 256


def setup_inputs(seed: int = 0) -> dict:
    key = jax.random.key(seed)
    k1, k2, k3, k4 = jax.random.split(key, 4)
    x = jax.random.normal(k1, (N_NODES, NODE_DIM), dtype=jnp.float32)
    edge_index = jax.random.randint(k2, (2, N_EDGES), 0, N_NODES, dtype=jnp.int64)
    z_in = jax.random.normal(k3, (MAX_IN_DEGREE, NODE_DIM), dtype=jnp.float32)
    z_out = jax.random.normal(k4, (MAX_OUT_DEGREE, NODE_DIM), dtype=jnp.float32)
    return {"x": x, "edge_index": edge_index, "z_in": z_in, "z_out": z_out}


def reference(x, edge_index, z_in, z_out):
    num_nodes = x.shape[0]
    # degree(index=edge_index[1]) -> in-degree histogram over nodes
    in_deg = jnp.bincount(edge_index[1], length=num_nodes).astype(jnp.int32)
    # degree(index=edge_index[0]) -> out-degree histogram over nodes
    out_deg = jnp.bincount(edge_index[0], length=num_nodes).astype(jnp.int32)
    out = x + jnp.take(z_in, in_deg, axis=0) + jnp.take(z_out, out_deg, axis=0)
    return out

if __name__ == "__main__":
    import jax
    _d = setup_inputs()
    print(jax.jit(kernel)(*tuple(_d.values())))

</pallas_src>

<mosaic_0001>
#map = affine_map<(d0, d1) -> (0, 0)>
module attributes {stable_mosaic.version = 14 : i64} {
  func.func @_flat_body(%arg0: i32, %arg1: i32, %arg2: memref<10000x128xf32, #tpu.memory_space<hbm>>, %arg3: memref<2x320000xi32, #tpu.memory_space<hbm>>, %arg4: memref<256x128xf32, #tpu.memory_space<hbm>>, %arg5: memref<256x128xf32, #tpu.memory_space<hbm>>, %arg6: memref<10000x128xf32, #tpu.memory_space<hbm>>, %arg7: memref<2x4992xi32, #tpu.memory_space<vmem>>, %arg8: memref<2x4992xi32, #tpu.memory_space<vmem>>, %arg9: memref<2x128xi32, #tpu.memory_space<vmem>>, %arg10: memref<10240xi32, #tpu.memory_space<vmem>>, %arg11: memref<10240xi32, #tpu.memory_space<vmem>>, %arg12: memref<327680xi32, #tpu.memory_space<vmem_shared>>, %arg13: memref<512x128xf32, #tpu.memory_space<vmem_shared>>, %arg14: memref<5120xi32, #tpu.memory_space<vmem>>, %arg15: memref<320xi32, #tpu.memory_space<vmem>>, %arg16: memref<320xi32, #tpu.memory_space<vmem>>, %arg17: memref<40x128xf32, #tpu.memory_space<vmem>>, %arg18: memref<40x128xf32, #tpu.memory_space<vmem>>, %arg19: memref<40x128xf32, #tpu.memory_space<vmem>>, %arg20: memref<40x128xf32, #tpu.memory_space<vmem>>, %arg21: memref<40x128xf32, #tpu.memory_space<vmem>>, %arg22: memref<40x128xf32, #tpu.memory_space<vmem>>, %arg23: memref<40x128xf32, #tpu.memory_space<vmem>>, %arg24: memref<40x128xf32, #tpu.memory_space<vmem>>, %arg25: memref<40x128xf32, #tpu.memory_space<vmem>>, %arg26: memref<40x128xf32, #tpu.memory_space<vmem>>, %arg27: memref<!tpu.dma_semaphore, #tpu.memory_space<semaphore_mem>>, %arg28: memref<!tpu.dma_semaphore, #tpu.memory_space<semaphore_mem>>, %arg29: memref<!tpu.dma_semaphore, #tpu.memory_space<semaphore_mem>>, %arg30: memref<!tpu.dma_semaphore, #tpu.memory_space<semaphore_mem>>, %arg31: memref<!tpu.dma_semaphore, #tpu.memory_space<semaphore_mem>>, %arg32: memref<!tpu.dma_semaphore, #tpu.memory_space<semaphore_mem>>, %arg33: memref<!tpu.dma_semaphore, #tpu.memory_space<semaphore_mem>>, %arg34: memref<!tpu.dma_semaphore, #tpu.memory_space<semaphore_mem>>, %arg35: memref<!tpu.dma_semaphore, #tpu.memory_space<semaphore_mem>>, %arg36: memref<!tpu.dma_semaphore, #tpu.memory_space<semaphore_mem>>, %arg37: memref<!tpu.dma_semaphore, #tpu.memory_space<semaphore_mem>>, %arg38: memref<!tpu.dma_semaphore, #tpu.memory_space<semaphore_mem>>, %arg39: memref<!tpu.dma_semaphore, #tpu.memory_space<semaphore_mem>>, %arg40: memref<!tpu.dma_semaphore, #tpu.memory_space<semaphore_mem>>, %arg41: memref<!tpu.dma_semaphore, #tpu.memory_space<semaphore_mem>>, %arg42: memref<!tpu.dma_semaphore, #tpu.memory_space<semaphore_mem>>, %arg43: memref<!tpu.dma_semaphore, #tpu.memory_space<semaphore_mem>>, %arg44: memref<!tpu.dma_semaphore, #tpu.memory_space<semaphore_mem>>, %arg45: memref<!tpu.dma_semaphore, #tpu.memory_space<semaphore_mem>>) attributes {dimension_semantics = [#tpu.dimension_semantics<core_parallel>, #tpu.dimension_semantics<subcore_parallel>], iteration_bounds = array<i64: 2, 16>, scalar_prefetch = 0 : i64, scratch_operands = 39 : i64, tpu.core_type = #tpu.core_type<sc_vector_subcore>, window_params = [{transform_indices = #map}, {transform_indices = #map}, {transform_indices = #map}, {transform_indices = #map}, {transform_indices = #map}]} {
    %broadcast_in_dim3A = arith.constant 0 : i32
    %broadcast_in_dim3A_0 = vector.broadcast %broadcast_in_dim3A : i32 to vector<16xi32>
    %broadcast_in_dim3A_1 = arith.constant 1 : i32
    %broadcast_in_dim3A_2 = vector.broadcast %broadcast_in_dim3A_1 : i32 to vector<16xi32>
    %mul3A = arith.constant 16 : i32
    %mul3A_3 = arith.muli %arg0, %mul3A : i32
    %add3A = arith.addi %mul3A_3, %arg1 : i32
    %mul3A_4 = arith.constant 320 : i32
    %mul3A_5 = arith.muli %add3A, %mul3A_4 : i32
    %eq3A = arith.constant 0 : i32
    %eq3A_6 = arith.cmpi eq, %arg1, %eq3A : i32
    %convert_element_type3A = arith.extui %eq3A_6 : i1 to i32
    %cond3A = arith.constant 0 : i32
    %cond3A_7 = arith.cmpi ne, %convert_element_type3A, %cond3A : i32
    scf.if %cond3A_7 {
      %dma_start3A_758 = arith.constant 0 : i32
      %dma_start3A_759 = arith.constant 0 : i32
      %dma_start3A_760 = tpu.memref_slice %arg13[%dma_start3A_758, %dma_start3A_759] : memref<512x128xf32, #tpu.memory_space<vmem_shared>> -> memref<256x128xf32, #tpu.memory_space<vmem_shared>>
      tpu.enqueue_dma source(%arg4 : memref<256x128xf32, #tpu.memory_space<hbm>>) target(%dma_start3A_760 : memref<256x128xf32, #tpu.memory_space<vmem_shared>>) target_semaphore(%arg31 : memref<!tpu.dma_semaphore, #tpu.memory_space<semaphore_mem>>)
      %dma_start3A_761 = arith.constant 256 : i32
      %dma_start3A_762 = arith.constant 0 : i32
      %dma_start3A_763 = tpu.memref_slice %arg13[%dma_start3A_761, %dma_start3A_762] : memref<512x128xf32, #tpu.memory_space<vmem_shared>> -> memref<256x128xf32, #tpu.memory_space<vmem_shared>>
      tpu.enqueue_dma source(%arg5 : memref<256x128xf32, #tpu.memory_space<hbm>>) target(%dma_start3A_763 : memref<256x128xf32, #tpu.memory_space<vmem_shared>>) target_semaphore(%arg31 : memref<!tpu.dma_semaphore, #tpu.memory_space<semaphore_mem>>)
    } else {
    }
    %mul3A_8 = arith.constant 156 : i32
    %mul3A_9 = arith.muli %arg1, %mul3A_8 : i32
    %min3A = arith.constant 4 : i32
    %min3A_10 = arith.minsi %arg1, %min3A : i32
    %add3A_11 = arith.addi %mul3A_9, %min3A_10 : i32
    %mul3A_12 = arith.constant 128 : i32
    %mul3A_13 = arith.muli %add3A_11, %mul3A_12 : i32
    %lt3A = arith.constant 4 : i32
    %lt3A_14 = arith.cmpi slt, %arg1, %lt3A : i32
    %add3A_15 = arith.constant 0 : i32
    %add3A_16 = arith.addi %mul3A_13, %add3A_15 : i32
    %dma_start3A = arith.constant 0 : i32
    %dma_start3A_17 = tpu.memref_slice %arg3[%dma_start3A, %add3A_16] : memref<2x320000xi32, #tpu.memory_space<hbm>> -> memref<2x4992xi32, #tpu.memory_space<hbm>>
    %dma_start3A_18 = arith.constant 0 : i32
    %dma_start3A_19 = tpu.memref_slice %arg3[%dma_start3A_18, %add3A_16] : memref<2x320000xi32, #tpu.memory_space<hbm>> -> memref<2x4992xi32, #tpu.memory_space<hbm>>
    tpu.enqueue_dma source(%dma_start3A_19 : memref<2x4992xi32, #tpu.memory_space<hbm>>) target(%arg7 : memref<2x4992xi32, #tpu.memory_space<vmem>>) target_semaphore(%arg27 : memref<!tpu.dma_semaphore, #tpu.memory_space<semaphore_mem>>)
    %add3A_20 = arith.constant 4992 : i32
    %add3A_21 = arith.addi %mul3A_13, %add3A_20 : i32
    %dma_start3A_22 = arith.constant 0 : i32
    %dma_start3A_23 = tpu.memref_slice %arg3[%dma_start3A_22, %add3A_21] : memref<2x320000xi32, #tpu.memory_space<hbm>> -> memref<2x4992xi32, #tpu.memory_space<hbm>>
    %dma_start3A_24 = arith.constant 0 : i32
    %dma_start3A_25 = tpu.memref_slice %arg3[%dma_start3A_24, %add3A_21] : memref<2x320000xi32, #tpu.memory_space<hbm>> -> memref<2x4992xi32, #tpu.memory_space<hbm>>
    tpu.enqueue_dma source(%dma_start3A_25 : memref<2x4992xi32, #tpu.memory_space<hbm>>) target(%arg8 : memref<2x4992xi32, #tpu.memory_space<vmem>>) target_semaphore(%arg28 : memref<!tpu.dma_semaphore, #tpu.memory_space<semaphore_mem>>)
    %convert_element_type3A_26 = arith.extui %lt3A_14 : i1 to i32
    %cond3A_27 = arith.constant 0 : i32
    %cond3A_28 = arith.cmpi ne, %convert_element_type3A_26, %cond3A_27 : i32
    scf.if %cond3A_28 {
      %add3A_758 = arith.constant 19968 : i32
      %add3A_759 = arith.addi %mul3A_13, %add3A_758 : i32
      %dma_start3A_760 = arith.constant 0 : i32
      %dma_start3A_761 = tpu.memref_slice %arg3[%dma_start3A_760, %add3A_759] : memref<2x320000xi32, #tpu.memory_space<hbm>> -> memref<2x128xi32, #tpu.memory_space<hbm>>
      %dma_start3A_762 = arith.constant 0 : i32
      %dma_start3A_763 = tpu.memref_slice %arg3[%dma_start3A_762, %add3A_759] : memref<2x320000xi32, #tpu.memory_space<hbm>> -> memref<2x128xi32, #tpu.memory_space<hbm>>
      tpu.enqueue_dma source(%dma_start3A_763 : memref<2x128xi32, #tpu.memory_space<hbm>>) target(%arg9 : memref<2x128xi32, #tpu.memory_space<vmem>>) target_semaphore(%arg29 : memref<!tpu.dma_semaphore, #tpu.memory_space<semaphore_mem>>)
    } else {
    }
    %add3A_29 = arith.constant 0 : i32
    %add3A_30 = arith.addi %mul3A_5, %add3A_29 : i32
    %lt3A_31 = arith.constant 10000 : i32
    %lt3A_32 = arith.cmpi slt, %add3A_30, %lt3A_31 : i32
    %convert_element_type3A_33 = arith.extui %lt3A_32 : i1 to i32
    %cond3A_34 = arith.constant 0 : i32
    %cond3A_35 = arith.cmpi ne, %convert_element_type3A_33, %cond3A_34 : i32
    scf.if %cond3A_35 {
      %dma_start3A_758 = arith.constant 0 : i32
      %dma_start3A_759 = tpu.memref_slice %arg2[%add3A_30, %dma_start3A_758] : memref<10000x128xf32, #tpu.memory_space<hbm>> -> memref<40x128xf32, #tpu.memory_space<hbm>>
      %dma_start3A_760 = arith.constant 0 : i32
      %dma_start3A_761 = tpu.memref_slice %arg2[%add3A_30, %dma_start3A_760] : memref<10000x128xf32, #tpu.memory_space<hbm>> -> memref<40x128xf32, #tpu.memory_space<hbm>>
      tpu.enqueue_dma source(%dma_start3A_761 : memref<40x128xf32, #tpu.memory_space<hbm>>) target(%arg17 : memref<40x128xf32, #tpu.memory_space<vmem>>) target_semaphore(%arg32 : memref<!tpu.dma_semaphore, #tpu.memory_space<semaphore_mem>>)
    } else {
    }
    %add3A_36 = arith.constant 40 : i32
    %add3A_37 = arith.addi %mul3A_5, %add3A_36 : i32
    %lt3A_38 = arith.constant 10000 : i32
    %lt3A_39 = arith.cmpi slt, %add3A_37, %lt3A_38 : i32
    %convert_element_type3A_40 = arith.extui %lt3A_39 : i1 to i32
    %cond3A_41 = arith.constant 0 : i32
    %cond3A_42 = arith.cmpi ne, %convert_element_type3A_40, %cond3A_41 : i32
    scf.if %cond3A_42 {
      %dma_start3A_758 = arith.constant 0 : i32
      %dma_start3A_759 = tpu.memref_slice %arg2[%add3A_37, %dma_start3A_758] : memref<10000x128xf32, #tpu.memory_space<hbm>> -> memref<40x128xf32, #tpu.memory_space<hbm>>
      %dma_start3A_760 = arith.constant 0 : i32
      %dma_start3A_761 = tpu.memref_slice %arg2[%add3A_37, %dma_start3A_760] : memref<10000x128xf32, #tpu.memory_space<hbm>> -> memref<40x128xf32, #tpu.memory_space<hbm>>
      tpu.enqueue_dma source(%dma_start3A_761 : memref<40x128xf32, #tpu.memory_space<hbm>>) target(%arg18 : memref<40x128xf32, #tpu.memory_space<vmem>>) target_semaphore(%arg33 : memref<!tpu.dma_semaphore, #tpu.memory_space<semaphore_mem>>)
    } else {
    }
    "tpu.trace_start"() <{level = 10 : i32, message = "p1_zero"}> : () -> ()
    %scan3A = arith.constant 0 : i32
    %scan3A_43 = arith.constant 80 : i32
    %scan3A_44 = arith.addi %scan3A, %scan3A_43 : i32
    %scan3A_45 = arith.constant 1 : i32
    scf.for %scan3A_758 = %scan3A to %scan3A_44 step %scan3A_45  : i32 {
      %mul3A_759 = arith.constant 8 : i32
      %mul3A_760 = arith.muli %scan3A_758, %mul3A_759 : i32
      %add3A_761 = arith.constant 0 : i32
      %add3A_762 = arith.addi %mul3A_760, %add3A_761 : i32
      %mul3A_763 = arith.constant 16 : i32
      %mul3A_764 = arith.muli %add3A_762, %mul3A_763 : i32
      %swap3A = arith.index_cast %mul3A_764 : i32 to index
      %swap3A_765 = tpu.vector_load %arg10[%swap3A] {strides = array<i32>} : memref<10240xi32, #tpu.memory_space<vmem>>, vector<16xi32>,
      tpu.vector_store %arg10[%swap3A], %broadcast_in_dim3A_0 {strides = array<i32>} : memref<10240xi32, #tpu.memory_space<vmem>>, vector<16xi32>,
      %mul3A_766 = arith.constant 8 : i32
      %mul3A_767 = arith.muli %scan3A_758, %mul3A_766 : i32
      %add3A_768 = arith.constant 0 : i32
      %add3A_769 = arith.addi %mul3A_767, %add3A_768 : i32
      %mul3A_770 = arith.constant 16 : i32
      %mul3A_771 = arith.muli %add3A_769, %mul3A_770 : i32
      %swap3A_772 = arith.index_cast %mul3A_771 : i32 to index
      %swap3A_773 = tpu.vector_load %arg11[%swap3A_772] {strides = array<i32>} : memref<10240xi32, #tpu.memory_space<vmem>>, vector<16xi32>,
      tpu.vector_store %arg11[%swap3A_772], %broadcast_in_dim3A_0 {strides = array<i32>} : memref<10240xi32, #tpu.memory_space<vmem>>, vector<16xi32>,
      %mul3A_774 = arith.constant 8 : i32
      %mul3A_775 = arith.muli %scan3A_758, %mul3A_774 : i32
      %add3A_776 = arith.constant 1 : i32
      %add3A_777 = arith.addi %mul3A_775, %add3A_776 : i32
      %mul3A_778 = arith.constant 16 : i32
      %mul3A_779 = arith.muli %add3A_777, %mul3A_778 : i32
      %swap3A_780 = arith.index_cast %mul3A_779 : i32 to index
      %swap3A_781 = tpu.vector_load %arg10[%swap3A_780] {strides = array<i32>} : memref<10240xi32, #tpu.memory_space<vmem>>, vector<16xi32>,
      tpu.vector_store %arg10[%swap3A_780], %broadcast_in_dim3A_0 {strides = array<i32>} : memref<10240xi32, #tpu.memory_space<vmem>>, vector<16xi32>,
      %mul3A_782 = arith.constant 8 : i32
      %mul3A_783 = arith.muli %scan3A_758, %mul3A_782 : i32
      %add3A_784 = arith.constant 1 : i32
      %add3A_785 = arith.addi %mul3A_783, %add3A_784 : i32
      %mul3A_786 = arith.constant 16 : i32
      %mul3A_787 = arith.muli %add3A_785, %mul3A_786 : i32
      %swap3A_788 = arith.index_cast %mul3A_787 : i32 to index
      %swap3A_789 = tpu.vector_load %arg11[%swap3A_788] {strides = array<i32>} : memref<10240xi32, #tpu.memory_space<vmem>>, vector<16xi32>,
      tpu.vector_store %arg11[%swap3A_788], %broadcast_in_dim3A_0 {strides = array<i32>} : memref<10240xi32, #tpu.memory_space<vmem>>, vector<16xi32>,
      %mul3A_790 = arith.constant 8 : i32
      %mul3A_791 = arith.muli %scan3A_758, %mul3A_790 : i32
      %add3A_792 = arith.constant 2 : i32
      %add3A_793 = arith.addi %mul3A_791, %add3A_792 : i32
      %mul3A_794 = arith.constant 16 : i32
      %mul3A_795 = arith.muli %add3A_793, %mul3A_794 : i32
      %swap3A_796 = arith.index_cast %mul3A_795 : i32 to index
      %swap3A_797 = tpu.vector_load %arg10[%swap3A_796] {strides = array<i32>} : memref<10240xi32, #tpu.memory_space<vmem>>, vector<16xi32>,
      tpu.vector_store %arg10[%swap3A_796], %broadcast_in_dim3A_0 {strides = array<i32>} : memref<10240xi32, #tpu.memory_space<vmem>>, vector<16xi32>,
      %mul3A_798 = arith.constant 8 : i32
      %mul3A_799 = arith.muli %scan3A_758, %mul3A_798 : i32
      %add3A_800 = arith.constant 2 : i32
      %add3A_801 = arith.addi %mul3A_799, %add3A_800 : i32
      %mul3A_802 = arith.constant 16 : i32
      %mul3A_803 = arith.muli %add3A_801, %mul3A_802 : i32
      %swap3A_804 = arith.index_cast %mul3A_803 : i32 to index
      %swap3A_805 = tpu.vector_load %arg11[%swap3A_804] {strides = array<i32>} : memref<10240xi32, #tpu.memory_space<vmem>>, vector<16xi32>,
      tpu.vector_store %arg11[%swap3A_804], %broadcast_in_dim3A_0 {strides = array<i32>} : memref<10240xi32, #tpu.memory_space<vmem>>, vector<16xi32>,
      %mul3A_806 = arith.constant 8 : i32
      %mul3A_807 = arith.muli %scan3A_758, %mul3A_806 : i32
      %add3A_808 = arith.constant 3 : i32
      %add3A_809 = arith.addi %mul3A_807, %add3A_808 : i32
      %mul3A_810 = arith.constant 16 : i32
      %mul3A_811 = arith.muli %add3A_809, %mul3A_810 : i32
      %swap3A_812 = arith.index_cast %mul3A_811 : i32 to index
      %swap3A_813 = tpu.vector_load %arg10[%swap3A_812] {strides = array<i32>} : memref<10240xi32, #tpu.memory_space<vmem>>, vector<16xi32>,
      tpu.vector_store %arg10[%swap3A_812], %broadcast_in_dim3A_0 {strides = array<i32>} : memref<10240xi32, #tpu.memory_space<vmem>>, vector<16xi32>,
      %mul3A_814 = arith.constant 8 : i32
      %mul3A_815 = arith.muli %scan3A_758, %mul3A_814 : i32
      %add3A_816 = arith.constant 3 : i32
      %add3A_817 = arith.addi %mul3A_815, %add3A_816 : i32
      %mul3A_818 = arith.constant 16 : i32
      %mul3A_819 = arith.muli %add3A_817, %mul3A_818 : i32
      %swap3A_820 = arith.index_cast %mul3A_819 : i32 to index
      %swap3A_821 = tpu.vector_load %arg11[%swap3A_820] {strides = array<i32>} : memref<10240xi32, #tpu.memory_space<vmem>>, vector<16xi32>,
      tpu.vector_store %arg11[%swap3A_820], %broadcast_in_dim3A_0 {strides = array<i32>} : memref<10240xi32, #tpu.memory_space<vmem>>, vector<16xi32>,
      %mul3A_822 = arith.constant 8 : i32
      %mul3A_823 = arith.muli %scan3A_758, %mul3A_822 : i32
      %add3A_824 = arith.constant 4 : i32
      %add3A_825 = arith.addi %mul3A_823, %add3A_824 : i32
      %mul3A_826 = arith.constant 16 : i32
      %mul3A_827 = arith.muli %add3A_825, %mul3A_826 : i32
      %swap3A_828 = arith.index_cast %mul3A_827 : i32 to index
      %swap3A_829 = tpu.vector_load %arg10[%swap3A_828] {strides = array<i32>} : memref<10240xi32, #tpu.memory_space<vmem>>, vector<16xi32>,
      tpu.vector_store %arg10[%swap3A_828], %broadcast_in_dim3A_0 {strides = array<i32>} : memref<10240xi32, #tpu.memory_space<vmem>>, vector<16xi32>,
      %mul3A_830 = arith.constant 8 : i32
      %mul3A_831 = arith.muli %scan3A_758, %mul3A_830 : i32
      %add3A_832 = arith.constant 4 : i32
      %add3A_833 = arith.addi %mul3A_831, %add3A_832 : i32
      %mul3A_834 = arith.constant 16 : i32
      %mul3A_835 = arith.muli %add3A_833, %mul3A_834 : i32
      %swap3A_836 = arith.index_cast %mul3A_835 : i32 to index
      %swap3A_837 = tpu.vector_load %arg11[%swap3A_836] {strides = array<i32>} : memref<10240xi32, #tpu.memory_space<vmem>>, vector<16xi32>,
      tpu.vector_store %arg11[%swap3A_836], %broadcast_in_dim3A_0 {strides = array<i32>} : memref<10240xi32, #tpu.memory_space<vmem>>, vector<16xi32>,
      %mul3A_838 = arith.constant 8 : i32
      %mul3A_839 = arith.muli %scan3A_758, %mul3A_838 : i32
      %add3A_840 = arith.constant 5 : i32
      %add3A_841 = arith.addi %mul3A_839, %add3A_840 : i32
      %mul3A_842 = arith.constant 16 : i32
      %mul3A_843 = arith.muli %add3A_841, %mul3A_842 : i32
      %swap3A_844 = arith.index_cast %mul3A_843 : i32 to index
      %swap3A_845 = tpu.vector_load %arg10[%swap3A_844] {strides = array<i32>} : memref<10240xi32, #tpu.memory_space<vmem>>, vector<16xi32>,
      tpu.vector_store %arg10[%swap3A_844], %broadcast_in_dim3A_0 {strides = array<i32>} : memref<10240xi32, #tpu.memory_space<vmem>>, vector<16xi32>,
      %mul3A_846 = arith.constant 8 : i32
      %mul3A_847 = arith.muli %scan3A_758, %mul3A_846 : i32
      %add3A_848 = arith.constant 5 : i32
      %add3A_849 = arith.addi %mul3A_847, %add3A_848 : i32
      %mul3A_850 = arith.constant 16 : i32
      %mul3A_851 = arith.muli %add3A_849, %mul3A_850 : i32
      %swap3A_852 = arith.index_cast %mul3A_851 : i32 to index
      %swap3A_853 = tpu.vector_load %arg11[%swap3A_852] {strides = array<i32>} : memref<10240xi32, #tpu.memory_space<vmem>>, vector<16xi32>,
      tpu.vector_store %arg11[%swap3A_852], %broadcast_in_dim3A_0 {strides = array<i32>} : memref<10240xi32, #tpu.memory_space<vmem>>, vector<16xi32>,
      %mul3A_854 = arith.constant 8 : i32
      %mul3A_855 = arith.muli %scan3A_758, %mul3A_854 : i32
      %add3A_856 = arith.constant 6 : i32
      %add3A_857 = arith.addi %mul3A_855, %add3A_856 : i32
      %mul3A_858 = arith.constant 16 : i32
      %mul3A_859 = arith.muli %add3A_857, %mul3A_858 : i32
      %swap3A_860 = arith.index_cast %mul3A_859 : i32 to index
      %swap3A_861 = tpu.vector_load %arg10[%swap3A_860] {strides = array<i32>} : memref<10240xi32, #tpu.memory_space<vmem>>, vector<16xi32>,
      tpu.vector_store %arg10[%swap3A_860], %broadcast_in_dim3A_0 {strides = array<i32>} : memref<10240xi32, #tpu.memory_space<vmem>>, vector<16xi32>,
      %mul3A_862 = arith.constant 8 : i32
      %mul3A_863 = arith.muli %scan3A_758, %mul3A_862 : i32
      %add3A_864 = arith.constant 6 : i32
      %add3A_865 = arith.addi %mul3A_863, %add3A_864 : i32
      %mul3A_866 = arith.constant 16 : i32
      %mul3A_867 = arith.muli %add3A_865, %mul3A_866 : i32
      %swap3A_868 = arith.index_cast %mul3A_867 : i32 to index
      %swap3A_869 = tpu.vector_load %arg11[%swap3A_868] {strides = array<i32>} : memref<10240xi32, #tpu.memory_space<vmem>>, vector<16xi32>,
      tpu.vector_store %arg11[%swap3A_868], %broadcast_in_dim3A_0 {strides = array<i32>} : memref<10240xi32, #tpu.memory_space<vmem>>, vector<16xi32>,
      %mul3A_870 = arith.constant 8 : i32
      %mul3A_871 = arith.muli %scan3A_758, %mul3A_870 : i32
      %add3A_872 = arith.constant 7 : i32
      %add3A_873 = arith.addi %mul3A_871, %add3A_872 : i32
      %mul3A_874 = arith.constant 16 : i32
      %mul3A_875 = arith.muli %add3A_873, %mul3A_874 : i32
      %swap3A_876 = arith.index_cast %mul3A_875 : i32 to index
      %swap3A_877 = tpu.vector_load %arg10[%swap3A_876] {strides = array<i32>} : memref<10240xi32, #tpu.memory_space<vmem>>, vector<16xi32>,
      tpu.vector_store %arg10[%swap3A_876], %broadcast_in_dim3A_0 {strides = array<i32>} : memref<10240xi32, #tpu.memory_space<vmem>>, vector<16xi32>,
      %mul3A_878 = arith.constant 8 : i32
      %mul3A_879 = arith.muli %scan3A_758, %mul3A_878 : i32
      %add3A_880 = arith.constant 7 : i32
      %add3A_881 = arith.addi %mul3A_879, %add3A_880 : i32
      %mul3A_882 = arith.constant 16 : i32
      %mul3A_883 = arith.muli %add3A_881, %mul3A_882 : i32
      %swap3A_884 = arith.index_cast %mul3A_883 : i32 to index
      %swap3A_885 = tpu.vector_load %arg11[%swap3A_884] {strides = array<i32>} : memref<10240xi32, #tpu.memory_space<vmem>>, vector<16xi32>,
      tpu.vector_store %arg11[%swap3A_884], %broadcast_in_dim3A_0 {strides = array<i32>} : memref<10240xi32, #tpu.memory_space<vmem>>, vector<16xi32>,
    }
    %scan3A_46 = arith.constant 80 : i32
    "tpu.trace_stop"() : () -> ()
    "tpu.trace_start"() <{level = 10 : i32, message = "p1_scatter"}> : () -> ()
    "tpu.trace_start"() <{level = 10 : i32, message = "p1_ewait"}> : () -> ()
    %add3A_47 = arith.constant 0 : i32
    %add3A_48 = arith.addi %mul3A_13, %add3A_47 : i32
    %dma_wait3A = arith.constant 0 : i32
    %dma_wait3A_49 = tpu.memref_slice %arg3[%dma_wait3A, %add3A_48] : memref<2x320000xi32, #tpu.memory_space<hbm>> -> memref<2x4992xi32, #tpu.memory_space<hbm>>
    %dma_wait3A_50 = arith.constant 0 : i32
    %dma_wait3A_51 = tpu.memref_slice %arg3[%dma_wait3A_50, %add3A_48] : memref<2x320000xi32, #tpu.memory_space<hbm>> -> memref<2x4992xi32, #tpu.memory_space<hbm>>
    tpu.wait_dma2 semaphore(%arg27 : memref<!tpu.dma_semaphore, #tpu.memory_space<semaphore_mem>>) src(%dma_wait3A_51 : memref<2x4992xi32, #tpu.memory_space<hbm>>) dst(%arg7 : memref<2x4992xi32, #tpu.memory_space<vmem>>)
    "tpu.trace_stop"() : () -> ()
    %scan3A_52 = arith.constant 0 : i32
    %scan3A_53 = arith.constant 39 : i32
    %scan3A_54 = arith.addi %scan3A_52, %scan3A_53 : i32
    %scan3A_55 = arith.constant 1 : i32
    scf.for %scan3A_758 = %scan3A_52 to %scan3A_54 step %scan3A_55  : i32 {
      %mul3A_759 = arith.constant 8 : i32
      %mul3A_760 = arith.muli %scan3A_758, %mul3A_759 : i32
      %add3A_761 = arith.constant 0 : i32
      %add3A_762 = arith.addi %mul3A_760, %add3A_761 : i32
      %mul3A_763 = arith.constant 16 : i32
      %mul3A_764 = arith.muli %add3A_762, %mul3A_763 : i32
      %mul3A_765 = arith.constant 8 : i32
      %mul3A_766 = arith.muli %scan3A_758, %mul3A_765 : i32
      %add3A_767 = arith.constant 1 : i32
      %add3A_768 = arith.addi %mul3A_766, %add3A_767 : i32
      %mul3A_769 = arith.constant 16 : i32
      %mul3A_770 = arith.muli %add3A_768, %mul3A_769 : i32
      %mul3A_771 = arith.constant 8 : i32
      %mul3A_772 = arith.muli %scan3A_758, %mul3A_771 : i32
      %add3A_773 = arith.constant 2 : i32
      %add3A_774 = arith.addi %mul3A_772, %add3A_773 : i32
      %mul3A_775 = arith.constant 16 : i32
      %mul3A_776 = arith.muli %add3A_774, %mul3A_775 : i32
      %mul3A_777 = arith.constant 8 : i32
      %mul3A_778 = arith.muli %scan3A_758, %mul3A_777 : i32
      %add3A_779 = arith.constant 3 : i32
      %add3A_780 = arith.addi %mul3A_778, %add3A_779 : i32
      %mul3A_781 = arith.constant 16 : i32
      %mul3A_782 = arith.muli %add3A_780, %mul3A_781 : i32
      %mul3A_783 = arith.constant 8 : i32
      %mul3A_784 = arith.muli %scan3A_758, %mul3A_783 : i32
      %add3A_785 = arith.constant 4 : i32
      %add3A_786 = arith.addi %mul3A_784, %add3A_785 : i32
      %mul3A_787 = arith.constant 16 : i32
      %mul3A_788 = arith.muli %add3A_786, %mul3A_787 : i32
      %mul3A_789 = arith.constant 8 : i32
      %mul3A_790 = arith.muli %scan3A_758, %mul3A_789 : i32
      %add3A_791 = arith.constant 5 : i32
      %add3A_792 = arith.addi %mul3A_790, %add3A_791 : i32
      %mul3A_793 = arith.constant 16 : i32
      %mul3A_794 = arith.muli %add3A_792, %mul3A_793 : i32
      %mul3A_795 = arith.constant 8 : i32
      %mul3A_796 = arith.muli %scan3A_758, %mul3A_795 : i32
      %add3A_797 = arith.constant 6 : i32
      %add3A_798 = arith.addi %mul3A_796, %add3A_797 : i32
      %mul3A_799 = arith.constant 16 : i32
      %mul3A_800 = arith.muli %add3A_798, %mul3A_799 : i32
      %mul3A_801 = arith.constant 8 : i32
      %mul3A_802 = arith.muli %scan3A_758, %mul3A_801 : i32
      %add3A_803 = arith.constant 7 : i32
      %add3A_804 = arith.addi %mul3A_802, %add3A_803 : i32
      %mul3A_805 = arith.constant 16 : i32
      %mul3A_806 = arith.muli %add3A_804, %mul3A_805 : i32
      %get3A = arith.constant 0 : i32
      %get3A_807 = arith.index_cast %get3A : i32 to index
      %get3A_808 = arith.index_cast %mul3A_764 : i32 to index
      %get3A_809 = tpu.vector_load %arg7[%get3A_807, %get3A_808] {strides = array<i32>} : memref<2x4992xi32, #tpu.memory_space<vmem>>, vector<16xi32>,
      %get3A_810 = arith.constant 0 : i32
      %get3A_811 = arith.index_cast %get3A_810 : i32 to index
      %get3A_812 = arith.index_cast %mul3A_770 : i32 to index
      %get3A_813 = tpu.vector_load %arg7[%get3A_811, %get3A_812] {strides = array<i32>} : memref<2x4992xi32, #tpu.memory_space<vmem>>, vector<16xi32>,
      %get3A_814 = arith.constant 0 : i32
      %get3A_815 = arith.index_cast %get3A_814 : i32 to index
      %get3A_816 = arith.index_cast %mul3A_776 : i32 to index
      %get3A_817 = tpu.vector_load %arg7[%get3A_815, %get3A_816] {strides = array<i32>} : memref<2x4992xi32, #tpu.memory_space<vmem>>, vector<16xi32>,
      %get3A_818 = arith.constant 0 : i32
      %get3A_819 = arith.index_cast %get3A_818 : i32 to index
      %get3A_820 = arith.index_cast %mul3A_782 : i32 to index
      %get3A_821 = tpu.vector_load %arg7[%get3A_819, %get3A_820] {strides = array<i32>} : memref<2x4992xi32, #tpu.memory_space<vmem>>, vector<16xi32>,
      %get3A_822 = arith.constant 0 : i32
      %get3A_823 = arith.index_cast %get3A_822 : i32 to index
      %get3A_824 = arith.index_cast %mul3A_788 : i32 to index
      %get3A_825 = tpu.vector_load %arg7[%get3A_823, %get3A_824] {strides = array<i32>} : memref<2x4992xi32, #tpu.memory_space<vmem>>, vector<16xi32>,
      %get3A_826 = arith.constant 0 : i32
      %get3A_827 = arith.index_cast %get3A_826 : i32 to index
      %get3A_828 = arith.index_cast %mul3A_794 : i32 to index
      %get3A_829 = tpu.vector_load %arg7[%get3A_827, %get3A_828] {strides = array<i32>} : memref<2x4992xi32, #tpu.memory_space<vmem>>, vector<16xi32>,
      %get3A_830 = arith.constant 0 : i32
      %get3A_831 = arith.index_cast %get3A_830 : i32 to index
      %get3A_832 = arith.index_cast %mul3A_800 : i32 to index
      %get3A_833 = tpu.vector_load %arg7[%get3A_831, %get3A_832] {strides = array<i32>} : memref<2x4992xi32, #tpu.memory_space<vmem>>, vector<16xi32>,
      %get3A_834 = arith.constant 0 : i32
      %get3A_835 = arith.index_cast %get3A_834 : i32 to index
      %get3A_836 = arith.index_cast %mul3A_806 : i32 to index
      %get3A_837 = tpu.vector_load %arg7[%get3A_835, %get3A_836] {strides = array<i32>} : memref<2x4992xi32, #tpu.memory_space<vmem>>, vector<16xi32>,
      %get3A_838 = arith.constant 1 : i32
      %get3A_839 = arith.index_cast %get3A_838 : i32 to index
      %get3A_840 = arith.index_cast %mul3A_764 : i32 to index
      %get3A_841 = tpu.vector_load %arg7[%get3A_839, %get3A_840] {strides = array<i32>} : memref<2x4992xi32, #tpu.memory_space<vmem>>, vector<16xi32>,
      %get3A_842 = arith.constant 1 : i32
      %get3A_843 = arith.index_cast %get3A_842 : i32 to index
      %get3A_844 = arith.index_cast %mul3A_770 : i32 to index
      %get3A_845 = tpu.vector_load %arg7[%get3A_843, %get3A_844] {strides = array<i32>} : memref<2x4992xi32, #tpu.memory_space<vmem>>, vector<16xi32>,
      %get3A_846 = arith.constant 1 : i32
      %get3A_847 = arith.index_cast %get3A_846 : i32 to index
      %get3A_848 = arith.index_cast %mul3A_776 : i32 to index
      %get3A_849 = tpu.vector_load %arg7[%get3A_847, %get3A_848] {strides = array<i32>} : memref<2x4992xi32, #tpu.memory_space<vmem>>, vector<16xi32>,
      %get3A_850 = arith.constant 1 : i32
      %get3A_851 = arith.index_cast %get3A_850 : i32 to index
      %get3A_852 = arith.index_cast %mul3A_782 : i32 to index
      %get3A_853 = tpu.vector_load %arg7[%get3A_851, %get3A_852] {strides = array<i32>} : memref<2x4992xi32, #tpu.memory_space<vmem>>, vector<16xi32>,
      %get3A_854 = arith.constant 1 : i32
      %get3A_855 = arith.index_cast %get3A_854 : i32 to index
      %get3A_856 = arith.index_cast %mul3A_788 : i32 to index
      %get3A_857 = tpu.vector_load %arg7[%get3A_855, %get3A_856] {strides = array<i32>} : memref<2x4992xi32, #tpu.memory_space<vmem>>, vector<16xi32>,
      %get3A_858 = arith.constant 1 : i32
      %get3A_859 = arith.index_cast %get3A_858 : i32 to index
      %get3A_860 = arith.index_cast %mul3A_794 : i32 to index
      %get3A_861 = tpu.vector_load %arg7[%get3A_859, %get3A_860] {strides = array<i32>} : memref<2x4992xi32, #tpu.memory_space<vmem>>, vector<16xi32>,
      %get3A_862 = arith.constant 1 : i32
      %get3A_863 = arith.index_cast %get3A_862 : i32 to index
      %get3A_864 = arith.index_cast %mul3A_800 : i32 to index
      %get3A_865 = tpu.vector_load %arg7[%get3A_863, %get3A_864] {strides = array<i32>} : memref<2x4992xi32, #tpu.memory_space<vmem>>, vector<16xi32>,
      %get3A_866 = arith.constant 1 : i32
      %get3A_867 = arith.index_cast %get3A_866 : i32 to index
      %get3A_868 = arith.index_cast %mul3A_806 : i32 to index
      %get3A_869 = tpu.vector_load %arg7[%get3A_867, %get3A_868] {strides = array<i32>} : memref<2x4992xi32, #tpu.memory_space<vmem>>, vector<16xi32>,
      tpu.vector_store_idx %arg11[%get3A_809], %broadcast_in_dim3A_2 {add = true} : memref<10240xi32, #tpu.memory_space<vmem>>[vector<16xi32>], vector<16xi32>,
      tpu.vector_store_idx %arg10[%get3A_841], %broadcast_in_dim3A_2 {add = true} : memref<10240xi32, #tpu.memory_space<vmem>>[vector<16xi32>], vector<16xi32>,
      tpu.vector_store_idx %arg11[%get3A_813], %broadcast_in_dim3A_2 {add = true} : memref<10240xi32, #tpu.memory_space<vmem>>[vector<16xi32>], vector<16xi32>,
      tpu.vector_store_idx %arg10[%get3A_845], %broadcast_in_dim3A_2 {add = true} : memref<10240xi32, #tpu.memory_space<vmem>>[vector<16xi32>], vector<16xi32>,
      tpu.vector_store_idx %arg11[%get3A_817], %broadcast_in_dim3A_2 {add = true} : memref<10240xi32, #tpu.memory_space<vmem>>[vector<16xi32>], vector<16xi32>,
      tpu.vector_store_idx %arg10[%get3A_849], %broadcast_in_dim3A_2 {add = true} : memref<10240xi32, #tpu.memory_space<vmem>>[vector<16xi32>], vector<16xi32>,
      tpu.vector_store_idx %arg11[%get3A_821], %broadcast_in_dim3A_2 {add = true} : memref<10240xi32, #tpu.memory_space<vmem>>[vector<16xi32>], vector<16xi32>,
      tpu.vector_store_idx %arg10[%get3A_853], %broadcast_in_dim3A_2 {add = true} : memref<10240xi32, #tpu.memory_space<vmem>>[vector<16xi32>], vector<16xi32>,
      tpu.vector_store_idx %arg11[%get3A_825], %broadcast_in_dim3A_2 {add = true} : memref<10240xi32, #tpu.memory_space<vmem>>[vector<16xi32>], vector<16xi32>,
      tpu.vector_store_idx %arg10[%get3A_857], %broadcast_in_dim3A_2 {add = true} : memref<10240xi32, #tpu.memory_space<vmem>>[vector<16xi32>], vector<16xi32>,
      tpu.vector_store_idx %arg11[%get3A_829], %broadcast_in_dim3A_2 {add = true} : memref<10240xi32, #tpu.memory_space<vmem>>[vector<16xi32>], vector<16xi32>,
      tpu.vector_store_idx %arg10[%get3A_861], %broadcast_in_dim3A_2 {add = true} : memref<10240xi32, #tpu.memory_space<vmem>>[vector<16xi32>], vector<16xi32>,
      tpu.vector_store_idx %arg11[%get3A_833], %broadcast_in_dim3A_2 {add = true} : memref<10240xi32, #tpu.memory_space<vmem>>[vector<16xi32>], vector<16xi32>,
      tpu.vector_store_idx %arg10[%get3A_865], %broadcast_in_dim3A_2 {add = true} : memref<10240xi32, #tpu.memory_space<vmem>>[vector<16xi32>], vector<16xi32>,
      tpu.vector_store_idx %arg11[%get3A_837], %broadcast_in_dim3A_2 {add = true} : memref<10240xi32, #tpu.memory_space<vmem>>[vector<16xi32>], vector<16xi32>,
      tpu.vector_store_idx %arg10[%get3A_869], %broadcast_in_dim3A_2 {add = true} : memref<10240xi32, #tpu.memory_space<vmem>>[vector<16xi32>], vector<16xi32>,
    }
    %scan3A_56 = arith.constant 39 : i32
    %add3A_57 = arith.constant 9984 : i32
    %add3A_58 = arith.addi %mul3A_13, %add3A_57 : i32
    %dma_start3A_59 = arith.constant 0 : i32
    %dma_start3A_60 = tpu.memref_slice %arg3[%dma_start3A_59, %add3A_58] : memref<2x320000xi32, #tpu.memory_space<hbm>> -> memref<2x4992xi32, #tpu.memory_space<hbm>>
    %dma_start3A_61 = arith.constant 0 : i32
    %dma_start3A_62 = tpu.memref_slice %arg3[%dma_start3A_61, %add3A_58] : memref<2x320000xi32, #tpu.memory_space<hbm>> -> memref<2x4992xi32, #tpu.memory_space<hbm>>
    tpu.enqueue_dma source(%dma_start3A_62 : memref<2x4992xi32, #tpu.memory_space<hbm>>) target(%arg7 : memref<2x4992xi32, #tpu.memory_space<vmem>>) target_semaphore(%arg27 : memref<!tpu.dma_semaphore, #tpu.memory_space<semaphore_mem>>)
    "tpu.trace_start"() <{level = 10 : i32, message = "p1_ewait"}> : () -> ()
    %add3A_63 = arith.constant 4992 : i32
    %add3A_64 = arith.addi %mul3A_13, %add3A_63 : i32
    %dma_wait3A_65 = arith.constant 0 : i32
    %dma_wait3A_66 = tpu.memref_slice %arg3[%dma_wait3A_65, %add3A_64] : memref<2x320000xi32, #tpu.memory_space<hbm>> -> memref<2x4992xi32, #tpu.memory_space<hbm>>
    %dma_wait3A_67 = arith.constant 0 : i32
    %dma_wait3A_68 = tpu.memref_slice %arg3[%dma_wait3A_67, %add3A_64] : memref<2x320000xi32, #tpu.memory_space<hbm>> -> memref<2x4992xi32, #tpu.memory_space<hbm>>
    tpu.wait_dma2 semaphore(%arg28 : memref<!tpu.dma_semaphore, #tpu.memory_space<semaphore_mem>>) src(%dma_wait3A_68 : memref<2x4992xi32, #tpu.memory_space<hbm>>) dst(%arg8 : memref<2x4992xi32, #tpu.memory_space<vmem>>)
    "tpu.trace_stop"() : () -> ()
    %scan3A_69 = arith.constant 0 : i32
    %scan3A_70 = arith.constant 39 : i32
    %scan3A_71 = arith.addi %scan3A_69, %scan3A_70 : i32
    %scan3A_72 = arith.constant 1 : i32
    scf.for %scan3A_758 = %scan3A_69 to %scan3A_71 step %scan3A_72  : i32 {
      %mul3A_759 = arith.constant 8 : i32
      %mul3A_760 = arith.muli %scan3A_758, %mul3A_759 : i32
      %add3A_761 = arith.constant 0 : i32
      %add3A_762 = arith.addi %mul3A_760, %add3A_761 : i32
      %mul3A_763 = arith.constant 16 : i32
      %mul3A_764 = arith.muli %add3A_762, %mul3A_763 : i32
      %mul3A_765 = arith.constant 8 : i32
      %mul3A_766 = arith.muli %scan3A_758, %mul3A_765 : i32
      %add3A_767 = arith.constant 1 : i32
      %add3A_768 = arith.addi %mul3A_766, %add3A_767 : i32
      %mul3A_769 = arith.constant 16 : i32
      %mul3A_770 = arith.muli %add3A_768, %mul3A_769 : i32
      %mul3A_771 = arith.constant 8 : i32
      %mul3A_772 = arith.muli %scan3A_758, %mul3A_771 : i32
      %add3A_773 = arith.constant 2 : i32
      %add3A_774 = arith.addi %mul3A_772, %add3A_773 : i32
      %mul3A_775 = arith.constant 16 : i32
      %mul3A_776 = arith.muli %add3A_774, %mul3A_775 : i32
      %mul3A_777 = arith.constant 8 : i32
      %mul3A_778 = arith.muli %scan3A_758, %mul3A_777 : i32
      %add3A_779 = arith.constant 3 : i32
      %add3A_780 = arith.addi %mul3A_778, %add3A_779 : i32
      %mul3A_781 = arith.constant 16 : i32
      %mul3A_782 = arith.muli %add3A_780, %mul3A_781 : i32
      %mul3A_783 = arith.constant 8 : i32
      %mul3A_784 = arith.muli %scan3A_758, %mul3A_783 : i32
      %add3A_785 = arith.constant 4 : i32
      %add3A_786 = arith.addi %mul3A_784, %add3A_785 : i32
      %mul3A_787 = arith.constant 16 : i32
      %mul3A_788 = arith.muli %add3A_786, %mul3A_787 : i32
      %mul3A_789 = arith.constant 8 : i32
      %mul3A_790 = arith.muli %scan3A_758, %mul3A_789 : i32
      %add3A_791 = arith.constant 5 : i32
      %add3A_792 = arith.addi %mul3A_790, %add3A_791 : i32
      %mul3A_793 = arith.constant 16 : i32
      %mul3A_794 = arith.muli %add3A_792, %mul3A_793 : i32
      %mul3A_795 = arith.constant 8 : i32
      %mul3A_796 = arith.muli %scan3A_758, %mul3A_795 : i32
      %add3A_797 = arith.constant 6 : i32
      %add3A_798 = arith.addi %mul3A_796, %add3A_797 : i32
      %mul3A_799 = arith.constant 16 : i32
      %mul3A_800 = arith.muli %add3A_798, %mul3A_799 : i32
      %mul3A_801 = arith.constant 8 : i32
      %mul3A_802 = arith.muli %scan3A_758, %mul3A_801 : i32
      %add3A_803 = arith.constant 7 : i32
      %add3A_804 = arith.addi %mul3A_802, %add3A_803 : i32
      %mul3A_805 = arith.constant 16 : i32
      %mul3A_806 = arith.muli %add3A_804, %mul3A_805 : i32
      %get3A = arith.constant 0 : i32
      %get3A_807 = arith.index_cast %get3A : i32 to index
      %get3A_808 = arith.index_cast %mul3A_764 : i32 to index
      %get3A_809 = tpu.vector_load %arg8[%get3A_807, %get3A_808] {strides = array<i32>} : memref<2x4992xi32, #tpu.memory_space<vmem>>, vector<16xi32>,
      %get3A_810 = arith.constant 0 : i32
      %get3A_811 = arith.index_cast %get3A_810 : i32 to index
      %get3A_812 = arith.index_cast %mul3A_770 : i32 to index
      %get3A_813 = tpu.vector_load %arg8[%get3A_811, %get3A_812] {strides = array<i32>} : memref<2x4992xi32, #tpu.memory_space<vmem>>, vector<16xi32>,
      %get3A_814 = arith.constant 0 : i32
      %get3A_815 = arith.index_cast %get3A_814 : i32 to index
      %get3A_816 = arith.index_cast %mul3A_776 : i32 to index
      %get3A_817 = tpu.vector_load %arg8[%get3A_815, %get3A_816] {strides = array<i32>} : memref<2x4992xi32, #tpu.memory_space<vmem>>, vector<16xi32>,
      %get3A_818 = arith.constant 0 : i32
      %get3A_819 = arith.index_cast %get3A_818 : i32 to index
      %get3A_820 = arith.index_cast %mul3A_782 : i32 to index
      %get3A_821 = tpu.vector_load %arg8[%get3A_819, %get3A_820] {strides = array<i32>} : memref<2x4992xi32, #tpu.memory_space<vmem>>, vector<16xi32>,
      %get3A_822 = arith.constant 0 : i32
      %get3A_823 = arith.index_cast %get3A_822 : i32 to index
      %get3A_824 = arith.index_cast %mul3A_788 : i32 to index
      %get3A_825 = tpu.vector_load %arg8[%get3A_823, %get3A_824] {strides = array<i32>} : memref<2x4992xi32, #tpu.memory_space<vmem>>, vector<16xi32>,
      %get3A_826 = arith.constant 0 : i32
      %get3A_827 = arith.index_cast %get3A_826 : i32 to index
      %get3A_828 = arith.index_cast %mul3A_794 : i32 to index
      %get3A_829 = tpu.vector_load %arg8[%get3A_827, %get3A_828] {strides = array<i32>} : memref<2x4992xi32, #tpu.memory_space<vmem>>, vector<16xi32>,
      %get3A_830 = arith.constant 0 : i32
      %get3A_831 = arith.index_cast %get3A_830 : i32 to index
      %get3A_832 = arith.index_cast %mul3A_800 : i32 to index
      %get3A_833 = tpu.vector_load %arg8[%get3A_831, %get3A_832] {strides = array<i32>} : memref<2x4992xi32, #tpu.memory_space<vmem>>, vector<16xi32>,
      %get3A_834 = arith.constant 0 : i32
      %get3A_835 = arith.index_cast %get3A_834 : i32 to index
      %get3A_836 = arith.index_cast %mul3A_806 : i32 to index
      %get3A_837 = tpu.vector_load %arg8[%get3A_835, %get3A_836] {strides = array<i32>} : memref<2x4992xi32, #tpu.memory_space<vmem>>, vector<16xi32>,
      %get3A_838 = arith.constant 1 : i32
      %get3A_839 = arith.index_cast %get3A_838 : i32 to index
      %get3A_840 = arith.index_cast %mul3A_764 : i32 to index
      %get3A_841 = tpu.vector_load %arg8[%get3A_839, %get3A_840] {strides = array<i32>} : memref<2x4992xi32, #tpu.memory_space<vmem>>, vector<16xi32>,
      %get3A_842 = arith.constant 1 : i32
      %get3A_843 = arith.index_cast %get3A_842 : i32 to index
      %get3A_844 = arith.index_cast %mul3A_770 : i32 to index
      %get3A_845 = tpu.vector_load %arg8[%get3A_843, %get3A_844] {strides = array<i32>} : memref<2x4992xi32, #tpu.memory_space<vmem>>, vector<16xi32>,
      %get3A_846 = arith.constant 1 : i32
      %get3A_847 = arith.index_cast %get3A_846 : i32 to index
      %get3A_848 = arith.index_cast %mul3A_776 : i32 to index
      %get3A_849 = tpu.vector_load %arg8[%get3A_847, %get3A_848] {strides = array<i32>} : memref<2x4992xi32, #tpu.memory_space<vmem>>, vector<16xi32>,
      %get3A_850 = arith.constant 1 : i32
      %get3A_851 = arith.index_cast %get3A_850 : i32 to index
      %get3A_852 = arith.index_cast %mul3A_782 : i32 to index
      %get3A_853 = tpu.vector_load %arg8[%get3A_851, %get3A_852] {strides = array<i32>} : memref<2x4992xi32, #tpu.memory_space<vmem>>, vector<16xi32>,
      %get3A_854 = arith.constant 1 : i32
      %get3A_855 = arith.index_cast %get3A_854 : i32 to index
      %get3A_856 = arith.index_cast %mul3A_788 : i32 to index
      %get3A_857 = tpu.vector_load %arg8[%get3A_855, %get3A_856] {strides = array<i32>} : memref<2x4992xi32, #tpu.memory_space<vmem>>, vector<16xi32>,
      %get3A_858 = arith.constant 1 : i32
      %get3A_859 = arith.index_cast %get3A_858 : i32 to index
      %get3A_860 = arith.index_cast %mul3A_794 : i32 to index
      %get3A_861 = tpu.vector_load %arg8[%get3A_859, %get3A_860] {strides = array<i32>} : memref<2x4992xi32, #tpu.memory_space<vmem>>, vector<16xi32>,
      %get3A_862 = arith.constant 1 : i32
      %get3A_863 = arith.index_cast %get3A_862 : i32 to index
      %get3A_864 = arith.index_cast %mul3A_800 : i32 to index
      %get3A_865 = tpu.vector_load %arg8[%get3A_863, %get3A_864] {strides = array<i32>} : memref<2x4992xi32, #tpu.memory_space<vmem>>, vector<16xi32>,
      %get3A_866 = arith.constant 1 : i32
      %get3A_867 = arith.index_cast %get3A_866 : i32 to index
      %get3A_868 = arith.index_cast %mul3A_806 : i32 to index
      %get3A_869 = tpu.vector_load %arg8[%get3A_867, %get3A_868] {strides = array<i32>} : memref<2x4992xi32, #tpu.memory_space<vmem>>, vector<16xi32>,
      tpu.vector_store_idx %arg11[%get3A_809], %broadcast_in_dim3A_2 {add = true} : memref<10240xi32, #tpu.memory_space<vmem>>[vector<16xi32>], vector<16xi32>,
      tpu.vector_store_idx %arg10[%get3A_841], %broadcast_in_dim3A_2 {add = true} : memref<10240xi32, #tpu.memory_space<vmem>>[vector<16xi32>], vector<16xi32>,
      tpu.vector_store_idx %arg11[%get3A_813], %broadcast_in_dim3A_2 {add = true} : memref<10240xi32, #tpu.memory_space<vmem>>[vector<16xi32>], vector<16xi32>,
      tpu.vector_store_idx %arg10[%get3A_845], %broadcast_in_dim3A_2 {add = true} : memref<10240xi32, #tpu.memory_space<vmem>>[vector<16xi32>], vector<16xi32>,
      tpu.vector_store_idx %arg11[%get3A_817], %broadcast_in_dim3A_2 {add = true} : memref<10240xi32, #tpu.memory_space<vmem>>[vector<16xi32>], vector<16xi32>,
      tpu.vector_store_idx %arg10[%get3A_849], %broadcast_in_dim3A_2 {add = true} : memref<10240xi32, #tpu.memory_space<vmem>>[vector<16xi32>], vector<16xi32>,
      tpu.vector_store_idx %arg11[%get3A_821], %broadcast_in_dim3A_2 {add = true} : memref<10240xi32, #tpu.memory_space<vmem>>[vector<16xi32>], vector<16xi32>,
      tpu.vector_store_idx %arg10[%get3A_853], %broadcast_in_dim3A_2 {add = true} : memref<10240xi32, #tpu.memory_space<vmem>>[vector<16xi32>], vector<16xi32>,
      tpu.vector_store_idx %arg11[%get3A_825], %broadcast_in_dim3A_2 {add = true} : memref<10240xi32, #tpu.memory_space<vmem>>[vector<16xi32>], vector<16xi32>,
      tpu.vector_store_idx %arg10[%get3A_857], %broadcast_in_dim3A_2 {add = true} : memref<10240xi32, #tpu.memory_space<vmem>>[vector<16xi32>], vector<16xi32>,
      tpu.vector_store_idx %arg11[%get3A_829], %broadcast_in_dim3A_2 {add = true} : memref<10240xi32, #tpu.memory_space<vmem>>[vector<16xi32>], vector<16xi32>,
      tpu.vector_store_idx %arg10[%get3A_861], %broadcast_in_dim3A_2 {add = true} : memref<10240xi32, #tpu.memory_space<vmem>>[vector<16xi32>], vector<16xi32>,
      tpu.vector_store_idx %arg11[%get3A_833], %broadcast_in_dim3A_2 {add = true} : memref<10240xi32, #tpu.memory_space<vmem>>[vector<16xi32>], vector<16xi32>,
      tpu.vector_store_idx %arg10[%get3A_865], %broadcast_in_dim3A_2 {add = true} : memref<10240xi32, #tpu.memory_space<vmem>>[vector<16xi32>], vector<16xi32>,
      tpu.vector_store_idx %arg11[%get3A_837], %broadcast_in_dim3A_2 {add = true} : memref<10240xi32, #tpu.memory_space<vmem>>[vector<16xi32>], vector<16xi32>,
      tpu.vector_store_idx %arg10[%get3A_869], %broadcast_in_dim3A_2 {add = true} : memref<10240xi32, #tpu.memory_space<vmem>>[vector<16xi32>], vector<16xi32>,
    }
    %scan3A_73 = arith.constant 39 : i32
    %add3A_74 = arith.constant 14976 : i32
    %add3A_75 = arith.addi %mul3A_13, %add3A_74 : i32
    %dma_start3A_76 = arith.constant 0 : i32
    %dma_start3A_77 = tpu.memref_slice %arg3[%dma_start3A_76, %add3A_75] : memref<2x320000xi32, #tpu.memory_space<hbm>> -> memref<2x4992xi32, #tpu.memory_space<hbm>>
    %dma_start3A_78 = arith.constant 0 : i32
    %dma_start3A_79 = tpu.memref_slice %arg3[%dma_start3A_78, %add3A_75] : memref<2x320000xi32, #tpu.memory_space<hbm>> -> memref<2x4992xi32, #tpu.memory_space<hbm>>
    tpu.enqueue_dma source(%dma_start3A_79 : memref<2x4992xi32, #tpu.memory_space<hbm>>) target(%arg8 : memref<2x4992xi32, #tpu.memory_space<vmem>>) target_semaphore(%arg28 : memref<!tpu.dma_semaphore, #tpu.memory_space<semaphore_mem>>)
    "tpu.trace_start"() <{level = 10 : i32, message = "p1_ewait"}> : () -> ()
    %add3A_80 = arith.constant 9984 : i32
    %add3A_81 = arith.addi %mul3A_13, %add3A_80 : i32
    %dma_wait3A_82 = arith.constant 0 : i32
    %dma_wait3A_83 = tpu.memref_slice %arg3[%dma_wait3A_82, %add3A_81] : memref<2x320000xi32, #tpu.memory_space<hbm>> -> memref<2x4992xi32, #tpu.memory_space<hbm>>
    %dma_wait3A_84 = arith.constant 0 : i32
    %dma_wait3A_85 = tpu.memref_slice %arg3[%dma_wait3A_84, %add3A_81] : memref<2x320000xi32, #tpu.memory_space<hbm>> -> memref<2x4992xi32, #tpu.memory_space<hbm>>
    tpu.wait_dma2 semaphore(%arg27 : memref<!tpu.dma_semaphore, #tpu.memory_space<semaphore_mem>>) src(%dma_wait3A_85 : memref<2x4992xi32, #tpu.memory_space<hbm>>) dst(%arg7 : memref<2x4992xi32, #tpu.memory_space<vmem>>)
    "tpu.trace_stop"() : () -> ()
    %scan3A_86 = arith.constant 0 : i32
    %scan3A_87 = arith.constant 39 : i32
    %scan3A_88 = arith.addi %scan3A_86, %scan3A_87 : i32
    %scan3A_89 = arith.constant 1 : i32
    scf.for %scan3A_758 = %scan3A_86 to %scan3A_88 step %scan3A_89  : i32 {
      %mul3A_759 = arith.constant 8 : i32
      %mul3A_760 = arith.muli %scan3A_758, %mul3A_759 : i32
      %add3A_761 = arith.constant 0 : i32
      %add3A_762 = arith.addi %mul3A_760, %add3A_761 : i32
      %mul3A_763 = arith.constant 16 : i32
      %mul3A_764 = arith.muli %add3A_762, %mul3A_763 : i32
      %mul3A_765 = arith.constant 8 : i32
      %mul3A_766 = arith.muli %scan3A_758, %mul3A_765 : i32
      %add3A_767 = arith.constant 1 : i32
      %add3A_768 = arith.addi %mul3A_766, %add3A_767 : i32
      %mul3A_769 = arith.constant 16 : i32
      %mul3A_770 = arith.muli %add3A_768, %mul3A_769 : i32
      %mul3A_771 = arith.constant 8 : i32
      %mul3A_772 = arith.muli %scan3A_758, %mul3A_771 : i32
      %add3A_773 = arith.constant 2 : i32
      %add3A_774 = arith.addi %mul3A_772, %add3A_773 : i32
      %mul3A_775 = arith.constant 16 : i32
      %mul3A_776 = arith.muli %add3A_774, %mul3A_775 : i32
      %mul3A_777 = arith.constant 8 : i32
      %mul3A_778 = arith.muli %scan3A_758, %mul3A_777 : i32
      %add3A_779 = arith.constant 3 : i32
      %add3A_780 = arith.addi %mul3A_778, %add3A_779 : i32
      %mul3A_781 = arith.constant 16 : i32
      %mul3A_782 = arith.muli %add3A_780, %mul3A_781 : i32
      %mul3A_783 = arith.constant 8 : i32
      %mul3A_784 = arith.muli %scan3A_758, %mul3A_783 : i32
      %add3A_785 = arith.constant 4 : i32
      %add3A_786 = arith.addi %mul3A_784, %add3A_785 : i32
      %mul3A_787 = arith.constant 16 : i32
      %mul3A_788 = arith.muli %add3A_786, %mul3A_787 : i32
      %mul3A_789 = arith.constant 8 : i32
      %mul3A_790 = arith.muli %scan3A_758, %mul3A_789 : i32
      %add3A_791 = arith.constant 5 : i32
      %add3A_792 = arith.addi %mul3A_790, %add3A_791 : i32
      %mul3A_793 = arith.constant 16 : i32
      %mul3A_794 = arith.muli %add3A_792, %mul3A_793 : i32
      %mul3A_795 = arith.constant 8 : i32
      %mul3A_796 = arith.muli %scan3A_758, %mul3A_795 : i32
      %add3A_797 = arith.constant 6 : i32
      %add3A_798 = arith.addi %mul3A_796, %add3A_797 : i32
      %mul3A_799 = arith.constant 16 : i32
      %mul3A_800 = arith.muli %add3A_798, %mul3A_799 : i32
      %mul3A_801 = arith.constant 8 : i32
      %mul3A_802 = arith.muli %scan3A_758, %mul3A_801 : i32
      %add3A_803 = arith.constant 7 : i32
      %add3A_804 = arith.addi %mul3A_802, %add3A_803 : i32
      %mul3A_805 = arith.constant 16 : i32
      %mul3A_806 = arith.muli %add3A_804, %mul3A_805 : i32
      %get3A = arith.constant 0 : i32
      %get3A_807 = arith.index_cast %get3A : i32 to index
      %get3A_808 = arith.index_cast %mul3A_764 : i32 to index
      %get3A_809 = tpu.vector_load %arg7[%get3A_807, %get3A_808] {strides = array<i32>} : memref<2x4992xi32, #tpu.memory_space<vmem>>, vector<16xi32>,
      %get3A_810 = arith.constant 0 : i32
      %get3A_811 = arith.index_cast %get3A_810 : i32 to index
      %get3A_812 = arith.index_cast %mul3A_770 : i32 to index
      %get3A_813 = tpu.vector_load %arg7[%get3A_811, %get3A_812] {strides = array<i32>} : memref<2x4992xi32, #tpu.memory_space<vmem>>, vector<16xi32>,
      %get3A_814 = arith.constant 0 : i32
      %get3A_815 = arith.index_cast %get3A_814 : i32 to index
      %get3A_816 = arith.index_cast %mul3A_776 : i32 to index
      %get3A_817 = tpu.vector_load %arg7[%get3A_815, %get3A_816] {strides = array<i32>} : memref<2x4992xi32, #tpu.memory_space<vmem>>, vector<16xi32>,
      %get3A_818 = arith.constant 0 : i32
      %get3A_819 = arith.index_cast %get3A_818 : i32 to index
      %get3A_820 = arith.index_cast %mul3A_782 : i32 to index
      %get3A_821 = tpu.vector_load %arg7[%get3A_819, %get3A_820] {strides = array<i32>} : memref<2x4992xi32, #tpu.memory_space<vmem>>, vector<16xi32>,
      %get3A_822 = arith.constant 0 : i32
      %get3A_823 = arith.index_cast %get3A_822 : i32 to index
      %get3A_824 = arith.index_cast %mul3A_788 : i32 to index
      %get3A_825 = tpu.vector_load %arg7[%get3A_823, %get3A_824] {strides = array<i32>} : memref<2x4992xi32, #tpu.memory_space<vmem>>, vector<16xi32>,
      %get3A_826 = arith.constant 0 : i32
      %get3A_827 = arith.index_cast %get3A_826 : i32 to index
      %get3A_828 = arith.index_cast %mul3A_794 : i32 to index
      %get3A_829 = tpu.vector_load %arg7[%get3A_827, %get3A_828] {strides = array<i32>} : memref<2x4992xi32, #tpu.memory_space<vmem>>, vector<16xi32>,
      %get3A_830 = arith.constant 0 : i32
      %get3A_831 = arith.index_cast %get3A_830 : i32 to index
      %get3A_832 = arith.index_cast %mul3A_800 : i32 to index
      %get3A_833 = tpu.vector_load %arg7[%get3A_831, %get3A_832] {strides = array<i32>} : memref<2x4992xi32, #tpu.memory_space<vmem>>, vector<16xi32>,
      %get3A_834 = arith.constant 0 : i32
      %get3A_835 = arith.index_cast %get3A_834 : i32 to index
      %get3A_836 = arith.index_cast %mul3A_806 : i32 to index
      %get3A_837 = tpu.vector_load %arg7[%get3A_835, %get3A_836] {strides = array<i32>} : memref<2x4992xi32, #tpu.memory_space<vmem>>, vector<16xi32>,
      %get3A_838 = arith.constant 1 : i32
      %get3A_839 = arith.index_cast %get3A_838 : i32 to index
      %get3A_840 = arith.index_cast %mul3A_764 : i32 to index
      %get3A_841 = tpu.vector_load %arg7[%get3A_839, %get3A_840] {strides = array<i32>} : memref<2x4992xi32, #tpu.memory_space<vmem>>, vector<16xi32>,
      %get3A_842 = arith.constant 1 : i32
      %get3A_843 = arith.index_cast %get3A_842 : i32 to index
      %get3A_844 = arith.index_cast %mul3A_770 : i32 to index
      %get3A_845 = tpu.vector_load %arg7[%get3A_843, %get3A_844] {strides = array<i32>} : memref<2x4992xi32, #tpu.memory_space<vmem>>, vector<16xi32>,
      %get3A_846 = arith.constant 1 : i32
      %get3A_847 = arith.index_cast %get3A_846 : i32 to index
      %get3A_848 = arith.index_cast %mul3A_776 : i32 to index
      %get3A_849 = tpu.vector_load %arg7[%get3A_847, %get3A_848] {strides = array<i32>} : memref<2x4992xi32, #tpu.memory_space<vmem>>, vector<16xi32>,
      %get3A_850 = arith.constant 1 : i32
      %get3A_851 = arith.index_cast %get3A_850 : i32 to index
      %get3A_852 = arith.index_cast %mul3A_782 : i32 to index
      %get3A_853 = tpu.vector_load %arg7[%get3A_851, %get3A_852] {strides = array<i32>} : memref<2x4992xi32, #tpu.memory_space<vmem>>, vector<16xi32>,
      %get3A_854 = arith.constant 1 : i32
      %get3A_855 = arith.index_cast %get3A_854 : i32 to index
      %get3A_856 = arith.index_cast %mul3A_788 : i32 to index
      %get3A_857 = tpu.vector_load %arg7[%get3A_855, %get3A_856] {strides = array<i32>} : memref<2x4992xi32, #tpu.memory_space<vmem>>, vector<16xi32>,
      %get3A_858 = arith.constant 1 : i32
      %get3A_859 = arith.index_cast %get3A_858 : i32 to index
      %get3A_860 = arith.index_cast %mul3A_794 : i32 to index
      %get3A_861 = tpu.vector_load %arg7[%get3A_859, %get3A_860] {strides = array<i32>} : memref<2x4992xi32, #tpu.memory_space<vmem>>, vector<16xi32>,
      %get3A_862 = arith.constant 1 : i32
      %get3A_863 = arith.index_cast %get3A_862 : i32 to index
      %get3A_864 = arith.index_cast %mul3A_800 : i32 to index
      %get3A_865 = tpu.vector_load %arg7[%get3A_863, %get3A_864] {strides = array<i32>} : memref<2x4992xi32, #tpu.memory_space<vmem>>, vector<16xi32>,
      %get3A_866 = arith.constant 1 : i32
      %get3A_867 = arith.index_cast %get3A_866 : i32 to index
      %get3A_868 = arith.index_cast %mul3A_806 : i32 to index
      %get3A_869 = tpu.vector_load %arg7[%get3A_867, %get3A_868] {strides = array<i32>} : memref<2x4992xi32, #tpu.memory_space<vmem>>, vector<16xi32>,
      tpu.vector_store_idx %arg11[%get3A_809], %broadcast_in_dim3A_2 {add = true} : memref<10240xi32, #tpu.memory_space<vmem>>[vector<16xi32>], vector<16xi32>,
      tpu.vector_store_idx %arg10[%get3A_841], %broadcast_in_dim3A_2 {add = true} : memref<10240xi32, #tpu.memory_space<vmem>>[vector<16xi32>], vector<16xi32>,
      tpu.vector_store_idx %arg11[%get3A_813], %broadcast_in_dim3A_2 {add = true} : memref<10240xi32, #tpu.memory_space<vmem>>[vector<16xi32>], vector<16xi32>,
      tpu.vector_store_idx %arg10[%get3A_845], %broadcast_in_dim3A_2 {add = true} : memref<10240xi32, #tpu.memory_space<vmem>>[vector<16xi32>], vector<16xi32>,
      tpu.vector_store_idx %arg11[%get3A_817], %broadcast_in_dim3A_2 {add = true} : memref<10240xi32, #tpu.memory_space<vmem>>[vector<16xi32>], vector<16xi32>,
      tpu.vector_store_idx %arg10[%get3A_849], %broadcast_in_dim3A_2 {add = true} : memref<10240xi32, #tpu.memory_space<vmem>>[vector<16xi32>], vector<16xi32>,
      tpu.vector_store_idx %arg11[%get3A_821], %broadcast_in_dim3A_2 {add = true} : memref<10240xi32, #tpu.memory_space<vmem>>[vector<16xi32>], vector<16xi32>,
      tpu.vector_store_idx %arg10[%get3A_853], %broadcast_in_dim3A_2 {add = true} : memref<10240xi32, #tpu.memory_space<vmem>>[vector<16xi32>], vector<16xi32>,
      tpu.vector_store_idx %arg11[%get3A_825], %broadcast_in_dim3A_2 {add = true} : memref<10240xi32, #tpu.memory_space<vmem>>[vector<16xi32>], vector<16xi32>,
      tpu.vector_store_idx %arg10[%get3A_857], %broadcast_in_dim3A_2 {add = true} : memref<10240xi32, #tpu.memory_space<vmem>>[vector<16xi32>], vector<16xi32>,
      tpu.vector_store_idx %arg11[%get3A_829], %broadcast_in_dim3A_2 {add = true} : memref<10240xi32, #tpu.memory_space<vmem>>[vector<16xi32>], vector<16xi32>,
      tpu.vector_store_idx %arg10[%get3A_861], %broadcast_in_dim3A_2 {add = true} : memref<10240xi32, #tpu.memory_space<vmem>>[vector<16xi32>], vector<16xi32>,
      tpu.vector_store_idx %arg11[%get3A_833], %broadcast_in_dim3A_2 {add = true} : memref<10240xi32, #tpu.memory_space<vmem>>[vector<16xi32>], vector<16xi32>,
      tpu.vector_store_idx %arg10[%get3A_865], %broadcast_in_dim3A_2 {add = true} : memref<10240xi32, #tpu.memory_space<vmem>>[vector<16xi32>], vector<16xi32>,
      tpu.vector_store_idx %arg11[%get3A_837], %broadcast_in_dim3A_2 {add = true} : memref<10240xi32, #tpu.memory_space<vmem>>[vector<16xi32>], vector<16xi32>,
      tpu.vector_store_idx %arg10[%get3A_869], %broadcast_in_dim3A_2 {add = true} : memref<10240xi32, #tpu.memory_space<vmem>>[vector<16xi32>], vector<16xi32>,
    }
    %scan3A_90 = arith.constant 39 : i32
    "tpu.trace_start"() <{level = 10 : i32, message = "p1_ewait"}> : () -> ()
    %add3A_91 = arith.constant 14976 : i32
    %add3A_92 = arith.addi %mul3A_13, %add3A_91 : i32
    %dma_wait3A_93 = arith.constant 0 : i32
    %dma_wait3A_94 = tpu.memref_slice %arg3[%dma_wait3A_93, %add3A_92] : memref<2x320000xi32, #tpu.memory_space<hbm>> -> memref<2x4992xi32, #tpu.memory_space<hbm>>
    %dma_wait3A_95 = arith.constant 0 : i32
    %dma_wait3A_96 = tpu.memref_slice %arg3[%dma_wait3A_95, %add3A_92] : memref<2x320000xi32, #tpu.memory_space<hbm>> -> memref<2x4992xi32, #tpu.memory_space<hbm>>
    tpu.wait_dma2 semaphore(%arg28 : memref<!tpu.dma_semaphore, #tpu.memory_space<semaphore_mem>>) src(%dma_wait3A_96 : memref<2x4992xi32, #tpu.memory_space<hbm>>) dst(%arg8 : memref<2x4992xi32, #tpu.memory_space<vmem>>)
    "tpu.trace_stop"() : () -> ()
    %scan3A_97 = arith.constant 0 : i32
    %scan3A_98 = arith.constant 39 : i32
    %scan3A_99 = arith.addi %scan3A_97, %scan3A_98 : i32
    %scan3A_100 = arith.constant 1 : i32
    scf.for %scan3A_758 = %scan3A_97 to %scan3A_99 step %scan3A_100  : i32 {
      %mul3A_759 = arith.constant 8 : i32
      %mul3A_760 = arith.muli %scan3A_758, %mul3A_759 : i32
      %add3A_761 = arith.constant 0 : i32
      %add3A_762 = arith.addi %mul3A_760, %add3A_761 : i32
      %mul3A_763 = arith.constant 16 : i32
      %mul3A_764 = arith.muli %add3A_762, %mul3A_763 : i32
      %mul3A_765 = arith.constant 8 : i32
      %mul3A_766 = arith.muli %scan3A_758, %mul3A_765 : i32
      %add3A_767 = arith.constant 1 : i32
      %add3A_768 = arith.addi %mul3A_766, %add3A_767 : i32
      %mul3A_769 = arith.constant 16 : i32
      %mul3A_770 = arith.muli %add3A_768, %mul3A_769 : i32
      %mul3A_771 = arith.constant 8 : i32
      %mul3A_772 = arith.muli %scan3A_758, %mul3A_771 : i32
      %add3A_773 = arith.constant 2 : i32
      %add3A_774 = arith.addi %mul3A_772, %add3A_773 : i32
      %mul3A_775 = arith.constant 16 : i32
      %mul3A_776 = arith.muli %add3A_774, %mul3A_775 : i32
      %mul3A_777 = arith.constant 8 : i32
      %mul3A_778 = arith.muli %scan3A_758, %mul3A_777 : i32
      %add3A_779 = arith.constant 3 : i32
      %add3A_780 = arith.addi %mul3A_778, %add3A_779 : i32
      %mul3A_781 = arith.constant 16 : i32
      %mul3A_782 = arith.muli %add3A_780, %mul3A_781 : i32
      %mul3A_783 = arith.constant 8 : i32
      %mul3A_784 = arith.muli %scan3A_758, %mul3A_783 : i32
      %add3A_785 = arith.constant 4 : i32
      %add3A_786 = arith.addi %mul3A_784, %add3A_785 : i32
      %mul3A_787 = arith.constant 16 : i32
      %mul3A_788 = arith.muli %add3A_786, %mul3A_787 : i32
      %mul3A_789 = arith.constant 8 : i32
      %mul3A_790 = arith.muli %scan3A_758, %mul3A_789 : i32
      %add3A_791 = arith.constant 5 : i32
      %add3A_792 = arith.addi %mul3A_790, %add3A_791 : i32
      %mul3A_793 = arith.constant 16 : i32
      %mul3A_794 = arith.muli %add3A_792, %mul3A_793 : i32
      %mul3A_795 = arith.constant 8 : i32
      %mul3A_796 = arith.muli %scan3A_758, %mul3A_795 : i32
      %add3A_797 = arith.constant 6 : i32
      %add3A_798 = arith.addi %mul3A_796, %add3A_797 : i32
      %mul3A_799 = arith.constant 16 : i32
      %mul3A_800 = arith.muli %add3A_798, %mul3A_799 : i32
      %mul3A_801 = arith.constant 8 : i32
      %mul3A_802 = arith.muli %scan3A_758, %mul3A_801 : i32
      %add3A_803 = arith.constant 7 : i32
      %add3A_804 = arith.addi %mul3A_802, %add3A_803 : i32
      %mul3A_805 = arith.constant 16 : i32
      %mul3A_806 = arith.muli %add3A_804, %mul3A_805 : i32
      %get3A = arith.constant 0 : i32
      %get3A_807 = arith.index_cast %get3A : i32 to index
      %get3A_808 = arith.index_cast %mul3A_764 : i32 to index
      %get3A_809 = tpu.vector_load %arg8[%get3A_807, %get3A_808] {strides = array<i32>} : memref<2x4992xi32, #tpu.memory_space<vmem>>, vector<16xi32>,
      %get3A_810 = arith.constant 0 : i32
      %get3A_811 = arith.index_cast %get3A_810 : i32 to index
      %get3A_812 = arith.index_cast %mul3A_770 : i32 to index
      %get3A_813 = tpu.vector_load %arg8[%get3A_811, %get3A_812] {strides = array<i32>} : memref<2x4992xi32, #tpu.memory_space<vmem>>, vector<16xi32>,
      %get3A_814 = arith.constant 0 : i32
      %get3A_815 = arith.index_cast %get3A_814 : i32 to index
      %get3A_816 = arith.index_cast %mul3A_776 : i32 to index
      %get3A_817 = tpu.vector_load %arg8[%get3A_815, %get3A_816] {strides = array<i32>} : memref<2x4992xi32, #tpu.memory_space<vmem>>, vector<16xi32>,
      %get3A_818 = arith.constant 0 : i32
      %get3A_819 = arith.index_cast %get3A_818 : i32 to index
      %get3A_820 = arith.index_cast %mul3A_782 : i32 to index
      %get3A_821 = tpu.vector_load %arg8[%get3A_819, %get3A_820] {strides = array<i32>} : memref<2x4992xi32, #tpu.memory_space<vmem>>, vector<16xi32>,
      %get3A_822 = arith.constant 0 : i32
      %get3A_823 = arith.index_cast %get3A_822 : i32 to index
      %get3A_824 = arith.index_cast %mul3A_788 : i32 to index
      %get3A_825 = tpu.vector_load %arg8[%get3A_823, %get3A_824] {strides = array<i32>} : memref<2x4992xi32, #tpu.memory_space<vmem>>, vector<16xi32>,
      %get3A_826 = arith.constant 0 : i32
      %get3A_827 = arith.index_cast %get3A_826 : i32 to index
      %get3A_828 = arith.index_cast %mul3A_794 : i32 to index
      %get3A_829 = tpu.vector_load %arg8[%get3A_827, %get3A_828] {strides = array<i32>} : memref<2x4992xi32, #tpu.memory_space<vmem>>, vector<16xi32>,
      %get3A_830 = arith.constant 0 : i32
      %get3A_831 = arith.index_cast %get3A_830 : i32 to index
      %get3A_832 = arith.index_cast %mul3A_800 : i32 to index
      %get3A_833 = tpu.vector_load %arg8[%get3A_831, %get3A_832] {strides = array<i32>} : memref<2x4992xi32, #tpu.memory_space<vmem>>, vector<16xi32>,
      %get3A_834 = arith.constant 0 : i32
      %get3A_835 = arith.index_cast %get3A_834 : i32 to index
      %get3A_836 = arith.index_cast %mul3A_806 : i32 to index
      %get3A_837 = tpu.vector_load %arg8[%get3A_835, %get3A_836] {strides = array<i32>} : memref<2x4992xi32, #tpu.memory_space<vmem>>, vector<16xi32>,
      %get3A_838 = arith.constant 1 : i32
      %get3A_839 = arith.index_cast %get3A_838 : i32 to index
      %get3A_840 = arith.index_cast %mul3A_764 : i32 to index
      %get3A_841 = tpu.vector_load %arg8[%get3A_839, %get3A_840] {strides = array<i32>} : memref<2x4992xi32, #tpu.memory_space<vmem>>, vector<16xi32>,
      %get3A_842 = arith.constant 1 : i32
      %get3A_843 = arith.index_cast %get3A_842 : i32 to index
      %get3A_844 = arith.index_cast %mul3A_770 : i32 to index
      %get3A_845 = tpu.vector_load %arg8[%get3A_843, %get3A_844] {strides = array<i32>} : memref<2x4992xi32, #tpu.memory_space<vmem>>, vector<16xi32>,
      %get3A_846 = arith.constant 1 : i32
      %get3A_847 = arith.index_cast %get3A_846 : i32 to index
      %get3A_848 = arith.index_cast %mul3A_776 : i32 to index
      %get3A_849 = tpu.vector_load %arg8[%get3A_847, %get3A_848] {strides = array<i32>} : memref<2x4992xi32, #tpu.memory_space<vmem>>, vector<16xi32>,
      %get3A_850 = arith.constant 1 : i32
      %get3A_851 = arith.index_cast %get3A_850 : i32 to index
      %get3A_852 = arith.index_cast %mul3A_782 : i32 to index
      %get3A_853 = tpu.vector_load %arg8[%get3A_851, %get3A_852] {strides = array<i32>} : memref<2x4992xi32, #tpu.memory_space<vmem>>, vector<16xi32>,
      %get3A_854 = arith.constant 1 : i32
      %get3A_855 = arith.index_cast %get3A_854 : i32 to index
      %get3A_856 = arith.index_cast %mul3A_788 : i32 to index
      %get3A_857 = tpu.vector_load %arg8[%get3A_855, %get3A_856] {strides = array<i32>} : memref<2x4992xi32, #tpu.memory_space<vmem>>, vector<16xi32>,
      %get3A_858 = arith.constant 1 : i32
      %get3A_859 = arith.index_cast %get3A_858 : i32 to index
      %get3A_860 = arith.index_cast %mul3A_794 : i32 to index
      %get3A_861 = tpu.vector_load %arg8[%get3A_859, %get3A_860] {strides = array<i32>} : memref<2x4992xi32, #tpu.memory_space<vmem>>, vector<16xi32>,
      %get3A_862 = arith.constant 1 : i32
      %get3A_863 = arith.index_cast %get3A_862 : i32 to index
      %get3A_864 = arith.index_cast %mul3A_800 : i32 to index
      %get3A_865 = tpu.vector_load %arg8[%get3A_863, %get3A_864] {strides = array<i32>} : memref<2x4992xi32, #tpu.memory_space<vmem>>, vector<16xi32>,
      %get3A_866 = arith.constant 1 : i32
      %get3A_867 = arith.index_cast %get3A_866 : i32 to index
      %get3A_868 = arith.index_cast %mul3A_806 : i32 to index
      %get3A_869 = tpu.vector_load %arg8[%get3A_867, %get3A_868] {strides = array<i32>} : memref<2x4992xi32, #tpu.memory_space<vmem>>, vector<16xi32>,
      tpu.vector_store_idx %arg11[%get3A_809], %broadcast_in_dim3A_2 {add = true} : memref<10240xi32, #tpu.memory_space<vmem>>[vector<16xi32>], vector<16xi32>,
      tpu.vector_store_idx %arg10[%get3A_841], %broadcast_in_dim3A_2 {add = true} : memref<10240xi32, #tpu.memory_space<vmem>>[vector<16xi32>], vector<16xi32>,
      tpu.vector_store_idx %arg11[%get3A_813], %broadcast_in_dim3A_2 {add = true} : memref<10240xi32, #tpu.memory_space<vmem>>[vector<16xi32>], vector<16xi32>,
      tpu.vector_store_idx %arg10[%get3A_845], %broadcast_in_dim3A_2 {add = true} : memref<10240xi32, #tpu.memory_space<vmem>>[vector<16xi32>], vector<16xi32>,
      tpu.vector_store_idx %arg11[%get3A_817], %broadcast_in_dim3A_2 {add = true} : memref<10240xi32, #tpu.memory_space<vmem>>[vector<16xi32>], vector<16xi32>,
      tpu.vector_store_idx %arg10[%get3A_849], %broadcast_in_dim3A_2 {add = true} : memref<10240xi32, #tpu.memory_space<vmem>>[vector<16xi32>], vector<16xi32>,
      tpu.vector_store_idx %arg11[%get3A_821], %broadcast_in_dim3A_2 {add = true} : memref<10240xi32, #tpu.memory_space<vmem>>[vector<16xi32>], vector<16xi32>,
      tpu.vector_store_idx %arg10[%get3A_853], %broadcast_in_dim3A_2 {add = true} : memref<10240xi32, #tpu.memory_space<vmem>>[vector<16xi32>], vector<16xi32>,
      tpu.vector_store_idx %arg11[%get3A_825], %broadcast_in_dim3A_2 {add = true} : memref<10240xi32, #tpu.memory_space<vmem>>[vector<16xi32>], vector<16xi32>,
      tpu.vector_store_idx %arg10[%get3A_857], %broadcast_in_dim3A_2 {add = true} : memref<10240xi32, #tpu.memory_space<vmem>>[vector<16xi32>], vector<16xi32>,
      tpu.vector_store_idx %arg11[%get3A_829], %broadcast_in_dim3A_2 {add = true} : memref<10240xi32, #tpu.memory_space<vmem>>[vector<16xi32>], vector<16xi32>,
      tpu.vector_store_idx %arg10[%get3A_861], %broadcast_in_dim3A_2 {add = true} : memref<10240xi32, #tpu.memory_space<vmem>>[vector<16xi32>], vector<16xi32>,
      tpu.vector_store_idx %arg11[%get3A_833], %broadcast_in_dim3A_2 {add = true} : memref<10240xi32, #tpu.memory_space<vmem>>[vector<16xi32>], vector<16xi32>,
      tpu.vector_store_idx %arg10[%get3A_865], %broadcast_in_dim3A_2 {add = true} : memref<10240xi32, #tpu.memory_space<vmem>>[vector<16xi32>], vector<16xi32>,
      tpu.vector_store_idx %arg11[%get3A_837], %broadcast_in_dim3A_2 {add = true} : memref<10240xi32, #tpu.memory_space<vmem>>[vector<16xi32>], vector<16xi32>,
      tpu.vector_store_idx %arg10[%get3A_869], %broadcast_in_dim3A_2 {add = true} : memref<10240xi32, #tpu.memory_space<vmem>>[vector<16xi32>], vector<16xi32>,
    }
    %scan3A_101 = arith.constant 39 : i32
    %convert_element_type3A_102 = arith.extui %lt3A_14 : i1 to i32
    %cond3A_103 = arith.constant 0 : i32
    %cond3A_104 = arith.cmpi ne, %convert_element_type3A_102, %cond3A_103 : i32
    scf.if %cond3A_104 {
      %add3A_758 = arith.constant 19968 : i32
      %add3A_759 = arith.addi %mul3A_13, %add3A_758 : i32
      %dma_wait3A_760 = arith.constant 0 : i32
      %dma_wait3A_761 = tpu.memref_slice %arg3[%dma_wait3A_760, %add3A_759] : memref<2x320000xi32, #tpu.memory_space<hbm>> -> memref<2x128xi32, #tpu.memory_space<hbm>>
      %dma_wait3A_762 = arith.constant 0 : i32
      %dma_wait3A_763 = tpu.memref_slice %arg3[%dma_wait3A_762, %add3A_759] : memref<2x320000xi32, #tpu.memory_space<hbm>> -> memref<2x128xi32, #tpu.memory_space<hbm>>
      tpu.wait_dma2 semaphore(%arg29 : memref<!tpu.dma_semaphore, #tpu.memory_space<semaphore_mem>>) src(%dma_wait3A_763 : memref<2x128xi32, #tpu.memory_space<hbm>>) dst(%arg9 : memref<2x128xi32, #tpu.memory_space<vmem>>)
      %get3A = arith.constant 0 : i32
      %get3A_764 = arith.index_cast %get3A : i32 to index
      %get3A_765 = arith.constant 0 : index
      %get3A_766 = tpu.vector_load %arg9[%get3A_764, %get3A_765] {strides = array<i32>} : memref<2x128xi32, #tpu.memory_space<vmem>>, vector<16xi32>,
      %get3A_767 = arith.constant 0 : i32
      %get3A_768 = arith.index_cast %get3A_767 : i32 to index
      %get3A_769 = arith.constant 16 : index
      %get3A_770 = tpu.vector_load %arg9[%get3A_768, %get3A_769] {strides = array<i32>} : memref<2x128xi32, #tpu.memory_space<vmem>>, vector<16xi32>,
      %get3A_771 = arith.constant 0 : i32
      %get3A_772 = arith.index_cast %get3A_771 : i32 to index
      %get3A_773 = arith.constant 32 : index
      %get3A_774 = tpu.vector_load %arg9[%get3A_772, %get3A_773] {strides = array<i32>} : memref<2x128xi32, #tpu.memory_space<vmem>>, vector<16xi32>,
      %get3A_775 = arith.constant 0 : i32
      %get3A_776 = arith.index_cast %get3A_775 : i32 to index
      %get3A_777 = arith.constant 48 : index
      %get3A_778 = tpu.vector_load %arg9[%get3A_776, %get3A_777] {strides = array<i32>} : memref<2x128xi32, #tpu.memory_space<vmem>>, vector<16xi32>,
      %get3A_779 = arith.constant 0 : i32
      %get3A_780 = arith.index_cast %get3A_779 : i32 to index
      %get3A_781 = arith.constant 64 : index
      %get3A_782 = tpu.vector_load %arg9[%get3A_780, %get3A_781] {strides = array<i32>} : memref<2x128xi32, #tpu.memory_space<vmem>>, vector<16xi32>,
      %get3A_783 = arith.constant 0 : i32
      %get3A_784 = arith.index_cast %get3A_783 : i32 to index
      %get3A_785 = arith.constant 80 : index
      %get3A_786 = tpu.vector_load %arg9[%get3A_784, %get3A_785] {strides = array<i32>} : memref<2x128xi32, #tpu.memory_space<vmem>>, vector<16xi32>,
      %get3A_787 = arith.constant 0 : i32
      %get3A_788 = arith.index_cast %get3A_787 : i32 to index
      %get3A_789 = arith.constant 96 : index
      %get3A_790 = tpu.vector_load %arg9[%get3A_788, %get3A_789] {strides = array<i32>} : memref<2x128xi32, #tpu.memory_space<vmem>>, vector<16xi32>,
      %get3A_791 = arith.constant 0 : i32
      %get3A_792 = arith.index_cast %get3A_791 : i32 to index
      %get3A_793 = arith.constant 112 : index
      %get3A_794 = tpu.vector_load %arg9[%get3A_792, %get3A_793] {strides = array<i32>} : memref<2x128xi32, #tpu.memory_space<vmem>>, vector<16xi32>,
      %get3A_795 = arith.constant 1 : i32
      %get3A_796 = arith.index_cast %get3A_795 : i32 to index
      %get3A_797 = arith.constant 0 : index
      %get3A_798 = tpu.vector_load %arg9[%get3A_796, %get3A_797] {strides = array<i32>} : memref<2x128xi32, #tpu.memory_space<vmem>>, vector<16xi32>,
      %get3A_799 = arith.constant 1 : i32
      %get3A_800 = arith.index_cast %get3A_799 : i32 to index
      %get3A_801 = arith.constant 16 : index
      %get3A_802 = tpu.vector_load %arg9[%get3A_800, %get3A_801] {strides = array<i32>} : memref<2x128xi32, #tpu.memory_space<vmem>>, vector<16xi32>,
      %get3A_803 = arith.constant 1 : i32
      %get3A_804 = arith.index_cast %get3A_803 : i32 to index
      %get3A_805 = arith.constant 32 : index
      %get3A_806 = tpu.vector_load %arg9[%get3A_804, %get3A_805] {strides = array<i32>} : memref<2x128xi32, #tpu.memory_space<vmem>>, vector<16xi32>,
      %get3A_807 = arith.constant 1 : i32
      %get3A_808 = arith.index_cast %get3A_807 : i32 to index
      %get3A_809 = arith.constant 48 : index
      %get3A_810 = tpu.vector_load %arg9[%get3A_808, %get3A_809] {strides = array<i32>} : memref<2x128xi32, #tpu.memory_space<vmem>>, vector<16xi32>,
      %get3A_811 = arith.constant 1 : i32
      %get3A_812 = arith.index_cast %get3A_811 : i32 to index
      %get3A_813 = arith.constant 64 : index
      %get3A_814 = tpu.vector_load %arg9[%get3A_812, %get3A_813] {strides = array<i32>} : memref<2x128xi32, #tpu.memory_space<vmem>>, vector<16xi32>,
      %get3A_815 = arith.constant 1 : i32
      %get3A_816 = arith.index_cast %get3A_815 : i32 to index
      %get3A_817 = arith.constant 80 : index
      %get3A_818 = tpu.vector_load %arg9[%get3A_816, %get3A_817] {strides = array<i32>} : memref<2x128xi32, #tpu.memory_space<vmem>>, vector<16xi32>,
      %get3A_819 = arith.constant 1 : i32
      %get3A_820 = arith.index_cast %get3A_819 : i32 to index
      %get3A_821 = arith.constant 96 : index
      %get3A_822 = tpu.vector_load %arg9[%get3A_820, %get3A_821] {strides = array<i32>} : memref<2x128xi32, #tpu.memory_space<vmem>>, vector<16xi32>,
      %get3A_823 = arith.constant 1 : i32
      %get3A_824 = arith.index_cast %get3A_823 : i32 to index
      %get3A_825 = arith.constant 112 : index
      %get3A_826 = tpu.vector_load %arg9[%get3A_824, %get3A_825] {strides = array<i32>} : memref<2x128xi32, #tpu.memory_space<vmem>>, vector<16xi32>,
      tpu.vector_store_idx %arg11[%get3A_766], %broadcast_in_dim3A_2 {add = true} : memref<10240xi32, #tpu.memory_space<vmem>>[vector<16xi32>], vector<16xi32>,
      tpu.vector_store_idx %arg10[%get3A_798], %broadcast_in_dim3A_2 {add = true} : memref<10240xi32, #tpu.memory_space<vmem>>[vector<16xi32>], vector<16xi32>,
      tpu.vector_store_idx %arg11[%get3A_770], %broadcast_in_dim3A_2 {add = true} : memref<10240xi32, #tpu.memory_space<vmem>>[vector<16xi32>], vector<16xi32>,
      tpu.vector_store_idx %arg10[%get3A_802], %broadcast_in_dim3A_2 {add = true} : memref<10240xi32, #tpu.memory_space<vmem>>[vector<16xi32>], vector<16xi32>,
      tpu.vector_store_idx %arg11[%get3A_774], %broadcast_in_dim3A_2 {add = true} : memref<10240xi32, #tpu.memory_space<vmem>>[vector<16xi32>], vector<16xi32>,
      tpu.vector_store_idx %arg10[%get3A_806], %broadcast_in_dim3A_2 {add = true} : memref<10240xi32, #tpu.memory_space<vmem>>[vector<16xi32>], vector<16xi32>,
      tpu.vector_store_idx %arg11[%get3A_778], %broadcast_in_dim3A_2 {add = true} : memref<10240xi32, #tpu.memory_space<vmem>>[vector<16xi32>], vector<16xi32>,
      tpu.vector_store_idx %arg10[%get3A_810], %broadcast_in_dim3A_2 {add = true} : memref<10240xi32, #tpu.memory_space<vmem>>[vector<16xi32>], vector<16xi32>,
      tpu.vector_store_idx %arg11[%get3A_782], %broadcast_in_dim3A_2 {add = true} : memref<10240xi32, #tpu.memory_space<vmem>>[vector<16xi32>], vector<16xi32>,
      tpu.vector_store_idx %arg10[%get3A_814], %broadcast_in_dim3A_2 {add = true} : memref<10240xi32, #tpu.memory_space<vmem>>[vector<16xi32>], vector<16xi32>,
      tpu.vector_store_idx %arg11[%get3A_786], %broadcast_in_dim3A_2 {add = true} : memref<10240xi32, #tpu.memory_space<vmem>>[vector<16xi32>], vector<16xi32>,
      tpu.vector_store_idx %arg10[%get3A_818], %broadcast_in_dim3A_2 {add = true} : memref<10240xi32, #tpu.memory_space<vmem>>[vector<16xi32>], vector<16xi32>,
      tpu.vector_store_idx %arg11[%get3A_790], %broadcast_in_dim3A_2 {add = true} : memref<10240xi32, #tpu.memory_space<vmem>>[vector<16xi32>], vector<16xi32>,
      tpu.vector_store_idx %arg10[%get3A_822], %broadcast_in_dim3A_2 {add = true} : memref<10240xi32, #tpu.memory_space<vmem>>[vector<16xi32>], vector<16xi32>,
      tpu.vector_store_idx %arg11[%get3A_794], %broadcast_in_dim3A_2 {add = true} : memref<10240xi32, #tpu.memory_space<vmem>>[vector<16xi32>], vector<16xi32>,
      tpu.vector_store_idx %arg10[%get3A_826], %broadcast_in_dim3A_2 {add = true} : memref<10240xi32, #tpu.memory_space<vmem>>[vector<16xi32>], vector<16xi32>,
    } else {
    }
    %eq3A_105 = arith.constant 0 : i32
    "tpu.trace_stop"() : () -> ()
    %eq3A_106 = arith.cmpi eq, %arg1, %eq3A_105 : i32
    %convert_element_type3A_107 = arith.extui %eq3A_106 : i1 to i32
    %cond3A_108 = arith.constant 0 : i32
    %cond3A_109 = arith.cmpi ne, %convert_element_type3A_107, %cond3A_108 : i32
    scf.if %cond3A_109 {
      %dma_wait3A_758 = arith.constant 256 : i32
      %dma_wait3A_759 = arith.constant 0 : i32
      %dma_wait3A_760 = tpu.memref_slice %arg13[%dma_wait3A_758, %dma_wait3A_759] : memref<512x128xf32, #tpu.memory_space<vmem_shared>> -> memref<256x128xf32, #tpu.memory_space<vmem_shared>>
      tpu.wait_dma2 semaphore(%arg31 : memref<!tpu.dma_semaphore, #tpu.memory_space<semaphore_mem>>) src(%arg5 : memref<256x128xf32, #tpu.memory_space<hbm>>) dst(%dma_wait3A_760 : memref<256x128xf32, #tpu.memory_space<vmem_shared>>)
      %dma_wait3A_761 = arith.constant 0 : i32
      %dma_wait3A_762 = arith.constant 0 : i32
      %dma_wait3A_763 = tpu.memref_slice %arg13[%dma_wait3A_761, %dma_wait3A_762] : memref<512x128xf32, #tpu.memory_space<vmem_shared>> -> memref<256x128xf32, #tpu.memory_space<vmem_shared>>
      tpu.wait_dma2 semaphore(%arg31 : memref<!tpu.dma_semaphore, #tpu.memory_space<semaphore_mem>>) src(%arg4 : memref<256x128xf32, #tpu.memory_space<hbm>>) dst(%dma_wait3A_763 : memref<256x128xf32, #tpu.memory_space<vmem_shared>>)
    } else {
    }
    "tpu.trace_start"() <{level = 10 : i32, message = "c_publish"}> : () -> ()
    %mul3A_110 = arith.constant 10240 : i32
    %mul3A_111 = arith.muli %arg1, %mul3A_110 : i32
    "tpu.region"() ({
      %run_scoped3A = tpu.sem_alloc : memref<!tpu.dma_semaphore, #tpu.memory_space<semaphore_mem>>
      %dma_start3A_758 = tpu.memref_slice %arg12[%mul3A_111] : memref<327680xi32, #tpu.memory_space<vmem_shared>> -> memref<10240xi32, #tpu.memory_space<vmem_shared>>
      %dma_start3A_759 = tpu.memref_slice %arg12[%mul3A_111] : memref<327680xi32, #tpu.memory_space<vmem_shared>> -> memref<10240xi32, #tpu.memory_space<vmem_shared>>
      tpu.enqueue_dma source(%arg10 : memref<10240xi32, #tpu.memory_space<vmem>>) target(%dma_start3A_759 : memref<10240xi32, #tpu.memory_space<vmem_shared>>) target_semaphore(%run_scoped3A : memref<!tpu.dma_semaphore, #tpu.memory_space<semaphore_mem>>)
      %dma_wait3A_760 = tpu.memref_slice %arg12[%mul3A_111] : memref<327680xi32, #tpu.memory_space<vmem_shared>> -> memref<10240xi32, #tpu.memory_space<vmem_shared>>
      %dma_wait3A_761 = tpu.memref_slice %arg12[%mul3A_111] : memref<327680xi32, #tpu.memory_space<vmem_shared>> -> memref<10240xi32, #tpu.memory_space<vmem_shared>>
      tpu.wait_dma2 semaphore(%run_scoped3A : memref<!tpu.dma_semaphore, #tpu.memory_space<semaphore_mem>>) src(%arg10 : memref<10240xi32, #tpu.memory_space<vmem>>) dst(%dma_wait3A_761 : memref<10240xi32, #tpu.memory_space<vmem_shared>>)
      tpu.yield
    }) : () -> ()
    %add3A_112 = arith.constant 16 : i32
    %add3A_113 = arith.addi %add3A_112, %arg1 : i32
    %mul3A_114 = arith.constant 10240 : i32
    %mul3A_115 = arith.muli %add3A_113, %mul3A_114 : i32
    "tpu.region"() ({
      %run_scoped3A = tpu.sem_alloc : memref<!tpu.dma_semaphore, #tpu.memory_space<semaphore_mem>>
      %dma_start3A_758 = tpu.memref_slice %arg12[%mul3A_115] : memref<327680xi32, #tpu.memory_space<vmem_shared>> -> memref<10240xi32, #tpu.memory_space<vmem_shared>>
      %dma_start3A_759 = tpu.memref_slice %arg12[%mul3A_115] : memref<327680xi32, #tpu.memory_space<vmem_shared>> -> memref<10240xi32, #tpu.memory_space<vmem_shared>>
      tpu.enqueue_dma source(%arg11 : memref<10240xi32, #tpu.memory_space<vmem>>) target(%dma_start3A_759 : memref<10240xi32, #tpu.memory_space<vmem_shared>>) target_semaphore(%run_scoped3A : memref<!tpu.dma_semaphore, #tpu.memory_space<semaphore_mem>>)
      %dma_wait3A_760 = tpu.memref_slice %arg12[%mul3A_115] : memref<327680xi32, #tpu.memory_space<vmem_shared>> -> memref<10240xi32, #tpu.memory_space<vmem_shared>>
      %dma_wait3A_761 = tpu.memref_slice %arg12[%mul3A_115] : memref<327680xi32, #tpu.memory_space<vmem_shared>> -> memref<10240xi32, #tpu.memory_space<vmem_shared>>
      tpu.wait_dma2 semaphore(%run_scoped3A : memref<!tpu.dma_semaphore, #tpu.memory_space<semaphore_mem>>) src(%arg11 : memref<10240xi32, #tpu.memory_space<vmem>>) dst(%dma_wait3A_761 : memref<10240xi32, #tpu.memory_space<vmem_shared>>)
      tpu.yield
    }) : () -> ()
    "tpu.trace_stop"() : () -> ()
    "tpu.trace_start"() <{level = 10 : i32, message = "c_barrier"}> : () -> ()
    %barrier3A = arith.constant 0 : index
    tpu.barrier barrier_id(%barrier3A)
    %broadcast_in_dim3A_116 = arith.constant 255 : i32
    "tpu.trace_stop"() : () -> ()
    %broadcast_in_dim3A_117 = vector.broadcast %broadcast_in_dim3A_116 : i32 to vector<16xi32>
    "tpu.trace_start"() <{level = 10 : i32, message = "c_read"}> : () -> ()
    %add3A_118 = arith.constant 0 : i32
    %add3A_119 = arith.addi %add3A_118, %mul3A_5 : i32
    %dma_start3A_120 = arith.constant 0 : i32
    %dma_start3A_121 = tpu.memref_slice %arg14[%dma_start3A_120] : memref<5120xi32, #tpu.memory_space<vmem>> -> memref<320xi32, #tpu.memory_space<vmem>>
    %dma_start3A_122 = tpu.memref_slice %arg12[%add3A_119] : memref<327680xi32, #tpu.memory_space<vmem_shared>> -> memref<320xi32, #tpu.memory_space<vmem_shared>>
    %dma_start3A_123 = arith.constant 0 : i32
    %dma_start3A_124 = tpu.memref_slice %arg14[%dma_start3A_123] : memref<5120xi32, #tpu.memory_space<vmem>> -> memref<320xi32, #tpu.memory_space<vmem>>
    %dma_start3A_125 = tpu.memref_slice %arg12[%add3A_119] : memref<327680xi32, #tpu.memory_space<vmem_shared>> -> memref<320xi32, #tpu.memory_space<vmem_shared>>
    tpu.enqueue_dma source(%dma_start3A_125 : memref<320xi32, #tpu.memory_space<vmem_shared>>) target(%dma_start3A_124 : memref<320xi32, #tpu.memory_space<vmem>>) target_semaphore(%arg30 : memref<!tpu.dma_semaphore, #tpu.memory_space<semaphore_mem>>)
    %add3A_126 = arith.constant 10240 : i32
    %add3A_127 = arith.addi %add3A_126, %mul3A_5 : i32
    %dma_start3A_128 = arith.constant 320 : i32
    %dma_start3A_129 = tpu.memref_slice %arg14[%dma_start3A_128] : memref<5120xi32, #tpu.memory_space<vmem>> -> memref<320xi32, #tpu.memory_space<vmem>>
    %dma_start3A_130 = tpu.memref_slice %arg12[%add3A_127] : memref<327680xi32, #tpu.memory_space<vmem_shared>> -> memref<320xi32, #tpu.memory_space<vmem_shared>>
    %dma_start3A_131 = arith.constant 320 : i32
    %dma_start3A_132 = tpu.memref_slice %arg14[%dma_start3A_131] : memref<5120xi32, #tpu.memory_space<vmem>> -> memref<320xi32, #tpu.memory_space<vmem>>
    %dma_start3A_133 = tpu.memref_slice %arg12[%add3A_127] : memref<327680xi32, #tpu.memory_space<vmem_shared>> -> memref<320xi32, #tpu.memory_space<vmem_shared>>
    tpu.enqueue_dma source(%dma_start3A_133 : memref<320xi32, #tpu.memory_space<vmem_shared>>) target(%dma_start3A_132 : memref<320xi32, #tpu.memory_space<vmem>>) target_semaphore(%arg30 : memref<!tpu.dma_semaphore, #tpu.memory_space<semaphore_mem>>)
    %add3A_134 = arith.constant 20480 : i32
    %add3A_135 = arith.addi %add3A_134, %mul3A_5 : i32
    %dma_start3A_136 = arith.constant 640 : i32
    %dma_start3A_137 = tpu.memref_slice %arg14[%dma_start3A_136] : memref<5120xi32, #tpu.memory_space<vmem>> -> memref<320xi32, #tpu.memory_space<vmem>>
    %dma_start3A_138 = tpu.memref_slice %arg12[%add3A_135] : memref<327680xi32, #tpu.memory_space<vmem_shared>> -> memref<320xi32, #tpu.memory_space<vmem_shared>>
    %dma_start3A_139 = arith.constant 640 : i32
    %dma_start3A_140 = tpu.memref_slice %arg14[%dma_start3A_139] : memref<5120xi32, #tpu.memory_space<vmem>> -> memref<320xi32, #tpu.memory_space<vmem>>
    %dma_start3A_141 = tpu.memref_slice %arg12[%add3A_135] : memref<327680xi32, #tpu.memory_space<vmem_shared>> -> memref<320xi32, #tpu.memory_space<vmem_shared>>
    tpu.enqueue_dma source(%dma_start3A_141 : memref<320xi32, #tpu.memory_space<vmem_shared>>) target(%dma_start3A_140 : memref<320xi32, #tpu.memory_space<vmem>>) target_semaphore(%arg30 : memref<!tpu.dma_semaphore, #tpu.memory_space<semaphore_mem>>)
    %add3A_142 = arith.constant 30720 : i32
    %add3A_143 = arith.addi %add3A_142, %mul3A_5 : i32
    %dma_start3A_144 = arith.constant 960 : i32
    %dma_start3A_145 = tpu.memref_slice %arg14[%dma_start3A_144] : memref<5120xi32, #tpu.memory_space<vmem>> -> memref<320xi32, #tpu.memory_space<vmem>>
    %dma_start3A_146 = tpu.memref_slice %arg12[%add3A_143] : memref<327680xi32, #tpu.memory_space<vmem_shared>> -> memref<320xi32, #tpu.memory_space<vmem_shared>>
    %dma_start3A_147 = arith.constant 960 : i32
    %dma_start3A_148 = tpu.memref_slice %arg14[%dma_start3A_147] : memref<5120xi32, #tpu.memory_space<vmem>> -> memref<320xi32, #tpu.memory_space<vmem>>
    %dma_start3A_149 = tpu.memref_slice %arg12[%add3A_143] : memref<327680xi32, #tpu.memory_space<vmem_shared>> -> memref<320xi32, #tpu.memory_space<vmem_shared>>
    tpu.enqueue_dma source(%dma_start3A_149 : memref<320xi32, #tpu.memory_space<vmem_shared>>) target(%dma_start3A_148 : memref<320xi32, #tpu.memory_space<vmem>>) target_semaphore(%arg30 : memref<!tpu.dma_semaphore, #tpu.memory_space<semaphore_mem>>)
    %add3A_150 = arith.constant 40960 : i32
    %add3A_151 = arith.addi %add3A_150, %mul3A_5 : i32
    %dma_start3A_152 = arith.constant 1280 : i32
    %dma_start3A_153 = tpu.memref_slice %arg14[%dma_start3A_152] : memref<5120xi32, #tpu.memory_space<vmem>> -> memref<320xi32, #tpu.memory_space<vmem>>
    %dma_start3A_154 = tpu.memref_slice %arg12[%add3A_151] : memref<327680xi32, #tpu.memory_space<vmem_shared>> -> memref<320xi32, #tpu.memory_space<vmem_shared>>
    %dma_start3A_155 = arith.constant 1280 : i32
    %dma_start3A_156 = tpu.memref_slice %arg14[%dma_start3A_155] : memref<5120xi32, #tpu.memory_space<vmem>> -> memref<320xi32, #tpu.memory_space<vmem>>
    %dma_start3A_157 = tpu.memref_slice %arg12[%add3A_151] : memref<327680xi32, #tpu.memory_space<vmem_shared>> -> memref<320xi32, #tpu.memory_space<vmem_shared>>
    tpu.enqueue_dma source(%dma_start3A_157 : memref<320xi32, #tpu.memory_space<vmem_shared>>) target(%dma_start3A_156 : memref<320xi32, #tpu.memory_space<vmem>>) target_semaphore(%arg30 : memref<!tpu.dma_semaphore, #tpu.memory_space<semaphore_mem>>)
    %add3A_158 = arith.constant 51200 : i32
    %add3A_159 = arith.addi %add3A_158, %mul3A_5 : i32
    %dma_start3A_160 = arith.constant 1600 : i32
    %dma_start3A_161 = tpu.memref_slice %arg14[%dma_start3A_160] : memref<5120xi32, #tpu.memory_space<vmem>> -> memref<320xi32, #tpu.memory_space<vmem>>
    %dma_start3A_162 = tpu.memref_slice %arg12[%add3A_159] : memref<327680xi32, #tpu.memory_space<vmem_shared>> -> memref<320xi32, #tpu.memory_space<vmem_shared>>
    %dma_start3A_163 = arith.constant 1600 : i32
    %dma_start3A_164 = tpu.memref_slice %arg14[%dma_start3A_163] : memref<5120xi32, #tpu.memory_space<vmem>> -> memref<320xi32, #tpu.memory_space<vmem>>
    %dma_start3A_165 = tpu.memref_slice %arg12[%add3A_159] : memref<327680xi32, #tpu.memory_space<vmem_shared>> -> memref<320xi32, #tpu.memory_space<vmem_shared>>
    tpu.enqueue_dma source(%dma_start3A_165 : memref<320xi32, #tpu.memory_space<vmem_shared>>) target(%dma_start3A_164 : memref<320xi32, #tpu.memory_space<vmem>>) target_semaphore(%arg30 : memref<!tpu.dma_semaphore, #tpu.memory_space<semaphore_mem>>)
    %add3A_166 = arith.constant 61440 : i32
    %add3A_167 = arith.addi %add3A_166, %mul3A_5 : i32
    %dma_start3A_168 = arith.constant 1920 : i32
    %dma_start3A_169 = tpu.memref_slice %arg14[%dma_start3A_168] : memref<5120xi32, #tpu.memory_space<vmem>> -> memref<320xi32, #tpu.memory_space<vmem>>
    %dma_start3A_170 = tpu.memref_slice %arg12[%add3A_167] : memref<327680xi32, #tpu.memory_space<vmem_shared>> -> memref<320xi32, #tpu.memory_space<vmem_shared>>
    %dma_start3A_171 = arith.constant 1920 : i32
    %dma_start3A_172 = tpu.memref_slice %arg14[%dma_start3A_171] : memref<5120xi32, #tpu.memory_space<vmem>> -> memref<320xi32, #tpu.memory_space<vmem>>
    %dma_start3A_173 = tpu.memref_slice %arg12[%add3A_167] : memref<327680xi32, #tpu.memory_space<vmem_shared>> -> memref<320xi32, #tpu.memory_space<vmem_shared>>
    tpu.enqueue_dma source(%dma_start3A_173 : memref<320xi32, #tpu.memory_space<vmem_shared>>) target(%dma_start3A_172 : memref<320xi32, #tpu.memory_space<vmem>>) target_semaphore(%arg30 : memref<!tpu.dma_semaphore, #tpu.memory_space<semaphore_mem>>)
    %add3A_174 = arith.constant 71680 : i32
    %add3A_175 = arith.addi %add3A_174, %mul3A_5 : i32
    %dma_start3A_176 = arith.constant 2240 : i32
    %dma_start3A_177 = tpu.memref_slice %arg14[%dma_start3A_176] : memref<5120xi32, #tpu.memory_space<vmem>> -> memref<320xi32, #tpu.memory_space<vmem>>
    %dma_start3A_178 = tpu.memref_slice %arg12[%add3A_175] : memref<327680xi32, #tpu.memory_space<vmem_shared>> -> memref<320xi32, #tpu.memory_space<vmem_shared>>
    %dma_start3A_179 = arith.constant 2240 : i32
    %dma_start3A_180 = tpu.memref_slice %arg14[%dma_start3A_179] : memref<5120xi32, #tpu.memory_space<vmem>> -> memref<320xi32, #tpu.memory_space<vmem>>
    %dma_start3A_181 = tpu.memref_slice %arg12[%add3A_175] : memref<327680xi32, #tpu.memory_space<vmem_shared>> -> memref<320xi32, #tpu.memory_space<vmem_shared>>
    tpu.enqueue_dma source(%dma_start3A_181 : memref<320xi32, #tpu.memory_space<vmem_shared>>) target(%dma_start3A_180 : memref<320xi32, #tpu.memory_space<vmem>>) target_semaphore(%arg30 : memref<!tpu.dma_semaphore, #tpu.memory_space<semaphore_mem>>)
    %add3A_182 = arith.constant 81920 : i32
    %add3A_183 = arith.addi %add3A_182, %mul3A_5 : i32
    %dma_start3A_184 = arith.constant 2560 : i32
    %dma_start3A_185 = tpu.memref_slice %arg14[%dma_start3A_184] : memref<5120xi32, #tpu.memory_space<vmem>> -> memref<320xi32, #tpu.memory_space<vmem>>
    %dma_start3A_186 = tpu.memref_slice %arg12[%add3A_183] : memref<327680xi32, #tpu.memory_space<vmem_shared>> -> memref<320xi32, #tpu.memory_space<vmem_shared>>
    %dma_start3A_187 = arith.constant 2560 : i32
    %dma_start3A_188 = tpu.memref_slice %arg14[%dma_start3A_187] : memref<5120xi32, #tpu.memory_space<vmem>> -> memref<320xi32, #tpu.memory_space<vmem>>
    %dma_start3A_189 = tpu.memref_slice %arg12[%add3A_183] : memref<327680xi32, #tpu.memory_space<vmem_shared>> -> memref<320xi32, #tpu.memory_space<vmem_shared>>
    tpu.enqueue_dma source(%dma_start3A_189 : memref<320xi32, #tpu.memory_space<vmem_shared>>) target(%dma_start3A_188 : memref<320xi32, #tpu.memory_space<vmem>>) target_semaphore(%arg30 : memref<!tpu.dma_semaphore, #tpu.memory_space<semaphore_mem>>)
    %add3A_190 = arith.constant 92160 : i32
    %add3A_191 = arith.addi %add3A_190, %mul3A_5 : i32
    %dma_start3A_192 = arith.constant 2880 : i32
    %dma_start3A_193 = tpu.memref_slice %arg14[%dma_start3A_192] : memref<5120xi32, #tpu.memory_space<vmem>> -> memref<320xi32, #tpu.memory_space<vmem>>
    %dma_start3A_194 = tpu.memref_slice %arg12[%add3A_191] : memref<327680xi32, #tpu.memory_space<vmem_shared>> -> memref<320xi32, #tpu.memory_space<vmem_shared>>
    %dma_start3A_195 = arith.constant 2880 : i32
    %dma_start3A_196 = tpu.memref_slice %arg14[%dma_start3A_195] : memref<5120xi32, #tpu.memory_space<vmem>> -> memref<320xi32, #tpu.memory_space<vmem>>
    %dma_start3A_197 = tpu.memref_slice %arg12[%add3A_191] : memref<327680xi32, #tpu.memory_space<vmem_shared>> -> memref<320xi32, #tpu.memory_space<vmem_shared>>
    tpu.enqueue_dma source(%dma_start3A_197 : memref<320xi32, #tpu.memory_space<vmem_shared>>) target(%dma_start3A_196 : memref<320xi32, #tpu.memory_space<vmem>>) target_semaphore(%arg30 : memref<!tpu.dma_semaphore, #tpu.memory_space<semaphore_mem>>)
    %add3A_198 = arith.constant 102400 : i32
    %add3A_199 = arith.addi %add3A_198, %mul3A_5 : i32
    %dma_start3A_200 = arith.constant 3200 : i32
    %dma_start3A_201 = tpu.memref_slice %arg14[%dma_start3A_200] : memref<5120xi32, #tpu.memory_space<vmem>> -> memref<320xi32, #tpu.memory_space<vmem>>
    %dma_start3A_202 = tpu.memref_slice %arg12[%add3A_199] : memref<327680xi32, #tpu.memory_space<vmem_shared>> -> memref<320xi32, #tpu.memory_space<vmem_shared>>
    %dma_start3A_203 = arith.constant 3200 : i32
    %dma_start3A_204 = tpu.memref_slice %arg14[%dma_start3A_203] : memref<5120xi32, #tpu.memory_space<vmem>> -> memref<320xi32, #tpu.memory_space<vmem>>
    %dma_start3A_205 = tpu.memref_slice %arg12[%add3A_199] : memref<327680xi32, #tpu.memory_space<vmem_shared>> -> memref<320xi32, #tpu.memory_space<vmem_shared>>
    tpu.enqueue_dma source(%dma_start3A_205 : memref<320xi32, #tpu.memory_space<vmem_shared>>) target(%dma_start3A_204 : memref<320xi32, #tpu.memory_space<vmem>>) target_semaphore(%arg30 : memref<!tpu.dma_semaphore, #tpu.memory_space<semaphore_mem>>)
    %add3A_206 = arith.constant 112640 : i32
    %add3A_207 = arith.addi %add3A_206, %mul3A_5 : i32
    %dma_start3A_208 = arith.constant 3520 : i32
    %dma_start3A_209 = tpu.memref_slice %arg14[%dma_start3A_208] : memref<5120xi32, #tpu.memory_space<vmem>> -> memref<320xi32, #tpu.memory_space<vmem>>
    %dma_start3A_210 = tpu.memref_slice %arg12[%add3A_207] : memref<327680xi32, #tpu.memory_space<vmem_shared>> -> memref<320xi32, #tpu.memory_space<vmem_shared>>
    %dma_start3A_211 = arith.constant 3520 : i32
    %dma_start3A_212 = tpu.memref_slice %arg14[%dma_start3A_211] : memref<5120xi32, #tpu.memory_space<vmem>> -> memref<320xi32, #tpu.memory_space<vmem>>
    %dma_start3A_213 = tpu.memref_slice %arg12[%add3A_207] : memref<327680xi32, #tpu.memory_space<vmem_shared>> -> memref<320xi32, #tpu.memory_space<vmem_shared>>
    tpu.enqueue_dma source(%dma_start3A_213 : memref<320xi32, #tpu.memory_space<vmem_shared>>) target(%dma_start3A_212 : memref<320xi32, #tpu.memory_space<vmem>>) target_semaphore(%arg30 : memref<!tpu.dma_semaphore, #tpu.memory_space<semaphore_mem>>)
    %add3A_214 = arith.constant 122880 : i32
    %add3A_215 = arith.addi %add3A_214, %mul3A_5 : i32
    %dma_start3A_216 = arith.constant 3840 : i32
    %dma_start3A_217 = tpu.memref_slice %arg14[%dma_start3A_216] : memref<5120xi32, #tpu.memory_space<vmem>> -> memref<320xi32, #tpu.memory_space<vmem>>
    %dma_start3A_218 = tpu.memref_slice %arg12[%add3A_215] : memref<327680xi32, #tpu.memory_space<vmem_shared>> -> memref<320xi32, #tpu.memory_space<vmem_shared>>
    %dma_start3A_219 = arith.constant 3840 : i32
    %dma_start3A_220 = tpu.memref_slice %arg14[%dma_start3A_219] : memref<5120xi32, #tpu.memory_space<vmem>> -> memref<320xi32, #tpu.memory_space<vmem>>
    %dma_start3A_221 = tpu.memref_slice %arg12[%add3A_215] : memref<327680xi32, #tpu.memory_space<vmem_shared>> -> memref<320xi32, #tpu.memory_space<vmem_shared>>
    tpu.enqueue_dma source(%dma_start3A_221 : memref<320xi32, #tpu.memory_space<vmem_shared>>) target(%dma_start3A_220 : memref<320xi32, #tpu.memory_space<vmem>>) target_semaphore(%arg30 : memref<!tpu.dma_semaphore, #tpu.memory_space<semaphore_mem>>)
    %add3A_222 = arith.constant 133120 : i32
    %add3A_223 = arith.addi %add3A_222, %mul3A_5 : i32
    %dma_start3A_224 = arith.constant 4160 : i32
    %dma_start3A_225 = tpu.memref_slice %arg14[%dma_start3A_224] : memref<5120xi32, #tpu.memory_space<vmem>> -> memref<320xi32, #tpu.memory_space<vmem>>
    %dma_start3A_226 = tpu.memref_slice %arg12[%add3A_223] : memref<327680xi32, #tpu.memory_space<vmem_shared>> -> memref<320xi32, #tpu.memory_space<vmem_shared>>
    %dma_start3A_227 = arith.constant 4160 : i32
    %dma_start3A_228 = tpu.memref_slice %arg14[%dma_start3A_227] : memref<5120xi32, #tpu.memory_space<vmem>> -> memref<320xi32, #tpu.memory_space<vmem>>
    %dma_start3A_229 = tpu.memref_slice %arg12[%add3A_223] : memref<327680xi32, #tpu.memory_space<vmem_shared>> -> memref<320xi32, #tpu.memory_space<vmem_shared>>
    tpu.enqueue_dma source(%dma_start3A_229 : memref<320xi32, #tpu.memory_space<vmem_shared>>) target(%dma_start3A_228 : memref<320xi32, #tpu.memory_space<vmem>>) target_semaphore(%arg30 : memref<!tpu.dma_semaphore, #tpu.memory_space<semaphore_mem>>)
    %add3A_230 = arith.constant 143360 : i32
    %add3A_231 = arith.addi %add3A_230, %mul3A_5 : i32
    %dma_start3A_232 = arith.constant 4480 : i32
    %dma_start3A_233 = tpu.memref_slice %arg14[%dma_start3A_232] : memref<5120xi32, #tpu.memory_space<vmem>> -> memref<320xi32, #tpu.memory_space<vmem>>
    %dma_start3A_234 = tpu.memref_slice %arg12[%add3A_231] : memref<327680xi32, #tpu.memory_space<vmem_shared>> -> memref<320xi32, #tpu.memory_space<vmem_shared>>
    %dma_start3A_235 = arith.constant 4480 : i32
    %dma_start3A_236 = tpu.memref_slice %arg14[%dma_start3A_235] : memref<5120xi32, #tpu.memory_space<vmem>> -> memref<320xi32, #tpu.memory_space<vmem>>
    %dma_start3A_237 = tpu.memref_slice %arg12[%add3A_231] : memref<327680xi32, #tpu.memory_space<vmem_shared>> -> memref<320xi32, #tpu.memory_space<vmem_shared>>
    tpu.enqueue_dma source(%dma_start3A_237 : memref<320xi32, #tpu.memory_space<vmem_shared>>) target(%dma_start3A_236 : memref<320xi32, #tpu.memory_space<vmem>>) target_semaphore(%arg30 : memref<!tpu.dma_semaphore, #tpu.memory_space<semaphore_mem>>)
    %add3A_238 = arith.constant 153600 : i32
    %add3A_239 = arith.addi %add3A_238, %mul3A_5 : i32
    %dma_start3A_240 = arith.constant 4800 : i32
    %dma_start3A_241 = tpu.memref_slice %arg14[%dma_start3A_240] : memref<5120xi32, #tpu.memory_space<vmem>> -> memref<320xi32, #tpu.memory_space<vmem>>
    %dma_start3A_242 = tpu.memref_slice %arg12[%add3A_239] : memref<327680xi32, #tpu.memory_space<vmem_shared>> -> memref<320xi32, #tpu.memory_space<vmem_shared>>
    %dma_start3A_243 = arith.constant 4800 : i32
    %dma_start3A_244 = tpu.memref_slice %arg14[%dma_start3A_243] : memref<5120xi32, #tpu.memory_space<vmem>> -> memref<320xi32, #tpu.memory_space<vmem>>
    %dma_start3A_245 = tpu.memref_slice %arg12[%add3A_239] : memref<327680xi32, #tpu.memory_space<vmem_shared>> -> memref<320xi32, #tpu.memory_space<vmem_shared>>
    tpu.enqueue_dma source(%dma_start3A_245 : memref<320xi32, #tpu.memory_space<vmem_shared>>) target(%dma_start3A_244 : memref<320xi32, #tpu.memory_space<vmem>>) target_semaphore(%arg30 : memref<!tpu.dma_semaphore, #tpu.memory_space<semaphore_mem>>)
    %dma_wait3A_246 = arith.constant 0 : i32
    %dma_wait3A_247 = tpu.memref_slice %arg14[%dma_wait3A_246] : memref<5120xi32, #tpu.memory_space<vmem>> -> memref<320xi32, #tpu.memory_space<vmem>>
    %dma_wait3A_248 = tpu.memref_slice %arg12[%add3A_119] : memref<327680xi32, #tpu.memory_space<vmem_shared>> -> memref<320xi32, #tpu.memory_space<vmem_shared>>
    %dma_wait3A_249 = arith.constant 0 : i32
    %dma_wait3A_250 = tpu.memref_slice %arg14[%dma_wait3A_249] : memref<5120xi32, #tpu.memory_space<vmem>> -> memref<320xi32, #tpu.memory_space<vmem>>
    %dma_wait3A_251 = tpu.memref_slice %arg12[%add3A_119] : memref<327680xi32, #tpu.memory_space<vmem_shared>> -> memref<320xi32, #tpu.memory_space<vmem_shared>>
    tpu.wait_dma2 semaphore(%arg30 : memref<!tpu.dma_semaphore, #tpu.memory_space<semaphore_mem>>) src(%dma_wait3A_251 : memref<320xi32, #tpu.memory_space<vmem_shared>>) dst(%dma_wait3A_250 : memref<320xi32, #tpu.memory_space<vmem>>)
    %dma_wait3A_252 = arith.constant 320 : i32
    %dma_wait3A_253 = tpu.memref_slice %arg14[%dma_wait3A_252] : memref<5120xi32, #tpu.memory_space<vmem>> -> memref<320xi32, #tpu.memory_space<vmem>>
    %dma_wait3A_254 = tpu.memref_slice %arg12[%add3A_127] : memref<327680xi32, #tpu.memory_space<vmem_shared>> -> memref<320xi32, #tpu.memory_space<vmem_shared>>
    %dma_wait3A_255 = arith.constant 320 : i32
    %dma_wait3A_256 = tpu.memref_slice %arg14[%dma_wait3A_255] : memref<5120xi32, #tpu.memory_space<vmem>> -> memref<320xi32, #tpu.memory_space<vmem>>
    %dma_wait3A_257 = tpu.memref_slice %arg12[%add3A_127] : memref<327680xi32, #tpu.memory_space<vmem_shared>> -> memref<320xi32, #tpu.memory_space<vmem_shared>>
    tpu.wait_dma2 semaphore(%arg30 : memref<!tpu.dma_semaphore, #tpu.memory_space<semaphore_mem>>) src(%dma_wait3A_257 : memref<320xi32, #tpu.memory_space<vmem_shared>>) dst(%dma_wait3A_256 : memref<320xi32, #tpu.memory_space<vmem>>)
    %dma_wait3A_258 = arith.constant 640 : i32
    %dma_wait3A_259 = tpu.memref_slice %arg14[%dma_wait3A_258] : memref<5120xi32, #tpu.memory_space<vmem>> -> memref<320xi32, #tpu.memory_space<vmem>>
    %dma_wait3A_260 = tpu.memref_slice %arg12[%add3A_135] : memref<327680xi32, #tpu.memory_space<vmem_shared>> -> memref<320xi32, #tpu.memory_space<vmem_shared>>
    %dma_wait3A_261 = arith.constant 640 : i32
    %dma_wait3A_262 = tpu.memref_slice %arg14[%dma_wait3A_261] : memref<5120xi32, #tpu.memory_space<vmem>> -> memref<320xi32, #tpu.memory_space<vmem>>
    %dma_wait3A_263 = tpu.memref_slice %arg12[%add3A_135] : memref<327680xi32, #tpu.memory_space<vmem_shared>> -> memref<320xi32, #tpu.memory_space<vmem_shared>>
    tpu.wait_dma2 semaphore(%arg30 : memref<!tpu.dma_semaphore, #tpu.memory_space<semaphore_mem>>) src(%dma_wait3A_263 : memref<320xi32, #tpu.memory_space<vmem_shared>>) dst(%dma_wait3A_262 : memref<320xi32, #tpu.memory_space<vmem>>)
    %dma_wait3A_264 = arith.constant 960 : i32
    %dma_wait3A_265 = tpu.memref_slice %arg14[%dma_wait3A_264] : memref<5120xi32, #tpu.memory_space<vmem>> -> memref<320xi32, #tpu.memory_space<vmem>>
    %dma_wait3A_266 = tpu.memref_slice %arg12[%add3A_143] : memref<327680xi32, #tpu.memory_space<vmem_shared>> -> memref<320xi32, #tpu.memory_space<vmem_shared>>
    %dma_wait3A_267 = arith.constant 960 : i32
    %dma_wait3A_268 = tpu.memref_slice %arg14[%dma_wait3A_267] : memref<5120xi32, #tpu.memory_space<vmem>> -> memref<320xi32, #tpu.memory_space<vmem>>
    %dma_wait3A_269 = tpu.memref_slice %arg12[%add3A_143] : memref<327680xi32, #tpu.memory_space<vmem_shared>> -> memref<320xi32, #tpu.memory_space<vmem_shared>>
    tpu.wait_dma2 semaphore(%arg30 : memref<!tpu.dma_semaphore, #tpu.memory_space<semaphore_mem>>) src(%dma_wait3A_269 : memref<320xi32, #tpu.memory_space<vmem_shared>>) dst(%dma_wait3A_268 : memref<320xi32, #tpu.memory_space<vmem>>)
    %dma_wait3A_270 = arith.constant 1280 : i32
    %dma_wait3A_271 = tpu.memref_slice %arg14[%dma_wait3A_270] : memref<5120xi32, #tpu.memory_space<vmem>> -> memref<320xi32, #tpu.memory_space<vmem>>
    %dma_wait3A_272 = tpu.memref_slice %arg12[%add3A_151] : memref<327680xi32, #tpu.memory_space<vmem_shared>> -> memref<320xi32, #tpu.memory_space<vmem_shared>>
    %dma_wait3A_273 = arith.constant 1280 : i32
    %dma_wait3A_274 = tpu.memref_slice %arg14[%dma_wait3A_273] : memref<5120xi32, #tpu.memory_space<vmem>> -> memref<320xi32, #tpu.memory_space<vmem>>
    %dma_wait3A_275 = tpu.memref_slice %arg12[%add3A_151] : memref<327680xi32, #tpu.memory_space<vmem_shared>> -> memref<320xi32, #tpu.memory_space<vmem_shared>>
    tpu.wait_dma2 semaphore(%arg30 : memref<!tpu.dma_semaphore, #tpu.memory_space<semaphore_mem>>) src(%dma_wait3A_275 : memref<320xi32, #tpu.memory_space<vmem_shared>>) dst(%dma_wait3A_274 : memref<320xi32, #tpu.memory_space<vmem>>)
    %dma_wait3A_276 = arith.constant 1600 : i32
    %dma_wait3A_277 = tpu.memref_slice %arg14[%dma_wait3A_276] : memref<5120xi32, #tpu.memory_space<vmem>> -> memref<320xi32, #tpu.memory_space<vmem>>
    %dma_wait3A_278 = tpu.memref_slice %arg12[%add3A_159] : memref<327680xi32, #tpu.memory_space<vmem_shared>> -> memref<320xi32, #tpu.memory_space<vmem_shared>>
    %dma_wait3A_279 = arith.constant 1600 : i32
    %dma_wait3A_280 = tpu.memref_slice %arg14[%dma_wait3A_279] : memref<5120xi32, #tpu.memory_space<vmem>> -> memref<320xi32, #tpu.memory_space<vmem>>
    %dma_wait3A_281 = tpu.memref_slice %arg12[%add3A_159] : memref<327680xi32, #tpu.memory_space<vmem_shared>> -> memref<320xi32, #tpu.memory_space<vmem_shared>>
    tpu.wait_dma2 semaphore(%arg30 : memref<!tpu.dma_semaphore, #tpu.memory_space<semaphore_mem>>) src(%dma_wait3A_281 : memref<320xi32, #tpu.memory_space<vmem_shared>>) dst(%dma_wait3A_280 : memref<320xi32, #tpu.memory_space<vmem>>)
    %dma_wait3A_282 = arith.constant 1920 : i32
    %dma_wait3A_283 = tpu.memref_slice %arg14[%dma_wait3A_282] : memref<5120xi32, #tpu.memory_space<vmem>> -> memref<320xi32, #tpu.memory_space<vmem>>
    %dma_wait3A_284 = tpu.memref_slice %arg12[%add3A_167] : memref<327680xi32, #tpu.memory_space<vmem_shared>> -> memref<320xi32, #tpu.memory_space<vmem_shared>>
    %dma_wait3A_285 = arith.constant 1920 : i32
    %dma_wait3A_286 = tpu.memref_slice %arg14[%dma_wait3A_285] : memref<5120xi32, #tpu.memory_space<vmem>> -> memref<320xi32, #tpu.memory_space<vmem>>
    %dma_wait3A_287 = tpu.memref_slice %arg12[%add3A_167] : memref<327680xi32, #tpu.memory_space<vmem_shared>> -> memref<320xi32, #tpu.memory_space<vmem_shared>>
    tpu.wait_dma2 semaphore(%arg30 : memref<!tpu.dma_semaphore, #tpu.memory_space<semaphore_mem>>) src(%dma_wait3A_287 : memref<320xi32, #tpu.memory_space<vmem_shared>>) dst(%dma_wait3A_286 : memref<320xi32, #tpu.memory_space<vmem>>)
    %dma_wait3A_288 = arith.constant 2240 : i32
    %dma_wait3A_289 = tpu.memref_slice %arg14[%dma_wait3A_288] : memref<5120xi32, #tpu.memory_space<vmem>> -> memref<320xi32, #tpu.memory_space<vmem>>
    %dma_wait3A_290 = tpu.memref_slice %arg12[%add3A_175] : memref<327680xi32, #tpu.memory_space<vmem_shared>> -> memref<320xi32, #tpu.memory_space<vmem_shared>>
    %dma_wait3A_291 = arith.constant 2240 : i32
    %dma_wait3A_292 = tpu.memref_slice %arg14[%dma_wait3A_291] : memref<5120xi32, #tpu.memory_space<vmem>> -> memref<320xi32, #tpu.memory_space<vmem>>
    %dma_wait3A_293 = tpu.memref_slice %arg12[%add3A_175] : memref<327680xi32, #tpu.memory_space<vmem_shared>> -> memref<320xi32, #tpu.memory_space<vmem_shared>>
    tpu.wait_dma2 semaphore(%arg30 : memref<!tpu.dma_semaphore, #tpu.memory_space<semaphore_mem>>) src(%dma_wait3A_293 : memref<320xi32, #tpu.memory_space<vmem_shared>>) dst(%dma_wait3A_292 : memref<320xi32, #tpu.memory_space<vmem>>)
    %dma_wait3A_294 = arith.constant 2560 : i32
    %dma_wait3A_295 = tpu.memref_slice %arg14[%dma_wait3A_294] : memref<5120xi32, #tpu.memory_space<vmem>> -> memref<320xi32, #tpu.memory_space<vmem>>
    %dma_wait3A_296 = tpu.memref_slice %arg12[%add3A_183] : memref<327680xi32, #tpu.memory_space<vmem_shared>> -> memref<320xi32, #tpu.memory_space<vmem_shared>>
    %dma_wait3A_297 = arith.constant 2560 : i32
    %dma_wait3A_298 = tpu.memref_slice %arg14[%dma_wait3A_297] : memref<5120xi32, #tpu.memory_space<vmem>> -> memref<320xi32, #tpu.memory_space<vmem>>
    %dma_wait3A_299 = tpu.memref_slice %arg12[%add3A_183] : memref<327680xi32, #tpu.memory_space<vmem_shared>> -> memref<320xi32, #tpu.memory_space<vmem_shared>>
    tpu.wait_dma2 semaphore(%arg30 : memref<!tpu.dma_semaphore, #tpu.memory_space<semaphore_mem>>) src(%dma_wait3A_299 : memref<320xi32, #tpu.memory_space<vmem_shared>>) dst(%dma_wait3A_298 : memref<320xi32, #tpu.memory_space<vmem>>)
    %dma_wait3A_300 = arith.constant 2880 : i32
    %dma_wait3A_301 = tpu.memref_slice %arg14[%dma_wait3A_300] : memref<5120xi32, #tpu.memory_space<vmem>> -> memref<320xi32, #tpu.memory_space<vmem>>
    %dma_wait3A_302 = tpu.memref_slice %arg12[%add3A_191] : memref<327680xi32, #tpu.memory_space<vmem_shared>> -> memref<320xi32, #tpu.memory_space<vmem_shared>>
    %dma_wait3A_303 = arith.constant 2880 : i32
    %dma_wait3A_304 = tpu.memref_slice %arg14[%dma_wait3A_303] : memref<5120xi32, #tpu.memory_space<vmem>> -> memref<320xi32, #tpu.memory_space<vmem>>
    %dma_wait3A_305 = tpu.memref_slice %arg12[%add3A_191] : memref<327680xi32, #tpu.memory_space<vmem_shared>> -> memref<320xi32, #tpu.memory_space<vmem_shared>>
    tpu.wait_dma2 semaphore(%arg30 : memref<!tpu.dma_semaphore, #tpu.memory_space<semaphore_mem>>) src(%dma_wait3A_305 : memref<320xi32, #tpu.memory_space<vmem_shared>>) dst(%dma_wait3A_304 : memref<320xi32, #tpu.memory_space<vmem>>)
    %dma_wait3A_306 = arith.constant 3200 : i32
    %dma_wait3A_307 = tpu.memref_slice %arg14[%dma_wait3A_306] : memref<5120xi32, #tpu.memory_space<vmem>> -> memref<320xi32, #tpu.memory_space<vmem>>
    %dma_wait3A_308 = tpu.memref_slice %arg12[%add3A_199] : memref<327680xi32, #tpu.memory_space<vmem_shared>> -> memref<320xi32, #tpu.memory_space<vmem_shared>>
    %dma_wait3A_309 = arith.constant 3200 : i32
    %dma_wait3A_310 = tpu.memref_slice %arg14[%dma_wait3A_309] : memref<5120xi32, #tpu.memory_space<vmem>> -> memref<320xi32, #tpu.memory_space<vmem>>
    %dma_wait3A_311 = tpu.memref_slice %arg12[%add3A_199] : memref<327680xi32, #tpu.memory_space<vmem_shared>> -> memref<320xi32, #tpu.memory_space<vmem_shared>>
    tpu.wait_dma2 semaphore(%arg30 : memref<!tpu.dma_semaphore, #tpu.memory_space<semaphore_mem>>) src(%dma_wait3A_311 : memref<320xi32, #tpu.memory_space<vmem_shared>>) dst(%dma_wait3A_310 : memref<320xi32, #tpu.memory_space<vmem>>)
    %dma_wait3A_312 = arith.constant 3520 : i32
    %dma_wait3A_313 = tpu.memref_slice %arg14[%dma_wait3A_312] : memref<5120xi32, #tpu.memory_space<vmem>> -> memref<320xi32, #tpu.memory_space<vmem>>
    %dma_wait3A_314 = tpu.memref_slice %arg12[%add3A_207] : memref<327680xi32, #tpu.memory_space<vmem_shared>> -> memref<320xi32, #tpu.memory_space<vmem_shared>>
    %dma_wait3A_315 = arith.constant 3520 : i32
    %dma_wait3A_316 = tpu.memref_slice %arg14[%dma_wait3A_315] : memref<5120xi32, #tpu.memory_space<vmem>> -> memref<320xi32, #tpu.memory_space<vmem>>
    %dma_wait3A_317 = tpu.memref_slice %arg12[%add3A_207] : memref<327680xi32, #tpu.memory_space<vmem_shared>> -> memref<320xi32, #tpu.memory_space<vmem_shared>>
    tpu.wait_dma2 semaphore(%arg30 : memref<!tpu.dma_semaphore, #tpu.memory_space<semaphore_mem>>) src(%dma_wait3A_317 : memref<320xi32, #tpu.memory_space<vmem_shared>>) dst(%dma_wait3A_316 : memref<320xi32, #tpu.memory_space<vmem>>)
    %dma_wait3A_318 = arith.constant 3840 : i32
    %dma_wait3A_319 = tpu.memref_slice %arg14[%dma_wait3A_318] : memref<5120xi32, #tpu.memory_space<vmem>> -> memref<320xi32, #tpu.memory_space<vmem>>
    %dma_wait3A_320 = tpu.memref_slice %arg12[%add3A_215] : memref<327680xi32, #tpu.memory_space<vmem_shared>> -> memref<320xi32, #tpu.memory_space<vmem_shared>>
    %dma_wait3A_321 = arith.constant 3840 : i32
    %dma_wait3A_322 = tpu.memref_slice %arg14[%dma_wait3A_321] : memref<5120xi32, #tpu.memory_space<vmem>> -> memref<320xi32, #tpu.memory_space<vmem>>
    %dma_wait3A_323 = tpu.memref_slice %arg12[%add3A_215] : memref<327680xi32, #tpu.memory_space<vmem_shared>> -> memref<320xi32, #tpu.memory_space<vmem_shared>>
    tpu.wait_dma2 semaphore(%arg30 : memref<!tpu.dma_semaphore, #tpu.memory_space<semaphore_mem>>) src(%dma_wait3A_323 : memref<320xi32, #tpu.memory_space<vmem_shared>>) dst(%dma_wait3A_322 : memref<320xi32, #tpu.memory_space<vmem>>)
    %dma_wait3A_324 = arith.constant 4160 : i32
    %dma_wait3A_325 = tpu.memref_slice %arg14[%dma_wait3A_324] : memref<5120xi32, #tpu.memory_space<vmem>> -> memref<320xi32, #tpu.memory_space<vmem>>
    %dma_wait3A_326 = tpu.memref_slice %arg12[%add3A_223] : memref<327680xi32, #tpu.memory_space<vmem_shared>> -> memref<320xi32, #tpu.memory_space<vmem_shared>>
    %dma_wait3A_327 = arith.constant 4160 : i32
    %dma_wait3A_328 = tpu.memref_slice %arg14[%dma_wait3A_327] : memref<5120xi32, #tpu.memory_space<vmem>> -> memref<320xi32, #tpu.memory_space<vmem>>
    %dma_wait3A_329 = tpu.memref_slice %arg12[%add3A_223] : memref<327680xi32, #tpu.memory_space<vmem_shared>> -> memref<320xi32, #tpu.memory_space<vmem_shared>>
    tpu.wait_dma2 semaphore(%arg30 : memref<!tpu.dma_semaphore, #tpu.memory_space<semaphore_mem>>) src(%dma_wait3A_329 : memref<320xi32, #tpu.memory_space<vmem_shared>>) dst(%dma_wait3A_328 : memref<320xi32, #tpu.memory_space<vmem>>)
    %dma_wait3A_330 = arith.constant 4480 : i32
    %dma_wait3A_331 = tpu.memref_slice %arg14[%dma_wait3A_330] : memref<5120xi32, #tpu.memory_space<vmem>> -> memref<320xi32, #tpu.memory_space<vmem>>
    %dma_wait3A_332 = tpu.memref_slice %arg12[%add3A_231] : memref<327680xi32, #tpu.memory_space<vmem_shared>> -> memref<320xi32, #tpu.memory_space<vmem_shared>>
    %dma_wait3A_333 = arith.constant 4480 : i32
    %dma_wait3A_334 = tpu.memref_slice %arg14[%dma_wait3A_333] : memref<5120xi32, #tpu.memory_space<vmem>> -> memref<320xi32, #tpu.memory_space<vmem>>
    %dma_wait3A_335 = tpu.memref_slice %arg12[%add3A_231] : memref<327680xi32, #tpu.memory_space<vmem_shared>> -> memref<320xi32, #tpu.memory_space<vmem_shared>>
    tpu.wait_dma2 semaphore(%arg30 : memref<!tpu.dma_semaphore, #tpu.memory_space<semaphore_mem>>) src(%dma_wait3A_335 : memref<320xi32, #tpu.memory_space<vmem_shared>>) dst(%dma_wait3A_334 : memref<320xi32, #tpu.memory_space<vmem>>)
    %dma_wait3A_336 = arith.constant 4800 : i32
    %dma_wait3A_337 = tpu.memref_slice %arg14[%dma_wait3A_336] : memref<5120xi32, #tpu.memory_space<vmem>> -> memref<320xi32, #tpu.memory_space<vmem>>
    %dma_wait3A_338 = tpu.memref_slice %arg12[%add3A_239] : memref<327680xi32, #tpu.memory_space<vmem_shared>> -> memref<320xi32, #tpu.memory_space<vmem_shared>>
    %dma_wait3A_339 = arith.constant 4800 : i32
    %dma_wait3A_340 = tpu.memref_slice %arg14[%dma_wait3A_339] : memref<5120xi32, #tpu.memory_space<vmem>> -> memref<320xi32, #tpu.memory_space<vmem>>
    %dma_wait3A_341 = tpu.memref_slice %arg12[%add3A_239] : memref<327680xi32, #tpu.memory_space<vmem_shared>> -> memref<320xi32, #tpu.memory_space<vmem_shared>>
    tpu.wait_dma2 semaphore(%arg30 : memref<!tpu.dma_semaphore, #tpu.memory_space<semaphore_mem>>) src(%dma_wait3A_341 : memref<320xi32, #tpu.memory_space<vmem_shared>>) dst(%dma_wait3A_340 : memref<320xi32, #tpu.memory_space<vmem>>)
    "tpu.trace_stop"() : () -> ()
    "tpu.trace_start"() <{level = 10 : i32, message = "c_sum"}> : () -> ()
    %scan3A_342 = arith.constant 0 : i32
    %scan3A_343 = arith.constant 20 : i32
    %scan3A_344 = arith.addi %scan3A_342, %scan3A_343 : i32
    %scan3A_345 = arith.constant 1 : i32
    scf.for %scan3A_758 = %scan3A_342 to %scan3A_344 step %scan3A_345  : i32 {
      %mul3A_759 = arith.constant 16 : i32
      %mul3A_760 = arith.muli %scan3A_758, %mul3A_759 : i32
      %get3A = arith.index_cast %mul3A_760 : i32 to index
      %get3A_761 = tpu.vector_load %arg14[%get3A] {strides = array<i32>} : memref<5120xi32, #tpu.memory_space<vmem>>, vector<16xi32>,
      %mul3A_762 = arith.constant 16 : i32
      %mul3A_763 = arith.muli %scan3A_758, %mul3A_762 : i32
      %add3A_764 = arith.constant 320 : i32
      %add3A_765 = arith.addi %add3A_764, %mul3A_763 : i32
      %get3A_766 = arith.index_cast %add3A_765 : i32 to index
      %get3A_767 = tpu.vector_load %arg14[%get3A_766] {strides = array<i32>} : memref<5120xi32, #tpu.memory_space<vmem>>, vector<16xi32>,
      %add3A_768 = arith.addi %get3A_761, %get3A_767 : vector<16xi32>
      %mul3A_769 = arith.constant 16 : i32
      %mul3A_770 = arith.muli %scan3A_758, %mul3A_769 : i32
      %add3A_771 = arith.constant 640 : i32
      %add3A_772 = arith.addi %add3A_771, %mul3A_770 : i32
      %get3A_773 = arith.index_cast %add3A_772 : i32 to index
      %get3A_774 = tpu.vector_load %arg14[%get3A_773] {strides = array<i32>} : memref<5120xi32, #tpu.memory_space<vmem>>, vector<16xi32>,
      %add3A_775 = arith.addi %add3A_768, %get3A_774 : vector<16xi32>
      %mul3A_776 = arith.constant 16 : i32
      %mul3A_777 = arith.muli %scan3A_758, %mul3A_776 : i32
      %add3A_778 = arith.constant 960 : i32
      %add3A_779 = arith.addi %add3A_778, %mul3A_777 : i32
      %get3A_780 = arith.index_cast %add3A_779 : i32 to index
      %get3A_781 = tpu.vector_load %arg14[%get3A_780] {strides = array<i32>} : memref<5120xi32, #tpu.memory_space<vmem>>, vector<16xi32>,
      %add3A_782 = arith.addi %add3A_775, %get3A_781 : vector<16xi32>
      %mul3A_783 = arith.constant 16 : i32
      %mul3A_784 = arith.muli %scan3A_758, %mul3A_783 : i32
      %add3A_785 = arith.constant 1280 : i32
      %add3A_786 = arith.addi %add3A_785, %mul3A_784 : i32
      %get3A_787 = arith.index_cast %add3A_786 : i32 to index
      %get3A_788 = tpu.vector_load %arg14[%get3A_787] {strides = array<i32>} : memref<5120xi32, #tpu.memory_space<vmem>>, vector<16xi32>,
      %add3A_789 = arith.addi %add3A_782, %get3A_788 : vector<16xi32>
      %mul3A_790 = arith.constant 16 : i32
      %mul3A_791 = arith.muli %scan3A_758, %mul3A_790 : i32
      %add3A_792 = arith.constant 1600 : i32
      %add3A_793 = arith.addi %add3A_792, %mul3A_791 : i32
      %get3A_794 = arith.index_cast %add3A_793 : i32 to index
      %get3A_795 = tpu.vector_load %arg14[%get3A_794] {strides = array<i32>} : memref<5120xi32, #tpu.memory_space<vmem>>, vector<16xi32>,
      %add3A_796 = arith.addi %add3A_789, %get3A_795 : vector<16xi32>
      %mul3A_797 = arith.constant 16 : i32
      %mul3A_798 = arith.muli %scan3A_758, %mul3A_797 : i32
      %add3A_799 = arith.constant 1920 : i32
      %add3A_800 = arith.addi %add3A_799, %mul3A_798 : i32
      %get3A_801 = arith.index_cast %add3A_800 : i32 to index
      %get3A_802 = tpu.vector_load %arg14[%get3A_801] {strides = array<i32>} : memref<5120xi32, #tpu.memory_space<vmem>>, vector<16xi32>,
      %add3A_803 = arith.addi %add3A_796, %get3A_802 : vector<16xi32>
      %mul3A_804 = arith.constant 16 : i32
      %mul3A_805 = arith.muli %scan3A_758, %mul3A_804 : i32
      %add3A_806 = arith.constant 2240 : i32
      %add3A_807 = arith.addi %add3A_806, %mul3A_805 : i32
      %get3A_808 = arith.index_cast %add3A_807 : i32 to index
      %get3A_809 = tpu.vector_load %arg14[%get3A_808] {strides = array<i32>} : memref<5120xi32, #tpu.memory_space<vmem>>, vector<16xi32>,
      %add3A_810 = arith.addi %add3A_803, %get3A_809 : vector<16xi32>
      %mul3A_811 = arith.constant 16 : i32
      %mul3A_812 = arith.muli %scan3A_758, %mul3A_811 : i32
      %add3A_813 = arith.constant 2560 : i32
      %add3A_814 = arith.addi %add3A_813, %mul3A_812 : i32
      %get3A_815 = arith.index_cast %add3A_814 : i32 to index
      %get3A_816 = tpu.vector_load %arg14[%get3A_815] {strides = array<i32>} : memref<5120xi32, #tpu.memory_space<vmem>>, vector<16xi32>,
      %add3A_817 = arith.addi %add3A_810, %get3A_816 : vector<16xi32>
      %mul3A_818 = arith.constant 16 : i32
      %mul3A_819 = arith.muli %scan3A_758, %mul3A_818 : i32
      %add3A_820 = arith.constant 2880 : i32
      %add3A_821 = arith.addi %add3A_820, %mul3A_819 : i32
      %get3A_822 = arith.index_cast %add3A_821 : i32 to index
      %get3A_823 = tpu.vector_load %arg14[%get3A_822] {strides = array<i32>} : memref<5120xi32, #tpu.memory_space<vmem>>, vector<16xi32>,
      %add3A_824 = arith.addi %add3A_817, %get3A_823 : vector<16xi32>
      %mul3A_825 = arith.constant 16 : i32
      %mul3A_826 = arith.muli %scan3A_758, %mul3A_825 : i32
      %add3A_827 = arith.constant 3200 : i32
      %add3A_828 = arith.addi %add3A_827, %mul3A_826 : i32
      %get3A_829 = arith.index_cast %add3A_828 : i32 to index
      %get3A_830 = tpu.vector_load %arg14[%get3A_829] {strides = array<i32>} : memref<5120xi32, #tpu.memory_space<vmem>>, vector<16xi32>,
      %add3A_831 = arith.addi %add3A_824, %get3A_830 : vector<16xi32>
      %mul3A_832 = arith.constant 16 : i32
      %mul3A_833 = arith.muli %scan3A_758, %mul3A_832 : i32
      %add3A_834 = arith.constant 3520 : i32
      %add3A_835 = arith.addi %add3A_834, %mul3A_833 : i32
      %get3A_836 = arith.index_cast %add3A_835 : i32 to index
      %get3A_837 = tpu.vector_load %arg14[%get3A_836] {strides = array<i32>} : memref<5120xi32, #tpu.memory_space<vmem>>, vector<16xi32>,
      %add3A_838 = arith.addi %add3A_831, %get3A_837 : vector<16xi32>
      %mul3A_839 = arith.constant 16 : i32
      %mul3A_840 = arith.muli %scan3A_758, %mul3A_839 : i32
      %add3A_841 = arith.constant 3840 : i32
      %add3A_842 = arith.addi %add3A_841, %mul3A_840 : i32
      %get3A_843 = arith.index_cast %add3A_842 : i32 to index
      %get3A_844 = tpu.vector_load %arg14[%get3A_843] {strides = array<i32>} : memref<5120xi32, #tpu.memory_space<vmem>>, vector<16xi32>,
      %add3A_845 = arith.addi %add3A_838, %get3A_844 : vector<16xi32>
      %mul3A_846 = arith.constant 16 : i32
      %mul3A_847 = arith.muli %scan3A_758, %mul3A_846 : i32
      %add3A_848 = arith.constant 4160 : i32
      %add3A_849 = arith.addi %add3A_848, %mul3A_847 : i32
      %get3A_850 = arith.index_cast %add3A_849 : i32 to index
      %get3A_851 = tpu.vector_load %arg14[%get3A_850] {strides = array<i32>} : memref<5120xi32, #tpu.memory_space<vmem>>, vector<16xi32>,
      %add3A_852 = arith.addi %add3A_845, %get3A_851 : vector<16xi32>
      %mul3A_853 = arith.constant 16 : i32
      %mul3A_854 = arith.muli %scan3A_758, %mul3A_853 : i32
      %add3A_855 = arith.constant 4480 : i32
      %add3A_856 = arith.addi %add3A_855, %mul3A_854 : i32
      %get3A_857 = arith.index_cast %add3A_856 : i32 to index
      %get3A_858 = tpu.vector_load %arg14[%get3A_857] {strides = array<i32>} : memref<5120xi32, #tpu.memory_space<vmem>>, vector<16xi32>,
      %add3A_859 = arith.addi %add3A_852, %get3A_858 : vector<16xi32>
      %mul3A_860 = arith.constant 16 : i32
      %mul3A_861 = arith.muli %scan3A_758, %mul3A_860 : i32
      %add3A_862 = arith.constant 4800 : i32
      %add3A_863 = arith.addi %add3A_862, %mul3A_861 : i32
      %get3A_864 = arith.index_cast %add3A_863 : i32 to index
      %get3A_865 = tpu.vector_load %arg14[%get3A_864] {strides = array<i32>} : memref<5120xi32, #tpu.memory_space<vmem>>, vector<16xi32>,
      %add3A_866 = arith.addi %add3A_859, %get3A_865 : vector<16xi32>
      %min3A_867 = arith.minsi %add3A_866, %broadcast_in_dim3A_117 : vector<16xi32>
      %add3A_868 = arith.constant 0 : i32
      %add3A_869 = vector.broadcast %add3A_868 : i32 to vector<16xi32>
      %add3A_870 = arith.addi %min3A_867, %add3A_869 : vector<16xi32>
      %mul3A_871 = arith.constant 16 : i32
      %mul3A_872 = arith.muli %scan3A_758, %mul3A_871 : i32
      %swap3A = arith.index_cast %mul3A_872 : i32 to index
      %swap3A_873 = tpu.vector_load %arg15[%swap3A] {strides = array<i32>} : memref<320xi32, #tpu.memory_space<vmem>>, vector<16xi32>,
      tpu.vector_store %arg15[%swap3A], %add3A_870 {strides = array<i32>} : memref<320xi32, #tpu.memory_space<vmem>>, vector<16xi32>,
    }
    %scan3A_346 = arith.constant 20 : i32
    "tpu.trace_stop"() : () -> ()
    "tpu.trace_start"() <{level = 10 : i32, message = "c_read2"}> : () -> ()
    %add3A_347 = arith.constant 163840 : i32
    %add3A_348 = arith.addi %add3A_347, %mul3A_5 : i32
    %dma_start3A_349 = arith.constant 0 : i32
    %dma_start3A_350 = tpu.memref_slice %arg14[%dma_start3A_349] : memref<5120xi32, #tpu.memory_space<vmem>> -> memref<320xi32, #tpu.memory_space<vmem>>
    %dma_start3A_351 = tpu.memref_slice %arg12[%add3A_348] : memref<327680xi32, #tpu.memory_space<vmem_shared>> -> memref<320xi32, #tpu.memory_space<vmem_shared>>
    %dma_start3A_352 = arith.constant 0 : i32
    %dma_start3A_353 = tpu.memref_slice %arg14[%dma_start3A_352] : memref<5120xi32, #tpu.memory_space<vmem>> -> memref<320xi32, #tpu.memory_space<vmem>>
    %dma_start3A_354 = tpu.memref_slice %arg12[%add3A_348] : memref<327680xi32, #tpu.memory_space<vmem_shared>> -> memref<320xi32, #tpu.memory_space<vmem_shared>>
    tpu.enqueue_dma source(%dma_start3A_354 : memref<320xi32, #tpu.memory_space<vmem_shared>>) target(%dma_start3A_353 : memref<320xi32, #tpu.memory_space<vmem>>) target_semaphore(%arg30 : memref<!tpu.dma_semaphore, #tpu.memory_space<semaphore_mem>>)
    %add3A_355 = arith.constant 174080 : i32
    %add3A_356 = arith.addi %add3A_355, %mul3A_5 : i32
    %dma_start3A_357 = arith.constant 320 : i32
    %dma_start3A_358 = tpu.memref_slice %arg14[%dma_start3A_357] : memref<5120xi32, #tpu.memory_space<vmem>> -> memref<320xi32, #tpu.memory_space<vmem>>
    %dma_start3A_359 = tpu.memref_slice %arg12[%add3A_356] : memref<327680xi32, #tpu.memory_space<vmem_shared>> -> memref<320xi32, #tpu.memory_space<vmem_shared>>
    %dma_start3A_360 = arith.constant 320 : i32
    %dma_start3A_361 = tpu.memref_slice %arg14[%dma_start3A_360] : memref<5120xi32, #tpu.memory_space<vmem>> -> memref<320xi32, #tpu.memory_space<vmem>>
    %dma_start3A_362 = tpu.memref_slice %arg12[%add3A_356] : memref<327680xi32, #tpu.memory_space<vmem_shared>> -> memref<320xi32, #tpu.memory_space<vmem_shared>>
    tpu.enqueue_dma source(%dma_start3A_362 : memref<320xi32, #tpu.memory_space<vmem_shared>>) target(%dma_start3A_361 : memref<320xi32, #tpu.memory_space<vmem>>) target_semaphore(%arg30 : memref<!tpu.dma_semaphore, #tpu.memory_space<semaphore_mem>>)
    %add3A_363 = arith.constant 184320 : i32
    %add3A_364 = arith.addi %add3A_363, %mul3A_5 : i32
    %dma_start3A_365 = arith.constant 640 : i32
    %dma_start3A_366 = tpu.memref_slice %arg14[%dma_start3A_365] : memref<5120xi32, #tpu.memory_space<vmem>> -> memref<320xi32, #tpu.memory_space<vmem>>
    %dma_start3A_367 = tpu.memref_slice %arg12[%add3A_364] : memref<327680xi32, #tpu.memory_space<vmem_shared>> -> memref<320xi32, #tpu.memory_space<vmem_shared>>
    %dma_start3A_368 = arith.constant 640 : i32
    %dma_start3A_369 = tpu.memref_slice %arg14[%dma_start3A_368] : memref<5120xi32, #tpu.memory_space<vmem>> -> memref<320xi32, #tpu.memory_space<vmem>>
    %dma_start3A_370 = tpu.memref_slice %arg12[%add3A_364] : memref<327680xi32, #tpu.memory_space<vmem_shared>> -> memref<320xi32, #tpu.memory_space<vmem_shared>>
    tpu.enqueue_dma source(%dma_start3A_370 : memref<320xi32, #tpu.memory_space<vmem_shared>>) target(%dma_start3A_369 : memref<320xi32, #tpu.memory_space<vmem>>) target_semaphore(%arg30 : memref<!tpu.dma_semaphore, #tpu.memory_space<semaphore_mem>>)
    %add3A_371 = arith.constant 194560 : i32
    %add3A_372 = arith.addi %add3A_371, %mul3A_5 : i32
    %dma_start3A_373 = arith.constant 960 : i32
    %dma_start3A_374 = tpu.memref_slice %arg14[%dma_start3A_373] : memref<5120xi32, #tpu.memory_space<vmem>> -> memref<320xi32, #tpu.memory_space<vmem>>
    %dma_start3A_375 = tpu.memref_slice %arg12[%add3A_372] : memref<327680xi32, #tpu.memory_space<vmem_shared>> -> memref<320xi32, #tpu.memory_space<vmem_shared>>
    %dma_start3A_376 = arith.constant 960 : i32
    %dma_start3A_377 = tpu.memref_slice %arg14[%dma_start3A_376] : memref<5120xi32, #tpu.memory_space<vmem>> -> memref<320xi32, #tpu.memory_space<vmem>>
    %dma_start3A_378 = tpu.memref_slice %arg12[%add3A_372] : memref<327680xi32, #tpu.memory_space<vmem_shared>> -> memref<320xi32, #tpu.memory_space<vmem_shared>>
    tpu.enqueue_dma source(%dma_start3A_378 : memref<320xi32, #tpu.memory_space<vmem_shared>>) target(%dma_start3A_377 : memref<320xi32, #tpu.memory_space<vmem>>) target_semaphore(%arg30 : memref<!tpu.dma_semaphore, #tpu.memory_space<semaphore_mem>>)
    %add3A_379 = arith.constant 204800 : i32
    %add3A_380 = arith.addi %add3A_379, %mul3A_5 : i32
    %dma_start3A_381 = arith.constant 1280 : i32
    %dma_start3A_382 = tpu.memref_slice %arg14[%dma_start3A_381] : memref<5120xi32, #tpu.memory_space<vmem>> -> memref<320xi32, #tpu.memory_space<vmem>>
    %dma_start3A_383 = tpu.memref_slice %arg12[%add3A_380] : memref<327680xi32, #tpu.memory_space<vmem_shared>> -> memref<320xi32, #tpu.memory_space<vmem_shared>>
    %dma_start3A_384 = arith.constant 1280 : i32
    %dma_start3A_385 = tpu.memref_slice %arg14[%dma_start3A_384] : memref<5120xi32, #tpu.memory_space<vmem>> -> memref<320xi32, #tpu.memory_space<vmem>>
    %dma_start3A_386 = tpu.memref_slice %arg12[%add3A_380] : memref<327680xi32, #tpu.memory_space<vmem_shared>> -> memref<320xi32, #tpu.memory_space<vmem_shared>>
    tpu.enqueue_dma source(%dma_start3A_386 : memref<320xi32, #tpu.memory_space<vmem_shared>>) target(%dma_start3A_385 : memref<320xi32, #tpu.memory_space<vmem>>) target_semaphore(%arg30 : memref<!tpu.dma_semaphore, #tpu.memory_space<semaphore_mem>>)
    %add3A_387 = arith.constant 215040 : i32
    %add3A_388 = arith.addi %add3A_387, %mul3A_5 : i32
    %dma_start3A_389 = arith.constant 1600 : i32
    %dma_start3A_390 = tpu.memref_slice %arg14[%dma_start3A_389] : memref<5120xi32, #tpu.memory_space<vmem>> -> memref<320xi32, #tpu.memory_space<vmem>>
    %dma_start3A_391 = tpu.memref_slice %arg12[%add3A_388] : memref<327680xi32, #tpu.memory_space<vmem_shared>> -> memref<320xi32, #tpu.memory_space<vmem_shared>>
    %dma_start3A_392 = arith.constant 1600 : i32
    %dma_start3A_393 = tpu.memref_slice %arg14[%dma_start3A_392] : memref<5120xi32, #tpu.memory_space<vmem>> -> memref<320xi32, #tpu.memory_space<vmem>>
    %dma_start3A_394 = tpu.memref_slice %arg12[%add3A_388] : memref<327680xi32, #tpu.memory_space<vmem_shared>> -> memref<320xi32, #tpu.memory_space<vmem_shared>>
    tpu.enqueue_dma source(%dma_start3A_394 : memref<320xi32, #tpu.memory_space<vmem_shared>>) target(%dma_start3A_393 : memref<320xi32, #tpu.memory_space<vmem>>) target_semaphore(%arg30 : memref<!tpu.dma_semaphore, #tpu.memory_space<semaphore_mem>>)
    %add3A_395 = arith.constant 225280 : i32
    %add3A_396 = arith.addi %add3A_395, %mul3A_5 : i32
    %dma_start3A_397 = arith.constant 1920 : i32
    %dma_start3A_398 = tpu.memref_slice %arg14[%dma_start3A_397] : memref<5120xi32, #tpu.memory_space<vmem>> -> memref<320xi32, #tpu.memory_space<vmem>>
    %dma_start3A_399 = tpu.memref_slice %arg12[%add3A_396] : memref<327680xi32, #tpu.memory_space<vmem_shared>> -> memref<320xi32, #tpu.memory_space<vmem_shared>>
    %dma_start3A_400 = arith.constant 1920 : i32
    %dma_start3A_401 = tpu.memref_slice %arg14[%dma_start3A_400] : memref<5120xi32, #tpu.memory_space<vmem>> -> memref<320xi32, #tpu.memory_space<vmem>>
    %dma_start3A_402 = tpu.memref_slice %arg12[%add3A_396] : memref<327680xi32, #tpu.memory_space<vmem_shared>> -> memref<320xi32, #tpu.memory_space<vmem_shared>>
    tpu.enqueue_dma source(%dma_start3A_402 : memref<320xi32, #tpu.memory_space<vmem_shared>>) target(%dma_start3A_401 : memref<320xi32, #tpu.memory_space<vmem>>) target_semaphore(%arg30 : memref<!tpu.dma_semaphore, #tpu.memory_space<semaphore_mem>>)
    %add3A_403 = arith.constant 235520 : i32
    %add3A_404 = arith.addi %add3A_403, %mul3A_5 : i32
    %dma_start3A_405 = arith.constant 2240 : i32
    %dma_start3A_406 = tpu.memref_slice %arg14[%dma_start3A_405] : memref<5120xi32, #tpu.memory_space<vmem>> -> memref<320xi32, #tpu.memory_space<vmem>>
    %dma_start3A_407 = tpu.memref_slice %arg12[%add3A_404] : memref<327680xi32, #tpu.memory_space<vmem_shared>> -> memref<320xi32, #tpu.memory_space<vmem_shared>>
    %dma_start3A_408 = arith.constant 2240 : i32
    %dma_start3A_409 = tpu.memref_slice %arg14[%dma_start3A_408] : memref<5120xi32, #tpu.memory_space<vmem>> -> memref<320xi32, #tpu.memory_space<vmem>>
    %dma_start3A_410 = tpu.memref_slice %arg12[%add3A_404] : memref<327680xi32, #tpu.memory_space<vmem_shared>> -> memref<320xi32, #tpu.memory_space<vmem_shared>>
    tpu.enqueue_dma source(%dma_start3A_410 : memref<320xi32, #tpu.memory_space<vmem_shared>>) target(%dma_start3A_409 : memref<320xi32, #tpu.memory_space<vmem>>) target_semaphore(%arg30 : memref<!tpu.dma_semaphore, #tpu.memory_space<semaphore_mem>>)
    %add3A_411 = arith.constant 245760 : i32
    %add3A_412 = arith.addi %add3A_411, %mul3A_5 : i32
    %dma_start3A_413 = arith.constant 2560 : i32
    %dma_start3A_414 = tpu.memref_slice %arg14[%dma_start3A_413] : memref<5120xi32, #tpu.memory_space<vmem>> -> memref<320xi32, #tpu.memory_space<vmem>>
    %dma_start3A_415 = tpu.memref_slice %arg12[%add3A_412] : memref<327680xi32, #tpu.memory_space<vmem_shared>> -> memref<320xi32, #tpu.memory_space<vmem_shared>>
    %dma_start3A_416 = arith.constant 2560 : i32
    %dma_start3A_417 = tpu.memref_slice %arg14[%dma_start3A_416] : memref<5120xi32, #tpu.memory_space<vmem>> -> memref<320xi32, #tpu.memory_space<vmem>>
    %dma_start3A_418 = tpu.memref_slice %arg12[%add3A_412] : memref<327680xi32, #tpu.memory_space<vmem_shared>> -> memref<320xi32, #tpu.memory_space<vmem_shared>>
    tpu.enqueue_dma source(%dma_start3A_418 : memref<320xi32, #tpu.memory_space<vmem_shared>>) target(%dma_start3A_417 : memref<320xi32, #tpu.memory_space<vmem>>) target_semaphore(%arg30 : memref<!tpu.dma_semaphore, #tpu.memory_space<semaphore_mem>>)
    %add3A_419 = arith.constant 256000 : i32
    %add3A_420 = arith.addi %add3A_419, %mul3A_5 : i32
    %dma_start3A_421 = arith.constant 2880 : i32
    %dma_start3A_422 = tpu.memref_slice %arg14[%dma_start3A_421] : memref<5120xi32, #tpu.memory_space<vmem>> -> memref<320xi32, #tpu.memory_space<vmem>>
    %dma_start3A_423 = tpu.memref_slice %arg12[%add3A_420] : memref<327680xi32, #tpu.memory_space<vmem_shared>> -> memref<320xi32, #tpu.memory_space<vmem_shared>>
    %dma_start3A_424 = arith.constant 2880 : i32
    %dma_start3A_425 = tpu.memref_slice %arg14[%dma_start3A_424] : memref<5120xi32, #tpu.memory_space<vmem>> -> memref<320xi32, #tpu.memory_space<vmem>>
    %dma_start3A_426 = tpu.memref_slice %arg12[%add3A_420] : memref<327680xi32, #tpu.memory_space<vmem_shared>> -> memref<320xi32, #tpu.memory_space<vmem_shared>>
    tpu.enqueue_dma source(%dma_start3A_426 : memref<320xi32, #tpu.memory_space<vmem_shared>>) target(%dma_start3A_425 : memref<320xi32, #tpu.memory_space<vmem>>) target_semaphore(%arg30 : memref<!tpu.dma_semaphore, #tpu.memory_space<semaphore_mem>>)
    %add3A_427 = arith.constant 266240 : i32
    %add3A_428 = arith.addi %add3A_427, %mul3A_5 : i32
    %dma_start3A_429 = arith.constant 3200 : i32
    %dma_start3A_430 = tpu.memref_slice %arg14[%dma_start3A_429] : memref<5120xi32, #tpu.memory_space<vmem>> -> memref<320xi32, #tpu.memory_space<vmem>>
    %dma_start3A_431 = tpu.memref_slice %arg12[%add3A_428] : memref<327680xi32, #tpu.memory_space<vmem_shared>> -> memref<320xi32, #tpu.memory_space<vmem_shared>>
    %dma_start3A_432 = arith.constant 3200 : i32
    %dma_start3A_433 = tpu.memref_slice %arg14[%dma_start3A_432] : memref<5120xi32, #tpu.memory_space<vmem>> -> memref<320xi32, #tpu.memory_space<vmem>>
    %dma_start3A_434 = tpu.memref_slice %arg12[%add3A_428] : memref<327680xi32, #tpu.memory_space<vmem_shared>> -> memref<320xi32, #tpu.memory_space<vmem_shared>>
    tpu.enqueue_dma source(%dma_start3A_434 : memref<320xi32, #tpu.memory_space<vmem_shared>>) target(%dma_start3A_433 : memref<320xi32, #tpu.memory_space<vmem>>) target_semaphore(%arg30 : memref<!tpu.dma_semaphore, #tpu.memory_space<semaphore_mem>>)
    %add3A_435 = arith.constant 276480 : i32
    %add3A_436 = arith.addi %add3A_435, %mul3A_5 : i32
    %dma_start3A_437 = arith.constant 3520 : i32
    %dma_start3A_438 = tpu.memref_slice %arg14[%dma_start3A_437] : memref<5120xi32, #tpu.memory_space<vmem>> -> memref<320xi32, #tpu.memory_space<vmem>>
    %dma_start3A_439 = tpu.memref_slice %arg12[%add3A_436] : memref<327680xi32, #tpu.memory_space<vmem_shared>> -> memref<320xi32, #tpu.memory_space<vmem_shared>>
    %dma_start3A_440 = arith.constant 3520 : i32
    %dma_start3A_441 = tpu.memref_slice %arg14[%dma_start3A_440] : memref<5120xi32, #tpu.memory_space<vmem>> -> memref<320xi32, #tpu.memory_space<vmem>>
    %dma_start3A_442 = tpu.memref_slice %arg12[%add3A_436] : memref<327680xi32, #tpu.memory_space<vmem_shared>> -> memref<320xi32, #tpu.memory_space<vmem_shared>>
    tpu.enqueue_dma source(%dma_start3A_442 : memref<320xi32, #tpu.memory_space<vmem_shared>>) target(%dma_start3A_441 : memref<320xi32, #tpu.memory_space<vmem>>) target_semaphore(%arg30 : memref<!tpu.dma_semaphore, #tpu.memory_space<semaphore_mem>>)
    %add3A_443 = arith.constant 286720 : i32
    %add3A_444 = arith.addi %add3A_443, %mul3A_5 : i32
    %dma_start3A_445 = arith.constant 3840 : i32
    %dma_start3A_446 = tpu.memref_slice %arg14[%dma_start3A_445] : memref<5120xi32, #tpu.memory_space<vmem>> -> memref<320xi32, #tpu.memory_space<vmem>>
    %dma_start3A_447 = tpu.memref_slice %arg12[%add3A_444] : memref<327680xi32, #tpu.memory_space<vmem_shared>> -> memref<320xi32, #tpu.memory_space<vmem_shared>>
    %dma_start3A_448 = arith.constant 3840 : i32
    %dma_start3A_449 = tpu.memref_slice %arg14[%dma_start3A_448] : memref<5120xi32, #tpu.memory_space<vmem>> -> memref<320xi32, #tpu.memory_space<vmem>>
    %dma_start3A_450 = tpu.memref_slice %arg12[%add3A_444] : memref<327680xi32, #tpu.memory_space<vmem_shared>> -> memref<320xi32, #tpu.memory_space<vmem_shared>>
    tpu.enqueue_dma source(%dma_start3A_450 : memref<320xi32, #tpu.memory_space<vmem_shared>>) target(%dma_start3A_449 : memref<320xi32, #tpu.memory_space<vmem>>) target_semaphore(%arg30 : memref<!tpu.dma_semaphore, #tpu.memory_space<semaphore_mem>>)
    %add3A_451 = arith.constant 296960 : i32
    %add3A_452 = arith.addi %add3A_451, %mul3A_5 : i32
    %dma_start3A_453 = arith.constant 4160 : i32
    %dma_start3A_454 = tpu.memref_slice %arg14[%dma_start3A_453] : memref<5120xi32, #tpu.memory_space<vmem>> -> memref<320xi32, #tpu.memory_space<vmem>>
    %dma_start3A_455 = tpu.memref_slice %arg12[%add3A_452] : memref<327680xi32, #tpu.memory_space<vmem_shared>> -> memref<320xi32, #tpu.memory_space<vmem_shared>>
    %dma_start3A_456 = arith.constant 4160 : i32
    %dma_start3A_457 = tpu.memref_slice %arg14[%dma_start3A_456] : memref<5120xi32, #tpu.memory_space<vmem>> -> memref<320xi32, #tpu.memory_space<vmem>>
    %dma_start3A_458 = tpu.memref_slice %arg12[%add3A_452] : memref<327680xi32, #tpu.memory_space<vmem_shared>> -> memref<320xi32, #tpu.memory_space<vmem_shared>>
    tpu.enqueue_dma source(%dma_start3A_458 : memref<320xi32, #tpu.memory_space<vmem_shared>>) target(%dma_start3A_457 : memref<320xi32, #tpu.memory_space<vmem>>) target_semaphore(%arg30 : memref<!tpu.dma_semaphore, #tpu.memory_space<semaphore_mem>>)
    %add3A_459 = arith.constant 307200 : i32
    %add3A_460 = arith.addi %add3A_459, %mul3A_5 : i32
    %dma_start3A_461 = arith.constant 4480 : i32
    %dma_start3A_462 = tpu.memref_slice %arg14[%dma_start3A_461] : memref<5120xi32, #tpu.memory_space<vmem>> -> memref<320xi32, #tpu.memory_space<vmem>>
    %dma_start3A_463 = tpu.memref_slice %arg12[%add3A_460] : memref<327680xi32, #tpu.memory_space<vmem_shared>> -> memref<320xi32, #tpu.memory_space<vmem_shared>>
    %dma_start3A_464 = arith.constant 4480 : i32
    %dma_start3A_465 = tpu.memref_slice %arg14[%dma_start3A_464] : memref<5120xi32, #tpu.memory_space<vmem>> -> memref<320xi32, #tpu.memory_space<vmem>>
    %dma_start3A_466 = tpu.memref_slice %arg12[%add3A_460] : memref<327680xi32, #tpu.memory_space<vmem_shared>> -> memref<320xi32, #tpu.memory_space<vmem_shared>>
    tpu.enqueue_dma source(%dma_start3A_466 : memref<320xi32, #tpu.memory_space<vmem_shared>>) target(%dma_start3A_465 : memref<320xi32, #tpu.memory_space<vmem>>) target_semaphore(%arg30 : memref<!tpu.dma_semaphore, #tpu.memory_space<semaphore_mem>>)
    %add3A_467 = arith.constant 317440 : i32
    %add3A_468 = arith.addi %add3A_467, %mul3A_5 : i32
    %dma_start3A_469 = arith.constant 4800 : i32
    %dma_start3A_470 = tpu.memref_slice %arg14[%dma_start3A_469] : memref<5120xi32, #tpu.memory_space<vmem>> -> memref<320xi32, #tpu.memory_space<vmem>>
    %dma_start3A_471 = tpu.memref_slice %arg12[%add3A_468] : memref<327680xi32, #tpu.memory_space<vmem_shared>> -> memref<320xi32, #tpu.memory_space<vmem_shared>>
    %dma_start3A_472 = arith.constant 4800 : i32
    %dma_start3A_473 = tpu.memref_slice %arg14[%dma_start3A_472] : memref<5120xi32, #tpu.memory_space<vmem>> -> memref<320xi32, #tpu.memory_space<vmem>>
    %dma_start3A_474 = tpu.memref_slice %arg12[%add3A_468] : memref<327680xi32, #tpu.memory_space<vmem_shared>> -> memref<320xi32, #tpu.memory_space<vmem_shared>>
    tpu.enqueue_dma source(%dma_start3A_474 : memref<320xi32, #tpu.memory_space<vmem_shared>>) target(%dma_start3A_473 : memref<320xi32, #tpu.memory_space<vmem>>) target_semaphore(%arg30 : memref<!tpu.dma_semaphore, #tpu.memory_space<semaphore_mem>>)
    %dma_wait3A_475 = arith.constant 0 : i32
    %dma_wait3A_476 = tpu.memref_slice %arg14[%dma_wait3A_475] : memref<5120xi32, #tpu.memory_space<vmem>> -> memref<320xi32, #tpu.memory_space<vmem>>
    %dma_wait3A_477 = tpu.memref_slice %arg12[%add3A_348] : memref<327680xi32, #tpu.memory_space<vmem_shared>> -> memref<320xi32, #tpu.memory_space<vmem_shared>>
    %dma_wait3A_478 = arith.constant 0 : i32
    %dma_wait3A_479 = tpu.memref_slice %arg14[%dma_wait3A_478] : memref<5120xi32, #tpu.memory_space<vmem>> -> memref<320xi32, #tpu.memory_space<vmem>>
    %dma_wait3A_480 = tpu.memref_slice %arg12[%add3A_348] : memref<327680xi32, #tpu.memory_space<vmem_shared>> -> memref<320xi32, #tpu.memory_space<vmem_shared>>
    tpu.wait_dma2 semaphore(%arg30 : memref<!tpu.dma_semaphore, #tpu.memory_space<semaphore_mem>>) src(%dma_wait3A_480 : memref<320xi32, #tpu.memory_space<vmem_shared>>) dst(%dma_wait3A_479 : memref<320xi32, #tpu.memory_space<vmem>>)
    %dma_wait3A_481 = arith.constant 320 : i32
    %dma_wait3A_482 = tpu.memref_slice %arg14[%dma_wait3A_481] : memref<5120xi32, #tpu.memory_space<vmem>> -> memref<320xi32, #tpu.memory_space<vmem>>
    %dma_wait3A_483 = tpu.memref_slice %arg12[%add3A_356] : memref<327680xi32, #tpu.memory_space<vmem_shared>> -> memref<320xi32, #tpu.memory_space<vmem_shared>>
    %dma_wait3A_484 = arith.constant 320 : i32
    %dma_wait3A_485 = tpu.memref_slice %arg14[%dma_wait3A_484] : memref<5120xi32, #tpu.memory_space<vmem>> -> memref<320xi32, #tpu.memory_space<vmem>>
    %dma_wait3A_486 = tpu.memref_slice %arg12[%add3A_356] : memref<327680xi32, #tpu.memory_space<vmem_shared>> -> memref<320xi32, #tpu.memory_space<vmem_shared>>
    tpu.wait_dma2 semaphore(%arg30 : memref<!tpu.dma_semaphore, #tpu.memory_space<semaphore_mem>>) src(%dma_wait3A_486 : memref<320xi32, #tpu.memory_space<vmem_shared>>) dst(%dma_wait3A_485 : memref<320xi32, #tpu.memory_space<vmem>>)
    %dma_wait3A_487 = arith.constant 640 : i32
    %dma_wait3A_488 = tpu.memref_slice %arg14[%dma_wait3A_487] : memref<5120xi32, #tpu.memory_space<vmem>> -> memref<320xi32, #tpu.memory_space<vmem>>
    %dma_wait3A_489 = tpu.memref_slice %arg12[%add3A_364] : memref<327680xi32, #tpu.memory_space<vmem_shared>> -> memref<320xi32, #tpu.memory_space<vmem_shared>>
    %dma_wait3A_490 = arith.constant 640 : i32
    %dma_wait3A_491 = tpu.memref_slice %arg14[%dma_wait3A_490] : memref<5120xi32, #tpu.memory_space<vmem>> -> memref<320xi32, #tpu.memory_space<vmem>>
    %dma_wait3A_492 = tpu.memref_slice %arg12[%add3A_364] : memref<327680xi32, #tpu.memory_space<vmem_shared>> -> memref<320xi32, #tpu.memory_space<vmem_shared>>
    tpu.wait_dma2 semaphore(%arg30 : memref<!tpu.dma_semaphore, #tpu.memory_space<semaphore_mem>>) src(%dma_wait3A_492 : memref<320xi32, #tpu.memory_space<vmem_shared>>) dst(%dma_wait3A_491 : memref<320xi32, #tpu.memory_space<vmem>>)
    %dma_wait3A_493 = arith.constant 960 : i32
    %dma_wait3A_494 = tpu.memref_slice %arg14[%dma_wait3A_493] : memref<5120xi32, #tpu.memory_space<vmem>> -> memref<320xi32, #tpu.memory_space<vmem>>
    %dma_wait3A_495 = tpu.memref_slice %arg12[%add3A_372] : memref<327680xi32, #tpu.memory_space<vmem_shared>> -> memref<320xi32, #tpu.memory_space<vmem_shared>>
    %dma_wait3A_496 = arith.constant 960 : i32
    %dma_wait3A_497 = tpu.memref_slice %arg14[%dma_wait3A_496] : memref<5120xi32, #tpu.memory_space<vmem>> -> memref<320xi32, #tpu.memory_space<vmem>>
    %dma_wait3A_498 = tpu.memref_slice %arg12[%add3A_372] : memref<327680xi32, #tpu.memory_space<vmem_shared>> -> memref<320xi32, #tpu.memory_space<vmem_shared>>
    tpu.wait_dma2 semaphore(%arg30 : memref<!tpu.dma_semaphore, #tpu.memory_space<semaphore_mem>>) src(%dma_wait3A_498 : memref<320xi32, #tpu.memory_space<vmem_shared>>) dst(%dma_wait3A_497 : memref<320xi32, #tpu.memory_space<vmem>>)
    %dma_wait3A_499 = arith.constant 1280 : i32
    %dma_wait3A_500 = tpu.memref_slice %arg14[%dma_wait3A_499] : memref<5120xi32, #tpu.memory_space<vmem>> -> memref<320xi32, #tpu.memory_space<vmem>>
    %dma_wait3A_501 = tpu.memref_slice %arg12[%add3A_380] : memref<327680xi32, #tpu.memory_space<vmem_shared>> -> memref<320xi32, #tpu.memory_space<vmem_shared>>
    %dma_wait3A_502 = arith.constant 1280 : i32
    %dma_wait3A_503 = tpu.memref_slice %arg14[%dma_wait3A_502] : memref<5120xi32, #tpu.memory_space<vmem>> -> memref<320xi32, #tpu.memory_space<vmem>>
    %dma_wait3A_504 = tpu.memref_slice %arg12[%add3A_380] : memref<327680xi32, #tpu.memory_space<vmem_shared>> -> memref<320xi32, #tpu.memory_space<vmem_shared>>
    tpu.wait_dma2 semaphore(%arg30 : memref<!tpu.dma_semaphore, #tpu.memory_space<semaphore_mem>>) src(%dma_wait3A_504 : memref<320xi32, #tpu.memory_space<vmem_shared>>) dst(%dma_wait3A_503 : memref<320xi32, #tpu.memory_space<vmem>>)
    %dma_wait3A_505 = arith.constant 1600 : i32
    %dma_wait3A_506 = tpu.memref_slice %arg14[%dma_wait3A_505] : memref<5120xi32, #tpu.memory_space<vmem>> -> memref<320xi32, #tpu.memory_space<vmem>>
    %dma_wait3A_507 = tpu.memref_slice %arg12[%add3A_388] : memref<327680xi32, #tpu.memory_space<vmem_shared>> -> memref<320xi32, #tpu.memory_space<vmem_shared>>
    %dma_wait3A_508 = arith.constant 1600 : i32
    %dma_wait3A_509 = tpu.memref_slice %arg14[%dma_wait3A_508] : memref<5120xi32, #tpu.memory_space<vmem>> -> memref<320xi32, #tpu.memory_space<vmem>>
    %dma_wait3A_510 = tpu.memref_slice %arg12[%add3A_388] : memref<327680xi32, #tpu.memory_space<vmem_shared>> -> memref<320xi32, #tpu.memory_space<vmem_shared>>
    tpu.wait_dma2 semaphore(%arg30 : memref<!tpu.dma_semaphore, #tpu.memory_space<semaphore_mem>>) src(%dma_wait3A_510 : memref<320xi32, #tpu.memory_space<vmem_shared>>) dst(%dma_wait3A_509 : memref<320xi32, #tpu.memory_space<vmem>>)
    %dma_wait3A_511 = arith.constant 1920 : i32
    %dma_wait3A_512 = tpu.memref_slice %arg14[%dma_wait3A_511] : memref<5120xi32, #tpu.memory_space<vmem>> -> memref<320xi32, #tpu.memory_space<vmem>>
    %dma_wait3A_513 = tpu.memref_slice %arg12[%add3A_396] : memref<327680xi32, #tpu.memory_space<vmem_shared>> -> memref<320xi32, #tpu.memory_space<vmem_shared>>
    %dma_wait3A_514 = arith.constant 1920 : i32
    %dma_wait3A_515 = tpu.memref_slice %arg14[%dma_wait3A_514] : memref<5120xi32, #tpu.memory_space<vmem>> -> memref<320xi32, #tpu.memory_space<vmem>>
    %dma_wait3A_516 = tpu.memref_slice %arg12[%add3A_396] : memref<327680xi32, #tpu.memory_space<vmem_shared>> -> memref<320xi32, #tpu.memory_space<vmem_shared>>
    tpu.wait_dma2 semaphore(%arg30 : memref<!tpu.dma_semaphore, #tpu.memory_space<semaphore_mem>>) src(%dma_wait3A_516 : memref<320xi32, #tpu.memory_space<vmem_shared>>) dst(%dma_wait3A_515 : memref<320xi32, #tpu.memory_space<vmem>>)
    %dma_wait3A_517 = arith.constant 2240 : i32
    %dma_wait3A_518 = tpu.memref_slice %arg14[%dma_wait3A_517] : memref<5120xi32, #tpu.memory_space<vmem>> -> memref<320xi32, #tpu.memory_space<vmem>>
    %dma_wait3A_519 = tpu.memref_slice %arg12[%add3A_404] : memref<327680xi32, #tpu.memory_space<vmem_shared>> -> memref<320xi32, #tpu.memory_space<vmem_shared>>
    %dma_wait3A_520 = arith.constant 2240 : i32
    %dma_wait3A_521 = tpu.memref_slice %arg14[%dma_wait3A_520] : memref<5120xi32, #tpu.memory_space<vmem>> -> memref<320xi32, #tpu.memory_space<vmem>>
    %dma_wait3A_522 = tpu.memref_slice %arg12[%add3A_404] : memref<327680xi32, #tpu.memory_space<vmem_shared>> -> memref<320xi32, #tpu.memory_space<vmem_shared>>
    tpu.wait_dma2 semaphore(%arg30 : memref<!tpu.dma_semaphore, #tpu.memory_space<semaphore_mem>>) src(%dma_wait3A_522 : memref<320xi32, #tpu.memory_space<vmem_shared>>) dst(%dma_wait3A_521 : memref<320xi32, #tpu.memory_space<vmem>>)
    %dma_wait3A_523 = arith.constant 2560 : i32
    %dma_wait3A_524 = tpu.memref_slice %arg14[%dma_wait3A_523] : memref<5120xi32, #tpu.memory_space<vmem>> -> memref<320xi32, #tpu.memory_space<vmem>>
    %dma_wait3A_525 = tpu.memref_slice %arg12[%add3A_412] : memref<327680xi32, #tpu.memory_space<vmem_shared>> -> memref<320xi32, #tpu.memory_space<vmem_shared>>
    %dma_wait3A_526 = arith.constant 2560 : i32
    %dma_wait3A_527 = tpu.memref_slice %arg14[%dma_wait3A_526] : memref<5120xi32, #tpu.memory_space<vmem>> -> memref<320xi32, #tpu.memory_space<vmem>>
    %dma_wait3A_528 = tpu.memref_slice %arg12[%add3A_412] : memref<327680xi32, #tpu.memory_space<vmem_shared>> -> memref<320xi32, #tpu.memory_space<vmem_shared>>
    tpu.wait_dma2 semaphore(%arg30 : memref<!tpu.dma_semaphore, #tpu.memory_space<semaphore_mem>>) src(%dma_wait3A_528 : memref<320xi32, #tpu.memory_space<vmem_shared>>) dst(%dma_wait3A_527 : memref<320xi32, #tpu.memory_space<vmem>>)
    %dma_wait3A_529 = arith.constant 2880 : i32
    %dma_wait3A_530 = tpu.memref_slice %arg14[%dma_wait3A_529] : memref<5120xi32, #tpu.memory_space<vmem>> -> memref<320xi32, #tpu.memory_space<vmem>>
    %dma_wait3A_531 = tpu.memref_slice %arg12[%add3A_420] : memref<327680xi32, #tpu.memory_space<vmem_shared>> -> memref<320xi32, #tpu.memory_space<vmem_shared>>
    %dma_wait3A_532 = arith.constant 2880 : i32
    %dma_wait3A_533 = tpu.memref_slice %arg14[%dma_wait3A_532] : memref<5120xi32, #tpu.memory_space<vmem>> -> memref<320xi32, #tpu.memory_space<vmem>>
    %dma_wait3A_534 = tpu.memref_slice %arg12[%add3A_420] : memref<327680xi32, #tpu.memory_space<vmem_shared>> -> memref<320xi32, #tpu.memory_space<vmem_shared>>
    tpu.wait_dma2 semaphore(%arg30 : memref<!tpu.dma_semaphore, #tpu.memory_space<semaphore_mem>>) src(%dma_wait3A_534 : memref<320xi32, #tpu.memory_space<vmem_shared>>) dst(%dma_wait3A_533 : memref<320xi32, #tpu.memory_space<vmem>>)
    %dma_wait3A_535 = arith.constant 3200 : i32
    %dma_wait3A_536 = tpu.memref_slice %arg14[%dma_wait3A_535] : memref<5120xi32, #tpu.memory_space<vmem>> -> memref<320xi32, #tpu.memory_space<vmem>>
    %dma_wait3A_537 = tpu.memref_slice %arg12[%add3A_428] : memref<327680xi32, #tpu.memory_space<vmem_shared>> -> memref<320xi32, #tpu.memory_space<vmem_shared>>
    %dma_wait3A_538 = arith.constant 3200 : i32
    %dma_wait3A_539 = tpu.memref_slice %arg14[%dma_wait3A_538] : memref<5120xi32, #tpu.memory_space<vmem>> -> memref<320xi32, #tpu.memory_space<vmem>>
    %dma_wait3A_540 = tpu.memref_slice %arg12[%add3A_428] : memref<327680xi32, #tpu.memory_space<vmem_shared>> -> memref<320xi32, #tpu.memory_space<vmem_shared>>
    tpu.wait_dma2 semaphore(%arg30 : memref<!tpu.dma_semaphore, #tpu.memory_space<semaphore_mem>>) src(%dma_wait3A_540 : memref<320xi32, #tpu.memory_space<vmem_shared>>) dst(%dma_wait3A_539 : memref<320xi32, #tpu.memory_space<vmem>>)
    %dma_wait3A_541 = arith.constant 3520 : i32
    %dma_wait3A_542 = tpu.memref_slice %arg14[%dma_wait3A_541] : memref<5120xi32, #tpu.memory_space<vmem>> -> memref<320xi32, #tpu.memory_space<vmem>>
    %dma_wait3A_543 = tpu.memref_slice %arg12[%add3A_436] : memref<327680xi32, #tpu.memory_space<vmem_shared>> -> memref<320xi32, #tpu.memory_space<vmem_shared>>
    %dma_wait3A_544 = arith.constant 3520 : i32
    %dma_wait3A_545 = tpu.memref_slice %arg14[%dma_wait3A_544] : memref<5120xi32, #tpu.memory_space<vmem>> -> memref<320xi32, #tpu.memory_space<vmem>>
    %dma_wait3A_546 = tpu.memref_slice %arg12[%add3A_436] : memref<327680xi32, #tpu.memory_space<vmem_shared>> -> memref<320xi32, #tpu.memory_space<vmem_shared>>
    tpu.wait_dma2 semaphore(%arg30 : memref<!tpu.dma_semaphore, #tpu.memory_space<semaphore_mem>>) src(%dma_wait3A_546 : memref<320xi32, #tpu.memory_space<vmem_shared>>) dst(%dma_wait3A_545 : memref<320xi32, #tpu.memory_space<vmem>>)
    %dma_wait3A_547 = arith.constant 3840 : i32
    %dma_wait3A_548 = tpu.memref_slice %arg14[%dma_wait3A_547] : memref<5120xi32, #tpu.memory_space<vmem>> -> memref<320xi32, #tpu.memory_space<vmem>>
    %dma_wait3A_549 = tpu.memref_slice %arg12[%add3A_444] : memref<327680xi32, #tpu.memory_space<vmem_shared>> -> memref<320xi32, #tpu.memory_space<vmem_shared>>
    %dma_wait3A_550 = arith.constant 3840 : i32
    %dma_wait3A_551 = tpu.memref_slice %arg14[%dma_wait3A_550] : memref<5120xi32, #tpu.memory_space<vmem>> -> memref<320xi32, #tpu.memory_space<vmem>>
    %dma_wait3A_552 = tpu.memref_slice %arg12[%add3A_444] : memref<327680xi32, #tpu.memory_space<vmem_shared>> -> memref<320xi32, #tpu.memory_space<vmem_shared>>
    tpu.wait_dma2 semaphore(%arg30 : memref<!tpu.dma_semaphore, #tpu.memory_space<semaphore_mem>>) src(%dma_wait3A_552 : memref<320xi32, #tpu.memory_space<vmem_shared>>) dst(%dma_wait3A_551 : memref<320xi32, #tpu.memory_space<vmem>>)
    %dma_wait3A_553 = arith.constant 4160 : i32
    %dma_wait3A_554 = tpu.memref_slice %arg14[%dma_wait3A_553] : memref<5120xi32, #tpu.memory_space<vmem>> -> memref<320xi32, #tpu.memory_space<vmem>>
    %dma_wait3A_555 = tpu.memref_slice %arg12[%add3A_452] : memref<327680xi32, #tpu.memory_space<vmem_shared>> -> memref<320xi32, #tpu.memory_space<vmem_shared>>
    %dma_wait3A_556 = arith.constant 4160 : i32
    %dma_wait3A_557 = tpu.memref_slice %arg14[%dma_wait3A_556] : memref<5120xi32, #tpu.memory_space<vmem>> -> memref<320xi32, #tpu.memory_space<vmem>>
    %dma_wait3A_558 = tpu.memref_slice %arg12[%add3A_452] : memref<327680xi32, #tpu.memory_space<vmem_shared>> -> memref<320xi32, #tpu.memory_space<vmem_shared>>
    tpu.wait_dma2 semaphore(%arg30 : memref<!tpu.dma_semaphore, #tpu.memory_space<semaphore_mem>>) src(%dma_wait3A_558 : memref<320xi32, #tpu.memory_space<vmem_shared>>) dst(%dma_wait3A_557 : memref<320xi32, #tpu.memory_space<vmem>>)
    %dma_wait3A_559 = arith.constant 4480 : i32
    %dma_wait3A_560 = tpu.memref_slice %arg14[%dma_wait3A_559] : memref<5120xi32, #tpu.memory_space<vmem>> -> memref<320xi32, #tpu.memory_space<vmem>>
    %dma_wait3A_561 = tpu.memref_slice %arg12[%add3A_460] : memref<327680xi32, #tpu.memory_space<vmem_shared>> -> memref<320xi32, #tpu.memory_space<vmem_shared>>
    %dma_wait3A_562 = arith.constant 4480 : i32
    %dma_wait3A_563 = tpu.memref_slice %arg14[%dma_wait3A_562] : memref<5120xi32, #tpu.memory_space<vmem>> -> memref<320xi32, #tpu.memory_space<vmem>>
    %dma_wait3A_564 = tpu.memref_slice %arg12[%add3A_460] : memref<327680xi32, #tpu.memory_space<vmem_shared>> -> memref<320xi32, #tpu.memory_space<vmem_shared>>
    tpu.wait_dma2 semaphore(%arg30 : memref<!tpu.dma_semaphore, #tpu.memory_space<semaphore_mem>>) src(%dma_wait3A_564 : memref<320xi32, #tpu.memory_space<vmem_shared>>) dst(%dma_wait3A_563 : memref<320xi32, #tpu.memory_space<vmem>>)
    %dma_wait3A_565 = arith.constant 4800 : i32
    %dma_wait3A_566 = tpu.memref_slice %arg14[%dma_wait3A_565] : memref<5120xi32, #tpu.memory_space<vmem>> -> memref<320xi32, #tpu.memory_space<vmem>>
    %dma_wait3A_567 = tpu.memref_slice %arg12[%add3A_468] : memref<327680xi32, #tpu.memory_space<vmem_shared>> -> memref<320xi32, #tpu.memory_space<vmem_shared>>
    %dma_wait3A_568 = arith.constant 4800 : i32
    %dma_wait3A_569 = tpu.memref_slice %arg14[%dma_wait3A_568] : memref<5120xi32, #tpu.memory_space<vmem>> -> memref<320xi32, #tpu.memory_space<vmem>>
    %dma_wait3A_570 = tpu.memref_slice %arg12[%add3A_468] : memref<327680xi32, #tpu.memory_space<vmem_shared>> -> memref<320xi32, #tpu.memory_space<vmem_shared>>
    tpu.wait_dma2 semaphore(%arg30 : memref<!tpu.dma_semaphore, #tpu.memory_space<semaphore_mem>>) src(%dma_wait3A_570 : memref<320xi32, #tpu.memory_space<vmem_shared>>) dst(%dma_wait3A_569 : memref<320xi32, #tpu.memory_space<vmem>>)
    "tpu.trace_stop"() : () -> ()
    "tpu.trace_start"() <{level = 10 : i32, message = "c_sum2"}> : () -> ()
    %scan3A_571 = arith.constant 0 : i32
    %scan3A_572 = arith.constant 20 : i32
    %scan3A_573 = arith.addi %scan3A_571, %scan3A_572 : i32
    %scan3A_574 = arith.constant 1 : i32
    scf.for %scan3A_758 = %scan3A_571 to %scan3A_573 step %scan3A_574  : i32 {
      %mul3A_759 = arith.constant 16 : i32
      %mul3A_760 = arith.muli %scan3A_758, %mul3A_759 : i32
      %get3A = arith.index_cast %mul3A_760 : i32 to index
      %get3A_761 = tpu.vector_load %arg14[%get3A] {strides = array<i32>} : memref<5120xi32, #tpu.memory_space<vmem>>, vector<16xi32>,
      %mul3A_762 = arith.constant 16 : i32
      %mul3A_763 = arith.muli %scan3A_758, %mul3A_762 : i32
      %add3A_764 = arith.constant 320 : i32
      %add3A_765 = arith.addi %add3A_764, %mul3A_763 : i32
      %get3A_766 = arith.index_cast %add3A_765 : i32 to index
      %get3A_767 = tpu.vector_load %arg14[%get3A_766] {strides = array<i32>} : memref<5120xi32, #tpu.memory_space<vmem>>, vector<16xi32>,
      %add3A_768 = arith.addi %get3A_761, %get3A_767 : vector<16xi32>
      %mul3A_769 = arith.constant 16 : i32
      %mul3A_770 = arith.muli %scan3A_758, %mul3A_769 : i32
      %add3A_771 = arith.constant 640 : i32
      %add3A_772 = arith.addi %add3A_771, %mul3A_770 : i32
      %get3A_773 = arith.index_cast %add3A_772 : i32 to index
      %get3A_774 = tpu.vector_load %arg14[%get3A_773] {strides = array<i32>} : memref<5120xi32, #tpu.memory_space<vmem>>, vector<16xi32>,
      %add3A_775 = arith.addi %add3A_768, %get3A_774 : vector<16xi32>
      %mul3A_776 = arith.constant 16 : i32
      %mul3A_777 = arith.muli %scan3A_758, %mul3A_776 : i32
      %add3A_778 = arith.constant 960 : i32
      %add3A_779 = arith.addi %add3A_778, %mul3A_777 : i32
      %get3A_780 = arith.index_cast %add3A_779 : i32 to index
      %get3A_781 = tpu.vector_load %arg14[%get3A_780] {strides = array<i32>} : memref<5120xi32, #tpu.memory_space<vmem>>, vector<16xi32>,
      %add3A_782 = arith.addi %add3A_775, %get3A_781 : vector<16xi32>
      %mul3A_783 = arith.constant 16 : i32
      %mul3A_784 = arith.muli %scan3A_758, %mul3A_783 : i32
      %add3A_785 = arith.constant 1280 : i32
      %add3A_786 = arith.addi %add3A_785, %mul3A_784 : i32
      %get3A_787 = arith.index_cast %add3A_786 : i32 to index
      %get3A_788 = tpu.vector_load %arg14[%get3A_787] {strides = array<i32>} : memref<5120xi32, #tpu.memory_space<vmem>>, vector<16xi32>,
      %add3A_789 = arith.addi %add3A_782, %get3A_788 : vector<16xi32>
      %mul3A_790 = arith.constant 16 : i32
      %mul3A_791 = arith.muli %scan3A_758, %mul3A_790 : i32
      %add3A_792 = arith.constant 1600 : i32
      %add3A_793 = arith.addi %add3A_792, %mul3A_791 : i32
      %get3A_794 = arith.index_cast %add3A_793 : i32 to index
      %get3A_795 = tpu.vector_load %arg14[%get3A_794] {strides = array<i32>} : memref<5120xi32, #tpu.memory_space<vmem>>, vector<16xi32>,
      %add3A_796 = arith.addi %add3A_789, %get3A_795 : vector<16xi32>
      %mul3A_797 = arith.constant 16 : i32
      %mul3A_798 = arith.muli %scan3A_758, %mul3A_797 : i32
      %add3A_799 = arith.constant 1920 : i32
      %add3A_800 = arith.addi %add3A_799, %mul3A_798 : i32
      %get3A_801 = arith.index_cast %add3A_800 : i32 to index
      %get3A_802 = tpu.vector_load %arg14[%get3A_801] {strides = array<i32>} : memref<5120xi32, #tpu.memory_space<vmem>>, vector<16xi32>,
      %add3A_803 = arith.addi %add3A_796, %get3A_802 : vector<16xi32>
      %mul3A_804 = arith.constant 16 : i32
      %mul3A_805 = arith.muli %scan3A_758, %mul3A_804 : i32
      %add3A_806 = arith.constant 2240 : i32
      %add3A_807 = arith.addi %add3A_806, %mul3A_805 : i32
      %get3A_808 = arith.index_cast %add3A_807 : i32 to index
      %get3A_809 = tpu.vector_load %arg14[%get3A_808] {strides = array<i32>} : memref<5120xi32, #tpu.memory_space<vmem>>, vector<16xi32>,
      %add3A_810 = arith.addi %add3A_803, %get3A_809 : vector<16xi32>
      %mul3A_811 = arith.constant 16 : i32
      %mul3A_812 = arith.muli %scan3A_758, %mul3A_811 : i32
      %add3A_813 = arith.constant 2560 : i32
      %add3A_814 = arith.addi %add3A_813, %mul3A_812 : i32
      %get3A_815 = arith.index_cast %add3A_814 : i32 to index
      %get3A_816 = tpu.vector_load %arg14[%get3A_815] {strides = array<i32>} : memref<5120xi32, #tpu.memory_space<vmem>>, vector<16xi32>,
      %add3A_817 = arith.addi %add3A_810, %get3A_816 : vector<16xi32>
      %mul3A_818 = arith.constant 16 : i32
      %mul3A_819 = arith.muli %scan3A_758, %mul3A_818 : i32
      %add3A_820 = arith.constant 2880 : i32
      %add3A_821 = arith.addi %add3A_820, %mul3A_819 : i32
      %get3A_822 = arith.index_cast %add3A_821 : i32 to index
      %get3A_823 = tpu.vector_load %arg14[%get3A_822] {strides = array<i32>} : memref<5120xi32, #tpu.memory_space<vmem>>, vector<16xi32>,
      %add3A_824 = arith.addi %add3A_817, %get3A_823 : vector<16xi32>
      %mul3A_825 = arith.constant 16 : i32
      %mul3A_826 = arith.muli %scan3A_758, %mul3A_825 : i32
      %add3A_827 = arith.constant 3200 : i32
      %add3A_828 = arith.addi %add3A_827, %mul3A_826 : i32
      %get3A_829 = arith.index_cast %add3A_828 : i32 to index
      %get3A_830 = tpu.vector_load %arg14[%get3A_829] {strides = array<i32>} : memref<5120xi32, #tpu.memory_space<vmem>>, vector<16xi32>,
      %add3A_831 = arith.addi %add3A_824, %get3A_830 : vector<16xi32>
      %mul3A_832 = arith.constant 16 : i32
      %mul3A_833 = arith.muli %scan3A_758, %mul3A_832 : i32
      %add3A_834 = arith.constant 3520 : i32
      %add3A_835 = arith.addi %add3A_834, %mul3A_833 : i32
      %get3A_836 = arith.index_cast %add3A_835 : i32 to index
      %get3A_837 = tpu.vector_load %arg14[%get3A_836] {strides = array<i32>} : memref<5120xi32, #tpu.memory_space<vmem>>, vector<16xi32>,
      %add3A_838 = arith.addi %add3A_831, %get3A_837 : vector<16xi32>
      %mul3A_839 = arith.constant 16 : i32
      %mul3A_840 = arith.muli %scan3A_758, %mul3A_839 : i32
      %add3A_841 = arith.constant 3840 : i32
      %add3A_842 = arith.addi %add3A_841, %mul3A_840 : i32
      %get3A_843 = arith.index_cast %add3A_842 : i32 to index
      %get3A_844 = tpu.vector_load %arg14[%get3A_843] {strides = array<i32>} : memref<5120xi32, #tpu.memory_space<vmem>>, vector<16xi32>,
      %add3A_845 = arith.addi %add3A_838, %get3A_844 : vector<16xi32>
      %mul3A_846 = arith.constant 16 : i32
      %mul3A_847 = arith.muli %scan3A_758, %mul3A_846 : i32
      %add3A_848 = arith.constant 4160 : i32
      %add3A_849 = arith.addi %add3A_848, %mul3A_847 : i32
      %get3A_850 = arith.index_cast %add3A_849 : i32 to index
      %get3A_851 = tpu.vector_load %arg14[%get3A_850] {strides = array<i32>} : memref<5120xi32, #tpu.memory_space<vmem>>, vector<16xi32>,
      %add3A_852 = arith.addi %add3A_845, %get3A_851 : vector<16xi32>
      %mul3A_853 = arith.constant 16 : i32
      %mul3A_854 = arith.muli %scan3A_758, %mul3A_853 : i32
      %add3A_855 = arith.constant 4480 : i32
      %add3A_856 = arith.addi %add3A_855, %mul3A_854 : i32
      %get3A_857 = arith.index_cast %add3A_856 : i32 to index
      %get3A_858 = tpu.vector_load %arg14[%get3A_857] {strides = array<i32>} : memref<5120xi32, #tpu.memory_space<vmem>>, vector<16xi32>,
      %add3A_859 = arith.addi %add3A_852, %get3A_858 : vector<16xi32>
      %mul3A_860 = arith.constant 16 : i32
      %mul3A_861 = arith.muli %scan3A_758, %mul3A_860 : i32
      %add3A_862 = arith.constant 4800 : i32
      %add3A_863 = arith.addi %add3A_862, %mul3A_861 : i32
      %get3A_864 = arith.index_cast %add3A_863 : i32 to index
      %get3A_865 = tpu.vector_load %arg14[%get3A_864] {strides = array<i32>} : memref<5120xi32, #tpu.memory_space<vmem>>, vector<16xi32>,
      %add3A_866 = arith.addi %add3A_859, %get3A_865 : vector<16xi32>
      %min3A_867 = arith.minsi %add3A_866, %broadcast_in_dim3A_117 : vector<16xi32>
      %add3A_868 = arith.constant 256 : i32
      %add3A_869 = vector.broadcast %add3A_868 : i32 to vector<16xi32>
      %add3A_870 = arith.addi %min3A_867, %add3A_869 : vector<16xi32>
      %mul3A_871 = arith.constant 16 : i32
      %mul3A_872 = arith.muli %scan3A_758, %mul3A_871 : i32
      %swap3A = arith.index_cast %mul3A_872 : i32 to index
      %swap3A_873 = tpu.vector_load %arg16[%swap3A] {strides = array<i32>} : memref<320xi32, #tpu.memory_space<vmem>>, vector<16xi32>,
      tpu.vector_store %arg16[%swap3A], %add3A_870 {strides = array<i32>} : memref<320xi32, #tpu.memory_space<vmem>>, vector<16xi32>,
    }
    %scan3A_575 = arith.constant 20 : i32
    "tpu.trace_stop"() : () -> ()
    "tpu.trace_start"() <{level = 10 : i32, message = "p2_zissue"}> : () -> ()
    %add3A_576 = arith.constant 0 : i32
    %add3A_577 = arith.addi %mul3A_5, %add3A_576 : i32
    %lt3A_578 = arith.constant 10000 : i32
    %lt3A_579 = arith.cmpi slt, %add3A_577, %lt3A_578 : i32
    %convert_element_type3A_580 = arith.extui %lt3A_579 : i1 to i32
    %cond3A_581 = arith.constant 0 : i32
    %cond3A_582 = arith.cmpi ne, %convert_element_type3A_580, %cond3A_581 : i32
    scf.if %cond3A_582 {
      %dma_start3A_758 = arith.constant 0 : i32
      %dma_start3A_759 = tpu.memref_slice %arg15[%dma_start3A_758] : memref<320xi32, #tpu.memory_space<vmem>> -> memref<40xi32, #tpu.memory_space<vmem>>
      %dma_start3A_760 = arith.constant 0 : i32
      %dma_start3A_761 = arith.constant 0 : i32
      %dma_start3A_762 = tpu.memref_slice %arg13[%dma_start3A_760, %dma_start3A_761] : memref<512x128xf32, #tpu.memory_space<vmem_shared>> -> memref<512x128xf32, #tpu.memory_space<vmem_shared>>
      tpu.enqueue_indirect_dma source(%dma_start3A_762 : memref<512x128xf32, #tpu.memory_space<vmem_shared>>) target(%arg21 : memref<40x128xf32, #tpu.memory_space<vmem>>) offsets(%dma_start3A_759 : memref<40xi32, #tpu.memory_space<vmem>>) semaphore(%arg36 : memref<!tpu.dma_semaphore, #tpu.memory_space<semaphore_mem>>)
      %dma_start3A_763 = arith.constant 0 : i32
      %dma_start3A_764 = tpu.memref_slice %arg16[%dma_start3A_763] : memref<320xi32, #tpu.memory_space<vmem>> -> memref<40xi32, #tpu.memory_space<vmem>>
      %dma_start3A_765 = arith.constant 0 : i32
      %dma_start3A_766 = arith.constant 0 : i32
      %dma_start3A_767 = tpu.memref_slice %arg13[%dma_start3A_765, %dma_start3A_766] : memref<512x128xf32, #tpu.memory_space<vmem_shared>> -> memref<512x128xf32, #tpu.memory_space<vmem_shared>>
      tpu.enqueue_indirect_dma source(%dma_start3A_767 : memref<512x128xf32, #tpu.memory_space<vmem_shared>>) target(%arg24 : memref<40x128xf32, #tpu.memory_space<vmem>>) offsets(%dma_start3A_764 : memref<40xi32, #tpu.memory_space<vmem>>) semaphore(%arg39 : memref<!tpu.dma_semaphore, #tpu.memory_space<semaphore_mem>>)
    } else {
    }
    %add3A_583 = arith.constant 40 : i32
    %add3A_584 = arith.addi %mul3A_5, %add3A_583 : i32
    %lt3A_585 = arith.constant 10000 : i32
    %lt3A_586 = arith.cmpi slt, %add3A_584, %lt3A_585 : i32
    %convert_element_type3A_587 = arith.extui %lt3A_586 : i1 to i32
    %cond3A_588 = arith.constant 0 : i32
    %cond3A_589 = arith.cmpi ne, %convert_element_type3A_587, %cond3A_588 : i32
    scf.if %cond3A_589 {
      %dma_start3A_758 = arith.constant 40 : i32
      %dma_start3A_759 = tpu.memref_slice %arg15[%dma_start3A_758] : memref<320xi32, #tpu.memory_space<vmem>> -> memref<40xi32, #tpu.memory_space<vmem>>
      %dma_start3A_760 = arith.constant 0 : i32
      %dma_start3A_761 = arith.constant 0 : i32
      %dma_start3A_762 = tpu.memref_slice %arg13[%dma_start3A_760, %dma_start3A_761] : memref<512x128xf32, #tpu.memory_space<vmem_shared>> -> memref<512x128xf32, #tpu.memory_space<vmem_shared>>
      tpu.enqueue_indirect_dma source(%dma_start3A_762 : memref<512x128xf32, #tpu.memory_space<vmem_shared>>) target(%arg22 : memref<40x128xf32, #tpu.memory_space<vmem>>) offsets(%dma_start3A_759 : memref<40xi32, #tpu.memory_space<vmem>>) semaphore(%arg37 : memref<!tpu.dma_semaphore, #tpu.memory_space<semaphore_mem>>)
      %dma_start3A_763 = arith.constant 40 : i32
      %dma_start3A_764 = tpu.memref_slice %arg16[%dma_start3A_763] : memref<320xi32, #tpu.memory_space<vmem>> -> memref<40xi32, #tpu.memory_space<vmem>>
      %dma_start3A_765 = arith.constant 0 : i32
      %dma_start3A_766 = arith.constant 0 : i32
      %dma_start3A_767 = tpu.memref_slice %arg13[%dma_start3A_765, %dma_start3A_766] : memref<512x128xf32, #tpu.memory_space<vmem_shared>> -> memref<512x128xf32, #tpu.memory_space<vmem_shared>>
      tpu.enqueue_indirect_dma source(%dma_start3A_767 : memref<512x128xf32, #tpu.memory_space<vmem_shared>>) target(%arg25 : memref<40x128xf32, #tpu.memory_space<vmem>>) offsets(%dma_start3A_764 : memref<40xi32, #tpu.memory_space<vmem>>) semaphore(%arg40 : memref<!tpu.dma_semaphore, #tpu.memory_space<semaphore_mem>>)
    } else {
    }
    "tpu.trace_stop"() : () -> ()
    "tpu.trace_start"() <{level = 10 : i32, message = "p2"}> : () -> ()
    %add3A_590 = arith.constant 80 : i32
    %add3A_591 = arith.addi %mul3A_5, %add3A_590 : i32
    %lt3A_592 = arith.constant 10000 : i32
    %lt3A_593 = arith.cmpi slt, %add3A_591, %lt3A_592 : i32
    %convert_element_type3A_594 = arith.extui %lt3A_593 : i1 to i32
    %cond3A_595 = arith.constant 0 : i32
    %cond3A_596 = arith.cmpi ne, %convert_element_type3A_594, %cond3A_595 : i32
    scf.if %cond3A_596 {
      %dma_start3A_758 = arith.constant 80 : i32
      %dma_start3A_759 = tpu.memref_slice %arg15[%dma_start3A_758] : memref<320xi32, #tpu.memory_space<vmem>> -> memref<40xi32, #tpu.memory_space<vmem>>
      %dma_start3A_760 = arith.constant 0 : i32
      %dma_start3A_761 = arith.constant 0 : i32
      %dma_start3A_762 = tpu.memref_slice %arg13[%dma_start3A_760, %dma_start3A_761] : memref<512x128xf32, #tpu.memory_space<vmem_shared>> -> memref<512x128xf32, #tpu.memory_space<vmem_shared>>
      tpu.enqueue_indirect_dma source(%dma_start3A_762 : memref<512x128xf32, #tpu.memory_space<vmem_shared>>) target(%arg23 : memref<40x128xf32, #tpu.memory_space<vmem>>) offsets(%dma_start3A_759 : memref<40xi32, #tpu.memory_space<vmem>>) semaphore(%arg38 : memref<!tpu.dma_semaphore, #tpu.memory_space<semaphore_mem>>)
      %dma_start3A_763 = arith.constant 80 : i32
      %dma_start3A_764 = tpu.memref_slice %arg16[%dma_start3A_763] : memref<320xi32, #tpu.memory_space<vmem>> -> memref<40xi32, #tpu.memory_space<vmem>>
      %dma_start3A_765 = arith.constant 0 : i32
      %dma_start3A_766 = arith.constant 0 : i32
      %dma_start3A_767 = tpu.memref_slice %arg13[%dma_start3A_765, %dma_start3A_766] : memref<512x128xf32, #tpu.memory_space<vmem_shared>> -> memref<512x128xf32, #tpu.memory_space<vmem_shared>>
      tpu.enqueue_indirect_dma source(%dma_start3A_767 : memref<512x128xf32, #tpu.memory_space<vmem_shared>>) target(%arg26 : memref<40x128xf32, #tpu.memory_space<vmem>>) offsets(%dma_start3A_764 : memref<40xi32, #tpu.memory_space<vmem>>) semaphore(%arg41 : memref<!tpu.dma_semaphore, #tpu.memory_space<semaphore_mem>>)
    } else {
    }
    %add3A_597 = arith.constant 80 : i32
    %add3A_598 = arith.addi %mul3A_5, %add3A_597 : i32
    %lt3A_599 = arith.constant 10000 : i32
    %lt3A_600 = arith.cmpi slt, %add3A_598, %lt3A_599 : i32
    %convert_element_type3A_601 = arith.extui %lt3A_600 : i1 to i32
    %cond3A_602 = arith.constant 0 : i32
    %cond3A_603 = arith.cmpi ne, %convert_element_type3A_601, %cond3A_602 : i32
    scf.if %cond3A_603 {
      %dma_start3A_758 = arith.constant 0 : i32
      %dma_start3A_759 = tpu.memref_slice %arg2[%add3A_598, %dma_start3A_758] : memref<10000x128xf32, #tpu.memory_space<hbm>> -> memref<40x128xf32, #tpu.memory_space<hbm>>
      %dma_start3A_760 = arith.constant 0 : i32
      %dma_start3A_761 = tpu.memref_slice %arg2[%add3A_598, %dma_start3A_760] : memref<10000x128xf32, #tpu.memory_space<hbm>> -> memref<40x128xf32, #tpu.memory_space<hbm>>
      tpu.enqueue_dma source(%dma_start3A_761 : memref<40x128xf32, #tpu.memory_space<hbm>>) target(%arg19 : memref<40x128xf32, #tpu.memory_space<vmem>>) target_semaphore(%arg34 : memref<!tpu.dma_semaphore, #tpu.memory_space<semaphore_mem>>)
    } else {
    }
    %add3A_604 = arith.constant 0 : i32
    %add3A_605 = arith.addi %mul3A_5, %add3A_604 : i32
    %lt3A_606 = arith.constant 10000 : i32
    %lt3A_607 = arith.cmpi slt, %add3A_605, %lt3A_606 : i32
    %convert_element_type3A_608 = arith.extui %lt3A_607 : i1 to i32
    %cond3A_609 = arith.constant 0 : i32
    %cond3A_610 = arith.cmpi ne, %convert_element_type3A_608, %cond3A_609 : i32
    scf.if %cond3A_610 {
      "tpu.trace_start"() <{level = 10 : i32, message = "p2_waitx"}> : () -> ()
      %dma_wait3A_758 = arith.constant 0 : i32
      %dma_wait3A_759 = tpu.memref_slice %arg2[%add3A_605, %dma_wait3A_758] : memref<10000x128xf32, #tpu.memory_space<hbm>> -> memref<40x128xf32, #tpu.memory_space<hbm>>
      %dma_wait3A_760 = arith.constant 0 : i32
      %dma_wait3A_761 = tpu.memref_slice %arg2[%add3A_605, %dma_wait3A_760] : memref<10000x128xf32, #tpu.memory_space<hbm>> -> memref<40x128xf32, #tpu.memory_space<hbm>>
      tpu.wait_dma2 semaphore(%arg32 : memref<!tpu.dma_semaphore, #tpu.memory_space<semaphore_mem>>) src(%dma_wait3A_761 : memref<40x128xf32, #tpu.memory_space<hbm>>) dst(%arg17 : memref<40x128xf32, #tpu.memory_space<vmem>>)
      "tpu.trace_stop"() : () -> ()
      "tpu.trace_start"() <{level = 10 : i32, message = "p2_waitz"}> : () -> ()
      %dma_wait3A_762 = arith.constant 0 : i32
      %dma_wait3A_763 = tpu.memref_slice %arg15[%dma_wait3A_762] : memref<320xi32, #tpu.memory_space<vmem>> -> memref<40xi32, #tpu.memory_space<vmem>>
      %dma_wait3A_764 = arith.constant 0 : i32
      %dma_wait3A_765 = arith.constant 0 : i32
      %dma_wait3A_766 = tpu.memref_slice %arg13[%dma_wait3A_764, %dma_wait3A_765] : memref<512x128xf32, #tpu.memory_space<vmem_shared>> -> memref<512x128xf32, #tpu.memory_space<vmem_shared>>
      tpu.wait_indirect_dma semaphore(%arg36 : memref<!tpu.dma_semaphore, #tpu.memory_space<semaphore_mem>>) src(%dma_wait3A_766 : memref<512x128xf32, #tpu.memory_space<vmem_shared>>) dst(%arg21 : memref<40x128xf32, #tpu.memory_space<vmem>>)
      %dma_wait3A_767 = arith.constant 0 : i32
      %dma_wait3A_768 = tpu.memref_slice %arg16[%dma_wait3A_767] : memref<320xi32, #tpu.memory_space<vmem>> -> memref<40xi32, #tpu.memory_space<vmem>>
      %dma_wait3A_769 = arith.constant 0 : i32
      %dma_wait3A_770 = arith.constant 0 : i32
      %dma_wait3A_771 = tpu.memref_slice %arg13[%dma_wait3A_769, %dma_wait3A_770] : memref<512x128xf32, #tpu.memory_space<vmem_shared>> -> memref<512x128xf32, #tpu.memory_space<vmem_shared>>
      tpu.wait_indirect_dma semaphore(%arg39 : memref<!tpu.dma_semaphore, #tpu.memory_space<semaphore_mem>>) src(%dma_wait3A_771 : memref<512x128xf32, #tpu.memory_space<vmem_shared>>) dst(%arg24 : memref<40x128xf32, #tpu.memory_space<vmem>>)
      "tpu.trace_stop"() : () -> ()
      "tpu.trace_start"() <{level = 10 : i32, message = "p2_add"}> : () -> ()
      %scan3A_772 = arith.constant 0 : i32
      %scan3A_773 = arith.constant 40 : i32
      %scan3A_774 = arith.addi %scan3A_772, %scan3A_773 : i32
      %scan3A_775 = arith.constant 1 : i32
      scf.for %scan3A_781 = %scan3A_772 to %scan3A_774 step %scan3A_775  : i32 {
        %get3A = arith.index_cast %scan3A_781 : i32 to index
        %get3A_782 = arith.constant 0 : index
        %get3A_783 = tpu.vector_load %arg17[%get3A, %get3A_782] {strides = array<i32>} : memref<40x128xf32, #tpu.memory_space<vmem>>, vector<16xf32>,
        %get3A_784 = arith.index_cast %scan3A_781 : i32 to index
        %get3A_785 = arith.constant 0 : index
        %get3A_786 = tpu.vector_load %arg21[%get3A_784, %get3A_785] {strides = array<i32>} : memref<40x128xf32, #tpu.memory_space<vmem>>, vector<16xf32>,
        %add3A_787 = arith.addf %get3A_783, %get3A_786 : vector<16xf32>
        %get3A_788 = arith.index_cast %scan3A_781 : i32 to index
        %get3A_789 = arith.constant 0 : index
        %get3A_790 = tpu.vector_load %arg24[%get3A_788, %get3A_789] {strides = array<i32>} : memref<40x128xf32, #tpu.memory_space<vmem>>, vector<16xf32>,
        %add3A_791 = arith.addf %add3A_787, %get3A_790 : vector<16xf32>
        %swap3A = arith.index_cast %scan3A_781 : i32 to index
        %swap3A_792 = arith.constant 0 : index
        %swap3A_793 = tpu.vector_load %arg17[%swap3A, %swap3A_792] {strides = array<i32>} : memref<40x128xf32, #tpu.memory_space<vmem>>, vector<16xf32>,
        tpu.vector_store %arg17[%swap3A, %swap3A_792], %add3A_791 {strides = array<i32>} : memref<40x128xf32, #tpu.memory_space<vmem>>, vector<16xf32>,
        %get3A_794 = arith.index_cast %scan3A_781 : i32 to index
        %get3A_795 = arith.constant 16 : index
        %get3A_796 = tpu.vector_load %arg17[%get3A_794, %get3A_795] {strides = array<i32>} : memref<40x128xf32, #tpu.memory_space<vmem>>, vector<16xf32>,
        %get3A_797 = arith.index_cast %scan3A_781 : i32 to index
        %get3A_798 = arith.constant 16 : index
        %get3A_799 = tpu.vector_load %arg21[%get3A_797, %get3A_798] {strides = array<i32>} : memref<40x128xf32, #tpu.memory_space<vmem>>, vector<16xf32>,
        %add3A_800 = arith.addf %get3A_796, %get3A_799 : vector<16xf32>
        %get3A_801 = arith.index_cast %scan3A_781 : i32 to index
        %get3A_802 = arith.constant 16 : index
        %get3A_803 = tpu.vector_load %arg24[%get3A_801, %get3A_802] {strides = array<i32>} : memref<40x128xf32, #tpu.memory_space<vmem>>, vector<16xf32>,
        %add3A_804 = arith.addf %add3A_800, %get3A_803 : vector<16xf32>
        %swap3A_805 = arith.index_cast %scan3A_781 : i32 to index
        %swap3A_806 = arith.constant 16 : index
        %swap3A_807 = tpu.vector_load %arg17[%swap3A_805, %swap3A_806] {strides = array<i32>} : memref<40x128xf32, #tpu.memory_space<vmem>>, vector<16xf32>,
        tpu.vector_store %arg17[%swap3A_805, %swap3A_806], %add3A_804 {strides = array<i32>} : memref<40x128xf32, #tpu.memory_space<vmem>>, vector<16xf32>,
        %get3A_808 = arith.index_cast %scan3A_781 : i32 to index
        %get3A_809 = arith.constant 32 : index
        %get3A_810 = tpu.vector_load %arg17[%get3A_808, %get3A_809] {strides = array<i32>} : memref<40x128xf32, #tpu.memory_space<vmem>>, vector<16xf32>,
        %get3A_811 = arith.index_cast %scan3A_781 : i32 to index
        %get3A_812 = arith.constant 32 : index
        %get3A_813 = tpu.vector_load %arg21[%get3A_811, %get3A_812] {strides = array<i32>} : memref<40x128xf32, #tpu.memory_space<vmem>>, vector<16xf32>,
        %add3A_814 = arith.addf %get3A_810, %get3A_813 : vector<16xf32>
        %get3A_815 = arith.index_cast %scan3A_781 : i32 to index
        %get3A_816 = arith.constant 32 : index
        %get3A_817 = tpu.vector_load %arg24[%get3A_815, %get3A_816] {strides = array<i32>} : memref<40x128xf32, #tpu.memory_space<vmem>>, vector<16xf32>,
        %add3A_818 = arith.addf %add3A_814, %get3A_817 : vector<16xf32>
        %swap3A_819 = arith.index_cast %scan3A_781 : i32 to index
        %swap3A_820 = arith.constant 32 : index
        %swap3A_821 = tpu.vector_load %arg17[%swap3A_819, %swap3A_820] {strides = array<i32>} : memref<40x128xf32, #tpu.memory_space<vmem>>, vector<16xf32>,
        tpu.vector_store %arg17[%swap3A_819, %swap3A_820], %add3A_818 {strides = array<i32>} : memref<40x128xf32, #tpu.memory_space<vmem>>, vector<16xf32>,
        %get3A_822 = arith.index_cast %scan3A_781 : i32 to index
        %get3A_823 = arith.constant 48 : index
        %get3A_824 = tpu.vector_load %arg17[%get3A_822, %get3A_823] {strides = array<i32>} : memref<40x128xf32, #tpu.memory_space<vmem>>, vector<16xf32>,
        %get3A_825 = arith.index_cast %scan3A_781 : i32 to index
        %get3A_826 = arith.constant 48 : index
        %get3A_827 = tpu.vector_load %arg21[%get3A_825, %get3A_826] {strides = array<i32>} : memref<40x128xf32, #tpu.memory_space<vmem>>, vector<16xf32>,
        %add3A_828 = arith.addf %get3A_824, %get3A_827 : vector<16xf32>
        %get3A_829 = arith.index_cast %scan3A_781 : i32 to index
        %get3A_830 = arith.constant 48 : index
        %get3A_831 = tpu.vector_load %arg24[%get3A_829, %get3A_830] {strides = array<i32>} : memref<40x128xf32, #tpu.memory_space<vmem>>, vector<16xf32>,
        %add3A_832 = arith.addf %add3A_828, %get3A_831 : vector<16xf32>
        %swap3A_833 = arith.index_cast %scan3A_781 : i32 to index
        %swap3A_834 = arith.constant 48 : index
        %swap3A_835 = tpu.vector_load %arg17[%swap3A_833, %swap3A_834] {strides = array<i32>} : memref<40x128xf32, #tpu.memory_space<vmem>>, vector<16xf32>,
        tpu.vector_store %arg17[%swap3A_833, %swap3A_834], %add3A_832 {strides = array<i32>} : memref<40x128xf32, #tpu.memory_space<vmem>>, vector<16xf32>,
        %get3A_836 = arith.index_cast %scan3A_781 : i32 to index
        %get3A_837 = arith.constant 64 : index
        %get3A_838 = tpu.vector_load %arg17[%get3A_836, %get3A_837] {strides = array<i32>} : memref<40x128xf32, #tpu.memory_space<vmem>>, vector<16xf32>,
        %get3A_839 = arith.index_cast %scan3A_781 : i32 to index
        %get3A_840 = arith.constant 64 : index
        %get3A_841 = tpu.vector_load %arg21[%get3A_839, %get3A_840] {strides = array<i32>} : memref<40x128xf32, #tpu.memory_space<vmem>>, vector<16xf32>,
        %add3A_842 = arith.addf %get3A_838, %get3A_841 : vector<16xf32>
        %get3A_843 = arith.index_cast %scan3A_781 : i32 to index
        %get3A_844 = arith.constant 64 : index
        %get3A_845 = tpu.vector_load %arg24[%get3A_843, %get3A_844] {strides = array<i32>} : memref<40x128xf32, #tpu.memory_space<vmem>>, vector<16xf32>,
        %add3A_846 = arith.addf %add3A_842, %get3A_845 : vector<16xf32>
        %swap3A_847 = arith.index_cast %scan3A_781 : i32 to index
        %swap3A_848 = arith.constant 64 : index
        %swap3A_849 = tpu.vector_load %arg17[%swap3A_847, %swap3A_848] {strides = array<i32>} : memref<40x128xf32, #tpu.memory_space<vmem>>, vector<16xf32>,
        tpu.vector_store %arg17[%swap3A_847, %swap3A_848], %add3A_846 {strides = array<i32>} : memref<40x128xf32, #tpu.memory_space<vmem>>, vector<16xf32>,
        %get3A_850 = arith.index_cast %scan3A_781 : i32 to index
        %get3A_851 = arith.constant 80 : index
        %get3A_852 = tpu.vector_load %arg17[%get3A_850, %get3A_851] {strides = array<i32>} : memref<40x128xf32, #tpu.memory_space<vmem>>, vector<16xf32>,
        %get3A_853 = arith.index_cast %scan3A_781 : i32 to index
        %get3A_854 = arith.constant 80 : index
        %get3A_855 = tpu.vector_load %arg21[%get3A_853, %get3A_854] {strides = array<i32>} : memref<40x128xf32, #tpu.memory_space<vmem>>, vector<16xf32>,
        %add3A_856 = arith.addf %get3A_852, %get3A_855 : vector<16xf32>
        %get3A_857 = arith.index_cast %scan3A_781 : i32 to index
        %get3A_858 = arith.constant 80 : index
        %get3A_859 = tpu.vector_load %arg24[%get3A_857, %get3A_858] {strides = array<i32>} : memref<40x128xf32, #tpu.memory_space<vmem>>, vector<16xf32>,
        %add3A_860 = arith.addf %add3A_856, %get3A_859 : vector<16xf32>
        %swap3A_861 = arith.index_cast %scan3A_781 : i32 to index
        %swap3A_862 = arith.constant 80 : index
        %swap3A_863 = tpu.vector_load %arg17[%swap3A_861, %swap3A_862] {strides = array<i32>} : memref<40x128xf32, #tpu.memory_space<vmem>>, vector<16xf32>,
        tpu.vector_store %arg17[%swap3A_861, %swap3A_862], %add3A_860 {strides = array<i32>} : memref<40x128xf32, #tpu.memory_space<vmem>>, vector<16xf32>,
        %get3A_864 = arith.index_cast %scan3A_781 : i32 to index
        %get3A_865 = arith.constant 96 : index
        %get3A_866 = tpu.vector_load %arg17[%get3A_864, %get3A_865] {strides = array<i32>} : memref<40x128xf32, #tpu.memory_space<vmem>>, vector<16xf32>,
        %get3A_867 = arith.index_cast %scan3A_781 : i32 to index
        %get3A_868 = arith.constant 96 : index
        %get3A_869 = tpu.vector_load %arg21[%get3A_867, %get3A_868] {strides = array<i32>} : memref<40x128xf32, #tpu.memory_space<vmem>>, vector<16xf32>,
        %add3A_870 = arith.addf %get3A_866, %get3A_869 : vector<16xf32>
        %get3A_871 = arith.index_cast %scan3A_781 : i32 to index
        %get3A_872 = arith.constant 96 : index
        %get3A_873 = tpu.vector_load %arg24[%get3A_871, %get3A_872] {strides = array<i32>} : memref<40x128xf32, #tpu.memory_space<vmem>>, vector<16xf32>,
        %add3A_874 = arith.addf %add3A_870, %get3A_873 : vector<16xf32>
        %swap3A_875 = arith.index_cast %scan3A_781 : i32 to index
        %swap3A_876 = arith.constant 96 : index
        %swap3A_877 = tpu.vector_load %arg17[%swap3A_875, %swap3A_876] {strides = array<i32>} : memref<40x128xf32, #tpu.memory_space<vmem>>, vector<16xf32>,
        tpu.vector_store %arg17[%swap3A_875, %swap3A_876], %add3A_874 {strides = array<i32>} : memref<40x128xf32, #tpu.memory_space<vmem>>, vector<16xf32>,
        %get3A_878 = arith.index_cast %scan3A_781 : i32 to index
        %get3A_879 = arith.constant 112 : index
        %get3A_880 = tpu.vector_load %arg17[%get3A_878, %get3A_879] {strides = array<i32>} : memref<40x128xf32, #tpu.memory_space<vmem>>, vector<16xf32>,
        %get3A_881 = arith.index_cast %scan3A_781 : i32 to index
        %get3A_882 = arith.constant 112 : index
        %get3A_883 = tpu.vector_load %arg21[%get3A_881, %get3A_882] {strides = array<i32>} : memref<40x128xf32, #tpu.memory_space<vmem>>, vector<16xf32>,
        %add3A_884 = arith.addf %get3A_880, %get3A_883 : vector<16xf32>
        %get3A_885 = arith.index_cast %scan3A_781 : i32 to index
        %get3A_886 = arith.constant 112 : index
        %get3A_887 = tpu.vector_load %arg24[%get3A_885, %get3A_886] {strides = array<i32>} : memref<40x128xf32, #tpu.memory_space<vmem>>, vector<16xf32>,
        %add3A_888 = arith.addf %add3A_884, %get3A_887 : vector<16xf32>
        %swap3A_889 = arith.index_cast %scan3A_781 : i32 to index
        %swap3A_890 = arith.constant 112 : index
        %swap3A_891 = tpu.vector_load %arg17[%swap3A_889, %swap3A_890] {strides = array<i32>} : memref<40x128xf32, #tpu.memory_space<vmem>>, vector<16xf32>,
        tpu.vector_store %arg17[%swap3A_889, %swap3A_890], %add3A_888 {strides = array<i32>} : memref<40x128xf32, #tpu.memory_space<vmem>>, vector<16xf32>,
      }
      %scan3A_776 = arith.constant 40 : i32
      "tpu.trace_stop"() : () -> ()
      %dma_start3A_777 = arith.constant 0 : i32
      %dma_start3A_778 = tpu.memref_slice %arg6[%add3A_605, %dma_start3A_777] : memref<10000x128xf32, #tpu.memory_space<hbm>> -> memref<40x128xf32, #tpu.memory_space<hbm>>
      %dma_start3A_779 = arith.constant 0 : i32
      %dma_start3A_780 = tpu.memref_slice %arg6[%add3A_605, %dma_start3A_779] : memref<10000x128xf32, #tpu.memory_space<hbm>> -> memref<40x128xf32, #tpu.memory_space<hbm>>
      tpu.enqueue_dma source(%arg17 : memref<40x128xf32, #tpu.memory_space<vmem>>) target(%dma_start3A_780 : memref<40x128xf32, #tpu.memory_space<hbm>>) target_semaphore(%arg42 : memref<!tpu.dma_semaphore, #tpu.memory_space<semaphore_mem>>)
    } else {
    }
    %add3A_611 = arith.constant 120 : i32
    %add3A_612 = arith.addi %mul3A_5, %add3A_611 : i32
    %lt3A_613 = arith.constant 10000 : i32
    %lt3A_614 = arith.cmpi slt, %add3A_612, %lt3A_613 : i32
    %convert_element_type3A_615 = arith.extui %lt3A_614 : i1 to i32
    %cond3A_616 = arith.constant 0 : i32
    %cond3A_617 = arith.cmpi ne, %convert_element_type3A_615, %cond3A_616 : i32
    scf.if %cond3A_617 {
      %dma_start3A_758 = arith.constant 120 : i32
      %dma_start3A_759 = tpu.memref_slice %arg15[%dma_start3A_758] : memref<320xi32, #tpu.memory_space<vmem>> -> memref<40xi32, #tpu.memory_space<vmem>>
      %dma_start3A_760 = arith.constant 0 : i32
      %dma_start3A_761 = arith.constant 0 : i32
      %dma_start3A_762 = tpu.memref_slice %arg13[%dma_start3A_760, %dma_start3A_761] : memref<512x128xf32, #tpu.memory_space<vmem_shared>> -> memref<512x128xf32, #tpu.memory_space<vmem_shared>>
      tpu.enqueue_indirect_dma source(%dma_start3A_762 : memref<512x128xf32, #tpu.memory_space<vmem_shared>>) target(%arg21 : memref<40x128xf32, #tpu.memory_space<vmem>>) offsets(%dma_start3A_759 : memref<40xi32, #tpu.memory_space<vmem>>) semaphore(%arg36 : memref<!tpu.dma_semaphore, #tpu.memory_space<semaphore_mem>>)
      %dma_start3A_763 = arith.constant 120 : i32
      %dma_start3A_764 = tpu.memref_slice %arg16[%dma_start3A_763] : memref<320xi32, #tpu.memory_space<vmem>> -> memref<40xi32, #tpu.memory_space<vmem>>
      %dma_start3A_765 = arith.constant 0 : i32
      %dma_start3A_766 = arith.constant 0 : i32
      %dma_start3A_767 = tpu.memref_slice %arg13[%dma_start3A_765, %dma_start3A_766] : memref<512x128xf32, #tpu.memory_space<vmem_shared>> -> memref<512x128xf32, #tpu.memory_space<vmem_shared>>
      tpu.enqueue_indirect_dma source(%dma_start3A_767 : memref<512x128xf32, #tpu.memory_space<vmem_shared>>) target(%arg24 : memref<40x128xf32, #tpu.memory_space<vmem>>) offsets(%dma_start3A_764 : memref<40xi32, #tpu.memory_space<vmem>>) semaphore(%arg39 : memref<!tpu.dma_semaphore, #tpu.memory_space<semaphore_mem>>)
    } else {
    }
    %add3A_618 = arith.constant 120 : i32
    %add3A_619 = arith.addi %mul3A_5, %add3A_618 : i32
    %lt3A_620 = arith.constant 10000 : i32
    %lt3A_621 = arith.cmpi slt, %add3A_619, %lt3A_620 : i32
    %convert_element_type3A_622 = arith.extui %lt3A_621 : i1 to i32
    %cond3A_623 = arith.constant 0 : i32
    %cond3A_624 = arith.cmpi ne, %convert_element_type3A_622, %cond3A_623 : i32
    scf.if %cond3A_624 {
      %dma_start3A_758 = arith.constant 0 : i32
      %dma_start3A_759 = tpu.memref_slice %arg2[%add3A_619, %dma_start3A_758] : memref<10000x128xf32, #tpu.memory_space<hbm>> -> memref<40x128xf32, #tpu.memory_space<hbm>>
      %dma_start3A_760 = arith.constant 0 : i32
      %dma_start3A_761 = tpu.memref_slice %arg2[%add3A_619, %dma_start3A_760] : memref<10000x128xf32, #tpu.memory_space<hbm>> -> memref<40x128xf32, #tpu.memory_space<hbm>>
      tpu.enqueue_dma source(%dma_start3A_761 : memref<40x128xf32, #tpu.memory_space<hbm>>) target(%arg20 : memref<40x128xf32, #tpu.memory_space<vmem>>) target_semaphore(%arg35 : memref<!tpu.dma_semaphore, #tpu.memory_space<semaphore_mem>>)
    } else {
    }
    %add3A_625 = arith.constant 40 : i32
    %add3A_626 = arith.addi %mul3A_5, %add3A_625 : i32
    %lt3A_627 = arith.constant 10000 : i32
    %lt3A_628 = arith.cmpi slt, %add3A_626, %lt3A_627 : i32
    %convert_element_type3A_629 = arith.extui %lt3A_628 : i1 to i32
    %cond3A_630 = arith.constant 0 : i32
    %cond3A_631 = arith.cmpi ne, %convert_element_type3A_629, %cond3A_630 : i32
    scf.if %cond3A_631 {
      "tpu.trace_start"() <{level = 10 : i32, message = "p2_waitx"}> : () -> ()
      %dma_wait3A_758 = arith.constant 0 : i32
      %dma_wait3A_759 = tpu.memref_slice %arg2[%add3A_626, %dma_wait3A_758] : memref<10000x128xf32, #tpu.memory_space<hbm>> -> memref<40x128xf32, #tpu.memory_space<hbm>>
      %dma_wait3A_760 = arith.constant 0 : i32
      %dma_wait3A_761 = tpu.memref_slice %arg2[%add3A_626, %dma_wait3A_760] : memref<10000x128xf32, #tpu.memory_space<hbm>> -> memref<40x128xf32, #tpu.memory_space<hbm>>
      tpu.wait_dma2 semaphore(%arg33 : memref<!tpu.dma_semaphore, #tpu.memory_space<semaphore_mem>>) src(%dma_wait3A_761 : memref<40x128xf32, #tpu.memory_space<hbm>>) dst(%arg18 : memref<40x128xf32, #tpu.memory_space<vmem>>)
      "tpu.trace_stop"() : () -> ()
      "tpu.trace_start"() <{level = 10 : i32, message = "p2_waitz"}> : () -> ()
      %dma_wait3A_762 = arith.constant 40 : i32
      %dma_wait3A_763 = tpu.memref_slice %arg15[%dma_wait3A_762] : memref<320xi32, #tpu.memory_space<vmem>> -> memref<40xi32, #tpu.memory_space<vmem>>
      %dma_wait3A_764 = arith.constant 0 : i32
      %dma_wait3A_765 = arith.constant 0 : i32
      %dma_wait3A_766 = tpu.memref_slice %arg13[%dma_wait3A_764, %dma_wait3A_765] : memref<512x128xf32, #tpu.memory_space<vmem_shared>> -> memref<512x128xf32, #tpu.memory_space<vmem_shared>>
      tpu.wait_indirect_dma semaphore(%arg37 : memref<!tpu.dma_semaphore, #tpu.memory_space<semaphore_mem>>) src(%dma_wait3A_766 : memref<512x128xf32, #tpu.memory_space<vmem_shared>>) dst(%arg22 : memref<40x128xf32, #tpu.memory_space<vmem>>)
      %dma_wait3A_767 = arith.constant 40 : i32
      %dma_wait3A_768 = tpu.memref_slice %arg16[%dma_wait3A_767] : memref<320xi32, #tpu.memory_space<vmem>> -> memref<40xi32, #tpu.memory_space<vmem>>
      %dma_wait3A_769 = arith.constant 0 : i32
      %dma_wait3A_770 = arith.constant 0 : i32
      %dma_wait3A_771 = tpu.memref_slice %arg13[%dma_wait3A_769, %dma_wait3A_770] : memref<512x128xf32, #tpu.memory_space<vmem_shared>> -> memref<512x128xf32, #tpu.memory_space<vmem_shared>>
      tpu.wait_indirect_dma semaphore(%arg40 : memref<!tpu.dma_semaphore, #tpu.memory_space<semaphore_mem>>) src(%dma_wait3A_771 : memref<512x128xf32, #tpu.memory_space<vmem_shared>>) dst(%arg25 : memref<40x128xf32, #tpu.memory_space<vmem>>)
      "tpu.trace_stop"() : () -> ()
      "tpu.trace_start"() <{level = 10 : i32, message = "p2_add"}> : () -> ()
      %scan3A_772 = arith.constant 0 : i32
      %scan3A_773 = arith.constant 40 : i32
      %scan3A_774 = arith.addi %scan3A_772, %scan3A_773 : i32
      %scan3A_775 = arith.constant 1 : i32
      scf.for %scan3A_781 = %scan3A_772 to %scan3A_774 step %scan3A_775  : i32 {
        %get3A = arith.index_cast %scan3A_781 : i32 to index
        %get3A_782 = arith.constant 0 : index
        %get3A_783 = tpu.vector_load %arg18[%get3A, %get3A_782] {strides = array<i32>} : memref<40x128xf32, #tpu.memory_space<vmem>>, vector<16xf32>,
        %get3A_784 = arith.index_cast %scan3A_781 : i32 to index
        %get3A_785 = arith.constant 0 : index
        %get3A_786 = tpu.vector_load %arg22[%get3A_784, %get3A_785] {strides = array<i32>} : memref<40x128xf32, #tpu.memory_space<vmem>>, vector<16xf32>,
        %add3A_787 = arith.addf %get3A_783, %get3A_786 : vector<16xf32>
        %get3A_788 = arith.index_cast %scan3A_781 : i32 to index
        %get3A_789 = arith.constant 0 : index
        %get3A_790 = tpu.vector_load %arg25[%get3A_788, %get3A_789] {strides = array<i32>} : memref<40x128xf32, #tpu.memory_space<vmem>>, vector<16xf32>,
        %add3A_791 = arith.addf %add3A_787, %get3A_790 : vector<16xf32>
        %swap3A = arith.index_cast %scan3A_781 : i32 to index
        %swap3A_792 = arith.constant 0 : index
        %swap3A_793 = tpu.vector_load %arg18[%swap3A, %swap3A_792] {strides = array<i32>} : memref<40x128xf32, #tpu.memory_space<vmem>>, vector<16xf32>,
        tpu.vector_store %arg18[%swap3A, %swap3A_792], %add3A_791 {strides = array<i32>} : memref<40x128xf32, #tpu.memory_space<vmem>>, vector<16xf32>,
        %get3A_794 = arith.index_cast %scan3A_781 : i32 to index
        %get3A_795 = arith.constant 16 : index
        %get3A_796 = tpu.vector_load %arg18[%get3A_794, %get3A_795] {strides = array<i32>} : memref<40x128xf32, #tpu.memory_space<vmem>>, vector<16xf32>,
        %get3A_797 = arith.index_cast %scan3A_781 : i32 to index
        %get3A_798 = arith.constant 16 : index
        %get3A_799 = tpu.vector_load %arg22[%get3A_797, %get3A_798] {strides = array<i32>} : memref<40x128xf32, #tpu.memory_space<vmem>>, vector<16xf32>,
        %add3A_800 = arith.addf %get3A_796, %get3A_799 : vector<16xf32>
        %get3A_801 = arith.index_cast %scan3A_781 : i32 to index
        %get3A_802 = arith.constant 16 : index
        %get3A_803 = tpu.vector_load %arg25[%get3A_801, %get3A_802] {strides = array<i32>} : memref<40x128xf32, #tpu.memory_space<vmem>>, vector<16xf32>,
        %add3A_804 = arith.addf %add3A_800, %get3A_803 : vector<16xf32>
        %swap3A_805 = arith.index_cast %scan3A_781 : i32 to index
        %swap3A_806 = arith.constant 16 : index
        %swap3A_807 = tpu.vector_load %arg18[%swap3A_805, %swap3A_806] {strides = array<i32>} : memref<40x128xf32, #tpu.memory_space<vmem>>, vector<16xf32>,
        tpu.vector_store %arg18[%swap3A_805, %swap3A_806], %add3A_804 {strides = array<i32>} : memref<40x128xf32, #tpu.memory_space<vmem>>, vector<16xf32>,
        %get3A_808 = arith.index_cast %scan3A_781 : i32 to index
        %get3A_809 = arith.constant 32 : index
        %get3A_810 = tpu.vector_load %arg18[%get3A_808, %get3A_809] {strides = array<i32>} : memref<40x128xf32, #tpu.memory_space<vmem>>, vector<16xf32>,
        %get3A_811 = arith.index_cast %scan3A_781 : i32 to index
        %get3A_812 = arith.constant 32 : index
        %get3A_813 = tpu.vector_load %arg22[%get3A_811, %get3A_812] {strides = array<i32>} : memref<40x128xf32, #tpu.memory_space<vmem>>, vector<16xf32>,
        %add3A_814 = arith.addf %get3A_810, %get3A_813 : vector<16xf32>
        %get3A_815 = arith.index_cast %scan3A_781 : i32 to index
        %get3A_816 = arith.constant 32 : index
        %get3A_817 = tpu.vector_load %arg25[%get3A_815, %get3A_816] {strides = array<i32>} : memref<40x128xf32, #tpu.memory_space<vmem>>, vector<16xf32>,
        %add3A_818 = arith.addf %add3A_814, %get3A_817 : vector<16xf32>
        %swap3A_819 = arith.index_cast %scan3A_781 : i32 to index
        %swap3A_820 = arith.constant 32 : index
        %swap3A_821 = tpu.vector_load %arg18[%swap3A_819, %swap3A_820] {strides = array<i32>} : memref<40x128xf32, #tpu.memory_space<vmem>>, vector<16xf32>,
        tpu.vector_store %arg18[%swap3A_819, %swap3A_820], %add3A_818 {strides = array<i32>} : memref<40x128xf32, #tpu.memory_space<vmem>>, vector<16xf32>,
        %get3A_822 = arith.index_cast %scan3A_781 : i32 to index
        %get3A_823 = arith.constant 48 : index
        %get3A_824 = tpu.vector_load %arg18[%get3A_822, %get3A_823] {strides = array<i32>} : memref<40x128xf32, #tpu.memory_space<vmem>>, vector<16xf32>,
        %get3A_825 = arith.index_cast %scan3A_781 : i32 to index
        %get3A_826 = arith.constant 48 : index
        %get3A_827 = tpu.vector_load %arg22[%get3A_825, %get3A_826] {strides = array<i32>} : memref<40x128xf32, #tpu.memory_space<vmem>>, vector<16xf32>,
        %add3A_828 = arith.addf %get3A_824, %get3A_827 : vector<16xf32>
        %get3A_829 = arith.index_cast %scan3A_781 : i32 to index
        %get3A_830 = arith.constant 48 : index
        %get3A_831 = tpu.vector_load %arg25[%get3A_829, %get3A_830] {strides = array<i32>} : memref<40x128xf32, #tpu.memory_space<vmem>>, vector<16xf32>,
        %add3A_832 = arith.addf %add3A_828, %get3A_831 : vector<16xf32>
        %swap3A_833 = arith.index_cast %scan3A_781 : i32 to index
        %swap3A_834 = arith.constant 48 : index
        %swap3A_835 = tpu.vector_load %arg18[%swap3A_833, %swap3A_834] {strides = array<i32>} : memref<40x128xf32, #tpu.memory_space<vmem>>, vector<16xf32>,
        tpu.vector_store %arg18[%swap3A_833, %swap3A_834], %add3A_832 {strides = array<i32>} : memref<40x128xf32, #tpu.memory_space<vmem>>, vector<16xf32>,
        %get3A_836 = arith.index_cast %scan3A_781 : i32 to index
        %get3A_837 = arith.constant 64 : index
        %get3A_838 = tpu.vector_load %arg18[%get3A_836, %get3A_837] {strides = array<i32>} : memref<40x128xf32, #tpu.memory_space<vmem>>, vector<16xf32>,
        %get3A_839 = arith.index_cast %scan3A_781 : i32 to index
        %get3A_840 = arith.constant 64 : index
        %get3A_841 = tpu.vector_load %arg22[%get3A_839, %get3A_840] {strides = array<i32>} : memref<40x128xf32, #tpu.memory_space<vmem>>, vector<16xf32>,
        %add3A_842 = arith.addf %get3A_838, %get3A_841 : vector<16xf32>
        %get3A_843 = arith.index_cast %scan3A_781 : i32 to index
        %get3A_844 = arith.constant 64 : index
        %get3A_845 = tpu.vector_load %arg25[%get3A_843, %get3A_844] {strides = array<i32>} : memref<40x128xf32, #tpu.memory_space<vmem>>, vector<16xf32>,
        %add3A_846 = arith.addf %add3A_842, %get3A_845 : vector<16xf32>
        %swap3A_847 = arith.index_cast %scan3A_781 : i32 to index
        %swap3A_848 = arith.constant 64 : index
        %swap3A_849 = tpu.vector_load %arg18[%swap3A_847, %swap3A_848] {strides = array<i32>} : memref<40x128xf32, #tpu.memory_space<vmem>>, vector<16xf32>,
        tpu.vector_store %arg18[%swap3A_847, %swap3A_848], %add3A_846 {strides = array<i32>} : memref<40x128xf32, #tpu.memory_space<vmem>>, vector<16xf32>,
        %get3A_850 = arith.index_cast %scan3A_781 : i32 to index
        %get3A_851 = arith.constant 80 : index
        %get3A_852 = tpu.vector_load %arg18[%get3A_850, %get3A_851] {strides = array<i32>} : memref<40x128xf32, #tpu.memory_space<vmem>>, vector<16xf32>,
        %get3A_853 = arith.index_cast %scan3A_781 : i32 to index
        %get3A_854 = arith.constant 80 : index
        %get3A_855 = tpu.vector_load %arg22[%get3A_853, %get3A_854] {strides = array<i32>} : memref<40x128xf32, #tpu.memory_space<vmem>>, vector<16xf32>,
        %add3A_856 = arith.addf %get3A_852, %get3A_855 : vector<16xf32>
        %get3A_857 = arith.index_cast %scan3A_781 : i32 to index
        %get3A_858 = arith.constant 80 : index
        %get3A_859 = tpu.vector_load %arg25[%get3A_857, %get3A_858] {strides = array<i32>} : memref<40x128xf32, #tpu.memory_space<vmem>>, vector<16xf32>,
        %add3A_860 = arith.addf %add3A_856, %get3A_859 : vector<16xf32>
        %swap3A_861 = arith.index_cast %scan3A_781 : i32 to index
        %swap3A_862 = arith.constant 80 : index
        %swap3A_863 = tpu.vector_load %arg18[%swap3A_861, %swap3A_862] {strides = array<i32>} : memref<40x128xf32, #tpu.memory_space<vmem>>, vector<16xf32>,
        tpu.vector_store %arg18[%swap3A_861, %swap3A_862], %add3A_860 {strides = array<i32>} : memref<40x128xf32, #tpu.memory_space<vmem>>, vector<16xf32>,
        %get3A_864 = arith.index_cast %scan3A_781 : i32 to index
        %get3A_865 = arith.constant 96 : index
        %get3A_866 = tpu.vector_load %arg18[%get3A_864, %get3A_865] {strides = array<i32>} : memref<40x128xf32, #tpu.memory_space<vmem>>, vector<16xf32>,
        %get3A_867 = arith.index_cast %scan3A_781 : i32 to index
        %get3A_868 = arith.constant 96 : index
        %get3A_869 = tpu.vector_load %arg22[%get3A_867, %get3A_868] {strides = array<i32>} : memref<40x128xf32, #tpu.memory_space<vmem>>, vector<16xf32>,
        %add3A_870 = arith.addf %get3A_866, %get3A_869 : vector<16xf32>
        %get3A_871 = arith.index_cast %scan3A_781 : i32 to index
        %get3A_872 = arith.constant 96 : index
        %get3A_873 = tpu.vector_load %arg25[%get3A_871, %get3A_872] {strides = array<i32>} : memref<40x128xf32, #tpu.memory_space<vmem>>, vector<16xf32>,
        %add3A_874 = arith.addf %add3A_870, %get3A_873 : vector<16xf32>
        %swap3A_875 = arith.index_cast %scan3A_781 : i32 to index
        %swap3A_876 = arith.constant 96 : index
        %swap3A_877 = tpu.vector_load %arg18[%swap3A_875, %swap3A_876] {strides = array<i32>} : memref<40x128xf32, #tpu.memory_space<vmem>>, vector<16xf32>,
        tpu.vector_store %arg18[%swap3A_875, %swap3A_876], %add3A_874 {strides = array<i32>} : memref<40x128xf32, #tpu.memory_space<vmem>>, vector<16xf32>,
        %get3A_878 = arith.index_cast %scan3A_781 : i32 to index
        %get3A_879 = arith.constant 112 : index
        %get3A_880 = tpu.vector_load %arg18[%get3A_878, %get3A_879] {strides = array<i32>} : memref<40x128xf32, #tpu.memory_space<vmem>>, vector<16xf32>,
        %get3A_881 = arith.index_cast %scan3A_781 : i32 to index
        %get3A_882 = arith.constant 112 : index
        %get3A_883 = tpu.vector_load %arg22[%get3A_881, %get3A_882] {strides = array<i32>} : memref<40x128xf32, #tpu.memory_space<vmem>>, vector<16xf32>,
        %add3A_884 = arith.addf %get3A_880, %get3A_883 : vector<16xf32>
        %get3A_885 = arith.index_cast %scan3A_781 : i32 to index
        %get3A_886 = arith.constant 112 : index
        %get3A_887 = tpu.vector_load %arg25[%get3A_885, %get3A_886] {strides = array<i32>} : memref<40x128xf32, #tpu.memory_space<vmem>>, vector<16xf32>,
        %add3A_888 = arith.addf %add3A_884, %get3A_887 : vector<16xf32>
        %swap3A_889 = arith.index_cast %scan3A_781 : i32 to index
        %swap3A_890 = arith.constant 112 : index
        %swap3A_891 = tpu.vector_load %arg18[%swap3A_889, %swap3A_890] {strides = array<i32>} : memref<40x128xf32, #tpu.memory_space<vmem>>, vector<16xf32>,
        tpu.vector_store %arg18[%swap3A_889, %swap3A_890], %add3A_888 {strides = array<i32>} : memref<40x128xf32, #tpu.memory_space<vmem>>, vector<16xf32>,
      }
      %scan3A_776 = arith.constant 40 : i32
      "tpu.trace_stop"() : () -> ()
      %dma_start3A_777 = arith.constant 0 : i32
      %dma_start3A_778 = tpu.memref_slice %arg6[%add3A_626, %dma_start3A_777] : memref<10000x128xf32, #tpu.memory_space<hbm>> -> memref<40x128xf32, #tpu.memory_space<hbm>>
      %dma_start3A_779 = arith.constant 0 : i32
      %dma_start3A_780 = tpu.memref_slice %arg6[%add3A_626, %dma_start3A_779] : memref<10000x128xf32, #tpu.memory_space<hbm>> -> memref<40x128xf32, #tpu.memory_space<hbm>>
      tpu.enqueue_dma source(%arg18 : memref<40x128xf32, #tpu.memory_space<vmem>>) target(%dma_start3A_780 : memref<40x128xf32, #tpu.memory_space<hbm>>) target_semaphore(%arg43 : memref<!tpu.dma_semaphore, #tpu.memory_space<semaphore_mem>>)
    } else {
    }
    %add3A_632 = arith.constant 160 : i32
    %add3A_633 = arith.addi %mul3A_5, %add3A_632 : i32
    %lt3A_634 = arith.constant 10000 : i32
    %lt3A_635 = arith.cmpi slt, %add3A_633, %lt3A_634 : i32
    %convert_element_type3A_636 = arith.extui %lt3A_635 : i1 to i32
    %cond3A_637 = arith.constant 0 : i32
    %cond3A_638 = arith.cmpi ne, %convert_element_type3A_636, %cond3A_637 : i32
    scf.if %cond3A_638 {
      %dma_start3A_758 = arith.constant 160 : i32
      %dma_start3A_759 = tpu.memref_slice %arg15[%dma_start3A_758] : memref<320xi32, #tpu.memory_space<vmem>> -> memref<40xi32, #tpu.memory_space<vmem>>
      %dma_start3A_760 = arith.constant 0 : i32
      %dma_start3A_761 = arith.constant 0 : i32
      %dma_start3A_762 = tpu.memref_slice %arg13[%dma_start3A_760, %dma_start3A_761] : memref<512x128xf32, #tpu.memory_space<vmem_shared>> -> memref<512x128xf32, #tpu.memory_space<vmem_shared>>
      tpu.enqueue_indirect_dma source(%dma_start3A_762 : memref<512x128xf32, #tpu.memory_space<vmem_shared>>) target(%arg22 : memref<40x128xf32, #tpu.memory_space<vmem>>) offsets(%dma_start3A_759 : memref<40xi32, #tpu.memory_space<vmem>>) semaphore(%arg37 : memref<!tpu.dma_semaphore, #tpu.memory_space<semaphore_mem>>)
      %dma_start3A_763 = arith.constant 160 : i32
      %dma_start3A_764 = tpu.memref_slice %arg16[%dma_start3A_763] : memref<320xi32, #tpu.memory_space<vmem>> -> memref<40xi32, #tpu.memory_space<vmem>>
      %dma_start3A_765 = arith.constant 0 : i32
      %dma_start3A_766 = arith.constant 0 : i32
      %dma_start3A_767 = tpu.memref_slice %arg13[%dma_start3A_765, %dma_start3A_766] : memref<512x128xf32, #tpu.memory_space<vmem_shared>> -> memref<512x128xf32, #tpu.memory_space<vmem_shared>>
      tpu.enqueue_indirect_dma source(%dma_start3A_767 : memref<512x128xf32, #tpu.memory_space<vmem_shared>>) target(%arg25 : memref<40x128xf32, #tpu.memory_space<vmem>>) offsets(%dma_start3A_764 : memref<40xi32, #tpu.memory_space<vmem>>) semaphore(%arg40 : memref<!tpu.dma_semaphore, #tpu.memory_space<semaphore_mem>>)
    } else {
    }
    %add3A_639 = arith.constant 160 : i32
    %add3A_640 = arith.addi %mul3A_5, %add3A_639 : i32
    %lt3A_641 = arith.constant 10000 : i32
    %lt3A_642 = arith.cmpi slt, %add3A_640, %lt3A_641 : i32
    %convert_element_type3A_643 = arith.extui %lt3A_642 : i1 to i32
    %cond3A_644 = arith.constant 0 : i32
    %cond3A_645 = arith.cmpi ne, %convert_element_type3A_643, %cond3A_644 : i32
    scf.if %cond3A_645 {
      %add3A_758 = arith.constant 0 : i32
      %add3A_759 = arith.addi %mul3A_5, %add3A_758 : i32
      %dma_wait3A_760 = arith.constant 0 : i32
      %dma_wait3A_761 = tpu.memref_slice %arg6[%add3A_759, %dma_wait3A_760] : memref<10000x128xf32, #tpu.memory_space<hbm>> -> memref<40x128xf32, #tpu.memory_space<hbm>>
      %dma_wait3A_762 = arith.constant 0 : i32
      %dma_wait3A_763 = tpu.memref_slice %arg6[%add3A_759, %dma_wait3A_762] : memref<10000x128xf32, #tpu.memory_space<hbm>> -> memref<40x128xf32, #tpu.memory_space<hbm>>
      tpu.wait_dma2 semaphore(%arg42 : memref<!tpu.dma_semaphore, #tpu.memory_space<semaphore_mem>>) src(%arg17 : memref<40x128xf32, #tpu.memory_space<vmem>>) dst(%dma_wait3A_763 : memref<40x128xf32, #tpu.memory_space<hbm>>)
      %dma_start3A_764 = arith.constant 0 : i32
      %dma_start3A_765 = tpu.memref_slice %arg2[%add3A_640, %dma_start3A_764] : memref<10000x128xf32, #tpu.memory_space<hbm>> -> memref<40x128xf32, #tpu.memory_space<hbm>>
      %dma_start3A_766 = arith.constant 0 : i32
      %dma_start3A_767 = tpu.memref_slice %arg2[%add3A_640, %dma_start3A_766] : memref<10000x128xf32, #tpu.memory_space<hbm>> -> memref<40x128xf32, #tpu.memory_space<hbm>>
      tpu.enqueue_dma source(%dma_start3A_767 : memref<40x128xf32, #tpu.memory_space<hbm>>) target(%arg17 : memref<40x128xf32, #tpu.memory_space<vmem>>) target_semaphore(%arg32 : memref<!tpu.dma_semaphore, #tpu.memory_space<semaphore_mem>>)
    } else {
    }
    %add3A_646 = arith.constant 80 : i32
    %add3A_647 = arith.addi %mul3A_5, %add3A_646 : i32
    %lt3A_648 = arith.constant 10000 : i32
    %lt3A_649 = arith.cmpi slt, %add3A_647, %lt3A_648 : i32
    %convert_element_type3A_650 = arith.extui %lt3A_649 : i1 to i32
    %cond3A_651 = arith.constant 0 : i32
    %cond3A_652 = arith.cmpi ne, %convert_element_type3A_650, %cond3A_651 : i32
    scf.if %cond3A_652 {
      "tpu.trace_start"() <{level = 10 : i32, message = "p2_waitx"}> : () -> ()
      %dma_wait3A_758 = arith.constant 0 : i32
      %dma_wait3A_759 = tpu.memref_slice %arg2[%add3A_647, %dma_wait3A_758] : memref<10000x128xf32, #tpu.memory_space<hbm>> -> memref<40x128xf32, #tpu.memory_space<hbm>>
      %dma_wait3A_760 = arith.constant 0 : i32
      %dma_wait3A_761 = tpu.memref_slice %arg2[%add3A_647, %dma_wait3A_760] : memref<10000x128xf32, #tpu.memory_space<hbm>> -> memref<40x128xf32, #tpu.memory_space<hbm>>
      tpu.wait_dma2 semaphore(%arg34 : memref<!tpu.dma_semaphore, #tpu.memory_space<semaphore_mem>>) src(%dma_wait3A_761 : memref<40x128xf32, #tpu.memory_space<hbm>>) dst(%arg19 : memref<40x128xf32, #tpu.memory_space<vmem>>)
      "tpu.trace_stop"() : () -> ()
      "tpu.trace_start"() <{level = 10 : i32, message = "p2_waitz"}> : () -> ()
      %dma_wait3A_762 = arith.constant 80 : i32
      %dma_wait3A_763 = tpu.memref_slice %arg15[%dma_wait3A_762] : memref<320xi32, #tpu.memory_space<vmem>> -> memref<40xi32, #tpu.memory_space<vmem>>
      %dma_wait3A_764 = arith.constant 0 : i32
      %dma_wait3A_765 = arith.constant 0 : i32
      %dma_wait3A_766 = tpu.memref_slice %arg13[%dma_wait3A_764, %dma_wait3A_765] : memref<512x128xf32, #tpu.memory_space<vmem_shared>> -> memref<512x128xf32, #tpu.memory_space<vmem_shared>>
      tpu.wait_indirect_dma semaphore(%arg38 : memref<!tpu.dma_semaphore, #tpu.memory_space<semaphore_mem>>) src(%dma_wait3A_766 : memref<512x128xf32, #tpu.memory_space<vmem_shared>>) dst(%arg23 : memref<40x128xf32, #tpu.memory_space<vmem>>)
      %dma_wait3A_767 = arith.constant 80 : i32
      %dma_wait3A_768 = tpu.memref_slice %arg16[%dma_wait3A_767] : memref<320xi32, #tpu.memory_space<vmem>> -> memref<40xi32, #tpu.memory_space<vmem>>
      %dma_wait3A_769 = arith.constant 0 : i32
      %dma_wait3A_770 = arith.constant 0 : i32
      %dma_wait3A_771 = tpu.memref_slice %arg13[%dma_wait3A_769, %dma_wait3A_770] : memref<512x128xf32, #tpu.memory_space<vmem_shared>> -> memref<512x128xf32, #tpu.memory_space<vmem_shared>>
      tpu.wait_indirect_dma semaphore(%arg41 : memref<!tpu.dma_semaphore, #tpu.memory_space<semaphore_mem>>) src(%dma_wait3A_771 : memref<512x128xf32, #tpu.memory_space<vmem_shared>>) dst(%arg26 : memref<40x128xf32, #tpu.memory_space<vmem>>)
      "tpu.trace_stop"() : () -> ()
      "tpu.trace_start"() <{level = 10 : i32, message = "p2_add"}> : () -> ()
      %scan3A_772 = arith.constant 0 : i32
      %scan3A_773 = arith.constant 40 : i32
      %scan3A_774 = arith.addi %scan3A_772, %scan3A_773 : i32
      %scan3A_775 = arith.constant 1 : i32
      scf.for %scan3A_781 = %scan3A_772 to %scan3A_774 step %scan3A_775  : i32 {
        %get3A = arith.index_cast %scan3A_781 : i32 to index
        %get3A_782 = arith.constant 0 : index
        %get3A_783 = tpu.vector_load %arg19[%get3A, %get3A_782] {strides = array<i32>} : memref<40x128xf32, #tpu.memory_space<vmem>>, vector<16xf32>,
        %get3A_784 = arith.index_cast %scan3A_781 : i32 to index
        %get3A_785 = arith.constant 0 : index
        %get3A_786 = tpu.vector_load %arg23[%get3A_784, %get3A_785] {strides = array<i32>} : memref<40x128xf32, #tpu.memory_space<vmem>>, vector<16xf32>,
        %add3A_787 = arith.addf %get3A_783, %get3A_786 : vector<16xf32>
        %get3A_788 = arith.index_cast %scan3A_781 : i32 to index
        %get3A_789 = arith.constant 0 : index
        %get3A_790 = tpu.vector_load %arg26[%get3A_788, %get3A_789] {strides = array<i32>} : memref<40x128xf32, #tpu.memory_space<vmem>>, vector<16xf32>,
        %add3A_791 = arith.addf %add3A_787, %get3A_790 : vector<16xf32>
        %swap3A = arith.index_cast %scan3A_781 : i32 to index
        %swap3A_792 = arith.constant 0 : index
        %swap3A_793 = tpu.vector_load %arg19[%swap3A, %swap3A_792] {strides = array<i32>} : memref<40x128xf32, #tpu.memory_space<vmem>>, vector<16xf32>,
        tpu.vector_store %arg19[%swap3A, %swap3A_792], %add3A_791 {strides = array<i32>} : memref<40x128xf32, #tpu.memory_space<vmem>>, vector<16xf32>,
        %get3A_794 = arith.index_cast %scan3A_781 : i32 to index
        %get3A_795 = arith.constant 16 : index
        %get3A_796 = tpu.vector_load %arg19[%get3A_794, %get3A_795] {strides = array<i32>} : memref<40x128xf32, #tpu.memory_space<vmem>>, vector<16xf32>,
        %get3A_797 = arith.index_cast %scan3A_781 : i32 to index
        %get3A_798 = arith.constant 16 : index
        %get3A_799 = tpu.vector_load %arg23[%get3A_797, %get3A_798] {strides = array<i32>} : memref<40x128xf32, #tpu.memory_space<vmem>>, vector<16xf32>,
        %add3A_800 = arith.addf %get3A_796, %get3A_799 : vector<16xf32>
        %get3A_801 = arith.index_cast %scan3A_781 : i32 to index
        %get3A_802 = arith.constant 16 : index
        %get3A_803 = tpu.vector_load %arg26[%get3A_801, %get3A_802] {strides = array<i32>} : memref<40x128xf32, #tpu.memory_space<vmem>>, vector<16xf32>,
        %add3A_804 = arith.addf %add3A_800, %get3A_803 : vector<16xf32>
        %swap3A_805 = arith.index_cast %scan3A_781 : i32 to index
        %swap3A_806 = arith.constant 16 : index
        %swap3A_807 = tpu.vector_load %arg19[%swap3A_805, %swap3A_806] {strides = array<i32>} : memref<40x128xf32, #tpu.memory_space<vmem>>, vector<16xf32>,
        tpu.vector_store %arg19[%swap3A_805, %swap3A_806], %add3A_804 {strides = array<i32>} : memref<40x128xf32, #tpu.memory_space<vmem>>, vector<16xf32>,
        %get3A_808 = arith.index_cast %scan3A_781 : i32 to index
        %get3A_809 = arith.constant 32 : index
        %get3A_810 = tpu.vector_load %arg19[%get3A_808, %get3A_809] {strides = array<i32>} : memref<40x128xf32, #tpu.memory_space<vmem>>, vector<16xf32>,
        %get3A_811 = arith.index_cast %scan3A_781 : i32 to index
        %get3A_812 = arith.constant 32 : index
        %get3A_813 = tpu.vector_load %arg23[%get3A_811, %get3A_812] {strides = array<i32>} : memref<40x128xf32, #tpu.memory_space<vmem>>, vector<16xf32>,
        %add3A_814 = arith.addf %get3A_810, %get3A_813 : vector<16xf32>
        %get3A_815 = arith.index_cast %scan3A_781 : i32 to index
        %get3A_816 = arith.constant 32 : index
        %get3A_817 = tpu.vector_load %arg26[%get3A_815, %get3A_816] {strides = array<i32>} : memref<40x128xf32, #tpu.memory_space<vmem>>, vector<16xf32>,
        %add3A_818 = arith.addf %add3A_814, %get3A_817 : vector<16xf32>
        %swap3A_819 = arith.index_cast %scan3A_781 : i32 to index
        %swap3A_820 = arith.constant 32 : index
        %swap3A_821 = tpu.vector_load %arg19[%swap3A_819, %swap3A_820] {strides = array<i32>} : memref<40x128xf32, #tpu.memory_space<vmem>>, vector<16xf32>,
        tpu.vector_store %arg19[%swap3A_819, %swap3A_820], %add3A_818 {strides = array<i32>} : memref<40x128xf32, #tpu.memory_space<vmem>>, vector<16xf32>,
        %get3A_822 = arith.index_cast %scan3A_781 : i32 to index
        %get3A_823 = arith.constant 48 : index
        %get3A_824 = tpu.vector_load %arg19[%get3A_822, %get3A_823] {strides = array<i32>} : memref<40x128xf32, #tpu.memory_space<vmem>>, vector<16xf32>,
        %get3A_825 = arith.index_cast %scan3A_781 : i32 to index
        %get3A_826 = arith.constant 48 : index
        %get3A_827 = tpu.vector_load %arg23[%get3A_825, %get3A_826] {strides = array<i32>} : memref<40x128xf32, #tpu.memory_space<vmem>>, vector<16xf32>,
        %add3A_828 = arith.addf %get3A_824, %get3A_827 : vector<16xf32>
        %get3A_829 = arith.index_cast %scan3A_781 : i32 to index
        %get3A_830 = arith.constant 48 : index
        %get3A_831 = tpu.vector_load %arg26[%get3A_829, %get3A_830] {strides = array<i32>} : memref<40x128xf32, #tpu.memory_space<vmem>>, vector<16xf32>,
        %add3A_832 = arith.addf %add3A_828, %get3A_831 : vector<16xf32>
        %swap3A_833 = arith.index_cast %scan3A_781 : i32 to index
        %swap3A_834 = arith.constant 48 : index
        %swap3A_835 = tpu.vector_load %arg19[%swap3A_833, %swap3A_834] {strides = array<i32>} : memref<40x128xf32, #tpu.memory_space<vmem>>, vector<16xf32>,
        tpu.vector_store %arg19[%swap3A_833, %swap3A_834], %add3A_832 {strides = array<i32>} : memref<40x128xf32, #tpu.memory_space<vmem>>, vector<16xf32>,
        %get3A_836 = arith.index_cast %scan3A_781 : i32 to index
        %get3A_837 = arith.constant 64 : index
        %get3A_838 = tpu.vector_load %arg19[%get3A_836, %get3A_837] {strides = array<i32>} : memref<40x128xf32, #tpu.memory_space<vmem>>, vector<16xf32>,
        %get3A_839 = arith.index_cast %scan3A_781 : i32 to index
        %get3A_840 = arith.constant 64 : index
        %get3A_841 = tpu.vector_load %arg23[%get3A_839, %get3A_840] {strides = array<i32>} : memref<40x128xf32, #tpu.memory_space<vmem>>, vector<16xf32>,
        %add3A_842 = arith.addf %get3A_838, %get3A_841 : vector<16xf32>
        %get3A_843 = arith.index_cast %scan3A_781 : i32 to index
        %get3A_844 = arith.constant 64 : index
        %get3A_845 = tpu.vector_load %arg26[%get3A_843, %get3A_844] {strides = array<i32>} : memref<40x128xf32, #tpu.memory_space<vmem>>, vector<16xf32>,
        %add3A_846 = arith.addf %add3A_842, %get3A_845 : vector<16xf32>
        %swap3A_847 = arith.index_cast %scan3A_781 : i32 to index
        %swap3A_848 = arith.constant 64 : index
        %swap3A_849 = tpu.vector_load %arg19[%swap3A_847, %swap3A_848] {strides = array<i32>} : memref<40x128xf32, #tpu.memory_space<vmem>>, vector<16xf32>,
        tpu.vector_store %arg19[%swap3A_847, %swap3A_848], %add3A_846 {strides = array<i32>} : memref<40x128xf32, #tpu.memory_space<vmem>>, vector<16xf32>,
        %get3A_850 = arith.index_cast %scan3A_781 : i32 to index
        %get3A_851 = arith.constant 80 : index
        %get3A_852 = tpu.vector_load %arg19[%get3A_850, %get3A_851] {strides = array<i32>} : memref<40x128xf32, #tpu.memory_space<vmem>>, vector<16xf32>,
        %get3A_853 = arith.index_cast %scan3A_781 : i32 to index
        %get3A_854 = arith.constant 80 : index
        %get3A_855 = tpu.vector_load %arg23[%get3A_853, %get3A_854] {strides = array<i32>} : memref<40x128xf32, #tpu.memory_space<vmem>>, vector<16xf32>,
        %add3A_856 = arith.addf %get3A_852, %get3A_855 : vector<16xf32>
        %get3A_857 = arith.index_cast %scan3A_781 : i32 to index
        %get3A_858 = arith.constant 80 : index
        %get3A_859 = tpu.vector_load %arg26[%get3A_857, %get3A_858] {strides = array<i32>} : memref<40x128xf32, #tpu.memory_space<vmem>>, vector<16xf32>,
        %add3A_860 = arith.addf %add3A_856, %get3A_859 : vector<16xf32>
        %swap3A_861 = arith.index_cast %scan3A_781 : i32 to index
        %swap3A_862 = arith.constant 80 : index
        %swap3A_863 = tpu.vector_load %arg19[%swap3A_861, %swap3A_862] {strides = array<i32>} : memref<40x128xf32, #tpu.memory_space<vmem>>, vector<16xf32>,
        tpu.vector_store %arg19[%swap3A_861, %swap3A_862], %add3A_860 {strides = array<i32>} : memref<40x128xf32, #tpu.memory_space<vmem>>, vector<16xf32>,
        %get3A_864 = arith.index_cast %scan3A_781 : i32 to index
        %get3A_865 = arith.constant 96 : index
        %get3A_866 = tpu.vector_load %arg19[%get3A_864, %get3A_865] {strides = array<i32>} : memref<40x128xf32, #tpu.memory_space<vmem>>, vector<16xf32>,
        %get3A_867 = arith.index_cast %scan3A_781 : i32 to index
        %get3A_868 = arith.constant 96 : index
        %get3A_869 = tpu.vector_load %arg23[%get3A_867, %get3A_868] {strides = array<i32>} : memref<40x128xf32, #tpu.memory_space<vmem>>, vector<16xf32>,
        %add3A_870 = arith.addf %get3A_866, %get3A_869 : vector<16xf32>
        %get3A_871 = arith.index_cast %scan3A_781 : i32 to index
        %get3A_872 = arith.constant 96 : index
        %get3A_873 = tpu.vector_load %arg26[%get3A_871, %get3A_872] {strides = array<i32>} : memref<40x128xf32, #tpu.memory_space<vmem>>, vector<16xf32>,
        %add3A_874 = arith.addf %add3A_870, %get3A_873 : vector<16xf32>
        %swap3A_875 = arith.index_cast %scan3A_781 : i32 to index
        %swap3A_876 = arith.constant 96 : index
        %swap3A_877 = tpu.vector_load %arg19[%swap3A_875, %swap3A_876] {strides = array<i32>} : memref<40x128xf32, #tpu.memory_space<vmem>>, vector<16xf32>,
        tpu.vector_store %arg19[%swap3A_875, %swap3A_876], %add3A_874 {strides = array<i32>} : memref<40x128xf32, #tpu.memory_space<vmem>>, vector<16xf32>,
        %get3A_878 = arith.index_cast %scan3A_781 : i32 to index
        %get3A_879 = arith.constant 112 : index
        %get3A_880 = tpu.vector_load %arg19[%get3A_878, %get3A_879] {strides = array<i32>} : memref<40x128xf32, #tpu.memory_space<vmem>>, vector<16xf32>,
        %get3A_881 = arith.index_cast %scan3A_781 : i32 to index
        %get3A_882 = arith.constant 112 : index
        %get3A_883 = tpu.vector_load %arg23[%get3A_881, %get3A_882] {strides = array<i32>} : memref<40x128xf32, #tpu.memory_space<vmem>>, vector<16xf32>,
        %add3A_884 = arith.addf %get3A_880, %get3A_883 : vector<16xf32>
        %get3A_885 = arith.index_cast %scan3A_781 : i32 to index
        %get3A_886 = arith.constant 112 : index
        %get3A_887 = tpu.vector_load %arg26[%get3A_885, %get3A_886] {strides = array<i32>} : memref<40x128xf32, #tpu.memory_space<vmem>>, vector<16xf32>,
        %add3A_888 = arith.addf %add3A_884, %get3A_887 : vector<16xf32>
        %swap3A_889 = arith.index_cast %scan3A_781 : i32 to index
        %swap3A_890 = arith.constant 112 : index
        %swap3A_891 = tpu.vector_load %arg19[%swap3A_889, %swap3A_890] {strides = array<i32>} : memref<40x128xf32, #tpu.memory_space<vmem>>, vector<16xf32>,
        tpu.vector_store %arg19[%swap3A_889, %swap3A_890], %add3A_888 {strides = array<i32>} : memref<40x128xf32, #tpu.memory_space<vmem>>, vector<16xf32>,
      }
      %scan3A_776 = arith.constant 40 : i32
      "tpu.trace_stop"() : () -> ()
      %dma_start3A_777 = arith.constant 0 : i32
      %dma_start3A_778 = tpu.memref_slice %arg6[%add3A_647, %dma_start3A_777] : memref<10000x128xf32, #tpu.memory_space<hbm>> -> memref<40x128xf32, #tpu.memory_space<hbm>>
      %dma_start3A_779 = arith.constant 0 : i32
      %dma_start3A_780 = tpu.memref_slice %arg6[%add3A_647, %dma_start3A_779] : memref<10000x128xf32, #tpu.memory_space<hbm>> -> memref<40x128xf32, #tpu.memory_space<hbm>>
      tpu.enqueue_dma source(%arg19 : memref<40x128xf32, #tpu.memory_space<vmem>>) target(%dma_start3A_780 : memref<40x128xf32, #tpu.memory_space<hbm>>) target_semaphore(%arg44 : memref<!tpu.dma_semaphore, #tpu.memory_space<semaphore_mem>>)
    } else {
    }
    %add3A_653 = arith.constant 200 : i32
    %add3A_654 = arith.addi %mul3A_5, %add3A_653 : i32
    %lt3A_655 = arith.constant 10000 : i32
    %lt3A_656 = arith.cmpi slt, %add3A_654, %lt3A_655 : i32
    %convert_element_type3A_657 = arith.extui %lt3A_656 : i1 to i32
    %cond3A_658 = arith.constant 0 : i32
    %cond3A_659 = arith.cmpi ne, %convert_element_type3A_657, %cond3A_658 : i32
    scf.if %cond3A_659 {
      %dma_start3A_758 = arith.constant 200 : i32
      %dma_start3A_759 = tpu.memref_slice %arg15[%dma_start3A_758] : memref<320xi32, #tpu.memory_space<vmem>> -> memref<40xi32, #tpu.memory_space<vmem>>
      %dma_start3A_760 = arith.constant 0 : i32
      %dma_start3A_761 = arith.constant 0 : i32
      %dma_start3A_762 = tpu.memref_slice %arg13[%dma_start3A_760, %dma_start3A_761] : memref<512x128xf32, #tpu.memory_space<vmem_shared>> -> memref<512x128xf32, #tpu.memory_space<vmem_shared>>
      tpu.enqueue_indirect_dma source(%dma_start3A_762 : memref<512x128xf32, #tpu.memory_space<vmem_shared>>) target(%arg23 : memref<40x128xf32, #tpu.memory_space<vmem>>) offsets(%dma_start3A_759 : memref<40xi32, #tpu.memory_space<vmem>>) semaphore(%arg38 : memref<!tpu.dma_semaphore, #tpu.memory_space<semaphore_mem>>)
      %dma_start3A_763 = arith.constant 200 : i32
      %dma_start3A_764 = tpu.memref_slice %arg16[%dma_start3A_763] : memref<320xi32, #tpu.memory_space<vmem>> -> memref<40xi32, #tpu.memory_space<vmem>>
      %dma_start3A_765 = arith.constant 0 : i32
      %dma_start3A_766 = arith.constant 0 : i32
      %dma_start3A_767 = tpu.memref_slice %arg13[%dma_start3A_765, %dma_start3A_766] : memref<512x128xf32, #tpu.memory_space<vmem_shared>> -> memref<512x128xf32, #tpu.memory_space<vmem_shared>>
      tpu.enqueue_indirect_dma source(%dma_start3A_767 : memref<512x128xf32, #tpu.memory_space<vmem_shared>>) target(%arg26 : memref<40x128xf32, #tpu.memory_space<vmem>>) offsets(%dma_start3A_764 : memref<40xi32, #tpu.memory_space<vmem>>) semaphore(%arg41 : memref<!tpu.dma_semaphore, #tpu.memory_space<semaphore_mem>>)
    } else {
    }
    %add3A_660 = arith.constant 200 : i32
    %add3A_661 = arith.addi %mul3A_5, %add3A_660 : i32
    %lt3A_662 = arith.constant 10000 : i32
    %lt3A_663 = arith.cmpi slt, %add3A_661, %lt3A_662 : i32
    %convert_element_type3A_664 = arith.extui %lt3A_663 : i1 to i32
    %cond3A_665 = arith.constant 0 : i32
    %cond3A_666 = arith.cmpi ne, %convert_element_type3A_664, %cond3A_665 : i32
    scf.if %cond3A_666 {
      %add3A_758 = arith.constant 40 : i32
      %add3A_759 = arith.addi %mul3A_5, %add3A_758 : i32
      %dma_wait3A_760 = arith.constant 0 : i32
      %dma_wait3A_761 = tpu.memref_slice %arg6[%add3A_759, %dma_wait3A_760] : memref<10000x128xf32, #tpu.memory_space<hbm>> -> memref<40x128xf32, #tpu.memory_space<hbm>>
      %dma_wait3A_762 = arith.constant 0 : i32
      %dma_wait3A_763 = tpu.memref_slice %arg6[%add3A_759, %dma_wait3A_762] : memref<10000x128xf32, #tpu.memory_space<hbm>> -> memref<40x128xf32, #tpu.memory_space<hbm>>
      tpu.wait_dma2 semaphore(%arg43 : memref<!tpu.dma_semaphore, #tpu.memory_space<semaphore_mem>>) src(%arg18 : memref<40x128xf32, #tpu.memory_space<vmem>>) dst(%dma_wait3A_763 : memref<40x128xf32, #tpu.memory_space<hbm>>)
      %dma_start3A_764 = arith.constant 0 : i32
      %dma_start3A_765 = tpu.memref_slice %arg2[%add3A_661, %dma_start3A_764] : memref<10000x128xf32, #tpu.memory_space<hbm>> -> memref<40x128xf32, #tpu.memory_space<hbm>>
      %dma_start3A_766 = arith.constant 0 : i32
      %dma_start3A_767 = tpu.memref_slice %arg2[%add3A_661, %dma_start3A_766] : memref<10000x128xf32, #tpu.memory_space<hbm>> -> memref<40x128xf32, #tpu.memory_space<hbm>>
      tpu.enqueue_dma source(%dma_start3A_767 : memref<40x128xf32, #tpu.memory_space<hbm>>) target(%arg18 : memref<40x128xf32, #tpu.memory_space<vmem>>) target_semaphore(%arg33 : memref<!tpu.dma_semaphore, #tpu.memory_space<semaphore_mem>>)
    } else {
    }
    %add3A_667 = arith.constant 120 : i32
    %add3A_668 = arith.addi %mul3A_5, %add3A_667 : i32
    %lt3A_669 = arith.constant 10000 : i32
    %lt3A_670 = arith.cmpi slt, %add3A_668, %lt3A_669 : i32
    %convert_element_type3A_671 = arith.extui %lt3A_670 : i1 to i32
    %cond3A_672 = arith.constant 0 : i32
    %cond3A_673 = arith.cmpi ne, %convert_element_type3A_671, %cond3A_672 : i32
    scf.if %cond3A_673 {
      "tpu.trace_start"() <{level = 10 : i32, message = "p2_waitx"}> : () -> ()
      %dma_wait3A_758 = arith.constant 0 : i32
      %dma_wait3A_759 = tpu.memref_slice %arg2[%add3A_668, %dma_wait3A_758] : memref<10000x128xf32, #tpu.memory_space<hbm>> -> memref<40x128xf32, #tpu.memory_space<hbm>>
      %dma_wait3A_760 = arith.constant 0 : i32
      %dma_wait3A_761 = tpu.memref_slice %arg2[%add3A_668, %dma_wait3A_760] : memref<10000x128xf32, #tpu.memory_space<hbm>> -> memref<40x128xf32, #tpu.memory_space<hbm>>
      tpu.wait_dma2 semaphore(%arg35 : memref<!tpu.dma_semaphore, #tpu.memory_space<semaphore_mem>>) src(%dma_wait3A_761 : memref<40x128xf32, #tpu.memory_space<hbm>>) dst(%arg20 : memref<40x128xf32, #tpu.memory_space<vmem>>)
      "tpu.trace_stop"() : () -> ()
      "tpu.trace_start"() <{level = 10 : i32, message = "p2_waitz"}> : () -> ()
      %dma_wait3A_762 = arith.constant 120 : i32
      %dma_wait3A_763 = tpu.memref_slice %arg15[%dma_wait3A_762] : memref<320xi32, #tpu.memory_space<vmem>> -> memref<40xi32, #tpu.memory_space<vmem>>
      %dma_wait3A_764 = arith.constant 0 : i32
      %dma_wait3A_765 = arith.constant 0 : i32
      %dma_wait3A_766 = tpu.memref_slice %arg13[%dma_wait3A_764, %dma_wait3A_765] : memref<512x128xf32, #tpu.memory_space<vmem_shared>> -> memref<512x128xf32, #tpu.memory_space<vmem_shared>>
      tpu.wait_indirect_dma semaphore(%arg36 : memref<!tpu.dma_semaphore, #tpu.memory_space<semaphore_mem>>) src(%dma_wait3A_766 : memref<512x128xf32, #tpu.memory_space<vmem_shared>>) dst(%arg21 : memref<40x128xf32, #tpu.memory_space<vmem>>)
      %dma_wait3A_767 = arith.constant 120 : i32
      %dma_wait3A_768 = tpu.memref_slice %arg16[%dma_wait3A_767] : memref<320xi32, #tpu.memory_space<vmem>> -> memref<40xi32, #tpu.memory_space<vmem>>
      %dma_wait3A_769 = arith.constant 0 : i32
      %dma_wait3A_770 = arith.constant 0 : i32
      %dma_wait3A_771 = tpu.memref_slice %arg13[%dma_wait3A_769, %dma_wait3A_770] : memref<512x128xf32, #tpu.memory_space<vmem_shared>> -> memref<512x128xf32, #tpu.memory_space<vmem_shared>>
      tpu.wait_indirect_dma semaphore(%arg39 : memref<!tpu.dma_semaphore, #tpu.memory_space<semaphore_mem>>) src(%dma_wait3A_771 : memref<512x128xf32, #tpu.memory_space<vmem_shared>>) dst(%arg24 : memref<40x128xf32, #tpu.memory_space<vmem>>)
      "tpu.trace_stop"() : () -> ()
      "tpu.trace_start"() <{level = 10 : i32, message = "p2_add"}> : () -> ()
      %scan3A_772 = arith.constant 0 : i32
      %scan3A_773 = arith.constant 40 : i32
      %scan3A_774 = arith.addi %scan3A_772, %scan3A_773 : i32
      %scan3A_775 = arith.constant 1 : i32
      scf.for %scan3A_781 = %scan3A_772 to %scan3A_774 step %scan3A_775  : i32 {
        %get3A = arith.index_cast %scan3A_781 : i32 to index
        %get3A_782 = arith.constant 0 : index
        %get3A_783 = tpu.vector_load %arg20[%get3A, %get3A_782] {strides = array<i32>} : memref<40x128xf32, #tpu.memory_space<vmem>>, vector<16xf32>,
        %get3A_784 = arith.index_cast %scan3A_781 : i32 to index
        %get3A_785 = arith.constant 0 : index
        %get3A_786 = tpu.vector_load %arg21[%get3A_784, %get3A_785] {strides = array<i32>} : memref<40x128xf32, #tpu.memory_space<vmem>>, vector<16xf32>,
        %add3A_787 = arith.addf %get3A_783, %get3A_786 : vector<16xf32>
        %get3A_788 = arith.index_cast %scan3A_781 : i32 to index
        %get3A_789 = arith.constant 0 : index
        %get3A_790 = tpu.vector_load %arg24[%get3A_788, %get3A_789] {strides = array<i32>} : memref<40x128xf32, #tpu.memory_space<vmem>>, vector<16xf32>,
        %add3A_791 = arith.addf %add3A_787, %get3A_790 : vector<16xf32>
        %swap3A = arith.index_cast %scan3A_781 : i32 to index
        %swap3A_792 = arith.constant 0 : index
        %swap3A_793 = tpu.vector_load %arg20[%swap3A, %swap3A_792] {strides = array<i32>} : memref<40x128xf32, #tpu.memory_space<vmem>>, vector<16xf32>,
        tpu.vector_store %arg20[%swap3A, %swap3A_792], %add3A_791 {strides = array<i32>} : memref<40x128xf32, #tpu.memory_space<vmem>>, vector<16xf32>,
        %get3A_794 = arith.index_cast %scan3A_781 : i32 to index
        %get3A_795 = arith.constant 16 : index
        %get3A_796 = tpu.vector_load %arg20[%get3A_794, %get3A_795] {strides = array<i32>} : memref<40x128xf32, #tpu.memory_space<vmem>>, vector<16xf32>,
        %get3A_797 = arith.index_cast %scan3A_781 : i32 to index
        %get3A_798 = arith.constant 16 : index
        %get3A_799 = tpu.vector_load %arg21[%get3A_797, %get3A_798] {strides = array<i32>} : memref<40x128xf32, #tpu.memory_space<vmem>>, vector<16xf32>,
        %add3A_800 = arith.addf %get3A_796, %get3A_799 : vector<16xf32>
        %get3A_801 = arith.index_cast %scan3A_781 : i32 to index
        %get3A_802 = arith.constant 16 : index
        %get3A_803 = tpu.vector_load %arg24[%get3A_801, %get3A_802] {strides = array<i32>} : memref<40x128xf32, #tpu.memory_space<vmem>>, vector<16xf32>,
        %add3A_804 = arith.addf %add3A_800, %get3A_803 : vector<16xf32>
        %swap3A_805 = arith.index_cast %scan3A_781 : i32 to index
        %swap3A_806 = arith.constant 16 : index
        %swap3A_807 = tpu.vector_load %arg20[%swap3A_805, %swap3A_806] {strides = array<i32>} : memref<40x128xf32, #tpu.memory_space<vmem>>, vector<16xf32>,
        tpu.vector_store %arg20[%swap3A_805, %swap3A_806], %add3A_804 {strides = array<i32>} : memref<40x128xf32, #tpu.memory_space<vmem>>, vector<16xf32>,
        %get3A_808 = arith.index_cast %scan3A_781 : i32 to index
        %get3A_809 = arith.constant 32 : index
        %get3A_810 = tpu.vector_load %arg20[%get3A_808, %get3A_809] {strides = array<i32>} : memref<40x128xf32, #tpu.memory_space<vmem>>, vector<16xf32>,
        %get3A_811 = arith.index_cast %scan3A_781 : i32 to index
        %get3A_812 = arith.constant 32 : index
        %get3A_813 = tpu.vector_load %arg21[%get3A_811, %get3A_812] {strides = array<i32>} : memref<40x128xf32, #tpu.memory_space<vmem>>, vector<16xf32>,
        %add3A_814 = arith.addf %get3A_810, %get3A_813 : vector<16xf32>
        %get3A_815 = arith.index_cast %scan3A_781 : i32 to index
        %get3A_816 = arith.constant 32 : index
        %get3A_817 = tpu.vector_load %arg24[%get3A_815, %get3A_816] {strides = array<i32>} : memref<40x128xf32, #tpu.memory_space<vmem>>, vector<16xf32>,
        %add3A_818 = arith.addf %add3A_814, %get3A_817 : vector<16xf32>
        %swap3A_819 = arith.index_cast %scan3A_781 : i32 to index
        %swap3A_820 = arith.constant 32 : index
        %swap3A_821 = tpu.vector_load %arg20[%swap3A_819, %swap3A_820] {strides = array<i32>} : memref<40x128xf32, #tpu.memory_space<vmem>>, vector<16xf32>,
        tpu.vector_store %arg20[%swap3A_819, %swap3A_820], %add3A_818 {strides = array<i32>} : memref<40x128xf32, #tpu.memory_space<vmem>>, vector<16xf32>,
        %get3A_822 = arith.index_cast %scan3A_781 : i32 to index
        %get3A_823 = arith.constant 48 : index
        %get3A_824 = tpu.vector_load %arg20[%get3A_822, %get3A_823] {strides = array<i32>} : memref<40x128xf32, #tpu.memory_space<vmem>>, vector<16xf32>,
        %get3A_825 = arith.index_cast %scan3A_781 : i32 to index
        %get3A_826 = arith.constant 48 : index
        %get3A_827 = tpu.vector_load %arg21[%get3A_825, %get3A_826] {strides = array<i32>} : memref<40x128xf32, #tpu.memory_space<vmem>>, vector<16xf32>,
        %add3A_828 = arith.addf %get3A_824, %get3A_827 : vector<16xf32>
        %get3A_829 = arith.index_cast %scan3A_781 : i32 to index
        %get3A_830 = arith.constant 48 : index
        %get3A_831 = tpu.vector_load %arg24[%get3A_829, %get3A_830] {strides = array<i32>} : memref<40x128xf32, #tpu.memory_space<vmem>>, vector<16xf32>,
        %add3A_832 = arith.addf %add3A_828, %get3A_831 : vector<16xf32>
        %swap3A_833 = arith.index_cast %scan3A_781 : i32 to index
        %swap3A_834 = arith.constant 48 : index
        %swap3A_835 = tpu.vector_load %arg20[%swap3A_833, %swap3A_834] {strides = array<i32>} : memref<40x128xf32, #tpu.memory_space<vmem>>, vector<16xf32>,
        tpu.vector_store %arg20[%swap3A_833, %swap3A_834], %add3A_832 {strides = array<i32>} : memref<40x128xf32, #tpu.memory_space<vmem>>, vector<16xf32>,
        %get3A_836 = arith.index_cast %scan3A_781 : i32 to index
        %get3A_837 = arith.constant 64 : index
        %get3A_838 = tpu.vector_load %arg20[%get3A_836, %get3A_837] {strides = array<i32>} : memref<40x128xf32, #tpu.memory_space<vmem>>, vector<16xf32>,
        %get3A_839 = arith.index_cast %scan3A_781 : i32 to index
        %get3A_840 = arith.constant 64 : index
        %get3A_841 = tpu.vector_load %arg21[%get3A_839, %get3A_840] {strides = array<i32>} : memref<40x128xf32, #tpu.memory_space<vmem>>, vector<16xf32>,
        %add3A_842 = arith.addf %get3A_838, %get3A_841 : vector<16xf32>
        %get3A_843 = arith.index_cast %scan3A_781 : i32 to index
        %get3A_844 = arith.constant 64 : index
        %get3A_845 = tpu.vector_load %arg24[%get3A_843, %get3A_844] {strides = array<i32>} : memref<40x128xf32, #tpu.memory_space<vmem>>, vector<16xf32>,
        %add3A_846 = arith.addf %add3A_842, %get3A_845 : vector<16xf32>
        %swap3A_847 = arith.index_cast %scan3A_781 : i32 to index
        %swap3A_848 = arith.constant 64 : index
        %swap3A_849 = tpu.vector_load %arg20[%swap3A_847, %swap3A_848] {strides = array<i32>} : memref<40x128xf32, #tpu.memory_space<vmem>>, vector<16xf32>,
        tpu.vector_store %arg20[%swap3A_847, %swap3A_848], %add3A_846 {strides = array<i32>} : memref<40x128xf32, #tpu.memory_space<vmem>>, vector<16xf32>,
        %get3A_850 = arith.index_cast %scan3A_781 : i32 to index
        %get3A_851 = arith.constant 80 : index
        %get3A_852 = tpu.vector_load %arg20[%get3A_850, %get3A_851] {strides = array<i32>} : memref<40x128xf32, #tpu.memory_space<vmem>>, vector<16xf32>,
        %get3A_853 = arith.index_cast %scan3A_781 : i32 to index
        %get3A_854 = arith.constant 80 : index
        %get3A_855 = tpu.vector_load %arg21[%get3A_853, %get3A_854] {strides = array<i32>} : memref<40x128xf32, #tpu.memory_space<vmem>>, vector<16xf32>,
        %add3A_856 = arith.addf %get3A_852, %get3A_855 : vector<16xf32>
        %get3A_857 = arith.index_cast %scan3A_781 : i32 to index
        %get3A_858 = arith.constant 80 : index
        %get3A_859 = tpu.vector_load %arg24[%get3A_857, %get3A_858] {strides = array<i32>} : memref<40x128xf32, #tpu.memory_space<vmem>>, vector<16xf32>,
        %add3A_860 = arith.addf %add3A_856, %get3A_859 : vector<16xf32>
        %swap3A_861 = arith.index_cast %scan3A_781 : i32 to index
        %swap3A_862 = arith.constant 80 : index
        %swap3A_863 = tpu.vector_load %arg20[%swap3A_861, %swap3A_862] {strides = array<i32>} : memref<40x128xf32, #tpu.memory_space<vmem>>, vector<16xf32>,
        tpu.vector_store %arg20[%swap3A_861, %swap3A_862], %add3A_860 {strides = array<i32>} : memref<40x128xf32, #tpu.memory_space<vmem>>, vector<16xf32>,
        %get3A_864 = arith.index_cast %scan3A_781 : i32 to index
        %get3A_865 = arith.constant 96 : index
        %get3A_866 = tpu.vector_load %arg20[%get3A_864, %get3A_865] {strides = array<i32>} : memref<40x128xf32, #tpu.memory_space<vmem>>, vector<16xf32>,
        %get3A_867 = arith.index_cast %scan3A_781 : i32 to index
        %get3A_868 = arith.constant 96 : index
        %get3A_869 = tpu.vector_load %arg21[%get3A_867, %get3A_868] {strides = array<i32>} : memref<40x128xf32, #tpu.memory_space<vmem>>, vector<16xf32>,
        %add3A_870 = arith.addf %get3A_866, %get3A_869 : vector<16xf32>
        %get3A_871 = arith.index_cast %scan3A_781 : i32 to index
        %get3A_872 = arith.constant 96 : index
        %get3A_873 = tpu.vector_load %arg24[%get3A_871, %get3A_872] {strides = array<i32>} : memref<40x128xf32, #tpu.memory_space<vmem>>, vector<16xf32>,
        %add3A_874 = arith.addf %add3A_870, %get3A_873 : vector<16xf32>
        %swap3A_875 = arith.index_cast %scan3A_781 : i32 to index
        %swap3A_876 = arith.constant 96 : index
        %swap3A_877 = tpu.vector_load %arg20[%swap3A_875, %swap3A_876] {strides = array<i32>} : memref<40x128xf32, #tpu.memory_space<vmem>>, vector<16xf32>,
        tpu.vector_store %arg20[%swap3A_875, %swap3A_876], %add3A_874 {strides = array<i32>} : memref<40x128xf32, #tpu.memory_space<vmem>>, vector<16xf32>,
        %get3A_878 = arith.index_cast %scan3A_781 : i32 to index
        %get3A_879 = arith.constant 112 : index
        %get3A_880 = tpu.vector_load %arg20[%get3A_878, %get3A_879] {strides = array<i32>} : memref<40x128xf32, #tpu.memory_space<vmem>>, vector<16xf32>,
        %get3A_881 = arith.index_cast %scan3A_781 : i32 to index
        %get3A_882 = arith.constant 112 : index
        %get3A_883 = tpu.vector_load %arg21[%get3A_881, %get3A_882] {strides = array<i32>} : memref<40x128xf32, #tpu.memory_space<vmem>>, vector<16xf32>,
        %add3A_884 = arith.addf %get3A_880, %get3A_883 : vector<16xf32>
        %get3A_885 = arith.index_cast %scan3A_781 : i32 to index
        %get3A_886 = arith.constant 112 : index
        %get3A_887 = tpu.vector_load %arg24[%get3A_885, %get3A_886] {strides = array<i32>} : memref<40x128xf32, #tpu.memory_space<vmem>>, vector<16xf32>,
        %add3A_888 = arith.addf %add3A_884, %get3A_887 : vector<16xf32>
        %swap3A_889 = arith.index_cast %scan3A_781 : i32 to index
        %swap3A_890 = arith.constant 112 : index
        %swap3A_891 = tpu.vector_load %arg20[%swap3A_889, %swap3A_890] {strides = array<i32>} : memref<40x128xf32, #tpu.memory_space<vmem>>, vector<16xf32>,
        tpu.vector_store %arg20[%swap3A_889, %swap3A_890], %add3A_888 {strides = array<i32>} : memref<40x128xf32, #tpu.memory_space<vmem>>, vector<16xf32>,
      }
      %scan3A_776 = arith.constant 40 : i32
      "tpu.trace_stop"() : () -> ()
      %dma_start3A_777 = arith.constant 0 : i32
      %dma_start3A_778 = tpu.memref_slice %arg6[%add3A_668, %dma_start3A_777] : memref<10000x128xf32, #tpu.memory_space<hbm>> -> memref<40x128xf32, #tpu.memory_space<hbm>>
      %dma_start3A_779 = arith.constant 0 : i32
      %dma_start3A_780 = tpu.memref_slice %arg6[%add3A_668, %dma_start3A_779] : memref<10000x128xf32, #tpu.memory_space<hbm>> -> memref<40x128xf32, #tpu.memory_space<hbm>>
      tpu.enqueue_dma source(%arg20 : memref<40x128xf32, #tpu.memory_space<vmem>>) target(%dma_start3A_780 : memref<40x128xf32, #tpu.memory_space<hbm>>) target_semaphore(%arg45 : memref<!tpu.dma_semaphore, #tpu.memory_space<semaphore_mem>>)
    } else {
    }
    %add3A_674 = arith.constant 240 : i32
    %add3A_675 = arith.addi %mul3A_5, %add3A_674 : i32
    %lt3A_676 = arith.constant 10000 : i32
    %lt3A_677 = arith.cmpi slt, %add3A_675, %lt3A_676 : i32
    %convert_element_type3A_678 = arith.extui %lt3A_677 : i1 to i32
    %cond3A_679 = arith.constant 0 : i32
    %cond3A_680 = arith.cmpi ne, %convert_element_type3A_678, %cond3A_679 : i32
    scf.if %cond3A_680 {
      %dma_start3A_758 = arith.constant 240 : i32
      %dma_start3A_759 = tpu.memref_slice %arg15[%dma_start3A_758] : memref<320xi32, #tpu.memory_space<vmem>> -> memref<40xi32, #tpu.memory_space<vmem>>
      %dma_start3A_760 = arith.constant 0 : i32
      %dma_start3A_761 = arith.constant 0 : i32
      %dma_start3A_762 = tpu.memref_slice %arg13[%dma_start3A_760, %dma_start3A_761] : memref<512x128xf32, #tpu.memory_space<vmem_shared>> -> memref<512x128xf32, #tpu.memory_space<vmem_shared>>
      tpu.enqueue_indirect_dma source(%dma_start3A_762 : memref<512x128xf32, #tpu.memory_space<vmem_shared>>) target(%arg21 : memref<40x128xf32, #tpu.memory_space<vmem>>) offsets(%dma_start3A_759 : memref<40xi32, #tpu.memory_space<vmem>>) semaphore(%arg36 : memref<!tpu.dma_semaphore, #tpu.memory_space<semaphore_mem>>)
      %dma_start3A_763 = arith.constant 240 : i32
      %dma_start3A_764 = tpu.memref_slice %arg16[%dma_start3A_763] : memref<320xi32, #tpu.memory_space<vmem>> -> memref<40xi32, #tpu.memory_space<vmem>>
      %dma_start3A_765 = arith.constant 0 : i32
      %dma_start3A_766 = arith.constant 0 : i32
      %dma_start3A_767 = tpu.memref_slice %arg13[%dma_start3A_765, %dma_start3A_766] : memref<512x128xf32, #tpu.memory_space<vmem_shared>> -> memref<512x128xf32, #tpu.memory_space<vmem_shared>>
      tpu.enqueue_indirect_dma source(%dma_start3A_767 : memref<512x128xf32, #tpu.memory_space<vmem_shared>>) target(%arg24 : memref<40x128xf32, #tpu.memory_space<vmem>>) offsets(%dma_start3A_764 : memref<40xi32, #tpu.memory_space<vmem>>) semaphore(%arg39 : memref<!tpu.dma_semaphore, #tpu.memory_space<semaphore_mem>>)
    } else {
    }
    %add3A_681 = arith.constant 240 : i32
    %add3A_682 = arith.addi %mul3A_5, %add3A_681 : i32
    %lt3A_683 = arith.constant 10000 : i32
    %lt3A_684 = arith.cmpi slt, %add3A_682, %lt3A_683 : i32
    %convert_element_type3A_685 = arith.extui %lt3A_684 : i1 to i32
    %cond3A_686 = arith.constant 0 : i32
    %cond3A_687 = arith.cmpi ne, %convert_element_type3A_685, %cond3A_686 : i32
    scf.if %cond3A_687 {
      %add3A_758 = arith.constant 80 : i32
      %add3A_759 = arith.addi %mul3A_5, %add3A_758 : i32
      %dma_wait3A_760 = arith.constant 0 : i32
      %dma_wait3A_761 = tpu.memref_slice %arg6[%add3A_759, %dma_wait3A_760] : memref<10000x128xf32, #tpu.memory_space<hbm>> -> memref<40x128xf32, #tpu.memory_space<hbm>>
      %dma_wait3A_762 = arith.constant 0 : i32
      %dma_wait3A_763 = tpu.memref_slice %arg6[%add3A_759, %dma_wait3A_762] : memref<10000x128xf32, #tpu.memory_space<hbm>> -> memref<40x128xf32, #tpu.memory_space<hbm>>
      tpu.wait_dma2 semaphore(%arg44 : memref<!tpu.dma_semaphore, #tpu.memory_space<semaphore_mem>>) src(%arg19 : memref<40x128xf32, #tpu.memory_space<vmem>>) dst(%dma_wait3A_763 : memref<40x128xf32, #tpu.memory_space<hbm>>)
      %dma_start3A_764 = arith.constant 0 : i32
      %dma_start3A_765 = tpu.memref_slice %arg2[%add3A_682, %dma_start3A_764] : memref<10000x128xf32, #tpu.memory_space<hbm>> -> memref<40x128xf32, #tpu.memory_space<hbm>>
      %dma_start3A_766 = arith.constant 0 : i32
      %dma_start3A_767 = tpu.memref_slice %arg2[%add3A_682, %dma_start3A_766] : memref<10000x128xf32, #tpu.memory_space<hbm>> -> memref<40x128xf32, #tpu.memory_space<hbm>>
      tpu.enqueue_dma source(%dma_start3A_767 : memref<40x128xf32, #tpu.memory_space<hbm>>) target(%arg19 : memref<40x128xf32, #tpu.memory_space<vmem>>) target_semaphore(%arg34 : memref<!tpu.dma_semaphore, #tpu.memory_space<semaphore_mem>>)
    } else {
    }
    %add3A_688 = arith.constant 160 : i32
    %add3A_689 = arith.addi %mul3A_5, %add3A_688 : i32
    %lt3A_690 = arith.constant 10000 : i32
    %lt3A_691 = arith.cmpi slt, %add3A_689, %lt3A_690 : i32
    %convert_element_type3A_692 = arith.extui %lt3A_691 : i1 to i32
    %cond3A_693 = arith.constant 0 : i32
    %cond3A_694 = arith.cmpi ne, %convert_element_type3A_692, %cond3A_693 : i32
    scf.if %cond3A_694 {
      "tpu.trace_start"() <{level = 10 : i32, message = "p2_waitx"}> : () -> ()
      %dma_wait3A_758 = arith.constant 0 : i32
      %dma_wait3A_759 = tpu.memref_slice %arg2[%add3A_689, %dma_wait3A_758] : memref<10000x128xf32, #tpu.memory_space<hbm>> -> memref<40x128xf32, #tpu.memory_space<hbm>>
      %dma_wait3A_760 = arith.constant 0 : i32
      %dma_wait3A_761 = tpu.memref_slice %arg2[%add3A_689, %dma_wait3A_760] : memref<10000x128xf32, #tpu.memory_space<hbm>> -> memref<40x128xf32, #tpu.memory_space<hbm>>
      tpu.wait_dma2 semaphore(%arg32 : memref<!tpu.dma_semaphore, #tpu.memory_space<semaphore_mem>>) src(%dma_wait3A_761 : memref<40x128xf32, #tpu.memory_space<hbm>>) dst(%arg17 : memref<40x128xf32, #tpu.memory_space<vmem>>)
      "tpu.trace_stop"() : () -> ()
      "tpu.trace_start"() <{level = 10 : i32, message = "p2_waitz"}> : () -> ()
      %dma_wait3A_762 = arith.constant 160 : i32
      %dma_wait3A_763 = tpu.memref_slice %arg15[%dma_wait3A_762] : memref<320xi32, #tpu.memory_space<vmem>> -> memref<40xi32, #tpu.memory_space<vmem>>
      %dma_wait3A_764 = arith.constant 0 : i32
      %dma_wait3A_765 = arith.constant 0 : i32
      %dma_wait3A_766 = tpu.memref_slice %arg13[%dma_wait3A_764, %dma_wait3A_765] : memref<512x128xf32, #tpu.memory_space<vmem_shared>> -> memref<512x128xf32, #tpu.memory_space<vmem_shared>>
      tpu.wait_indirect_dma semaphore(%arg37 : memref<!tpu.dma_semaphore, #tpu.memory_space<semaphore_mem>>) src(%dma_wait3A_766 : memref<512x128xf32, #tpu.memory_space<vmem_shared>>) dst(%arg22 : memref<40x128xf32, #tpu.memory_space<vmem>>)
      %dma_wait3A_767 = arith.constant 160 : i32
      %dma_wait3A_768 = tpu.memref_slice %arg16[%dma_wait3A_767] : memref<320xi32, #tpu.memory_space<vmem>> -> memref<40xi32, #tpu.memory_space<vmem>>
      %dma_wait3A_769 = arith.constant 0 : i32
      %dma_wait3A_770 = arith.constant 0 : i32
      %dma_wait3A_771 = tpu.memref_slice %arg13[%dma_wait3A_769, %dma_wait3A_770] : memref<512x128xf32, #tpu.memory_space<vmem_shared>> -> memref<512x128xf32, #tpu.memory_space<vmem_shared>>
      tpu.wait_indirect_dma semaphore(%arg40 : memref<!tpu.dma_semaphore, #tpu.memory_space<semaphore_mem>>) src(%dma_wait3A_771 : memref<512x128xf32, #tpu.memory_space<vmem_shared>>) dst(%arg25 : memref<40x128xf32, #tpu.memory_space<vmem>>)
      "tpu.trace_stop"() : () -> ()
      "tpu.trace_start"() <{level = 10 : i32, message = "p2_add"}> : () -> ()
      %scan3A_772 = arith.constant 0 : i32
      %scan3A_773 = arith.constant 40 : i32
      %scan3A_774 = arith.addi %scan3A_772, %scan3A_773 : i32
      %scan3A_775 = arith.constant 1 : i32
      scf.for %scan3A_781 = %scan3A_772 to %scan3A_774 step %scan3A_775  : i32 {
        %get3A = arith.index_cast %scan3A_781 : i32 to index
        %get3A_782 = arith.constant 0 : index
        %get3A_783 = tpu.vector_load %arg17[%get3A, %get3A_782] {strides = array<i32>} : memref<40x128xf32, #tpu.memory_space<vmem>>, vector<16xf32>,
        %get3A_784 = arith.index_cast %scan3A_781 : i32 to index
        %get3A_785 = arith.constant 0 : index
        %get3A_786 = tpu.vector_load %arg22[%get3A_784, %get3A_785] {strides = array<i32>} : memref<40x128xf32, #tpu.memory_space<vmem>>, vector<16xf32>,
        %add3A_787 = arith.addf %get3A_783, %get3A_786 : vector<16xf32>
        %get3A_788 = arith.index_cast %scan3A_781 : i32 to index
        %get3A_789 = arith.constant 0 : index
        %get3A_790 = tpu.vector_load %arg25[%get3A_788, %get3A_789] {strides = array<i32>} : memref<40x128xf32, #tpu.memory_space<vmem>>, vector<16xf32>,
        %add3A_791 = arith.addf %add3A_787, %get3A_790 : vector<16xf32>
        %swap3A = arith.index_cast %scan3A_781 : i32 to index
        %swap3A_792 = arith.constant 0 : index
        %swap3A_793 = tpu.vector_load %arg17[%swap3A, %swap3A_792] {strides = array<i32>} : memref<40x128xf32, #tpu.memory_space<vmem>>, vector<16xf32>,
        tpu.vector_store %arg17[%swap3A, %swap3A_792], %add3A_791 {strides = array<i32>} : memref<40x128xf32, #tpu.memory_space<vmem>>, vector<16xf32>,
        %get3A_794 = arith.index_cast %scan3A_781 : i32 to index
        %get3A_795 = arith.constant 16 : index
        %get3A_796 = tpu.vector_load %arg17[%get3A_794, %get3A_795] {strides = array<i32>} : memref<40x128xf32, #tpu.memory_space<vmem>>, vector<16xf32>,
        %get3A_797 = arith.index_cast %scan3A_781 : i32 to index
        %get3A_798 = arith.constant 16 : index
        %get3A_799 = tpu.vector_load %arg22[%get3A_797, %get3A_798] {strides = array<i32>} : memref<40x128xf32, #tpu.memory_space<vmem>>, vector<16xf32>,
        %add3A_800 = arith.addf %get3A_796, %get3A_799 : vector<16xf32>
        %get3A_801 = arith.index_cast %scan3A_781 : i32 to index
        %get3A_802 = arith.constant 16 : index
        %get3A_803 = tpu.vector_load %arg25[%get3A_801, %get3A_802] {strides = array<i32>} : memref<40x128xf32, #tpu.memory_space<vmem>>, vector<16xf32>,
        %add3A_804 = arith.addf %add3A_800, %get3A_803 : vector<16xf32>
        %swap3A_805 = arith.index_cast %scan3A_781 : i32 to index
        %swap3A_806 = arith.constant 16 : index
        %swap3A_807 = tpu.vector_load %arg17[%swap3A_805, %swap3A_806] {strides = array<i32>} : memref<40x128xf32, #tpu.memory_space<vmem>>, vector<16xf32>,
        tpu.vector_store %arg17[%swap3A_805, %swap3A_806], %add3A_804 {strides = array<i32>} : memref<40x128xf32, #tpu.memory_space<vmem>>, vector<16xf32>,
        %get3A_808 = arith.index_cast %scan3A_781 : i32 to index
        %get3A_809 = arith.constant 32 : index
        %get3A_810 = tpu.vector_load %arg17[%get3A_808, %get3A_809] {strides = array<i32>} : memref<40x128xf32, #tpu.memory_space<vmem>>, vector<16xf32>,
        %get3A_811 = arith.index_cast %scan3A_781 : i32 to index
        %get3A_812 = arith.constant 32 : index
        %get3A_813 = tpu.vector_load %arg22[%get3A_811, %get3A_812] {strides = array<i32>} : memref<40x128xf32, #tpu.memory_space<vmem>>, vector<16xf32>,
        %add3A_814 = arith.addf %get3A_810, %get3A_813 : vector<16xf32>
        %get3A_815 = arith.index_cast %scan3A_781 : i32 to index
        %get3A_816 = arith.constant 32 : index
        %get3A_817 = tpu.vector_load %arg25[%get3A_815, %get3A_816] {strides = array<i32>} : memref<40x128xf32, #tpu.memory_space<vmem>>, vector<16xf32>,
        %add3A_818 = arith.addf %add3A_814, %get3A_817 : vector<16xf32>
        %swap3A_819 = arith.index_cast %scan3A_781 : i32 to index
        %swap3A_820 = arith.constant 32 : index
        %swap3A_821 = tpu.vector_load %arg17[%swap3A_819, %swap3A_820] {strides = array<i32>} : memref<40x128xf32, #tpu.memory_space<vmem>>, vector<16xf32>,
        tpu.vector_store %arg17[%swap3A_819, %swap3A_820], %add3A_818 {strides = array<i32>} : memref<40x128xf32, #tpu.memory_space<vmem>>, vector<16xf32>,
        %get3A_822 = arith.index_cast %scan3A_781 : i32 to index
        %get3A_823 = arith.constant 48 : index
        %get3A_824 = tpu.vector_load %arg17[%get3A_822, %get3A_823] {strides = array<i32>} : memref<40x128xf32, #tpu.memory_space<vmem>>, vector<16xf32>,
        %get3A_825 = arith.index_cast %scan3A_781 : i32 to index
        %get3A_826 = arith.constant 48 : index
        %get3A_827 = tpu.vector_load %arg22[%get3A_825, %get3A_826] {strides = array<i32>} : memref<40x128xf32, #tpu.memory_space<vmem>>, vector<16xf32>,
        %add3A_828 = arith.addf %get3A_824, %get3A_827 : vector<16xf32>
        %get3A_829 = arith.index_cast %scan3A_781 : i32 to index
        %get3A_830 = arith.constant 48 : index
        %get3A_831 = tpu.vector_load %arg25[%get3A_829, %get3A_830] {strides = array<i32>} : memref<40x128xf32, #tpu.memory_space<vmem>>, vector<16xf32>,
        %add3A_832 = arith.addf %add3A_828, %get3A_831 : vector<16xf32>
        %swap3A_833 = arith.index_cast %scan3A_781 : i32 to index
        %swap3A_834 = arith.constant 48 : index
        %swap3A_835 = tpu.vector_load %arg17[%swap3A_833, %swap3A_834] {strides = array<i32>} : memref<40x128xf32, #tpu.memory_space<vmem>>, vector<16xf32>,
        tpu.vector_store %arg17[%swap3A_833, %swap3A_834], %add3A_832 {strides = array<i32>} : memref<40x128xf32, #tpu.memory_space<vmem>>, vector<16xf32>,
        %get3A_836 = arith.index_cast %scan3A_781 : i32 to index
        %get3A_837 = arith.constant 64 : index
        %get3A_838 = tpu.vector_load %arg17[%get3A_836, %get3A_837] {strides = array<i32>} : memref<40x128xf32, #tpu.memory_space<vmem>>, vector<16xf32>,
        %get3A_839 = arith.index_cast %scan3A_781 : i32 to index
        %get3A_840 = arith.constant 64 : index
        %get3A_841 = tpu.vector_load %arg22[%get3A_839, %get3A_840] {strides = array<i32>} : memref<40x128xf32, #tpu.memory_space<vmem>>, vector<16xf32>,
        %add3A_842 = arith.addf %get3A_838, %get3A_841 : vector<16xf32>
        %get3A_843 = arith.index_cast %scan3A_781 : i32 to index
        %get3A_844 = arith.constant 64 : index
        %get3A_845 = tpu.vector_load %arg25[%get3A_843, %get3A_844] {strides = array<i32>} : memref<40x128xf32, #tpu.memory_space<vmem>>, vector<16xf32>,
        %add3A_846 = arith.addf %add3A_842, %get3A_845 : vector<16xf32>
        %swap3A_847 = arith.index_cast %scan3A_781 : i32 to index
        %swap3A_848 = arith.constant 64 : index
        %swap3A_849 = tpu.vector_load %arg17[%swap3A_847, %swap3A_848] {strides = array<i32>} : memref<40x128xf32, #tpu.memory_space<vmem>>, vector<16xf32>,
        tpu.vector_store %arg17[%swap3A_847, %swap3A_848], %add3A_846 {strides = array<i32>} : memref<40x128xf32, #tpu.memory_space<vmem>>, vector<16xf32>,
        %get3A_850 = arith.index_cast %scan3A_781 : i32 to index
        %get3A_851 = arith.constant 80 : index
        %get3A_852 = tpu.vector_load %arg17[%get3A_850, %get3A_851] {strides = array<i32>} : memref<40x128xf32, #tpu.memory_space<vmem>>, vector<16xf32>,
        %get3A_853 = arith.index_cast %scan3A_781 : i32 to index
        %get3A_854 = arith.constant 80 : index
        %get3A_855 = tpu.vector_load %arg22[%get3A_853, %get3A_854] {strides = array<i32>} : memref<40x128xf32, #tpu.memory_space<vmem>>, vector<16xf32>,
        %add3A_856 = arith.addf %get3A_852, %get3A_855 : vector<16xf32>
        %get3A_857 = arith.index_cast %scan3A_781 : i32 to index
        %get3A_858 = arith.constant 80 : index
        %get3A_859 = tpu.vector_load %arg25[%get3A_857, %get3A_858] {strides = array<i32>} : memref<40x128xf32, #tpu.memory_space<vmem>>, vector<16xf32>,
        %add3A_860 = arith.addf %add3A_856, %get3A_859 : vector<16xf32>
        %swap3A_861 = arith.index_cast %scan3A_781 : i32 to index
        %swap3A_862 = arith.constant 80 : index
        %swap3A_863 = tpu.vector_load %arg17[%swap3A_861, %swap3A_862] {strides = array<i32>} : memref<40x128xf32, #tpu.memory_space<vmem>>, vector<16xf32>,
        tpu.vector_store %arg17[%swap3A_861, %swap3A_862], %add3A_860 {strides = array<i32>} : memref<40x128xf32, #tpu.memory_space<vmem>>, vector<16xf32>,
        %get3A_864 = arith.index_cast %scan3A_781 : i32 to index
        %get3A_865 = arith.constant 96 : index
        %get3A_866 = tpu.vector_load %arg17[%get3A_864, %get3A_865] {strides = array<i32>} : memref<40x128xf32, #tpu.memory_space<vmem>>, vector<16xf32>,
        %get3A_867 = arith.index_cast %scan3A_781 : i32 to index
        %get3A_868 = arith.constant 96 : index
        %get3A_869 = tpu.vector_load %arg22[%get3A_867, %get3A_868] {strides = array<i32>} : memref<40x128xf32, #tpu.memory_space<vmem>>, vector<16xf32>,
        %add3A_870 = arith.addf %get3A_866, %get3A_869 : vector<16xf32>
        %get3A_871 = arith.index_cast %scan3A_781 : i32 to index
        %get3A_872 = arith.constant 96 : index
        %get3A_873 = tpu.vector_load %arg25[%get3A_871, %get3A_872] {strides = array<i32>} : memref<40x128xf32, #tpu.memory_space<vmem>>, vector<16xf32>,
        %add3A_874 = arith.addf %add3A_870, %get3A_873 : vector<16xf32>
        %swap3A_875 = arith.index_cast %scan3A_781 : i32 to index
        %swap3A_876 = arith.constant 96 : index
        %swap3A_877 = tpu.vector_load %arg17[%swap3A_875, %swap3A_876] {strides = array<i32>} : memref<40x128xf32, #tpu.memory_space<vmem>>, vector<16xf32>,
        tpu.vector_store %arg17[%swap3A_875, %swap3A_876], %add3A_874 {strides = array<i32>} : memref<40x128xf32, #tpu.memory_space<vmem>>, vector<16xf32>,
        %get3A_878 = arith.index_cast %scan3A_781 : i32 to index
        %get3A_879 = arith.constant 112 : index
        %get3A_880 = tpu.vector_load %arg17[%get3A_878, %get3A_879] {strides = array<i32>} : memref<40x128xf32, #tpu.memory_space<vmem>>, vector<16xf32>,
        %get3A_881 = arith.index_cast %scan3A_781 : i32 to index
        %get3A_882 = arith.constant 112 : index
        %get3A_883 = tpu.vector_load %arg22[%get3A_881, %get3A_882] {strides = array<i32>} : memref<40x128xf32, #tpu.memory_space<vmem>>, vector<16xf32>,
        %add3A_884 = arith.addf %get3A_880, %get3A_883 : vector<16xf32>
        %get3A_885 = arith.index_cast %scan3A_781 : i32 to index
        %get3A_886 = arith.constant 112 : index
        %get3A_887 = tpu.vector_load %arg25[%get3A_885, %get3A_886] {strides = array<i32>} : memref<40x128xf32, #tpu.memory_space<vmem>>, vector<16xf32>,
        %add3A_888 = arith.addf %add3A_884, %get3A_887 : vector<16xf32>
        %swap3A_889 = arith.index_cast %scan3A_781 : i32 to index
        %swap3A_890 = arith.constant 112 : index
        %swap3A_891 = tpu.vector_load %arg17[%swap3A_889, %swap3A_890] {strides = array<i32>} : memref<40x128xf32, #tpu.memory_space<vmem>>, vector<16xf32>,
        tpu.vector_store %arg17[%swap3A_889, %swap3A_890], %add3A_888 {strides = array<i32>} : memref<40x128xf32, #tpu.memory_space<vmem>>, vector<16xf32>,
      }
      %scan3A_776 = arith.constant 40 : i32
      "tpu.trace_stop"() : () -> ()
      %dma_start3A_777 = arith.constant 0 : i32
      %dma_start3A_778 = tpu.memref_slice %arg6[%add3A_689, %dma_start3A_777] : memref<10000x128xf32, #tpu.memory_space<hbm>> -> memref<40x128xf32, #tpu.memory_space<hbm>>
      %dma_start3A_779 = arith.constant 0 : i32
      %dma_start3A_780 = tpu.memref_slice %arg6[%add3A_689, %dma_start3A_779] : memref<10000x128xf32, #tpu.memory_space<hbm>> -> memref<40x128xf32, #tpu.memory_space<hbm>>
      tpu.enqueue_dma source(%arg17 : memref<40x128xf32, #tpu.memory_space<vmem>>) target(%dma_start3A_780 : memref<40x128xf32, #tpu.memory_space<hbm>>) target_semaphore(%arg42 : memref<!tpu.dma_semaphore, #tpu.memory_space<semaphore_mem>>)
    } else {
    }
    %add3A_695 = arith.constant 280 : i32
    %add3A_696 = arith.addi %mul3A_5, %add3A_695 : i32
    %lt3A_697 = arith.constant 10000 : i32
    %lt3A_698 = arith.cmpi slt, %add3A_696, %lt3A_697 : i32
    %convert_element_type3A_699 = arith.extui %lt3A_698 : i1 to i32
    %cond3A_700 = arith.constant 0 : i32
    %cond3A_701 = arith.cmpi ne, %convert_element_type3A_699, %cond3A_700 : i32
    scf.if %cond3A_701 {
      %dma_start3A_758 = arith.constant 280 : i32
      %dma_start3A_759 = tpu.memref_slice %arg15[%dma_start3A_758] : memref<320xi32, #tpu.memory_space<vmem>> -> memref<40xi32, #tpu.memory_space<vmem>>
      %dma_start3A_760 = arith.constant 0 : i32
      %dma_start3A_761 = arith.constant 0 : i32
      %dma_start3A_762 = tpu.memref_slice %arg13[%dma_start3A_760, %dma_start3A_761] : memref<512x128xf32, #tpu.memory_space<vmem_shared>> -> memref<512x128xf32, #tpu.memory_space<vmem_shared>>
      tpu.enqueue_indirect_dma source(%dma_start3A_762 : memref<512x128xf32, #tpu.memory_space<vmem_shared>>) target(%arg22 : memref<40x128xf32, #tpu.memory_space<vmem>>) offsets(%dma_start3A_759 : memref<40xi32, #tpu.memory_space<vmem>>) semaphore(%arg37 : memref<!tpu.dma_semaphore, #tpu.memory_space<semaphore_mem>>)
      %dma_start3A_763 = arith.constant 280 : i32
      %dma_start3A_764 = tpu.memref_slice %arg16[%dma_start3A_763] : memref<320xi32, #tpu.memory_space<vmem>> -> memref<40xi32, #tpu.memory_space<vmem>>
      %dma_start3A_765 = arith.constant 0 : i32
      %dma_start3A_766 = arith.constant 0 : i32
      %dma_start3A_767 = tpu.memref_slice %arg13[%dma_start3A_765, %dma_start3A_766] : memref<512x128xf32, #tpu.memory_space<vmem_shared>> -> memref<512x128xf32, #tpu.memory_space<vmem_shared>>
      tpu.enqueue_indirect_dma source(%dma_start3A_767 : memref<512x128xf32, #tpu.memory_space<vmem_shared>>) target(%arg25 : memref<40x128xf32, #tpu.memory_space<vmem>>) offsets(%dma_start3A_764 : memref<40xi32, #tpu.memory_space<vmem>>) semaphore(%arg40 : memref<!tpu.dma_semaphore, #tpu.memory_space<semaphore_mem>>)
    } else {
    }
    %add3A_702 = arith.constant 280 : i32
    %add3A_703 = arith.addi %mul3A_5, %add3A_702 : i32
    %lt3A_704 = arith.constant 10000 : i32
    %lt3A_705 = arith.cmpi slt, %add3A_703, %lt3A_704 : i32
    %convert_element_type3A_706 = arith.extui %lt3A_705 : i1 to i32
    %cond3A_707 = arith.constant 0 : i32
    %cond3A_708 = arith.cmpi ne, %convert_element_type3A_706, %cond3A_707 : i32
    scf.if %cond3A_708 {
      %add3A_758 = arith.constant 120 : i32
      %add3A_759 = arith.addi %mul3A_5, %add3A_758 : i32
      %dma_wait3A_760 = arith.constant 0 : i32
      %dma_wait3A_761 = tpu.memref_slice %arg6[%add3A_759, %dma_wait3A_760] : memref<10000x128xf32, #tpu.memory_space<hbm>> -> memref<40x128xf32, #tpu.memory_space<hbm>>
      %dma_wait3A_762 = arith.constant 0 : i32
      %dma_wait3A_763 = tpu.memref_slice %arg6[%add3A_759, %dma_wait3A_762] : memref<10000x128xf32, #tpu.memory_space<hbm>> -> memref<40x128xf32, #tpu.memory_space<hbm>>
      tpu.wait_dma2 semaphore(%arg45 : memref<!tpu.dma_semaphore, #tpu.memory_space<semaphore_mem>>) src(%arg20 : memref<40x128xf32, #tpu.memory_space<vmem>>) dst(%dma_wait3A_763 : memref<40x128xf32, #tpu.memory_space<hbm>>)
      %dma_start3A_764 = arith.constant 0 : i32
      %dma_start3A_765 = tpu.memref_slice %arg2[%add3A_703, %dma_start3A_764] : memref<10000x128xf32, #tpu.memory_space<hbm>> -> memref<40x128xf32, #tpu.memory_space<hbm>>
      %dma_start3A_766 = arith.constant 0 : i32
      %dma_start3A_767 = tpu.memref_slice %arg2[%add3A_703, %dma_start3A_766] : memref<10000x128xf32, #tpu.memory_space<hbm>> -> memref<40x128xf32, #tpu.memory_space<hbm>>
      tpu.enqueue_dma source(%dma_start3A_767 : memref<40x128xf32, #tpu.memory_space<hbm>>) target(%arg20 : memref<40x128xf32, #tpu.memory_space<vmem>>) target_semaphore(%arg35 : memref<!tpu.dma_semaphore, #tpu.memory_space<semaphore_mem>>)
    } else {
    }
    %add3A_709 = arith.constant 200 : i32
    %add3A_710 = arith.addi %mul3A_5, %add3A_709 : i32
    %lt3A_711 = arith.constant 10000 : i32
    %lt3A_712 = arith.cmpi slt, %add3A_710, %lt3A_711 : i32
    %convert_element_type3A_713 = arith.extui %lt3A_712 : i1 to i32
    %cond3A_714 = arith.constant 0 : i32
    %cond3A_715 = arith.cmpi ne, %convert_element_type3A_713, %cond3A_714 : i32
    scf.if %cond3A_715 {
      "tpu.trace_start"() <{level = 10 : i32, message = "p2_waitx"}> : () -> ()
      %dma_wait3A_758 = arith.constant 0 : i32
      %dma_wait3A_759 = tpu.memref_slice %arg2[%add3A_710, %dma_wait3A_758] : memref<10000x128xf32, #tpu.memory_space<hbm>> -> memref<40x128xf32, #tpu.memory_space<hbm>>
      %dma_wait3A_760 = arith.constant 0 : i32
      %dma_wait3A_761 = tpu.memref_slice %arg2[%add3A_710, %dma_wait3A_760] : memref<10000x128xf32, #tpu.memory_space<hbm>> -> memref<40x128xf32, #tpu.memory_space<hbm>>
      tpu.wait_dma2 semaphore(%arg33 : memref<!tpu.dma_semaphore, #tpu.memory_space<semaphore_mem>>) src(%dma_wait3A_761 : memref<40x128xf32, #tpu.memory_space<hbm>>) dst(%arg18 : memref<40x128xf32, #tpu.memory_space<vmem>>)
      "tpu.trace_stop"() : () -> ()
      "tpu.trace_start"() <{level = 10 : i32, message = "p2_waitz"}> : () -> ()
      %dma_wait3A_762 = arith.constant 200 : i32
      %dma_wait3A_763 = tpu.memref_slice %arg15[%dma_wait3A_762] : memref<320xi32, #tpu.memory_space<vmem>> -> memref<40xi32, #tpu.memory_space<vmem>>
      %dma_wait3A_764 = arith.constant 0 : i32
      %dma_wait3A_765 = arith.constant 0 : i32
      %dma_wait3A_766 = tpu.memref_slice %arg13[%dma_wait3A_764, %dma_wait3A_765] : memref<512x128xf32, #tpu.memory_space<vmem_shared>> -> memref<512x128xf32, #tpu.memory_space<vmem_shared>>
      tpu.wait_indirect_dma semaphore(%arg38 : memref<!tpu.dma_semaphore, #tpu.memory_space<semaphore_mem>>) src(%dma_wait3A_766 : memref<512x128xf32, #tpu.memory_space<vmem_shared>>) dst(%arg23 : memref<40x128xf32, #tpu.memory_space<vmem>>)
      %dma_wait3A_767 = arith.constant 200 : i32
      %dma_wait3A_768 = tpu.memref_slice %arg16[%dma_wait3A_767] : memref<320xi32, #tpu.memory_space<vmem>> -> memref<40xi32, #tpu.memory_space<vmem>>
      %dma_wait3A_769 = arith.constant 0 : i32
      %dma_wait3A_770 = arith.constant 0 : i32
      %dma_wait3A_771 = tpu.memref_slice %arg13[%dma_wait3A_769, %dma_wait3A_770] : memref<512x128xf32, #tpu.memory_space<vmem_shared>> -> memref<512x128xf32, #tpu.memory_space<vmem_shared>>
      tpu.wait_indirect_dma semaphore(%arg41 : memref<!tpu.dma_semaphore, #tpu.memory_space<semaphore_mem>>) src(%dma_wait3A_771 : memref<512x128xf32, #tpu.memory_space<vmem_shared>>) dst(%arg26 : memref<40x128xf32, #tpu.memory_space<vmem>>)
      "tpu.trace_stop"() : () -> ()
      "tpu.trace_start"() <{level = 10 : i32, message = "p2_add"}> : () -> ()
      %scan3A_772 = arith.constant 0 : i32
      %scan3A_773 = arith.constant 40 : i32
      %scan3A_774 = arith.addi %scan3A_772, %scan3A_773 : i32
      %scan3A_775 = arith.constant 1 : i32
      scf.for %scan3A_781 = %scan3A_772 to %scan3A_774 step %scan3A_775  : i32 {
        %get3A = arith.index_cast %scan3A_781 : i32 to index
        %get3A_782 = arith.constant 0 : index
        %get3A_783 = tpu.vector_load %arg18[%get3A, %get3A_782] {strides = array<i32>} : memref<40x128xf32, #tpu.memory_space<vmem>>, vector<16xf32>,
        %get3A_784 = arith.index_cast %scan3A_781 : i32 to index
        %get3A_785 = arith.constant 0 : index
        %get3A_786 = tpu.vector_load %arg23[%get3A_784, %get3A_785] {strides = array<i32>} : memref<40x128xf32, #tpu.memory_space<vmem>>, vector<16xf32>,
        %add3A_787 = arith.addf %get3A_783, %get3A_786 : vector<16xf32>
        %get3A_788 = arith.index_cast %scan3A_781 : i32 to index
        %get3A_789 = arith.constant 0 : index
        %get3A_790 = tpu.vector_load %arg26[%get3A_788, %get3A_789] {strides = array<i32>} : memref<40x128xf32, #tpu.memory_space<vmem>>, vector<16xf32>,
        %add3A_791 = arith.addf %add3A_787, %get3A_790 : vector<16xf32>
        %swap3A = arith.index_cast %scan3A_781 : i32 to index
        %swap3A_792 = arith.constant 0 : index
        %swap3A_793 = tpu.vector_load %arg18[%swap3A, %swap3A_792] {strides = array<i32>} : memref<40x128xf32, #tpu.memory_space<vmem>>, vector<16xf32>,
        tpu.vector_store %arg18[%swap3A, %swap3A_792], %add3A_791 {strides = array<i32>} : memref<40x128xf32, #tpu.memory_space<vmem>>, vector<16xf32>,
        %get3A_794 = arith.index_cast %scan3A_781 : i32 to index
        %get3A_795 = arith.constant 16 : index
        %get3A_796 = tpu.vector_load %arg18[%get3A_794, %get3A_795] {strides = array<i32>} : memref<40x128xf32, #tpu.memory_space<vmem>>, vector<16xf32>,
        %get3A_797 = arith.index_cast %scan3A_781 : i32 to index
        %get3A_798 = arith.constant 16 : index
        %get3A_799 = tpu.vector_load %arg23[%get3A_797, %get3A_798] {strides = array<i32>} : memref<40x128xf32, #tpu.memory_space<vmem>>, vector<16xf32>,
        %add3A_800 = arith.addf %get3A_796, %get3A_799 : vector<16xf32>
        %get3A_801 = arith.index_cast %scan3A_781 : i32 to index
        %get3A_802 = arith.constant 16 : index
        %get3A_803 = tpu.vector_load %arg26[%get3A_801, %get3A_802] {strides = array<i32>} : memref<40x128xf32, #tpu.memory_space<vmem>>, vector<16xf32>,
        %add3A_804 = arith.addf %add3A_800, %get3A_803 : vector<16xf32>
        %swap3A_805 = arith.index_cast %scan3A_781 : i32 to index
        %swap3A_806 = arith.constant 16 : index
        %swap3A_807 = tpu.vector_load %arg18[%swap3A_805, %swap3A_806] {strides = array<i32>} : memref<40x128xf32, #tpu.memory_space<vmem>>, vector<16xf32>,
        tpu.vector_store %arg18[%swap3A_805, %swap3A_806], %add3A_804 {strides = array<i32>} : memref<40x128xf32, #tpu.memory_space<vmem>>, vector<16xf32>,
        %get3A_808 = arith.index_cast %scan3A_781 : i32 to index
        %get3A_809 = arith.constant 32 : index
        %get3A_810 = tpu.vector_load %arg18[%get3A_808, %get3A_809] {strides = array<i32>} : memref<40x128xf32, #tpu.memory_space<vmem>>, vector<16xf32>,
        %get3A_811 = arith.index_cast %scan3A_781 : i32 to index
        %get3A_812 = arith.constant 32 : index
        %get3A_813 = tpu.vector_load %arg23[%get3A_811, %get3A_812] {strides = array<i32>} : memref<40x128xf32, #tpu.memory_space<vmem>>, vector<16xf32>,
        %add3A_814 = arith.addf %get3A_810, %get3A_813 : vector<16xf32>
        %get3A_815 = arith.index_cast %scan3A_781 : i32 to index
        %get3A_816 = arith.constant 32 : index
        %get3A_817 = tpu.vector_load %arg26[%get3A_815, %get3A_816] {strides = array<i32>} : memref<40x128xf32, #tpu.memory_space<vmem>>, vector<16xf32>,
        %add3A_818 = arith.addf %add3A_814, %get3A_817 : vector<16xf32>
        %swap3A_819 = arith.index_cast %scan3A_781 : i32 to index
        %swap3A_820 = arith.constant 32 : index
        %swap3A_821 = tpu.vector_load %arg18[%swap3A_819, %swap3A_820] {strides = array<i32>} : memref<40x128xf32, #tpu.memory_space<vmem>>, vector<16xf32>,
        tpu.vector_store %arg18[%swap3A_819, %swap3A_820], %add3A_818 {strides = array<i32>} : memref<40x128xf32, #tpu.memory_space<vmem>>, vector<16xf32>,
        %get3A_822 = arith.index_cast %scan3A_781 : i32 to index
        %get3A_823 = arith.constant 48 : index
        %get3A_824 = tpu.vector_load %arg18[%get3A_822, %get3A_823] {strides = array<i32>} : memref<40x128xf32, #tpu.memory_space<vmem>>, vector<16xf32>,
        %get3A_825 = arith.index_cast %scan3A_781 : i32 to index
        %get3A_826 = arith.constant 48 : index
        %get3A_827 = tpu.vector_load %arg23[%get3A_825, %get3A_826] {strides = array<i32>} : memref<40x128xf32, #tpu.memory_space<vmem>>, vector<16xf32>,
        %add3A_828 = arith.addf %get3A_824, %get3A_827 : vector<16xf32>
        %get3A_829 = arith.index_cast %scan3A_781 : i32 to index
        %get3A_830 = arith.constant 48 : index
        %get3A_831 = tpu.vector_load %arg26[%get3A_829, %get3A_830] {strides = array<i32>} : memref<40x128xf32, #tpu.memory_space<vmem>>, vector<16xf32>,
        %add3A_832 = arith.addf %add3A_828, %get3A_831 : vector<16xf32>
        %swap3A_833 = arith.index_cast %scan3A_781 : i32 to index
        %swap3A_834 = arith.constant 48 : index
        %swap3A_835 = tpu.vector_load %arg18[%swap3A_833, %swap3A_834] {strides = array<i32>} : memref<40x128xf32, #tpu.memory_space<vmem>>, vector<16xf32>,
        tpu.vector_store %arg18[%swap3A_833, %swap3A_834], %add3A_832 {strides = array<i32>} : memref<40x128xf32, #tpu.memory_space<vmem>>, vector<16xf32>,
        %get3A_836 = arith.index_cast %scan3A_781 : i32 to index
        %get3A_837 = arith.constant 64 : index
        %get3A_838 = tpu.vector_load %arg18[%get3A_836, %get3A_837] {strides = array<i32>} : memref<40x128xf32, #tpu.memory_space<vmem>>, vector<16xf32>,
        %get3A_839 = arith.index_cast %scan3A_781 : i32 to index
        %get3A_840 = arith.constant 64 : index
        %get3A_841 = tpu.vector_load %arg23[%get3A_839, %get3A_840] {strides = array<i32>} : memref<40x128xf32, #tpu.memory_space<vmem>>, vector<16xf32>,
        %add3A_842 = arith.addf %get3A_838, %get3A_841 : vector<16xf32>
        %get3A_843 = arith.index_cast %scan3A_781 : i32 to index
        %get3A_844 = arith.constant 64 : index
        %get3A_845 = tpu.vector_load %arg26[%get3A_843, %get3A_844] {strides = array<i32>} : memref<40x128xf32, #tpu.memory_space<vmem>>, vector<16xf32>,
        %add3A_846 = arith.addf %add3A_842, %get3A_845 : vector<16xf32>
        %swap3A_847 = arith.index_cast %scan3A_781 : i32 to index
        %swap3A_848 = arith.constant 64 : index
        %swap3A_849 = tpu.vector_load %arg18[%swap3A_847, %swap3A_848] {strides = array<i32>} : memref<40x128xf32, #tpu.memory_space<vmem>>, vector<16xf32>,
        tpu.vector_store %arg18[%swap3A_847, %swap3A_848], %add3A_846 {strides = array<i32>} : memref<40x128xf32, #tpu.memory_space<vmem>>, vector<16xf32>,
        %get3A_850 = arith.index_cast %scan3A_781 : i32 to index
        %get3A_851 = arith.constant 80 : index
        %get3A_852 = tpu.vector_load %arg18[%get3A_850, %get3A_851] {strides = array<i32>} : memref<40x128xf32, #tpu.memory_space<vmem>>, vector<16xf32>,
        %get3A_853 = arith.index_cast %scan3A_781 : i32 to index
        %get3A_854 = arith.constant 80 : index
        %get3A_855 = tpu.vector_load %arg23[%get3A_853, %get3A_854] {strides = array<i32>} : memref<40x128xf32, #tpu.memory_space<vmem>>, vector<16xf32>,
        %add3A_856 = arith.addf %get3A_852, %get3A_855 : vector<16xf32>
        %get3A_857 = arith.index_cast %scan3A_781 : i32 to index
        %get3A_858 = arith.constant 80 : index
        %get3A_859 = tpu.vector_load %arg26[%get3A_857, %get3A_858] {strides = array<i32>} : memref<40x128xf32, #tpu.memory_space<vmem>>, vector<16xf32>,
        %add3A_860 = arith.addf %add3A_856, %get3A_859 : vector<16xf32>
        %swap3A_861 = arith.index_cast %scan3A_781 : i32 to index
        %swap3A_862 = arith.constant 80 : index
        %swap3A_863 = tpu.vector_load %arg18[%swap3A_861, %swap3A_862] {strides = array<i32>} : memref<40x128xf32, #tpu.memory_space<vmem>>, vector<16xf32>,
        tpu.vector_store %arg18[%swap3A_861, %swap3A_862], %add3A_860 {strides = array<i32>} : memref<40x128xf32, #tpu.memory_space<vmem>>, vector<16xf32>,
        %get3A_864 = arith.index_cast %scan3A_781 : i32 to index
        %get3A_865 = arith.constant 96 : index
        %get3A_866 = tpu.vector_load %arg18[%get3A_864, %get3A_865] {strides = array<i32>} : memref<40x128xf32, #tpu.memory_space<vmem>>, vector<16xf32>,
        %get3A_867 = arith.index_cast %scan3A_781 : i32 to index
        %get3A_868 = arith.constant 96 : index
        %get3A_869 = tpu.vector_load %arg23[%get3A_867, %get3A_868] {strides = array<i32>} : memref<40x128xf32, #tpu.memory_space<vmem>>, vector<16xf32>,
        %add3A_870 = arith.addf %get3A_866, %get3A_869 : vector<16xf32>
        %get3A_871 = arith.index_cast %scan3A_781 : i32 to index
        %get3A_872 = arith.constant 96 : index
        %get3A_873 = tpu.vector_load %arg26[%get3A_871, %get3A_872] {strides = array<i32>} : memref<40x128xf32, #tpu.memory_space<vmem>>, vector<16xf32>,
        %add3A_874 = arith.addf %add3A_870, %get3A_873 : vector<16xf32>
        %swap3A_875 = arith.index_cast %scan3A_781 : i32 to index
        %swap3A_876 = arith.constant 96 : index
        %swap3A_877 = tpu.vector_load %arg18[%swap3A_875, %swap3A_876] {strides = array<i32>} : memref<40x128xf32, #tpu.memory_space<vmem>>, vector<16xf32>,
        tpu.vector_store %arg18[%swap3A_875, %swap3A_876], %add3A_874 {strides = array<i32>} : memref<40x128xf32, #tpu.memory_space<vmem>>, vector<16xf32>,
        %get3A_878 = arith.index_cast %scan3A_781 : i32 to index
        %get3A_879 = arith.constant 112 : index
        %get3A_880 = tpu.vector_load %arg18[%get3A_878, %get3A_879] {strides = array<i32>} : memref<40x128xf32, #tpu.memory_space<vmem>>, vector<16xf32>,
        %get3A_881 = arith.index_cast %scan3A_781 : i32 to index
        %get3A_882 = arith.constant 112 : index
        %get3A_883 = tpu.vector_load %arg23[%get3A_881, %get3A_882] {strides = array<i32>} : memref<40x128xf32, #tpu.memory_space<vmem>>, vector<16xf32>,
        %add3A_884 = arith.addf %get3A_880, %get3A_883 : vector<16xf32>
        %get3A_885 = arith.index_cast %scan3A_781 : i32 to index
        %get3A_886 = arith.constant 112 : index
        %get3A_887 = tpu.vector_load %arg26[%get3A_885, %get3A_886] {strides = array<i32>} : memref<40x128xf32, #tpu.memory_space<vmem>>, vector<16xf32>,
        %add3A_888 = arith.addf %add3A_884, %get3A_887 : vector<16xf32>
        %swap3A_889 = arith.index_cast %scan3A_781 : i32 to index
        %swap3A_890 = arith.constant 112 : index
        %swap3A_891 = tpu.vector_load %arg18[%swap3A_889, %swap3A_890] {strides = array<i32>} : memref<40x128xf32, #tpu.memory_space<vmem>>, vector<16xf32>,
        tpu.vector_store %arg18[%swap3A_889, %swap3A_890], %add3A_888 {strides = array<i32>} : memref<40x128xf32, #tpu.memory_space<vmem>>, vector<16xf32>,
      }
      %scan3A_776 = arith.constant 40 : i32
      "tpu.trace_stop"() : () -> ()
      %dma_start3A_777 = arith.constant 0 : i32
      %dma_start3A_778 = tpu.memref_slice %arg6[%add3A_710, %dma_start3A_777] : memref<10000x128xf32, #tpu.memory_space<hbm>> -> memref<40x128xf32, #tpu.memory_space<hbm>>
      %dma_start3A_779 = arith.constant 0 : i32
      %dma_start3A_780 = tpu.memref_slice %arg6[%add3A_710, %dma_start3A_779] : memref<10000x128xf32, #tpu.memory_space<hbm>> -> memref<40x128xf32, #tpu.memory_space<hbm>>
      tpu.enqueue_dma source(%arg18 : memref<40x128xf32, #tpu.memory_space<vmem>>) target(%dma_start3A_780 : memref<40x128xf32, #tpu.memory_space<hbm>>) target_semaphore(%arg43 : memref<!tpu.dma_semaphore, #tpu.memory_space<semaphore_mem>>)
    } else {
    }
    %add3A_716 = arith.constant 240 : i32
    %add3A_717 = arith.addi %mul3A_5, %add3A_716 : i32
    %lt3A_718 = arith.constant 10000 : i32
    %lt3A_719 = arith.cmpi slt, %add3A_717, %lt3A_718 : i32
    %convert_element_type3A_720 = arith.extui %lt3A_719 : i1 to i32
    %cond3A_721 = arith.constant 0 : i32
    %cond3A_722 = arith.cmpi ne, %convert_element_type3A_720, %cond3A_721 : i32
    scf.if %cond3A_722 {
      "tpu.trace_start"() <{level = 10 : i32, message = "p2_waitx"}> : () -> ()
      %dma_wait3A_758 = arith.constant 0 : i32
      %dma_wait3A_759 = tpu.memref_slice %arg2[%add3A_717, %dma_wait3A_758] : memref<10000x128xf32, #tpu.memory_space<hbm>> -> memref<40x128xf32, #tpu.memory_space<hbm>>
      %dma_wait3A_760 = arith.constant 0 : i32
      %dma_wait3A_761 = tpu.memref_slice %arg2[%add3A_717, %dma_wait3A_760] : memref<10000x128xf32, #tpu.memory_space<hbm>> -> memref<40x128xf32, #tpu.memory_space<hbm>>
      tpu.wait_dma2 semaphore(%arg34 : memref<!tpu.dma_semaphore, #tpu.memory_space<semaphore_mem>>) src(%dma_wait3A_761 : memref<40x128xf32, #tpu.memory_space<hbm>>) dst(%arg19 : memref<40x128xf32, #tpu.memory_space<vmem>>)
      "tpu.trace_stop"() : () -> ()
      "tpu.trace_start"() <{level = 10 : i32, message = "p2_waitz"}> : () -> ()
      %dma_wait3A_762 = arith.constant 240 : i32
      %dma_wait3A_763 = tpu.memref_slice %arg15[%dma_wait3A_762] : memref<320xi32, #tpu.memory_space<vmem>> -> memref<40xi32, #tpu.memory_space<vmem>>
      %dma_wait3A_764 = arith.constant 0 : i32
      %dma_wait3A_765 = arith.constant 0 : i32
      %dma_wait3A_766 = tpu.memref_slice %arg13[%dma_wait3A_764, %dma_wait3A_765] : memref<512x128xf32, #tpu.memory_space<vmem_shared>> -> memref<512x128xf32, #tpu.memory_space<vmem_shared>>
      tpu.wait_indirect_dma semaphore(%arg36 : memref<!tpu.dma_semaphore, #tpu.memory_space<semaphore_mem>>) src(%dma_wait3A_766 : memref<512x128xf32, #tpu.memory_space<vmem_shared>>) dst(%arg21 : memref<40x128xf32, #tpu.memory_space<vmem>>)
      %dma_wait3A_767 = arith.constant 240 : i32
      %dma_wait3A_768 = tpu.memref_slice %arg16[%dma_wait3A_767] : memref<320xi32, #tpu.memory_space<vmem>> -> memref<40xi32, #tpu.memory_space<vmem>>
      %dma_wait3A_769 = arith.constant 0 : i32
      %dma_wait3A_770 = arith.constant 0 : i32
      %dma_wait3A_771 = tpu.memref_slice %arg13[%dma_wait3A_769, %dma_wait3A_770] : memref<512x128xf32, #tpu.memory_space<vmem_shared>> -> memref<512x128xf32, #tpu.memory_space<vmem_shared>>
      tpu.wait_indirect_dma semaphore(%arg39 : memref<!tpu.dma_semaphore, #tpu.memory_space<semaphore_mem>>) src(%dma_wait3A_771 : memref<512x128xf32, #tpu.memory_space<vmem_shared>>) dst(%arg24 : memref<40x128xf32, #tpu.memory_space<vmem>>)
      "tpu.trace_stop"() : () -> ()
      "tpu.trace_start"() <{level = 10 : i32, message = "p2_add"}> : () -> ()
      %scan3A_772 = arith.constant 0 : i32
      %scan3A_773 = arith.constant 40 : i32
      %scan3A_774 = arith.addi %scan3A_772, %scan3A_773 : i32
      %scan3A_775 = arith.constant 1 : i32
      scf.for %scan3A_781 = %scan3A_772 to %scan3A_774 step %scan3A_775  : i32 {
        %get3A = arith.index_cast %scan3A_781 : i32 to index
        %get3A_782 = arith.constant 0 : index
        %get3A_783 = tpu.vector_load %arg19[%get3A, %get3A_782] {strides = array<i32>} : memref<40x128xf32, #tpu.memory_space<vmem>>, vector<16xf32>,
        %get3A_784 = arith.index_cast %scan3A_781 : i32 to index
        %get3A_785 = arith.constant 0 : index
        %get3A_786 = tpu.vector_load %arg21[%get3A_784, %get3A_785] {strides = array<i32>} : memref<40x128xf32, #tpu.memory_space<vmem>>, vector<16xf32>,
        %add3A_787 = arith.addf %get3A_783, %get3A_786 : vector<16xf32>
        %get3A_788 = arith.index_cast %scan3A_781 : i32 to index
        %get3A_789 = arith.constant 0 : index
        %get3A_790 = tpu.vector_load %arg24[%get3A_788, %get3A_789] {strides = array<i32>} : memref<40x128xf32, #tpu.memory_space<vmem>>, vector<16xf32>,
        %add3A_791 = arith.addf %add3A_787, %get3A_790 : vector<16xf32>
        %swap3A = arith.index_cast %scan3A_781 : i32 to index
        %swap3A_792 = arith.constant 0 : index
        %swap3A_793 = tpu.vector_load %arg19[%swap3A, %swap3A_792] {strides = array<i32>} : memref<40x128xf32, #tpu.memory_space<vmem>>, vector<16xf32>,
        tpu.vector_store %arg19[%swap3A, %swap3A_792], %add3A_791 {strides = array<i32>} : memref<40x128xf32, #tpu.memory_space<vmem>>, vector<16xf32>,
        %get3A_794 = arith.index_cast %scan3A_781 : i32 to index
        %get3A_795 = arith.constant 16 : index
        %get3A_796 = tpu.vector_load %arg19[%get3A_794, %get3A_795] {strides = array<i32>} : memref<40x128xf32, #tpu.memory_space<vmem>>, vector<16xf32>,
        %get3A_797 = arith.index_cast %scan3A_781 : i32 to index
        %get3A_798 = arith.constant 16 : index
        %get3A_799 = tpu.vector_load %arg21[%get3A_797, %get3A_798] {strides = array<i32>} : memref<40x128xf32, #tpu.memory_space<vmem>>, vector<16xf32>,
        %add3A_800 = arith.addf %get3A_796, %get3A_799 : vector<16xf32>
        %get3A_801 = arith.index_cast %scan3A_781 : i32 to index
        %get3A_802 = arith.constant 16 : index
        %get3A_803 = tpu.vector_load %arg24[%get3A_801, %get3A_802] {strides = array<i32>} : memref<40x128xf32, #tpu.memory_space<vmem>>, vector<16xf32>,
        %add3A_804 = arith.addf %add3A_800, %get3A_803 : vector<16xf32>
        %swap3A_805 = arith.index_cast %scan3A_781 : i32 to index
        %swap3A_806 = arith.constant 16 : index
        %swap3A_807 = tpu.vector_load %arg19[%swap3A_805, %swap3A_806] {strides = array<i32>} : memref<40x128xf32, #tpu.memory_space<vmem>>, vector<16xf32>,
        tpu.vector_store %arg19[%swap3A_805, %swap3A_806], %add3A_804 {strides = array<i32>} : memref<40x128xf32, #tpu.memory_space<vmem>>, vector<16xf32>,
        %get3A_808 = arith.index_cast %scan3A_781 : i32 to index
        %get3A_809 = arith.constant 32 : index
        %get3A_810 = tpu.vector_load %arg19[%get3A_808, %get3A_809] {strides = array<i32>} : memref<40x128xf32, #tpu.memory_space<vmem>>, vector<16xf32>,
        %get3A_811 = arith.index_cast %scan3A_781 : i32 to index
        %get3A_812 = arith.constant 32 : index
        %get3A_813 = tpu.vector_load %arg21[%get3A_811, %get3A_812] {strides = array<i32>} : memref<40x128xf32, #tpu.memory_space<vmem>>, vector<16xf32>,
        %add3A_814 = arith.addf %get3A_810, %get3A_813 : vector<16xf32>
        %get3A_815 = arith.index_cast %scan3A_781 : i32 to index
        %get3A_816 = arith.constant 32 : index
        %get3A_817 = tpu.vector_load %arg24[%get3A_815, %get3A_816] {strides = array<i32>} : memref<40x128xf32, #tpu.memory_space<vmem>>, vector<16xf32>,
        %add3A_818 = arith.addf %add3A_814, %get3A_817 : vector<16xf32>
        %swap3A_819 = arith.index_cast %scan3A_781 : i32 to index
        %swap3A_820 = arith.constant 32 : index
        %swap3A_821 = tpu.vector_load %arg19[%swap3A_819, %swap3A_820] {strides = array<i32>} : memref<40x128xf32, #tpu.memory_space<vmem>>, vector<16xf32>,
        tpu.vector_store %arg19[%swap3A_819, %swap3A_820], %add3A_818 {strides = array<i32>} : memref<40x128xf32, #tpu.memory_space<vmem>>, vector<16xf32>,
        %get3A_822 = arith.index_cast %scan3A_781 : i32 to index
        %get3A_823 = arith.constant 48 : index
        %get3A_824 = tpu.vector_load %arg19[%get3A_822, %get3A_823] {strides = array<i32>} : memref<40x128xf32, #tpu.memory_space<vmem>>, vector<16xf32>,
        %get3A_825 = arith.index_cast %scan3A_781 : i32 to index
        %get3A_826 = arith.constant 48 : index
        %get3A_827 = tpu.vector_load %arg21[%get3A_825, %get3A_826] {strides = array<i32>} : memref<40x128xf32, #tpu.memory_space<vmem>>, vector<16xf32>,
        %add3A_828 = arith.addf %get3A_824, %get3A_827 : vector<16xf32>
        %get3A_829 = arith.index_cast %scan3A_781 : i32 to index
        %get3A_830 = arith.constant 48 : index
        %get3A_831 = tpu.vector_load %arg24[%get3A_829, %get3A_830] {strides = array<i32>} : memref<40x128xf32, #tpu.memory_space<vmem>>, vector<16xf32>,
        %add3A_832 = arith.addf %add3A_828, %get3A_831 : vector<16xf32>
        %swap3A_833 = arith.index_cast %scan3A_781 : i32 to index
        %swap3A_834 = arith.constant 48 : index
        %swap3A_835 = tpu.vector_load %arg19[%swap3A_833, %swap3A_834] {strides = array<i32>} : memref<40x128xf32, #tpu.memory_space<vmem>>, vector<16xf32>,
        tpu.vector_store %arg19[%swap3A_833, %swap3A_834], %add3A_832 {strides = array<i32>} : memref<40x128xf32, #tpu.memory_space<vmem>>, vector<16xf32>,
        %get3A_836 = arith.index_cast %scan3A_781 : i32 to index
        %get3A_837 = arith.constant 64 : index
        %get3A_838 = tpu.vector_load %arg19[%get3A_836, %get3A_837] {strides = array<i32>} : memref<40x128xf32, #tpu.memory_space<vmem>>, vector<16xf32>,
        %get3A_839 = arith.index_cast %scan3A_781 : i32 to index
        %get3A_840 = arith.constant 64 : index
        %get3A_841 = tpu.vector_load %arg21[%get3A_839, %get3A_840] {strides = array<i32>} : memref<40x128xf32, #tpu.memory_space<vmem>>, vector<16xf32>,
        %add3A_842 = arith.addf %get3A_838, %get3A_841 : vector<16xf32>
        %get3A_843 = arith.index_cast %scan3A_781 : i32 to index
        %get3A_844 = arith.constant 64 : index
        %get3A_845 = tpu.vector_load %arg24[%get3A_843, %get3A_844] {strides = array<i32>} : memref<40x128xf32, #tpu.memory_space<vmem>>, vector<16xf32>,
        %add3A_846 = arith.addf %add3A_842, %get3A_845 : vector<16xf32>
        %swap3A_847 = arith.index_cast %scan3A_781 : i32 to index
        %swap3A_848 = arith.constant 64 : index
        %swap3A_849 = tpu.vector_load %arg19[%swap3A_847, %swap3A_848] {strides = array<i32>} : memref<40x128xf32, #tpu.memory_space<vmem>>, vector<16xf32>,
        tpu.vector_store %arg19[%swap3A_847, %swap3A_848], %add3A_846 {strides = array<i32>} : memref<40x128xf32, #tpu.memory_space<vmem>>, vector<16xf32>,
        %get3A_850 = arith.index_cast %scan3A_781 : i32 to index
        %get3A_851 = arith.constant 80 : index
        %get3A_852 = tpu.vector_load %arg19[%get3A_850, %get3A_851] {strides = array<i32>} : memref<40x128xf32, #tpu.memory_space<vmem>>, vector<16xf32>,
        %get3A_853 = arith.index_cast %scan3A_781 : i32 to index
        %get3A_854 = arith.constant 80 : index
        %get3A_855 = tpu.vector_load %arg21[%get3A_853, %get3A_854] {strides = array<i32>} : memref<40x128xf32, #tpu.memory_space<vmem>>, vector<16xf32>,
        %add3A_856 = arith.addf %get3A_852, %get3A_855 : vector<16xf32>
        %get3A_857 = arith.index_cast %scan3A_781 : i32 to index
        %get3A_858 = arith.constant 80 : index
        %get3A_859 = tpu.vector_load %arg24[%get3A_857, %get3A_858] {strides = array<i32>} : memref<40x128xf32, #tpu.memory_space<vmem>>, vector<16xf32>,
        %add3A_860 = arith.addf %add3A_856, %get3A_859 : vector<16xf32>
        %swap3A_861 = arith.index_cast %scan3A_781 : i32 to index
        %swap3A_862 = arith.constant 80 : index
        %swap3A_863 = tpu.vector_load %arg19[%swap3A_861, %swap3A_862] {strides = array<i32>} : memref<40x128xf32, #tpu.memory_space<vmem>>, vector<16xf32>,
        tpu.vector_store %arg19[%swap3A_861, %swap3A_862], %add3A_860 {strides = array<i32>} : memref<40x128xf32, #tpu.memory_space<vmem>>, vector<16xf32>,
        %get3A_864 = arith.index_cast %scan3A_781 : i32 to index
        %get3A_865 = arith.constant 96 : index
        %get3A_866 = tpu.vector_load %arg19[%get3A_864, %get3A_865] {strides = array<i32>} : memref<40x128xf32, #tpu.memory_space<vmem>>, vector<16xf32>,
        %get3A_867 = arith.index_cast %scan3A_781 : i32 to index
        %get3A_868 = arith.constant 96 : index
        %get3A_869 = tpu.vector_load %arg21[%get3A_867, %get3A_868] {strides = array<i32>} : memref<40x128xf32, #tpu.memory_space<vmem>>, vector<16xf32>,
        %add3A_870 = arith.addf %get3A_866, %get3A_869 : vector<16xf32>
        %get3A_871 = arith.index_cast %scan3A_781 : i32 to index
        %get3A_872 = arith.constant 96 : index
        %get3A_873 = tpu.vector_load %arg24[%get3A_871, %get3A_872] {strides = array<i32>} : memref<40x128xf32, #tpu.memory_space<vmem>>, vector<16xf32>,
        %add3A_874 = arith.addf %add3A_870, %get3A_873 : vector<16xf32>
        %swap3A_875 = arith.index_cast %scan3A_781 : i32 to index
        %swap3A_876 = arith.constant 96 : index
        %swap3A_877 = tpu.vector_load %arg19[%swap3A_875, %swap3A_876] {strides = array<i32>} : memref<40x128xf32, #tpu.memory_space<vmem>>, vector<16xf32>,
        tpu.vector_store %arg19[%swap3A_875, %swap3A_876], %add3A_874 {strides = array<i32>} : memref<40x128xf32, #tpu.memory_space<vmem>>, vector<16xf32>,
        %get3A_878 = arith.index_cast %scan3A_781 : i32 to index
        %get3A_879 = arith.constant 112 : index
        %get3A_880 = tpu.vector_load %arg19[%get3A_878, %get3A_879] {strides = array<i32>} : memref<40x128xf32, #tpu.memory_space<vmem>>, vector<16xf32>,
        %get3A_881 = arith.index_cast %scan3A_781 : i32 to index
        %get3A_882 = arith.constant 112 : index
        %get3A_883 = tpu.vector_load %arg21[%get3A_881, %get3A_882] {strides = array<i32>} : memref<40x128xf32, #tpu.memory_space<vmem>>, vector<16xf32>,
        %add3A_884 = arith.addf %get3A_880, %get3A_883 : vector<16xf32>
        %get3A_885 = arith.index_cast %scan3A_781 : i32 to index
        %get3A_886 = arith.constant 112 : index
        %get3A_887 = tpu.vector_load %arg24[%get3A_885, %get3A_886] {strides = array<i32>} : memref<40x128xf32, #tpu.memory_space<vmem>>, vector<16xf32>,
        %add3A_888 = arith.addf %add3A_884, %get3A_887 : vector<16xf32>
        %swap3A_889 = arith.index_cast %scan3A_781 : i32 to index
        %swap3A_890 = arith.constant 112 : index
        %swap3A_891 = tpu.vector_load %arg19[%swap3A_889, %swap3A_890] {strides = array<i32>} : memref<40x128xf32, #tpu.memory_space<vmem>>, vector<16xf32>,
        tpu.vector_store %arg19[%swap3A_889, %swap3A_890], %add3A_888 {strides = array<i32>} : memref<40x128xf32, #tpu.memory_space<vmem>>, vector<16xf32>,
      }
      %scan3A_776 = arith.constant 40 : i32
      "tpu.trace_stop"() : () -> ()
      %dma_start3A_777 = arith.constant 0 : i32
      %dma_start3A_778 = tpu.memref_slice %arg6[%add3A_717, %dma_start3A_777] : memref<10000x128xf32, #tpu.memory_space<hbm>> -> memref<40x128xf32, #tpu.memory_space<hbm>>
      %dma_start3A_779 = arith.constant 0 : i32
      %dma_start3A_780 = tpu.memref_slice %arg6[%add3A_717, %dma_start3A_779] : memref<10000x128xf32, #tpu.memory_space<hbm>> -> memref<40x128xf32, #tpu.memory_space<hbm>>
      tpu.enqueue_dma source(%arg19 : memref<40x128xf32, #tpu.memory_space<vmem>>) target(%dma_start3A_780 : memref<40x128xf32, #tpu.memory_space<hbm>>) target_semaphore(%arg44 : memref<!tpu.dma_semaphore, #tpu.memory_space<semaphore_mem>>)
    } else {
    }
    %add3A_723 = arith.constant 280 : i32
    %add3A_724 = arith.addi %mul3A_5, %add3A_723 : i32
    %lt3A_725 = arith.constant 10000 : i32
    %lt3A_726 = arith.cmpi slt, %add3A_724, %lt3A_725 : i32
    %convert_element_type3A_727 = arith.extui %lt3A_726 : i1 to i32
    %cond3A_728 = arith.constant 0 : i32
    %cond3A_729 = arith.cmpi ne, %convert_element_type3A_727, %cond3A_728 : i32
    scf.if %cond3A_729 {
      "tpu.trace_start"() <{level = 10 : i32, message = "p2_waitx"}> : () -> ()
      %dma_wait3A_758 = arith.constant 0 : i32
      %dma_wait3A_759 = tpu.memref_slice %arg2[%add3A_724, %dma_wait3A_758] : memref<10000x128xf32, #tpu.memory_space<hbm>> -> memref<40x128xf32, #tpu.memory_space<hbm>>
      %dma_wait3A_760 = arith.constant 0 : i32
      %dma_wait3A_761 = tpu.memref_slice %arg2[%add3A_724, %dma_wait3A_760] : memref<10000x128xf32, #tpu.memory_space<hbm>> -> memref<40x128xf32, #tpu.memory_space<hbm>>
      tpu.wait_dma2 semaphore(%arg35 : memref<!tpu.dma_semaphore, #tpu.memory_space<semaphore_mem>>) src(%dma_wait3A_761 : memref<40x128xf32, #tpu.memory_space<hbm>>) dst(%arg20 : memref<40x128xf32, #tpu.memory_space<vmem>>)
      "tpu.trace_stop"() : () -> ()
      "tpu.trace_start"() <{level = 10 : i32, message = "p2_waitz"}> : () -> ()
      %dma_wait3A_762 = arith.constant 280 : i32
      %dma_wait3A_763 = tpu.memref_slice %arg15[%dma_wait3A_762] : memref<320xi32, #tpu.memory_space<vmem>> -> memref<40xi32, #tpu.memory_space<vmem>>
      %dma_wait3A_764 = arith.constant 0 : i32
      %dma_wait3A_765 = arith.constant 0 : i32
      %dma_wait3A_766 = tpu.memref_slice %arg13[%dma_wait3A_764, %dma_wait3A_765] : memref<512x128xf32, #tpu.memory_space<vmem_shared>> -> memref<512x128xf32, #tpu.memory_space<vmem_shared>>
      tpu.wait_indirect_dma semaphore(%arg37 : memref<!tpu.dma_semaphore, #tpu.memory_space<semaphore_mem>>) src(%dma_wait3A_766 : memref<512x128xf32, #tpu.memory_space<vmem_shared>>) dst(%arg22 : memref<40x128xf32, #tpu.memory_space<vmem>>)
      %dma_wait3A_767 = arith.constant 280 : i32
      %dma_wait3A_768 = tpu.memref_slice %arg16[%dma_wait3A_767] : memref<320xi32, #tpu.memory_space<vmem>> -> memref<40xi32, #tpu.memory_space<vmem>>
      %dma_wait3A_769 = arith.constant 0 : i32
      %dma_wait3A_770 = arith.constant 0 : i32
      %dma_wait3A_771 = tpu.memref_slice %arg13[%dma_wait3A_769, %dma_wait3A_770] : memref<512x128xf32, #tpu.memory_space<vmem_shared>> -> memref<512x128xf32, #tpu.memory_space<vmem_shared>>
      tpu.wait_indirect_dma semaphore(%arg40 : memref<!tpu.dma_semaphore, #tpu.memory_space<semaphore_mem>>) src(%dma_wait3A_771 : memref<512x128xf32, #tpu.memory_space<vmem_shared>>) dst(%arg25 : memref<40x128xf32, #tpu.memory_space<vmem>>)
      "tpu.trace_stop"() : () -> ()
      "tpu.trace_start"() <{level = 10 : i32, message = "p2_add"}> : () -> ()
      %scan3A_772 = arith.constant 0 : i32
      %scan3A_773 = arith.constant 40 : i32
      %scan3A_774 = arith.addi %scan3A_772, %scan3A_773 : i32
      %scan3A_775 = arith.constant 1 : i32
      scf.for %scan3A_781 = %scan3A_772 to %scan3A_774 step %scan3A_775  : i32 {
        %get3A = arith.index_cast %scan3A_781 : i32 to index
        %get3A_782 = arith.constant 0 : index
        %get3A_783 = tpu.vector_load %arg20[%get3A, %get3A_782] {strides = array<i32>} : memref<40x128xf32, #tpu.memory_space<vmem>>, vector<16xf32>,
        %get3A_784 = arith.index_cast %scan3A_781 : i32 to index
        %get3A_785 = arith.constant 0 : index
        %get3A_786 = tpu.vector_load %arg22[%get3A_784, %get3A_785] {strides = array<i32>} : memref<40x128xf32, #tpu.memory_space<vmem>>, vector<16xf32>,
        %add3A_787 = arith.addf %get3A_783, %get3A_786 : vector<16xf32>
        %get3A_788 = arith.index_cast %scan3A_781 : i32 to index
        %get3A_789 = arith.constant 0 : index
        %get3A_790 = tpu.vector_load %arg25[%get3A_788, %get3A_789] {strides = array<i32>} : memref<40x128xf32, #tpu.memory_space<vmem>>, vector<16xf32>,
        %add3A_791 = arith.addf %add3A_787, %get3A_790 : vector<16xf32>
        %swap3A = arith.index_cast %scan3A_781 : i32 to index
        %swap3A_792 = arith.constant 0 : index
        %swap3A_793 = tpu.vector_load %arg20[%swap3A, %swap3A_792] {strides = array<i32>} : memref<40x128xf32, #tpu.memory_space<vmem>>, vector<16xf32>,
        tpu.vector_store %arg20[%swap3A, %swap3A_792], %add3A_791 {strides = array<i32>} : memref<40x128xf32, #tpu.memory_space<vmem>>, vector<16xf32>,
        %get3A_794 = arith.index_cast %scan3A_781 : i32 to index
        %get3A_795 = arith.constant 16 : index
        %get3A_796 = tpu.vector_load %arg20[%get3A_794, %get3A_795] {strides = array<i32>} : memref<40x128xf32, #tpu.memory_space<vmem>>, vector<16xf32>,
        %get3A_797 = arith.index_cast %scan3A_781 : i32 to index
        %get3A_798 = arith.constant 16 : index
        %get3A_799 = tpu.vector_load %arg22[%get3A_797, %get3A_798] {strides = array<i32>} : memref<40x128xf32, #tpu.memory_space<vmem>>, vector<16xf32>,
        %add3A_800 = arith.addf %get3A_796, %get3A_799 : vector<16xf32>
        %get3A_801 = arith.index_cast %scan3A_781 : i32 to index
        %get3A_802 = arith.constant 16 : index
        %get3A_803 = tpu.vector_load %arg25[%get3A_801, %get3A_802] {strides = array<i32>} : memref<40x128xf32, #tpu.memory_space<vmem>>, vector<16xf32>,
        %add3A_804 = arith.addf %add3A_800, %get3A_803 : vector<16xf32>
        %swap3A_805 = arith.index_cast %scan3A_781 : i32 to index
        %swap3A_806 = arith.constant 16 : index
        %swap3A_807 = tpu.vector_load %arg20[%swap3A_805, %swap3A_806] {strides = array<i32>} : memref<40x128xf32, #tpu.memory_space<vmem>>, vector<16xf32>,
        tpu.vector_store %arg20[%swap3A_805, %swap3A_806], %add3A_804 {strides = array<i32>} : memref<40x128xf32, #tpu.memory_space<vmem>>, vector<16xf32>,
        %get3A_808 = arith.index_cast %scan3A_781 : i32 to index
        %get3A_809 = arith.constant 32 : index
        %get3A_810 = tpu.vector_load %arg20[%get3A_808, %get3A_809] {strides = array<i32>} : memref<40x128xf32, #tpu.memory_space<vmem>>, vector<16xf32>,
        %get3A_811 = arith.index_cast %scan3A_781 : i32 to index
        %get3A_812 = arith.constant 32 : index
        %get3A_813 = tpu.vector_load %arg22[%get3A_811, %get3A_812] {strides = array<i32>} : memref<40x128xf32, #tpu.memory_space<vmem>>, vector<16xf32>,
        %add3A_814 = arith.addf %get3A_810, %get3A_813 : vector<16xf32>
        %get3A_815 = arith.index_cast %scan3A_781 : i32 to index
        %get3A_816 = arith.constant 32 : index
        %get3A_817 = tpu.vector_load %arg25[%get3A_815, %get3A_816] {strides = array<i32>} : memref<40x128xf32, #tpu.memory_space<vmem>>, vector<16xf32>,
        %add3A_818 = arith.addf %add3A_814, %get3A_817 : vector<16xf32>
        %swap3A_819 = arith.index_cast %scan3A_781 : i32 to index
        %swap3A_820 = arith.constant 32 : index
        %swap3A_821 = tpu.vector_load %arg20[%swap3A_819, %swap3A_820] {strides = array<i32>} : memref<40x128xf32, #tpu.memory_space<vmem>>, vector<16xf32>,
        tpu.vector_store %arg20[%swap3A_819, %swap3A_820], %add3A_818 {strides = array<i32>} : memref<40x128xf32, #tpu.memory_space<vmem>>, vector<16xf32>,
        %get3A_822 = arith.index_cast %scan3A_781 : i32 to index
        %get3A_823 = arith.constant 48 : index
        %get3A_824 = tpu.vector_load %arg20[%get3A_822, %get3A_823] {strides = array<i32>} : memref<40x128xf32, #tpu.memory_space<vmem>>, vector<16xf32>,
        %get3A_825 = arith.index_cast %scan3A_781 : i32 to index
        %get3A_826 = arith.constant 48 : index
        %get3A_827 = tpu.vector_load %arg22[%get3A_825, %get3A_826] {strides = array<i32>} : memref<40x128xf32, #tpu.memory_space<vmem>>, vector<16xf32>,
        %add3A_828 = arith.addf %get3A_824, %get3A_827 : vector<16xf32>
        %get3A_829 = arith.index_cast %scan3A_781 : i32 to index
        %get3A_830 = arith.constant 48 : index
        %get3A_831 = tpu.vector_load %arg25[%get3A_829, %get3A_830] {strides = array<i32>} : memref<40x128xf32, #tpu.memory_space<vmem>>, vector<16xf32>,
        %add3A_832 = arith.addf %add3A_828, %get3A_831 : vector<16xf32>
        %swap3A_833 = arith.index_cast %scan3A_781 : i32 to index
        %swap3A_834 = arith.constant 48 : index
        %swap3A_835 = tpu.vector_load %arg20[%swap3A_833, %swap3A_834] {strides = array<i32>} : memref<40x128xf32, #tpu.memory_space<vmem>>, vector<16xf32>,
        tpu.vector_store %arg20[%swap3A_833, %swap3A_834], %add3A_832 {strides = array<i32>} : memref<40x128xf32, #tpu.memory_space<vmem>>, vector<16xf32>,
        %get3A_836 = arith.index_cast %scan3A_781 : i32 to index
        %get3A_837 = arith.constant 64 : index
        %get3A_838 = tpu.vector_load %arg20[%get3A_836, %get3A_837] {strides = array<i32>} : memref<40x128xf32, #tpu.memory_space<vmem>>, vector<16xf32>,
        %get3A_839 = arith.index_cast %scan3A_781 : i32 to index
        %get3A_840 = arith.constant 64 : index
        %get3A_841 = tpu.vector_load %arg22[%get3A_839, %get3A_840] {strides = array<i32>} : memref<40x128xf32, #tpu.memory_space<vmem>>, vector<16xf32>,
        %add3A_842 = arith.addf %get3A_838, %get3A_841 : vector<16xf32>
        %get3A_843 = arith.index_cast %scan3A_781 : i32 to index
        %get3A_844 = arith.constant 64 : index
        %get3A_845 = tpu.vector_load %arg25[%get3A_843, %get3A_844] {strides = array<i32>} : memref<40x128xf32, #tpu.memory_space<vmem>>, vector<16xf32>,
        %add3A_846 = arith.addf %add3A_842, %get3A_845 : vector<16xf32>
        %swap3A_847 = arith.index_cast %scan3A_781 : i32 to index
        %swap3A_848 = arith.constant 64 : index
        %swap3A_849 = tpu.vector_load %arg20[%swap3A_847, %swap3A_848] {strides = array<i32>} : memref<40x128xf32, #tpu.memory_space<vmem>>, vector<16xf32>,
        tpu.vector_store %arg20[%swap3A_847, %swap3A_848], %add3A_846 {strides = array<i32>} : memref<40x128xf32, #tpu.memory_space<vmem>>, vector<16xf32>,
        %get3A_850 = arith.index_cast %scan3A_781 : i32 to index
        %get3A_851 = arith.constant 80 : index
        %get3A_852 = tpu.vector_load %arg20[%get3A_850, %get3A_851] {strides = array<i32>} : memref<40x128xf32, #tpu.memory_space<vmem>>, vector<16xf32>,
        %get3A_853 = arith.index_cast %scan3A_781 : i32 to index
        %get3A_854 = arith.constant 80 : index
        %get3A_855 = tpu.vector_load %arg22[%get3A_853, %get3A_854] {strides = array<i32>} : memref<40x128xf32, #tpu.memory_space<vmem>>, vector<16xf32>,
        %add3A_856 = arith.addf %get3A_852, %get3A_855 : vector<16xf32>
        %get3A_857 = arith.index_cast %scan3A_781 : i32 to index
        %get3A_858 = arith.constant 80 : index
        %get3A_859 = tpu.vector_load %arg25[%get3A_857, %get3A_858] {strides = array<i32>} : memref<40x128xf32, #tpu.memory_space<vmem>>, vector<16xf32>,
        %add3A_860 = arith.addf %add3A_856, %get3A_859 : vector<16xf32>
        %swap3A_861 = arith.index_cast %scan3A_781 : i32 to index
        %swap3A_862 = arith.constant 80 : index
        %swap3A_863 = tpu.vector_load %arg20[%swap3A_861, %swap3A_862] {strides = array<i32>} : memref<40x128xf32, #tpu.memory_space<vmem>>, vector<16xf32>,
        tpu.vector_store %arg20[%swap3A_861, %swap3A_862], %add3A_860 {strides = array<i32>} : memref<40x128xf32, #tpu.memory_space<vmem>>, vector<16xf32>,
        %get3A_864 = arith.index_cast %scan3A_781 : i32 to index
        %get3A_865 = arith.constant 96 : index
        %get3A_866 = tpu.vector_load %arg20[%get3A_864, %get3A_865] {strides = array<i32>} : memref<40x128xf32, #tpu.memory_space<vmem>>, vector<16xf32>,
        %get3A_867 = arith.index_cast %scan3A_781 : i32 to index
        %get3A_868 = arith.constant 96 : index
        %get3A_869 = tpu.vector_load %arg22[%get3A_867, %get3A_868] {strides = array<i32>} : memref<40x128xf32, #tpu.memory_space<vmem>>, vector<16xf32>,
        %add3A_870 = arith.addf %get3A_866, %get3A_869 : vector<16xf32>
        %get3A_871 = arith.index_cast %scan3A_781 : i32 to index
        %get3A_872 = arith.constant 96 : index
        %get3A_873 = tpu.vector_load %arg25[%get3A_871, %get3A_872] {strides = array<i32>} : memref<40x128xf32, #tpu.memory_space<vmem>>, vector<16xf32>,
        %add3A_874 = arith.addf %add3A_870, %get3A_873 : vector<16xf32>
        %swap3A_875 = arith.index_cast %scan3A_781 : i32 to index
        %swap3A_876 = arith.constant 96 : index
        %swap3A_877 = tpu.vector_load %arg20[%swap3A_875, %swap3A_876] {strides = array<i32>} : memref<40x128xf32, #tpu.memory_space<vmem>>, vector<16xf32>,
        tpu.vector_store %arg20[%swap3A_875, %swap3A_876], %add3A_874 {strides = array<i32>} : memref<40x128xf32, #tpu.memory_space<vmem>>, vector<16xf32>,
        %get3A_878 = arith.index_cast %scan3A_781 : i32 to index
        %get3A_879 = arith.constant 112 : index
        %get3A_880 = tpu.vector_load %arg20[%get3A_878, %get3A_879] {strides = array<i32>} : memref<40x128xf32, #tpu.memory_space<vmem>>, vector<16xf32>,
        %get3A_881 = arith.index_cast %scan3A_781 : i32 to index
        %get3A_882 = arith.constant 112 : index
        %get3A_883 = tpu.vector_load %arg22[%get3A_881, %get3A_882] {strides = array<i32>} : memref<40x128xf32, #tpu.memory_space<vmem>>, vector<16xf32>,
        %add3A_884 = arith.addf %get3A_880, %get3A_883 : vector<16xf32>
        %get3A_885 = arith.index_cast %scan3A_781 : i32 to index
        %get3A_886 = arith.constant 112 : index
        %get3A_887 = tpu.vector_load %arg25[%get3A_885, %get3A_886] {strides = array<i32>} : memref<40x128xf32, #tpu.memory_space<vmem>>, vector<16xf32>,
        %add3A_888 = arith.addf %add3A_884, %get3A_887 : vector<16xf32>
        %swap3A_889 = arith.index_cast %scan3A_781 : i32 to index
        %swap3A_890 = arith.constant 112 : index
        %swap3A_891 = tpu.vector_load %arg20[%swap3A_889, %swap3A_890] {strides = array<i32>} : memref<40x128xf32, #tpu.memory_space<vmem>>, vector<16xf32>,
        tpu.vector_store %arg20[%swap3A_889, %swap3A_890], %add3A_888 {strides = array<i32>} : memref<40x128xf32, #tpu.memory_space<vmem>>, vector<16xf32>,
      }
      %scan3A_776 = arith.constant 40 : i32
      "tpu.trace_stop"() : () -> ()
      %dma_start3A_777 = arith.constant 0 : i32
      %dma_start3A_778 = tpu.memref_slice %arg6[%add3A_724, %dma_start3A_777] : memref<10000x128xf32, #tpu.memory_space<hbm>> -> memref<40x128xf32, #tpu.memory_space<hbm>>
      %dma_start3A_779 = arith.constant 0 : i32
      %dma_start3A_780 = tpu.memref_slice %arg6[%add3A_724, %dma_start3A_779] : memref<10000x128xf32, #tpu.memory_space<hbm>> -> memref<40x128xf32, #tpu.memory_space<hbm>>
      tpu.enqueue_dma source(%arg20 : memref<40x128xf32, #tpu.memory_space<vmem>>) target(%dma_start3A_780 : memref<40x128xf32, #tpu.memory_space<hbm>>) target_semaphore(%arg45 : memref<!tpu.dma_semaphore, #tpu.memory_space<semaphore_mem>>)
    } else {
    }
    "tpu.trace_stop"() : () -> ()
    %add3A_730 = arith.constant 160 : i32
    %add3A_731 = arith.addi %mul3A_5, %add3A_730 : i32
    %lt3A_732 = arith.constant 10000 : i32
    %lt3A_733 = arith.cmpi slt, %add3A_731, %lt3A_732 : i32
    %convert_element_type3A_734 = arith.extui %lt3A_733 : i1 to i32
    %cond3A_735 = arith.constant 0 : i32
    %cond3A_736 = arith.cmpi ne, %convert_element_type3A_734, %cond3A_735 : i32
    scf.if %cond3A_736 {
      %dma_wait3A_758 = arith.constant 0 : i32
      %dma_wait3A_759 = tpu.memref_slice %arg6[%add3A_731, %dma_wait3A_758] : memref<10000x128xf32, #tpu.memory_space<hbm>> -> memref<40x128xf32, #tpu.memory_space<hbm>>
      %dma_wait3A_760 = arith.constant 0 : i32
      %dma_wait3A_761 = tpu.memref_slice %arg6[%add3A_731, %dma_wait3A_760] : memref<10000x128xf32, #tpu.memory_space<hbm>> -> memref<40x128xf32, #tpu.memory_space<hbm>>
      tpu.wait_dma2 semaphore(%arg42 : memref<!tpu.dma_semaphore, #tpu.memory_space<semaphore_mem>>) src(%arg17 : memref<40x128xf32, #tpu.memory_space<vmem>>) dst(%dma_wait3A_761 : memref<40x128xf32, #tpu.memory_space<hbm>>)
    } else {
    }
    %add3A_737 = arith.constant 200 : i32
    %add3A_738 = arith.addi %mul3A_5, %add3A_737 : i32
    %lt3A_739 = arith.constant 10000 : i32
    %lt3A_740 = arith.cmpi slt, %add3A_738, %lt3A_739 : i32
    %convert_element_type3A_741 = arith.extui %lt3A_740 : i1 to i32
    %cond3A_742 = arith.constant 0 : i32
    %cond3A_743 = arith.cmpi ne, %convert_element_type3A_741, %cond3A_742 : i32
    scf.if %cond3A_743 {
      %dma_wait3A_758 = arith.constant 0 : i32
      %dma_wait3A_759 = tpu.memref_slice %arg6[%add3A_738, %dma_wait3A_758] : memref<10000x128xf32, #tpu.memory_space<hbm>> -> memref<40x128xf32, #tpu.memory_space<hbm>>
      %dma_wait3A_760 = arith.constant 0 : i32
      %dma_wait3A_761 = tpu.memref_slice %arg6[%add3A_738, %dma_wait3A_760] : memref<10000x128xf32, #tpu.memory_space<hbm>> -> memref<40x128xf32, #tpu.memory_space<hbm>>
      tpu.wait_dma2 semaphore(%arg43 : memref<!tpu.dma_semaphore, #tpu.memory_space<semaphore_mem>>) src(%arg18 : memref<40x128xf32, #tpu.memory_space<vmem>>) dst(%dma_wait3A_761 : memref<40x128xf32, #tpu.memory_space<hbm>>)
    } else {
    }
    %add3A_744 = arith.constant 240 : i32
    %add3A_745 = arith.addi %mul3A_5, %add3A_744 : i32
    %lt3A_746 = arith.constant 10000 : i32
    %lt3A_747 = arith.cmpi slt, %add3A_745, %lt3A_746 : i32
    %convert_element_type3A_748 = arith.extui %lt3A_747 : i1 to i32
    %cond3A_749 = arith.constant 0 : i32
    %cond3A_750 = arith.cmpi ne, %convert_element_type3A_748, %cond3A_749 : i32
    scf.if %cond3A_750 {
      %dma_wait3A_758 = arith.constant 0 : i32
      %dma_wait3A_759 = tpu.memref_slice %arg6[%add3A_745, %dma_wait3A_758] : memref<10000x128xf32, #tpu.memory_space<hbm>> -> memref<40x128xf32, #tpu.memory_space<hbm>>
      %dma_wait3A_760 = arith.constant 0 : i32
      %dma_wait3A_761 = tpu.memref_slice %arg6[%add3A_745, %dma_wait3A_760] : memref<10000x128xf32, #tpu.memory_space<hbm>> -> memref<40x128xf32, #tpu.memory_space<hbm>>
      tpu.wait_dma2 semaphore(%arg44 : memref<!tpu.dma_semaphore, #tpu.memory_space<semaphore_mem>>) src(%arg19 : memref<40x128xf32, #tpu.memory_space<vmem>>) dst(%dma_wait3A_761 : memref<40x128xf32, #tpu.memory_space<hbm>>)
    } else {
    }
    %add3A_751 = arith.constant 280 : i32
    %add3A_752 = arith.addi %mul3A_5, %add3A_751 : i32
    %lt3A_753 = arith.constant 10000 : i32
    %lt3A_754 = arith.cmpi slt, %add3A_752, %lt3A_753 : i32
    %convert_element_type3A_755 = arith.extui %lt3A_754 : i1 to i32
    %cond3A_756 = arith.constant 0 : i32
    %cond3A_757 = arith.cmpi ne, %convert_element_type3A_755, %cond3A_756 : i32
    scf.if %cond3A_757 {
      %dma_wait3A_758 = arith.constant 0 : i32
      %dma_wait3A_759 = tpu.memref_slice %arg6[%add3A_752, %dma_wait3A_758] : memref<10000x128xf32, #tpu.memory_space<hbm>> -> memref<40x128xf32, #tpu.memory_space<hbm>>
      %dma_wait3A_760 = arith.constant 0 : i32
      %dma_wait3A_761 = tpu.memref_slice %arg6[%add3A_752, %dma_wait3A_760] : memref<10000x128xf32, #tpu.memory_space<hbm>> -> memref<40x128xf32, #tpu.memory_space<hbm>>
      tpu.wait_dma2 semaphore(%arg45 : memref<!tpu.dma_semaphore, #tpu.memory_space<semaphore_mem>>) src(%arg20 : memref<40x128xf32, #tpu.memory_space<vmem>>) dst(%dma_wait3A_761 : memref<40x128xf32, #tpu.memory_space<hbm>>)
    } else {
    }
    return
  }
}

</mosaic_0001>

<sc_bundles>
// kernel: _centrality.3.cloned.1.call-start
scs
__scs_entry_jumppad:
0x0: {  	(pc) =	sbr.rel $0x88, $3  }
0x1: {  	(tag) =	ssettag $0x0;
	lr =	simm.s32 $0x1  }
0x2: {  	[smem:$0x3F9D] =	sst lr;
	_ =	strace $0xD0000000  }
0x3: {  	_ = 	snop  }
0x4: {  	_ = 	snop  }
0x5: {  	_ = 	snop  }
0x6: {  	_ = 	snop  }
0x7: {  	_ = 	snop  }
__scs_overlays_trampoline_lowered:
0x8: {  	[smem:$0x3FAC] =	sst s0  }
0x9: {  	[smem:$0x3FAD] =	sst s1  }
0xa: {  	[smem:$0x3FAE] =	sst s2  }
0xb: {  	[smem:$0x3FAF] =	sst s3  }
0xc: {  	[smem:$0x3FB0] =	sst s4  }
0xd: {  	[smem:$0x3FB1] =	sst s5  }
0xe: {  	[smem:$0x3FB2] =	sst s6  }
0xf: {  	[smem:$0x3FB3] =	sst s7  }
0x10: {  	[smem:$0x3FB4] =	sst s8  }
0x11: {  	[smem:$0x3FB5] =	sst s9;
	s0 =	simm.s32 @!p0 $0x0  }
0x12: {  	s1 =	sld [smem:$0x3F9B];
	s0 =	simm.s32 @p0 $0x1  }
0x13: {  	[smem:$0x3FB6] =	sst s0;
	s0 =	simm.s32 @!p1 $0x0  }
0x14: {  	s2 =	sld [smem:$0x3F9A];
	s0 =	simm.s32 @p1 $0x1  }
0x15: {  	[smem:$0x3FB7] =	sst s0;
	s0 =	simm.s32 @!p2 $0x0  }
0x16: {  	s3 =	sld [smem:$0x3FDB];
	s0 =	simm.s32 @p2 $0x1  }
0x17: {  	s4 =	simm.s32 $0x1BF5;
	[smem:$0x3FB9] =	sst s0  }
0x18: {  	s0 =	sld [smem:$0x3F9C];
	_ =	swait.ge [sflag:s4], $0x0  }
0x19: {  	s7 =	sld [smem:$0x3F9D]  }
0x1a: {  	s8 =	sadd.s32 $0xFFFFE003, lr  }
0x1b: {  	s9 =	sadd.s32 $0xFFFFFEF7, lr;
	s5 =	simm.s32 $0xFFFFFFFF;
	p2 =	slt.u32 s8, $0xFFFFF086  }
0x1c: {  	p1 =	slt.u32 s9, $0xF7A;
	s5 =	simm.s32 @!p2 $0x0  }
0x1d: {  	s5 =	simm.s32 @p1 $0x1;
	p0 =	seq.s32 s7, s2  }
0x1e: {  	s7 =	smul.u32 @!p0 $0xF7A, s2;
	p2 =	seq.s32 @!p0 s5, $0x0  }
0x1f: {  	s9 =	smul.u32 $0xF7A, s1;
	s8 =	simm.s32 @!p0 $0x1BF5;
	p2 =	por !p2, p0  }
0x20: {  	[sflag:s8] =	ssyncset.s32 @!p0 $0xFFFFF086;
	s6 =	sadd.s32 @!p0 s3, s7;
	s7 =	simm.s32 @!p0 $0x108  }
0x21: {  	s3 =	sadd.s32 s3, s9;
	s6 =	sadd.s32 @!p0 $0x88, s6;
	s7 =	simm.s32 @p2 $0x1082  }
0x22: {  	[simem:s7], [sflag:s8] =	dma.local @!p0 [hbm:s6], $0xF7A  }
0x23: {  	s9 =	sor.u32 $0xD0000000, s2;
	s6 =	simm.s32 $0x108;
	_ =	swait.ge @!p0 [sflag:s8], $0x0  }
0x24: {  	s3 =	sadd.s32 $0x88, s3;
	s6 =	simm.s32 @!p1 $0x1082;
	[sflag:s4] =	ssyncset.s32 $0xFFFFF086  }
0x25: {  	[simem:s6], [sflag:s4] =	dma.local [hbm:s3], $0xF7A  }
0x26: {  	[smem:$0x3F9D] =	sst s1;
	(tag) =	ssettag s2;
	_ =	strace s9  }
0x27: {  	s1 =	sld [smem:$0x3FAD]  }
0x28: {  	s2 =	sld [smem:$0x3FAE]  }
0x29: {  	s4 =	sld [smem:$0x3FB0]  }
0x2a: {  	p0 =	seq.s32 s5, $0x0;
	s5 =	sld [smem:$0x3FB1]  }
0x2b: {  	s6 =	sld [smem:$0x3FB2]  }
0x2c: {  	s7 =	sld [smem:$0x3FB3]  }
0x2d: {  	s3 =	simm.s32 $0x108;
	s8 =	sld [smem:$0x3FB4]  }
0x2e: {  	s3 =	simm.s32 @!p0 $0x1082;
	s9 =	sld [smem:$0x3FB5]  }
0x2f: {  	lr =	sadd.s32 s0, s3;
	s0 =	sld [smem:$0x3FAC]  }
0x30: {  	s3 =	sld [smem:$0x3FAF]  }
0x31: {  	[smem:$0x3FB8] =	sst s10  }
0x32: {  	s10 =	sld [smem:$0x3FB6];
	_ =	sdelay $0x3  }
0x33: {  	p0 =	seq.s32 s10, $0x1;
	s10 =	sld [smem:$0x3FB8];
	_ =	sdelay $0x3  }
0x34: {  	[smem:$0x3FB8] =	sst s10  }
0x35: {  	s10 =	sld [smem:$0x3FB7];
	_ =	sdelay $0x3  }
0x36: {  	p1 =	seq.s32 s10, $0x1;
	s10 =	sld [smem:$0x3FB8];
	_ =	sdelay $0x3  }
0x37: {  	[smem:$0x3FB8] =	sst s10  }
0x38: {  	s10 =	sld [smem:$0x3FB9]  }
0x39: {  	_ = 	snop;
	(pc) =	sbr.ind lr, $3  }
0x3a: {  	_ = 	snop  }
0x3b: {  	_ = 	snop  }
0x3c: {  	p2 =	seq.s32 s10, $0x1;
	s10 =	sld [smem:$0x3FB8]  }
0x3d: {  	_ =	shalt  }
0x3e: {  	_ =	shalt  }
0x3f: {  	_ =	shalt  }
0x40: {  	_ =	shalt  }
0x41: {  	_ =	shalt  }
0x42: {  	_ =	shalt  }
0x43: {  	_ =	shalt  }
0x44: {  	_ =	shalt  }
0x45: {  	_ =	shalt  }
0x46: {  	_ =	shalt  }
0x47: {  	_ =	shalt  }
0x48: {  	_ =	shalt  }
0x49: {  	_ =	shalt  }
0x4a: {  	_ =	shalt  }
0x4b: {  	_ =	shalt  }
0x4c: {  	_ =	shalt  }
0x4d: {  	_ =	shalt  }
0x4e: {  	_ =	shalt  }
0x4f: {  	_ =	shalt  }
0x50: {  	_ =	shalt  }
0x51: {  	_ =	shalt  }
0x52: {  	_ =	shalt  }
0x53: {  	_ =	shalt  }
0x54: {  	_ =	shalt  }
0x55: {  	_ =	shalt  }
0x56: {  	_ =	shalt  }
0x57: {  	_ =	shalt  }
0x58: {  	_ =	shalt  }
0x59: {  	_ =	shalt  }
0x5a: {  	_ =	shalt  }
0x5b: {  	_ =	shalt  }
0x5c: {  	_ =	shalt  }
0x5d: {  	_ =	shalt  }
0x5e: {  	_ =	shalt  }
0x5f: {  	_ =	shalt  }
0x60: {  	_ =	shalt  }
0x61: {  	_ =	shalt  }
0x62: {  	_ =	shalt  }
0x63: {  	_ =	shalt  }
0x64: {  	_ =	shalt  }
0x65: {  	_ =	shalt  }
0x66: {  	_ =	shalt  }
0x67: {  	_ =	shalt  }
0x68: {  	_ =	shalt  }
0x69: {  	_ =	shalt  }
0x6a: {  	_ =	shalt  }
0x6b: {  	_ =	shalt  }
0x6c: {  	_ =	shalt  }
0x6d: {  	_ =	shalt  }
0x6e: {  	_ =	shalt  }
0x6f: {  	_ =	shalt  }
0x70: {  	_ =	shalt  }
0x71: {  	_ =	shalt  }
0x72: {  	_ =	shalt  }
0x73: {  	_ =	shalt  }
0x74: {  	_ =	shalt  }
0x75: {  	_ =	shalt  }
0x76: {  	_ =	shalt  }
0x77: {  	_ =	shalt  }
0x78: {  	_ =	shalt  }
0x79: {  	_ =	shalt  }
0x7a: {  	_ =	shalt  }
0x7b: {  	_ =	shalt  }
0x7c: {  	_ =	shalt  }
0x7d: {  	_ =	shalt  }
0x7e: {  	_ =	shalt  }
0x7f: {  	_ =	shalt  }
0x80: {  	_ =	shalt  }
0x81: {  	_ =	shalt  }
0x82: {  	_ =	shalt  }
0x83: {  	_ =	shalt  }
0x84: {  	_ =	shalt  }
0x85: {  	_ =	shalt  }
0x86: {  	_ =	shalt  }
0x87: {  	_ =	shalt  }
.Lfunc_end0:
.L_simem_size_0:
called_computation_lowered:
.L_overlay_start_0:
0x88: {  	s2 =	sld [smem:$0x3FD9]  }
0x89: {  	s3 =	sld [smem:$0x3FFE];
	_ =	sdelay $0x1  }
0x8a: {  	s1 =	srdreg.scid  }
0x8b: {  	s0 =	sand.u32 $0x1, s1  }
0x8c: {  	s18 =	sshll.u32 s0, $0xA;
	s2 =	sadd.s32 s3, s2  }
0x8d: {  	s2 =	sadd.s32 s2, s18  }
0x8e: {  	[smem:$0x3FC4] =	sst s2  }
0x8f: {  	_ = 	snop  }
0x90: {  	s2 =	sld [smem:$0x3FC9]  }
0x91: {  	s19 =	sld [smem:$0x3FC8]  }
0x92: {  	s4 =	sld [smem:$0x3FC7]  }
0x93: {  	s5 =	sld [smem:$0x3FC6]  }
0x94: {  	s6 =	sld [smem:$0x3FD0];
	(tm) =	ssettm $0x1  }
0x95: {  	s7 =	sld [smem:$0x3FFB];
	_ =	sdelay $0x3  }
0x96: {  	_ =	strace s7  }
0x97: {  	s7 =	sld [smem:$0x3FFC];
	_ =	sdelay $0x3  }
0x98: {  	_ =	strace s7  }
0x99: {  	s7 =	sld [smem:$0x3FFD];
	_ =	sdelay $0x3  }
0x9a: {  	_ =	strace s7  }
0x9b: {  	_ =	strace $0x8FFFFFFF  }
0x9c: {  	s20 =	sld [smem:$0x3FDB];
	_ =	sdelay $0x1  }
0x9d: {  	s8 =	simm.s32 $_scs_section_size  }
0x9e: {  	s9 =	simm.s32 $_size__tile_overlayer_lowered;
	s10 =	simm.s32 $_tile_overlayer_lowered  }
0x9f: {  	s23 =	simm.s32 $0x1BFF;
	s22 =	sshll.u32 s10, $0x1;
	s7 =	sadd.s32 s8, s20  }
0xa0: {  	s11 =	simm.s32 $0x0;
	s21 =	sshll.u32 s9, $0x1;
	s9 =	sadd.s32 s22, s7  }
0xa1: {  	[timem:s11], [sflag:s23] =	dma.local [hbm:s9], s21  }
0xa2: {  	_ =	swait.ge [sflag:s23], s21  }
0xa3: {  	s8 =	ssub.s32 $0x0, s21;
	[sflag:s23] =	ssyncset.done $0x0  }
0xa4: {  	[sflag:s23] =	ssyncadd.s32 s8;
	_ =	sdelay $0x1  }
0xa5: {  	s24 =	simm.s32 $0x1B8B  }
0xa6: {  	_ =	swait.ge [sflag:s24], $0x1  }
0xa7: {  	[sflag:s24] =	ssyncset.done $0x0  }
0xa8: {  	s25 =	simm.s32 $0x1B8E;
	[sflag:s24] =	ssyncadd.s32 $0xFFFFFFFF  }
0xa9: {  	s26 =	simm.s32 $execute0_lowered;
	[smem:$0x3FD2] =	sst s25  }
0xaa: {  	s8 =	sshll.u32 s26, $0x1;
	_ =	strace $0x80000046;
	[dreg:$0x1] =	wrdreg $0xFFFFFFFF  }
0xab: {  	s28 =	simm.s32 $_size_execute0_lowered;
	s7 =	sadd.s32 s7, s8;
	[dreg:$0x0] =	wrdreg $0x0  }
0xac: {  	s8 =	sshll.u32 s28, $0x1;
	[dreg:$0x2] =	wrdreg s7  }
0xad: {  	[dreg:$0x3] =	wrdreg s8  }
0xae: {  	[dreg:$0x4] =	wrdreg $0xC0  }
0xaf: {  	_ =	task [dreg:s11], $0x5FFFF  }
0xb0: {  	[dreg:$0x1] =	wrdreg $0xFFFFFFFF  }
0xb1: {  	[dreg:$0x0] =	wrdreg $0x60  }
0xb2: {  	[dreg:$0x2] =	wrdreg s2  }
0xb3: {  	[dreg:$0x3] =	wrdreg s19  }
0xb4: {  	[dreg:$0x4] =	wrdreg s4  }
0xb5: {  	[dreg:$0x5] =	wrdreg s5  }
0xb6: {  	[dreg:$0x6] =	wrdreg s6  }
0xb7: {  	[dreg:$0x7] =	wrdreg $0xEF000  }
0xb8: {  	[dreg:$0x8] =	wrdreg $0x9F000  }
0xb9: {  	[dreg:$0x9] =	wrdreg $0x9  }
0xba: {  	_ =	task.clear_ibuf [dreg:s11], $0xAFFFF;
	_ =	strace $0x90000046  }
0xbb: {  	s29 =	simm.s32 $0x9;
	_ =	strace $0x8000006E  }
0xbc: {  	_ =	swait.ge [sflag:s29], $0x1  }
0xbd: {  	[sflag:s29] =	ssyncadd.s32 $0xFFFFFFFF  }
0xbe: {  	_ =	strace $0x9000006E  }
0xbf: {  	_ =	sfence  }
0xc0: {  	s30 =	sld [smem:$0x0];
	_ =	sdelay $0x2  }
0xc1: {  	s31 =	sshll.u32 s1, $0xD;
	s1 =	sshrl.u32 s1, $0x2  }
0xc2: {  	s3 =	sand.u32 $0x4000, s31;
	s1 =	sadd.s32 s1, s30  }
0xc3: {  	s0 =	sor.u32 s3, s0;
	s1 =	sshll.u32 s1, $0x11  }
0xc4: {  	s0 =	sor.u32 s1, s0  }
0xc5: {  	s0 =	sadd.s32 $0x8F2B, s0  }
0xc6: {  	[sflag:s0] =	ssyncadd.remote.s32 $0x1  }
0xc7: {  	_ =	sfence.sel $0xFFFF  }
0xc8: {  	[dreg:$0x0] =	wrdreg $0xFFFFFFFF;
	(pc) =	sbr.abs _section_cstart, $3  }
0xc9: {  	[dreg:$0x1] =	wrdreg $0xFFFFFFFF  }
0xca: {  	_ =	task.clear_ibuf [dreg:s11], $0x2FFFF;
	_ =	strace $0x9FFFFFFF  }
0xcb: {  	(tm) =	ssettm $0x7FFFFFFF  }
tec
execute0_lowered:
.L_overlay_start_1:
0x0: {  	(tag) =	ssettag $0x1  }
0x1: {  	s0 =	rddreg [dreg:$0x0]  }
0x2: {  	s1 =	rddreg [dreg:$0x1]  }
0x3: {  	s3 =	rddreg [dreg:$0x4]  }
0x4: {  	s4 =	srdreg.scid;
	s2 =	rddreg [dreg:$0x5]  }
0x5: {  	s5 =	stileid.u32;
	s6 =	rddreg [dreg:$0x6];
	s4 =	sand.u32 $0x1, s4  }
0x6: {  	s8 =	smul.u32 $0x9C, s5;
	s21 =	smin.u32 s5, $0x4;
	s7 =	sshll.u32 s4, $0x4  }
0x7: {  	s22 =	smul.u32 $0xA000, s5;
	s4 =	ssub.s32 $0x2, s4;
	s9 =	sor.u32 s5, s7  }
0x8: {  	s10 =	sshrl.u32 s4, $0x1;
	s7 =	sadd.s32 s21, s8;
	s8 =	smul.u32 $0x1400, s9  }
0x9: {  	s4 =	ssub.s32 s4, s10;
	s7 =	sshll.u32 s7, $0x5;
	s24 =	smul.u32 $0x500, s9  }
0xa: {  	s10 =	sshrl.u32 s22, $0x2;
	s12 =	sadd.s32 s1, s7;
	s11 =	sadd.s32 s0, s8  }
0xb: {  	s23 =	sor.u32 $0x280, s8;
	s16 =	sadd.s32 s3, s8;
	[dreg:$0x9] =	wrdreg s11  }
0xc: {  	s26 =	sadd.s32 $0x500, s8;
	s25 =	sadd.s32 s0, s23;
	[dreg:$0xd] =	wrdreg s16  }
0xd: {  	s15 =	sadd.s32 $0x780, s8;
	s14 =	sadd.s32 s0, s26;
	[dreg:$0xa] =	wrdreg s25  }
0xe: {  	s13 =	sadd.s32 s10, s6;
	s17 =	sadd.s32 s0, s15;
	[dreg:$0xc] =	wrdreg s14  }
0xf: {  	s18 =	sadd.s32 $0xA00, s8;
	s1 =	sadd.s32 s3, s23;
	[dreg:$0xe] =	wrdreg s17  }
0x10: {  	s7 =	sshrl.u32 s24, $0x2;
	s19 =	sadd.s32 s0, s18;
	[dreg:$0xf] =	wrdreg s1  }
0x11: {  	s20 =	sadd.s32 $0xC80, s8;
	s10 =	sadd.s32 s3, s26;
	[dreg:$0x10] =	wrdreg s19  }
0x12: {  	s22 =	sadd.s32 $0xF00, s8;
	s21 =	sadd.s32 s0, s20;
	[dreg:$0x11] =	wrdreg s10  }
0x13: {  	s7 =	sadd.s32 s7, s6;
	s6 =	sadd.s32 s3, s15;
	[dreg:$0x12] =	wrdreg s21  }
0x14: {  	s24 =	sadd.s32 $0x1180, s8;
	s23 =	sadd.s32 s0, s22;
	[dreg:$0x13] =	wrdreg s6  }
0x15: {  	s0 =	sadd.s32 s0, s24;
	[dreg:$0x14] =	wrdreg s23  }
0x16: {  	s26 =	sadd.s32 s3, s20;
	[dreg:$0x16] =	wrdreg s0  }
0x17: {  	s8 =	sadd.s32 s3, s24;
	[dreg:$0x17] =	wrdreg s26  }
0x18: {  	s25 =	sadd.s32 s3, s18;
	[dreg:$0x19] =	wrdreg s8  }
0x19: {  	s1 =	sadd.s32 s3, s22;
	[dreg:$0x15] =	wrdreg s25  }
0x1a: {  	p0 =	sne.s32 s5, $0x0;
	s23 =	simm.s32 $0x0;
	[dreg:$0x18] =	wrdreg s1  }
0x1b: {  	s0 =	sadd.s32 $0x8000, s2;
	s10 =	smax.u32 s4, $0x1;
	[smem:$0x7FF] =	sst s23  }
0x1c: {  	s0 =	sshrl.u32 @!p0 s0, $0x3;
	_ =	strace $0x80000047;
	[dreg:$0x1a] =	wrdreg s10  }
0x1d: {  	s11 =	sadd.s32 $0x4E0, s12;
	[dreg:$0x1b] =	wrdreg s0  }
0x1e: {  	s14 =	sadd.s32 $0x1380, s12;
	[dreg:$0x1c] =	wrdreg s11  }
0x1f: {  	s15 =	sadd.s32 $0x9C0, s12;
	[dreg:$0x1d] =	wrdreg s14  }
0x20: {  	[dreg:$0x1e] =	wrdreg s15  }
0x21: {  	s16 =	sadd.s32 $0xEA0, s12;
	[dreg:$0x8] =	wrdreg s12  }
0x22: {  	[dreg:$0x1f] =	wrdreg s16  }
0x23: {  	s17 =	sadd.s32 $0x28000, s13;
	[dreg:$0xb] =	wrdreg s13  }
0x24: {  	s18 =	sadd.s32 $0x2800, s7;
	[smem:$0x7DE] =	sst s17  }
0x25: {  	s19 =	sadd.s32 $0x5000, s7;
	[smem:$0x7DF] =	sst s18  }
0x26: {  	s20 =	sadd.s32 $0x7800, s7;
	[smem:$0x7E0] =	sst s19  }
0x27: {  	s21 =	sadd.s32 $0xA000, s7;
	[smem:$0x7E1] =	sst s20  }
0x28: {  	s22 =	sadd.s32 $0xC800, s7;
	[smem:$0x7E2] =	sst s21  }
0x29: {  	s24 =	sadd.s32 $0xF000, s7;
	[smem:$0x7E3] =	sst s22  }
0x2a: {  	s25 =	sadd.s32 $0x11800, s7;
	[smem:$0x7E4] =	sst s24  }
0x2b: {  	s26 =	sadd.s32 $0x14000, s7;
	[smem:$0x7E5] =	sst s25  }
0x2c: {  	s1 =	sadd.s32 $0x16800, s7;
	[smem:$0x7E6] =	sst s26  }
0x2d: {  	p1 =	slt.u32 s5, $0x4;
	s3 =	sadd.s32 $0x19000, s7;
	[smem:$0x7E7] =	sst s1  }
0x2e: {  	p2 =	sgt.u32 s5, $0x3;
	s4 =	sadd.s32 $0x1B800, s7;
	[smem:$0x7E8] =	sst s3  }
0x2f: {  	p4 =	sne.s32 @p1 s5, $0x0;
	s5 =	sadd.s32 $0x1E000, s7;
	[smem:$0x7E9] =	sst s4  }
0x30: {  	s6 =	sadd.s32 $0x20800, s7;
	[smem:$0x7EA] =	sst s5  }
0x31: {  	s8 =	sadd.s32 $0x23000, s7;
	[smem:$0x7EB] =	sst s6  }
0x32: {  	p3 =	seq.s32 s9, $0x1F;
	s9 =	sadd.s32 $0x25800, s7;
	[smem:$0x7EC] =	sst s8  }
0x33: {  	[smem:$0x7ED] =	sst s9;
	s10 =	sadd.s32 $0x28000, s7  }
0x34: {  	s11 =	sadd.s32 $0x2A800, s7;
	[smem:$0x7EE] =	sst s10  }
0x35: {  	s12 =	sadd.s32 $0x2D000, s7;
	[smem:$0x7EF] =	sst s11  }
0x36: {  	s13 =	sadd.s32 $0x2F800, s7;
	[smem:$0x7F0] =	sst s12  }
0x37: {  	s14 =	sadd.s32 $0x32000, s7;
	[smem:$0x7F1] =	sst s13  }
0x38: {  	s15 =	sadd.s32 $0x34800, s7;
	[smem:$0x7F2] =	sst s14  }
0x39: {  	s28 =	simm.s32 $0x10;
	s16 =	sadd.s32 $0x37000, s7;
	[smem:$0x7F3] =	sst s15  }
0x3a: {  	s29 =	simm.s32 $0x8;
	s17 =	sadd.s32 $0x39800, s7;
	[smem:$0x7F4] =	sst s16  }
0x3b: {  	s30 =	simm.s32 $0xC;
	s18 =	sadd.s32 $0x3C000, s7;
	[smem:$0x7F5] =	sst s17  }
0x3c: {  	s31 =	simm.s32 $0xF;
	s19 =	sadd.s32 $0x3E800, s7;
	[smem:$0x7F6] =	sst s18  }
0x3d: {  	p4 =	por p4, !p1;
	s20 =	sadd.s32 $0x41000, s7;
	[smem:$0x7F7] =	sst s19  }
0x3e: {  	s21 =	sadd.s32 $0x43800, s7;
	s22 =	sadd.s32 $0x46000, s7;
	[smem:$0x7F8] =	sst s20  }
0x3f: {  	s24 =	sadd.s32 $0x48800, s7;
	s25 =	sadd.s32 $0x4B000, s7;
	[smem:$0x7F9] =	sst s21  }
0x40: {  	s26 =	sadd.s32 $0x4D800, s7;
	s8 =	simm.s32 $0x4;
	[smem:$0x7FA] =	sst s22  }
0x41: {  	s4 =	simm.s32 $0xA;
	s9 =	simm.s32 $0x11;
	[smem:$0x7FB] =	sst s24  }
0x42: {  	s0 =	simm.s32 $0x12;
	s5 =	simm.s32 $0x13;
	[smem:$0x7FC] =	sst s25  }
0x43: {  	s1 =	simm.s32 $0x0;
	[smem:$0x7FD] =	sst s26;
	s13 =	simm.s32 $0x2700  }
.Ltmp0:
0x44: {  	s14 =	simm.s32 $0x11600;
	s15 =	simm.s32 $0x12A00;
	(pc) =	sbr.rel .LBB2_1-.Ltmp0, $4  }
0x45: {  	s16 =	simm.s32 $0x1;
	s18 =	simm.s32 $0x7700;
	s19 =	simm.s32 $0x4F00  }
0x46: {  	s20 =	simm.s32 $0x2;
	s21 =	simm.s32 $0x14;
	s22 =	simm.s32 $0x28  }
0x47: {  	s10 =	simm.s32 $0x6;
	s11 =	simm.s32 $0xD;
	s24 =	simm.s32 $0x7  }
0x48: {  	v0 =	vimm.s32 $0x0;
	v1 =	vimm.s32 $0x1;
	s25 =	simm.s32 $0xB;
	s26 =	simm.s32 $0xE;
	s17 =	simm.s32 $0x9  }
.LBB2_35:
0x49: {  	_ =	strace $0x90000055;
	s13 =	simm.s32 $0x2700  }
.LBB2_33:
0x4a: {  	s1 =	sadd.s32 $0x1, s1;
	s3 =	rddreg [dreg:$0x1a]  }
0x4b: {  	p5 =	sne.s32 s1, s3  }
.Ltmp1:
0x4c: {  	_ = 	snop;
	(pc) =	sbr.rel @!p5 .LBB2_34-.Ltmp1, $1  }
0x4d: {  	_ =	sdelay $0x3  }
.LBB2_1:
0x4e: {  	s3 =	sshrl.u32 @!p0 s2, $0x3;
	s6 =	simm.s32 @!p0 $0x1C05;
	s12 =	rddreg [dreg:$0x2]  }
0x4f: {  	[spmem:s3], [sflag:s6] =	dma.local @!p0 [hbm:s12], $0x1000  }
0x50: {  	s3 =	rddreg [dreg:$0x3]  }
0x51: {  	s12 =	rddreg [dreg:$0x1b]  }
0x52: {  	[spmem:s12], [sflag:s6] =	dma.local @!p0 [hbm:s3], $0x1000  }
0x53: {  	s3 =	rddreg [dreg:$0x8]  }
0x54: {  	[tilespmem:s23], [sflag:$0x1] =	stream.linear.gather [hbm4b:s3+s23], $0x2700, $0x38;
	[tilespmem:$0x1DE00] =	vst v63  }
0x55: {  	s12 =	rddreg [dreg:$0x1c]  }
0x56: {  	[tilespmem:s13], [sflag:$0x2] =	stream.linear.gather [hbm4b:s12+s23], $0x2700, $0x38;
	[tilespmem:$0x1DE00] =	vst v63  }
0x57: {  	s6 =	simm.s32 @!p2 $0x4E00;
	s3 =	simm.s32 @!p2 $0x0;
	s12 =	rddreg [dreg:$0x1d]  }
0x58: {  	[tilespmem:s6], [sflag:$0x3] =	stream.linear.gather @!p2 [hbm4b:s12+s3], $0x100, $0x38;
	[tilespmem:$0x1DE00] =	vst v63  }
0x59: {  	s6 =	rddreg [dreg:$0x9]  }
0x5a: {  	[tilespmem:s14], [sflag:$0x6] =	stream.linear.gather [hbm4b:s6+s23], $0x1400, $0x38;
	[tilespmem:$0x1DE00] =	vst v63  }
0x5b: {  	s12 =	rddreg [dreg:$0xa]  }
0x5c: {  	[tilespmem:s15], [sflag:$0x7] =	stream.linear.gather [hbm4b:s12+s23], $0x1400, $0x38;
	[tilespmem:$0x1DE00] =	vst v63  }
0x5d: {  	s3 =	simm.s32 $0x0;
	s6 =	simm.s32 $0x200;
	_ =	strace $0x80000048  }
.LBB2_2:
0x5e: {  	p5 =	sne.s32 s6, $0x9E00;
	[tilespmem:s3+$0x7770] =	vst v0  }
0x5f: {  	[tilespmem:s3+$0x4F00] =	vst v0  }
0x60: {  	[tilespmem:s3+$0x7700] =	vst v0  }
0x61: {  	[tilespmem:s3+$0x4F10] =	vst v0  }
0x62: {  	[tilespmem:s3+$0x7710] =	vst v0  }
0x63: {  	[tilespmem:s3+$0x4F20] =	vst v0  }
0x64: {  	[tilespmem:s3+$0x7720] =	vst v0  }
0x65: {  	[tilespmem:s3+$0x4F30] =	vst v0  }
0x66: {  	[tilespmem:s3+$0x7730] =	vst v0  }
0x67: {  	[tilespmem:s3+$0x4F40] =	vst v0  }
0x68: {  	[tilespmem:s3+$0x7740] =	vst v0  }
.Ltmp2:
0x69: {  	[tilespmem:s3+$0x4F50] =	vst v0;
	(pc) =	sbr.rel @p5 .LBB2_2-.Ltmp2, $4  }
0x6a: {  	[tilespmem:s3+$0x7750] =	vst v0  }
0x6b: {  	[tilespmem:s3+$0x4F60] =	vst v0  }
0x6c: {  	[tilespmem:s3+$0x7760] =	vst v0  }
0x6d: {  	[tilespmem:s3+$0x4F70] =	vst v0;
	s3 =	sshra.s32 s6, $0x2;
	s6 =	sadd.s32 $0x200, s6  }
0x6e: {  	[tilespmem:s3+$0x7770] =	vst v0  }
0x6f: {  	[tilespmem:s3+$0x4F00] =	vst v0  }
0x70: {  	[tilespmem:s3+$0x7700] =	vst v0  }
0x71: {  	[tilespmem:s3+$0x4F10] =	vst v0  }
0x72: {  	[tilespmem:s3+$0x7710] =	vst v0  }
0x73: {  	[tilespmem:s3+$0x4F20] =	vst v0  }
0x74: {  	[tilespmem:s3+$0x7720] =	vst v0  }
0x75: {  	[tilespmem:s3+$0x4F30] =	vst v0  }
0x76: {  	[tilespmem:s3+$0x7730] =	vst v0  }
0x77: {  	[tilespmem:s3+$0x4F40] =	vst v0  }
0x78: {  	[tilespmem:s3+$0x7740] =	vst v0  }
0x79: {  	[tilespmem:s3+$0x4F50] =	vst v0  }
0x7a: {  	[tilespmem:s3+$0x7750] =	vst v0  }
0x7b: {  	[tilespmem:s3+$0x4F60] =	vst v0  }
0x7c: {  	[tilespmem:s3+$0x7760] =	vst v0  }
0x7d: {  	[tilespmem:s3+$0x4F70] =	vst v0  }
0x7e: {  	_ =	strace $0x90000048  }
0x7f: {  	_ =	strace $0x80000049  }
0x80: {  	_ =	strace $0x8000004A  }
0x81: {  	_ =	swait.ge [sflag:s16], $0x2700  }
0x82: {  	[sflag:s16] =	ssyncset.done $0x0  }
0x83: {  	[sflag:s16] =	ssyncadd.s32 $0xFFFFD900  }
0x84: {  	s12 =	simm.s32 $0x0;
	_ =	strace $0x9000004A  }
0x85: {  	v2 =	vld [tilespmem:s12+$0xF0]  }
0x86: {  	v3 =	vld [tilespmem:s12+$0x30]  }
0x87: {  	v4 =	vld [tilespmem:s12+$0xD0]  }
0x88: {  	v5 =	vld [tilespmem:s12+$0xB0]  }
0x89: {  	v6 =	vld [tilespmem:s12+$0x90]  }
0x8a: {  	v7 =	vld [tilespmem:s12+$0x20]  }
0x8b: {  	v8 =	vld [tilespmem:s12+$0x80]  }
0x8c: {  	v9 =	vld [tilespmem:s12+$0x10]  }
0x8d: {  	v10 =	vld [tilespmem:s12+$0x0]  }
0x8e: {  	v11 =	vld [tilespmem:s12+$0xA0]  }
0x8f: {  	v12 =	vld [tilespmem:s12+$0x60]  }
0x90: {  	v13 =	vld [tilespmem:s12+$0x40]  }
0x91: {  	v14 =	vld [tilespmem:s12+$0xC0]  }
0x92: {  	v15 =	vld [tilespmem:s12+$0x50]  }
0x93: {  	v16 =	vld [tilespmem:s12+$0xE0]  }
0x94: {  	v17 =	vld [tilespmem:s12+$0x70]  }
0x95: {  	[tilespmem:v10+s18+$0x0] =	vst.idx.add.s32.msk $0xffff, v1  }
0x96: {  	[tilespmem:v8+s19+$0x0] =	vst.idx.add.s32.msk $0xffff, v1  }
0x97: {  	[tilespmem:v9+s18+$0x0] =	vst.idx.add.s32.msk $0xffff, v1  }
0x98: {  	[tilespmem:v6+s19+$0x0] =	vst.idx.add.s32.msk $0xffff, v1  }
0x99: {  	[tilespmem:v7+s18+$0x0] =	vst.idx.add.s32.msk $0xffff, v1  }
0x9a: {  	[tilespmem:v11+s19+$0x0] =	vst.idx.add.s32.msk $0xffff, v1  }
0x9b: {  	[tilespmem:v3+s18+$0x0] =	vst.idx.add.s32.msk $0xffff, v1  }
0x9c: {  	[tilespmem:v5+s19+$0x0] =	vst.idx.add.s32.msk $0xffff, v1  }
0x9d: {  	[tilespmem:v13+s18+$0x0] =	vst.idx.add.s32.msk $0xffff, v1  }
0x9e: {  	[tilespmem:v14+s19+$0x0] =	vst.idx.add.s32.msk $0xffff, v1  }
0x9f: {  	[tilespmem:v15+s18+$0x0] =	vst.idx.add.s32.msk $0xffff, v1  }
0xa0: {  	[tilespmem:v4+s19+$0x0] =	vst.idx.add.s32.msk $0xffff, v1  }
0xa1: {  	[tilespmem:v12+s18+$0x0] =	vst.idx.add.s32.msk $0xffff, v1  }
0xa2: {  	[tilespmem:v16+s19+$0x0] =	vst.idx.add.s32.msk $0xffff, v1  }
0xa3: {  	s12 =	simm.s32 $0x400;
	[tilespmem:v17+s18+$0x0] =	vst.idx.add.s32.msk $0xffff, v1  }
.LBB2_4:
0xa4: {  	s3 =	sshra.s32 s12, $0x2;
	p5 =	sne.s32 s12, $0x9800;
	s12 =	sadd.s32 $0x400, s12;
	[tilespmem:v2+s19+$0x0] =	vst.idx.add.s32.msk $0xffff, v1  }
0xa5: {  	v2 =	vld [tilespmem:s3+$0xF0]  }
0xa6: {  	v3 =	vld [tilespmem:s3+$0x30]  }
0xa7: {  	v4 =	vld [tilespmem:s3+$0xD0]  }
0xa8: {  	v5 =	vld [tilespmem:s3+$0xB0]  }
0xa9: {  	v6 =	vld [tilespmem:s3+$0x90]  }
0xaa: {  	v7 =	vld [tilespmem:s3+$0x20]  }
0xab: {  	v8 =	vld [tilespmem:s3+$0x80]  }
0xac: {  	v9 =	vld [tilespmem:s3+$0x10]  }
0xad: {  	v10 =	vld [tilespmem:s3+$0x0]  }
0xae: {  	v11 =	vld [tilespmem:s3+$0xA0]  }
0xaf: {  	v12 =	vld [tilespmem:s3+$0x60]  }
0xb0: {  	v13 =	vld [tilespmem:s3+$0x40]  }
0xb1: {  	v14 =	vld [tilespmem:s3+$0xC0]  }
0xb2: {  	v15 =	vld [tilespmem:s3+$0x50]  }
0xb3: {  	v16 =	vld [tilespmem:s3+$0xE0]  }
0xb4: {  	v17 =	vld [tilespmem:s3+$0x70]  }
0xb5: {  	[tilespmem:v10+s18+$0x0] =	vst.idx.add.s32.msk $0xffff, v1  }
0xb6: {  	[tilespmem:v8+s19+$0x0] =	vst.idx.add.s32.msk $0xffff, v1  }
0xb7: {  	[tilespmem:v9+s18+$0x0] =	vst.idx.add.s32.msk $0xffff, v1  }
0xb8: {  	[tilespmem:v6+s19+$0x0] =	vst.idx.add.s32.msk $0xffff, v1  }
0xb9: {  	[tilespmem:v7+s18+$0x0] =	vst.idx.add.s32.msk $0xffff, v1  }
0xba: {  	[tilespmem:v11+s19+$0x0] =	vst.idx.add.s32.msk $0xffff, v1  }
0xbb: {  	[tilespmem:v3+s18+$0x0] =	vst.idx.add.s32.msk $0xffff, v1  }
0xbc: {  	[tilespmem:v5+s19+$0x0] =	vst.idx.add.s32.msk $0xffff, v1  }
0xbd: {  	[tilespmem:v13+s18+$0x0] =	vst.idx.add.s32.msk $0xffff, v1  }
0xbe: {  	[tilespmem:v14+s19+$0x0] =	vst.idx.add.s32.msk $0xffff, v1  }
.Ltmp3:
0xbf: {  	[tilespmem:v15+s18+$0x0] =	vst.idx.add.s32.msk $0xffff, v1;
	(pc) =	sbr.rel @p5 .LBB2_4-.Ltmp3, $4  }
0xc0: {  	[tilespmem:v4+s19+$0x0] =	vst.idx.add.s32.msk $0xffff, v1  }
0xc1: {  	[tilespmem:v12+s18+$0x0] =	vst.idx.add.s32.msk $0xffff, v1  }
0xc2: {  	[tilespmem:v16+s19+$0x0] =	vst.idx.add.s32.msk $0xffff, v1  }
0xc3: {  	[tilespmem:v17+s18+$0x0] =	vst.idx.add.s32.msk $0xffff, v1  }
0xc4: {  	_ =	sdelay $0x3  }
0xc5: {  	[tilespmem:v2+s19+$0x0] =	vst.idx.add.s32.msk $0xffff, v1;
	s3 =	simm.s32 $0x0;
	s6 =	rddreg [dreg:$0x1e]  }
0xc6: {  	[tilespmem:s3], [sflag:$0x1] =	stream.linear.gather [hbm4b:s6+s3], $0x2700, $0x200038;
	[tilespmem:$0x1DE00] =	vst v63  }
0xc7: {  	_ =	strace $0x8000004B  }
0xc8: {  	_ =	swait.ge [sflag:s20], $0x2700  }
0xc9: {  	[sflag:s20] =	ssyncset.done $0x0  }
0xca: {  	[sflag:s20] =	ssyncadd.s32 $0xFFFFD900  }
0xcb: {  	s12 =	simm.s32 $0x0;
	_ =	strace $0x9000004B  }
0xcc: {  	v2 =	vld [tilespmem:s12+$0x27F0]  }
0xcd: {  	v3 =	vld [tilespmem:s12+$0x2730]  }
0xce: {  	v4 =	vld [tilespmem:s12+$0x27D0]  }
0xcf: {  	v5 =	vld [tilespmem:s12+$0x27B0]  }
0xd0: {  	v6 =	vld [tilespmem:s12+$0x2790]  }
0xd1: {  	v7 =	vld [tilespmem:s12+$0x2720]  }
0xd2: {  	v8 =	vld [tilespmem:s12+$0x2780]  }
0xd3: {  	v9 =	vld [tilespmem:s12+$0x2710]  }
0xd4: {  	v10 =	vld [tilespmem:s12+$0x2700]  }
0xd5: {  	v11 =	vld [tilespmem:s12+$0x27A0]  }
0xd6: {  	v12 =	vld [tilespmem:s12+$0x2760]  }
0xd7: {  	v13 =	vld [tilespmem:s12+$0x2740]  }
0xd8: {  	v14 =	vld [tilespmem:s12+$0x27C0]  }
0xd9: {  	v15 =	vld [tilespmem:s12+$0x2750]  }
0xda: {  	v16 =	vld [tilespmem:s12+$0x27E0]  }
0xdb: {  	v17 =	vld [tilespmem:s12+$0x2770]  }
0xdc: {  	[tilespmem:v10+s18+$0x0] =	vst.idx.add.s32.msk $0xffff, v1  }
0xdd: {  	[tilespmem:v8+s19+$0x0] =	vst.idx.add.s32.msk $0xffff, v1  }
0xde: {  	[tilespmem:v9+s18+$0x0] =	vst.idx.add.s32.msk $0xffff, v1  }
0xdf: {  	[tilespmem:v6+s19+$0x0] =	vst.idx.add.s32.msk $0xffff, v1  }
0xe0: {  	[tilespmem:v7+s18+$0x0] =	vst.idx.add.s32.msk $0xffff, v1  }
0xe1: {  	[tilespmem:v11+s19+$0x0] =	vst.idx.add.s32.msk $0xffff, v1  }
0xe2: {  	[tilespmem:v3+s18+$0x0] =	vst.idx.add.s32.msk $0xffff, v1  }
0xe3: {  	[tilespmem:v5+s19+$0x0] =	vst.idx.add.s32.msk $0xffff, v1  }
0xe4: {  	[tilespmem:v13+s18+$0x0] =	vst.idx.add.s32.msk $0xffff, v1  }
0xe5: {  	[tilespmem:v14+s19+$0x0] =	vst.idx.add.s32.msk $0xffff, v1  }
0xe6: {  	[tilespmem:v15+s18+$0x0] =	vst.idx.add.s32.msk $0xffff, v1  }
0xe7: {  	[tilespmem:v4+s19+$0x0] =	vst.idx.add.s32.msk $0xffff, v1  }
0xe8: {  	[tilespmem:v12+s18+$0x0] =	vst.idx.add.s32.msk $0xffff, v1  }
0xe9: {  	[tilespmem:v16+s19+$0x0] =	vst.idx.add.s32.msk $0xffff, v1  }
0xea: {  	s12 =	simm.s32 $0x400;
	[tilespmem:v17+s18+$0x0] =	vst.idx.add.s32.msk $0xffff, v1  }
.LBB2_6:
0xeb: {  	s3 =	sshra.s32 s12, $0x2;
	p5 =	sne.s32 s12, $0x9800;
	s12 =	sadd.s32 $0x400, s12;
	[tilespmem:v2+s19+$0x0] =	vst.idx.add.s32.msk $0xffff, v1  }
0xec: {  	v2 =	vld [tilespmem:s3+$0x27F0]  }
0xed: {  	v3 =	vld [tilespmem:s3+$0x2730]  }
0xee: {  	v4 =	vld [tilespmem:s3+$0x27D0]  }
0xef: {  	v5 =	vld [tilespmem:s3+$0x27B0]  }
0xf0: {  	v6 =	vld [tilespmem:s3+$0x2790]  }
0xf1: {  	v7 =	vld [tilespmem:s3+$0x2720]  }
0xf2: {  	v8 =	vld [tilespmem:s3+$0x2780]  }
0xf3: {  	v9 =	vld [tilespmem:s3+$0x2710]  }
0xf4: {  	v10 =	vld [tilespmem:s3+$0x2700]  }
0xf5: {  	v11 =	vld [tilespmem:s3+$0x27A0]  }
0xf6: {  	v12 =	vld [tilespmem:s3+$0x2760]  }
0xf7: {  	v13 =	vld [tilespmem:s3+$0x2740]  }
0xf8: {  	v14 =	vld [tilespmem:s3+$0x27C0]  }
0xf9: {  	v15 =	vld [tilespmem:s3+$0x2750]  }
0xfa: {  	v16 =	vld [tilespmem:s3+$0x27E0]  }
0xfb: {  	v17 =	vld [tilespmem:s3+$0x2770]  }
0xfc: {  	[tilespmem:v10+s18+$0x0] =	vst.idx.add.s32.msk $0xffff, v1  }
0xfd: {  	[tilespmem:v8+s19+$0x0] =	vst.idx.add.s32.msk $0xffff, v1  }
0xfe: {  	[tilespmem:v9+s18+$0x0] =	vst.idx.add.s32.msk $0xffff, v1  }
0xff: {  	[tilespmem:v6+s19+$0x0] =	vst.idx.add.s32.msk $0xffff, v1  }
0x100: {  	[tilespmem:v7+s18+$0x0] =	vst.idx.add.s32.msk $0xffff, v1  }
0x101: {  	[tilespmem:v11+s19+$0x0] =	vst.idx.add.s32.msk $0xffff, v1  }
0x102: {  	[tilespmem:v3+s18+$0x0] =	vst.idx.add.s32.msk $0xffff, v1  }
0x103: {  	[tilespmem:v5+s19+$0x0] =	vst.idx.add.s32.msk $0xffff, v1  }
0x104: {  	[tilespmem:v13+s18+$0x0] =	vst.idx.add.s32.msk $0xffff, v1  }
0x105: {  	[tilespmem:v14+s19+$0x0] =	vst.idx.add.s32.msk $0xffff, v1  }
.Ltmp4:
0x106: {  	[tilespmem:v15+s18+$0x0] =	vst.idx.add.s32.msk $0xffff, v1;
	(pc) =	sbr.rel @p5 .LBB2_6-.Ltmp4, $4  }
0x107: {  	[tilespmem:v4+s19+$0x0] =	vst.idx.add.s32.msk $0xffff, v1  }
0x108: {  	[tilespmem:v12+s18+$0x0] =	vst.idx.add.s32.msk $0xffff, v1  }
0x109: {  	[tilespmem:v16+s19+$0x0] =	vst.idx.add.s32.msk $0xffff, v1  }
0x10a: {  	[tilespmem:v17+s18+$0x0] =	vst.idx.add.s32.msk $0xffff, v1  }
0x10b: {  	_ =	sdelay $0x3  }
0x10c: {  	[tilespmem:v2+s19+$0x0] =	vst.idx.add.s32.msk $0xffff, v1;
	s3 =	simm.s32 $0x0;
	s6 =	rddreg [dreg:$0x1f]  }
0x10d: {  	[tilespmem:s13], [sflag:$0x2] =	stream.linear.gather [hbm4b:s6+s3], $0x2700, $0x200038;
	[tilespmem:$0x1DE00] =	vst v63  }
0x10e: {  	_ =	strace $0x8000004C  }
0x10f: {  	_ =	swait.ge [sflag:s16], $0x2700  }
0x110: {  	[sflag:s16] =	ssyncset.done $0x0  }
0x111: {  	[sflag:s16] =	ssyncadd.s32 $0xFFFFD900  }
0x112: {  	s13 =	simm.s32 $0x0;
	_ =	strace $0x9000004C  }
0x113: {  	v2 =	vld [tilespmem:s13+$0xF0]  }
0x114: {  	v3 =	vld [tilespmem:s13+$0x30]  }
0x115: {  	v4 =	vld [tilespmem:s13+$0xD0]  }
0x116: {  	v5 =	vld [tilespmem:s13+$0xB0]  }
0x117: {  	v6 =	vld [tilespmem:s13+$0x90]  }
0x118: {  	v7 =	vld [tilespmem:s13+$0x20]  }
0x119: {  	v8 =	vld [tilespmem:s13+$0x80]  }
0x11a: {  	v9 =	vld [tilespmem:s13+$0x10]  }
0x11b: {  	v10 =	vld [tilespmem:s13+$0x0]  }
0x11c: {  	v11 =	vld [tilespmem:s13+$0xA0]  }
0x11d: {  	v12 =	vld [tilespmem:s13+$0x60]  }
0x11e: {  	v13 =	vld [tilespmem:s13+$0x40]  }
0x11f: {  	v14 =	vld [tilespmem:s13+$0xC0]  }
0x120: {  	v15 =	vld [tilespmem:s13+$0x50]  }
0x121: {  	v16 =	vld [tilespmem:s13+$0xE0]  }
0x122: {  	v17 =	vld [tilespmem:s13+$0x70]  }
0x123: {  	[tilespmem:v10+s18+$0x0] =	vst.idx.add.s32.msk $0xffff, v1  }
0x124: {  	[tilespmem:v8+s19+$0x0] =	vst.idx.add.s32.msk $0xffff, v1  }
0x125: {  	[tilespmem:v9+s18+$0x0] =	vst.idx.add.s32.msk $0xffff, v1  }
0x126: {  	[tilespmem:v6+s19+$0x0] =	vst.idx.add.s32.msk $0xffff, v1  }
0x127: {  	[tilespmem:v7+s18+$0x0] =	vst.idx.add.s32.msk $0xffff, v1  }
0x128: {  	[tilespmem:v11+s19+$0x0] =	vst.idx.add.s32.msk $0xffff, v1  }
0x129: {  	[tilespmem:v3+s18+$0x0] =	vst.idx.add.s32.msk $0xffff, v1  }
0x12a: {  	[tilespmem:v5+s19+$0x0] =	vst.idx.add.s32.msk $0xffff, v1  }
0x12b: {  	[tilespmem:v13+s18+$0x0] =	vst.idx.add.s32.msk $0xffff, v1  }
0x12c: {  	[tilespmem:v14+s19+$0x0] =	vst.idx.add.s32.msk $0xffff, v1  }
0x12d: {  	[tilespmem:v15+s18+$0x0] =	vst.idx.add.s32.msk $0xffff, v1  }
0x12e: {  	[tilespmem:v4+s19+$0x0] =	vst.idx.add.s32.msk $0xffff, v1  }
0x12f: {  	[tilespmem:v12+s18+$0x0] =	vst.idx.add.s32.msk $0xffff, v1  }
0x130: {  	[tilespmem:v16+s19+$0x0] =	vst.idx.add.s32.msk $0xffff, v1  }
0x131: {  	s12 =	simm.s32 $0x400;
	[tilespmem:v17+s18+$0x0] =	vst.idx.add.s32.msk $0xffff, v1  }
.LBB2_8:
0x132: {  	s3 =	sshra.s32 s12, $0x2;
	p5 =	sne.s32 s12, $0x9800;
	s12 =	sadd.s32 $0x400, s12;
	[tilespmem:v2+s19+$0x0] =	vst.idx.add.s32.msk $0xffff, v1  }
0x133: {  	v2 =	vld [tilespmem:s3+$0xF0]  }
0x134: {  	v3 =	vld [tilespmem:s3+$0x30]  }
0x135: {  	v4 =	vld [tilespmem:s3+$0xD0]  }
0x136: {  	v5 =	vld [tilespmem:s3+$0xB0]  }
0x137: {  	v6 =	vld [tilespmem:s3+$0x90]  }
0x138: {  	v7 =	vld [tilespmem:s3+$0x20]  }
0x139: {  	v8 =	vld [tilespmem:s3+$0x80]  }
0x13a: {  	v9 =	vld [tilespmem:s3+$0x10]  }
0x13b: {  	v10 =	vld [tilespmem:s3+$0x0]  }
0x13c: {  	v11 =	vld [tilespmem:s3+$0xA0]  }
0x13d: {  	v12 =	vld [tilespmem:s3+$0x60]  }
0x13e: {  	v13 =	vld [tilespmem:s3+$0x40]  }
0x13f: {  	v14 =	vld [tilespmem:s3+$0xC0]  }
0x140: {  	v15 =	vld [tilespmem:s3+$0x50]  }
0x141: {  	v16 =	vld [tilespmem:s3+$0xE0]  }
0x142: {  	v17 =	vld [tilespmem:s3+$0x70]  }
0x143: {  	[tilespmem:v10+s18+$0x0] =	vst.idx.add.s32.msk $0xffff, v1  }
0x144: {  	[tilespmem:v8+s19+$0x0] =	vst.idx.add.s32.msk $0xffff, v1  }
0x145: {  	[tilespmem:v9+s18+$0x0] =	vst.idx.add.s32.msk $0xffff, v1  }
0x146: {  	[tilespmem:v6+s19+$0x0] =	vst.idx.add.s32.msk $0xffff, v1  }
0x147: {  	[tilespmem:v7+s18+$0x0] =	vst.idx.add.s32.msk $0xffff, v1  }
0x148: {  	[tilespmem:v11+s19+$0x0] =	vst.idx.add.s32.msk $0xffff, v1  }
0x149: {  	[tilespmem:v3+s18+$0x0] =	vst.idx.add.s32.msk $0xffff, v1  }
0x14a: {  	[tilespmem:v5+s19+$0x0] =	vst.idx.add.s32.msk $0xffff, v1  }
0x14b: {  	[tilespmem:v13+s18+$0x0] =	vst.idx.add.s32.msk $0xffff, v1  }
0x14c: {  	[tilespmem:v14+s19+$0x0] =	vst.idx.add.s32.msk $0xffff, v1  }
.Ltmp5:
0x14d: {  	[tilespmem:v15+s18+$0x0] =	vst.idx.add.s32.msk $0xffff, v1;
	(pc) =	sbr.rel @p5 .LBB2_8-.Ltmp5, $4  }
0x14e: {  	[tilespmem:v4+s19+$0x0] =	vst.idx.add.s32.msk $0xffff, v1  }
0x14f: {  	[tilespmem:v12+s18+$0x0] =	vst.idx.add.s32.msk $0xffff, v1  }
0x150: {  	[tilespmem:v16+s19+$0x0] =	vst.idx.add.s32.msk $0xffff, v1  }
0x151: {  	[tilespmem:v17+s18+$0x0] =	vst.idx.add.s32.msk $0xffff, v1  }
0x152: {  	_ =	sdelay $0x3  }
0x153: {  	[tilespmem:v2+s19+$0x0] =	vst.idx.add.s32.msk $0xffff, v1  }
0x154: {  	_ =	strace $0x8000004D  }
0x155: {  	_ =	swait.ge [sflag:s20], $0x2700  }
0x156: {  	[sflag:s20] =	ssyncset.done $0x0  }
0x157: {  	[sflag:s20] =	ssyncadd.s32 $0xFFFFD900  }
0x158: {  	s3 =	simm.s32 $0x0;
	_ =	strace $0x9000004D  }
0x159: {  	v2 =	vld [tilespmem:s3+$0x27F0]  }
0x15a: {  	v3 =	vld [tilespmem:s3+$0x2730]  }
0x15b: {  	v4 =	vld [tilespmem:s3+$0x27D0]  }
0x15c: {  	v5 =	vld [tilespmem:s3+$0x27B0]  }
0x15d: {  	v6 =	vld [tilespmem:s3+$0x2790]  }
0x15e: {  	v7 =	vld [tilespmem:s3+$0x2720]  }
0x15f: {  	v8 =	vld [tilespmem:s3+$0x2780]  }
0x160: {  	v9 =	vld [tilespmem:s3+$0x2710]  }
0x161: {  	v10 =	vld [tilespmem:s3+$0x2700]  }
0x162: {  	v11 =	vld [tilespmem:s3+$0x27A0]  }
0x163: {  	v12 =	vld [tilespmem:s3+$0x2760]  }
0x164: {  	v13 =	vld [tilespmem:s3+$0x2740]  }
0x165: {  	v14 =	vld [tilespmem:s3+$0x27C0]  }
0x166: {  	v15 =	vld [tilespmem:s3+$0x2750]  }
0x167: {  	v16 =	vld [tilespmem:s3+$0x27E0]  }
0x168: {  	v17 =	vld [tilespmem:s3+$0x2770]  }
0x169: {  	[tilespmem:v10+s18+$0x0] =	vst.idx.add.s32.msk $0xffff, v1  }
0x16a: {  	[tilespmem:v8+s19+$0x0] =	vst.idx.add.s32.msk $0xffff, v1  }
0x16b: {  	[tilespmem:v9+s18+$0x0] =	vst.idx.add.s32.msk $0xffff, v1  }
0x16c: {  	[tilespmem:v6+s19+$0x0] =	vst.idx.add.s32.msk $0xffff, v1  }
0x16d: {  	[tilespmem:v7+s18+$0x0] =	vst.idx.add.s32.msk $0xffff, v1  }
0x16e: {  	[tilespmem:v11+s19+$0x0] =	vst.idx.add.s32.msk $0xffff, v1  }
0x16f: {  	[tilespmem:v3+s18+$0x0] =	vst.idx.add.s32.msk $0xffff, v1  }
0x170: {  	[tilespmem:v5+s19+$0x0] =	vst.idx.add.s32.msk $0xffff, v1  }
0x171: {  	[tilespmem:v13+s18+$0x0] =	vst.idx.add.s32.msk $0xffff, v1  }
0x172: {  	[tilespmem:v14+s19+$0x0] =	vst.idx.add.s32.msk $0xffff, v1  }
0x173: {  	[tilespmem:v15+s18+$0x0] =	vst.idx.add.s32.msk $0xffff, v1  }
0x174: {  	[tilespmem:v4+s19+$0x0] =	vst.idx.add.s32.msk $0xffff, v1  }
0x175: {  	[tilespmem:v12+s18+$0x0] =	vst.idx.add.s32.msk $0xffff, v1  }
0x176: {  	[tilespmem:v16+s19+$0x0] =	vst.idx.add.s32.msk $0xffff, v1  }
0x177: {  	s12 =	simm.s32 $0x400;
	[tilespmem:v17+s18+$0x0] =	vst.idx.add.s32.msk $0xffff, v1  }
.LBB2_10:
0x178: {  	s3 =	sshra.s32 s12, $0x2;
	p5 =	sne.s32 s12, $0x9800;
	s12 =	sadd.s32 $0x400, s12;
	[tilespmem:v2+s19+$0x0] =	vst.idx.add.s32.msk $0xffff, v1  }
0x179: {  	v2 =	vld [tilespmem:s3+$0x27F0]  }
0x17a: {  	v3 =	vld [tilespmem:s3+$0x2730]  }
0x17b: {  	v4 =	vld [tilespmem:s3+$0x27D0]  }
0x17c: {  	v5 =	vld [tilespmem:s3+$0x27B0]  }
0x17d: {  	v6 =	vld [tilespmem:s3+$0x2790]  }
0x17e: {  	v7 =	vld [tilespmem:s3+$0x2720]  }
0x17f: {  	v8 =	vld [tilespmem:s3+$0x2780]  }
0x180: {  	v9 =	vld [tilespmem:s3+$0x2710]  }
0x181: {  	v10 =	vld [tilespmem:s3+$0x2700]  }
0x182: {  	v11 =	vld [tilespmem:s3+$0x27A0]  }
0x183: {  	v12 =	vld [tilespmem:s3+$0x2760]  }
0x184: {  	v13 =	vld [tilespmem:s3+$0x2740]  }
0x185: {  	v14 =	vld [tilespmem:s3+$0x27C0]  }
0x186: {  	v15 =	vld [tilespmem:s3+$0x2750]  }
0x187: {  	v16 =	vld [tilespmem:s3+$0x27E0]  }
0x188: {  	v17 =	vld [tilespmem:s3+$0x2770]  }
0x189: {  	[tilespmem:v10+s18+$0x0] =	vst.idx.add.s32.msk $0xffff, v1  }
0x18a: {  	[tilespmem:v8+s19+$0x0] =	vst.idx.add.s32.msk $0xffff, v1  }
0x18b: {  	[tilespmem:v9+s18+$0x0] =	vst.idx.add.s32.msk $0xffff, v1  }
0x18c: {  	[tilespmem:v6+s19+$0x0] =	vst.idx.add.s32.msk $0xffff, v1  }
0x18d: {  	[tilespmem:v7+s18+$0x0] =	vst.idx.add.s32.msk $0xffff, v1  }
0x18e: {  	[tilespmem:v11+s19+$0x0] =	vst.idx.add.s32.msk $0xffff, v1  }
0x18f: {  	[tilespmem:v3+s18+$0x0] =	vst.idx.add.s32.msk $0xffff, v1  }
0x190: {  	[tilespmem:v5+s19+$0x0] =	vst.idx.add.s32.msk $0xffff, v1  }
0x191: {  	[tilespmem:v13+s18+$0x0] =	vst.idx.add.s32.msk $0xffff, v1  }
0x192: {  	[tilespmem:v14+s19+$0x0] =	vst.idx.add.s32.msk $0xffff, v1  }
.Ltmp6:
0x193: {  	[tilespmem:v15+s18+$0x0] =	vst.idx.add.s32.msk $0xffff, v1;
	(pc) =	sbr.rel @p5 .LBB2_10-.Ltmp6, $4  }
0x194: {  	[tilespmem:v4+s19+$0x0] =	vst.idx.add.s32.msk $0xffff, v1  }
0x195: {  	[tilespmem:v12+s18+$0x0] =	vst.idx.add.s32.msk $0xffff, v1  }
0x196: {  	[tilespmem:v16+s19+$0x0] =	vst.idx.add.s32.msk $0xffff, v1  }
0x197: {  	[tilespmem:v17+s18+$0x0] =	vst.idx.add.s32.msk $0xffff, v1  }
0x198: {  	_ =	sdelay $0x3  }
0x199: {  	[tilespmem:v2+s19+$0x0] =	vst.idx.add.s32.msk $0xffff, v1;
	s3 =	simm.s32 @p1 $0x3  }
0x19a: {  	_ =	swait.ge @p1 [sflag:s3], $0x100  }
0x19b: {  	[sflag:s3] =	ssyncset.done @p1 $0x0  }
0x19c: {  	[sflag:s3] =	ssyncadd.s32 @p1 $0xFFFFFF00  }
0x19d: {  	v2 =	vld @p1 [tilespmem:$0x4E00]  }
0x19e: {  	v3 =	vld @p1 [tilespmem:$0x4E10]  }
0x19f: {  	v4 =	vld @p1 [tilespmem:$0x4E20]  }
0x1a0: {  	v5 =	vld @p1 [tilespmem:$0x4E30]  }
0x1a1: {  	v6 =	vld @p1 [tilespmem:$0x4E40]  }
0x1a2: {  	v7 =	vld @p1 [tilespmem:$0x4E50]  }
0x1a3: {  	v8 =	vld @p1 [tilespmem:$0x4E60]  }
0x1a4: {  	v9 =	vld @p1 [tilespmem:$0x4E70]  }
0x1a5: {  	v10 =	vld @p1 [tilespmem:$0x4E80]  }
0x1a6: {  	v11 =	vld @p1 [tilespmem:$0x4E90]  }
0x1a7: {  	v12 =	vld @p1 [tilespmem:$0x4EA0]  }
0x1a8: {  	v13 =	vld @p1 [tilespmem:$0x4EB0]  }
0x1a9: {  	v14 =	vld @p1 [tilespmem:$0x4EC0]  }
0x1aa: {  	v15 =	vld @p1 [tilespmem:$0x4ED0]  }
0x1ab: {  	v16 =	vld @p1 [tilespmem:$0x4EE0]  }
0x1ac: {  	v18 =	vimm.s32 @p1 $0x1;
	s3 =	simm.s32 @p1 $0x7700;
	v17 =	vld @p1 [tilespmem:$0x4EF0]  }
0x1ad: {  	s6 =	simm.s32 @p1 $0x4F00;
	[tilespmem:v2+s3+$0x0] =	vst.idx.add.s32.msk @p1 $0xffff, v18  }
0x1ae: {  	[tilespmem:v10+s6+$0x0] =	vst.idx.add.s32.msk @p1 $0xffff, v18  }
0x1af: {  	[tilespmem:v3+s3+$0x0] =	vst.idx.add.s32.msk @p1 $0xffff, v18  }
0x1b0: {  	[tilespmem:v11+s6+$0x0] =	vst.idx.add.s32.msk @p1 $0xffff, v18  }
0x1b1: {  	[tilespmem:v4+s3+$0x0] =	vst.idx.add.s32.msk @p1 $0xffff, v18  }
0x1b2: {  	[tilespmem:v12+s6+$0x0] =	vst.idx.add.s32.msk @p1 $0xffff, v18  }
0x1b3: {  	[tilespmem:v5+s3+$0x0] =	vst.idx.add.s32.msk @p1 $0xffff, v18  }
0x1b4: {  	[tilespmem:v13+s6+$0x0] =	vst.idx.add.s32.msk @p1 $0xffff, v18  }
0x1b5: {  	[tilespmem:v6+s3+$0x0] =	vst.idx.add.s32.msk @p1 $0xffff, v18  }
0x1b6: {  	[tilespmem:v14+s6+$0x0] =	vst.idx.add.s32.msk @p1 $0xffff, v18  }
0x1b7: {  	[tilespmem:v7+s3+$0x0] =	vst.idx.add.s32.msk @p1 $0xffff, v18  }
0x1b8: {  	[tilespmem:v15+s6+$0x0] =	vst.idx.add.s32.msk @p1 $0xffff, v18  }
0x1b9: {  	[tilespmem:v8+s3+$0x0] =	vst.idx.add.s32.msk @p1 $0xffff, v18  }
0x1ba: {  	[tilespmem:v16+s6+$0x0] =	vst.idx.add.s32.msk @p1 $0xffff, v18  }
0x1bb: {  	[tilespmem:v9+s3+$0x0] =	vst.idx.add.s32.msk @p1 $0xffff, v18  }
0x1bc: {  	[tilespmem:v17+s6+$0x0] =	vst.idx.add.s32.msk @p1 $0xffff, v18  }
0x1bd: {  	s3 =	simm.s32 @!p4 $0x5;
	_ =	strace @p1 $0x90000049  }
0x1be: {  	_ =	swait.ge @!p4 [sflag:s3], $0x1000  }
0x1bf: {  	[sflag:s3] =	ssyncset.done @!p4 $0x0  }
0x1c0: {  	[sflag:s3] =	ssyncadd.s32 @!p4 $0xFFFFF000  }
0x1c1: {  	_ =	swait.ge @!p4 [sflag:s3], $0x1000  }
0x1c2: {  	[sflag:s3] =	ssyncset.done @!p4 $0x0  }
0x1c3: {  	[sflag:s3] =	ssyncadd.s32 @!p4 $0xFFFFF000  }
0x1c4: {  	_ =	strace @!p1 $0x90000049  }
0x1c5: {  	_ =	strace $0x8000004E  }
0x1c6: {  	s12 =	rddreg [dreg:$0xb]  }
0x1c7: {  	[spmem:s12] =	stream.linear.scatter [tilespmem:s19], [sflag:$0x14], $0x2800, $0x200038;
	[tilespmem:$0x1DE00] =	vst v63  }
0x1c8: {  	_ =	swait.ge [sflag:s21], $0x2800  }
0x1c9: {  	s13 =	sld [smem:$0x7DE]  }
0x1ca: {  	[sflag:s21] =	ssyncset.done $0x0  }
0x1cb: {  	[sflag:s21] =	ssyncadd.s32 $0xFFFFD800  }
0x1cc: {  	[spmem:s13] =	stream.linear.scatter [tilespmem:s18], [sflag:$0x14], $0x2800, $0x200038;
	[tilespmem:$0x1DE00] =	vst v63  }
0x1cd: {  	_ =	swait.ge [sflag:s21], $0x2800  }
0x1ce: {  	[sflag:s21] =	ssyncset.done $0x0  }
0x1cf: {  	[sflag:s21] =	ssyncadd.s32 $0xFFFFD800  }
0x1d0: {  	_ =	strace $0x9000004E  }
0x1d1: {  	_ =	strace $0x8000004F  }
0x1d2: {  	[bflag:$0x0] =	sbarrier.arrive $0xFFFF  }
0x1d3: {  	_ =	strace $0x9000004F  }
0x1d4: {  	_ =	strace $0x80000050  }
0x1d5: {  	s6 =	simm.s32 $0xFF00;
	s12 =	sld [smem:$0x7DF]  }
0x1d6: {  	[tilespmem:s6], [sflag:$0x4] =	stream.linear.gather [spmem:s7], $0x140, $0x200038;
	[tilespmem:$0x1DE00] =	vst v63  }
0x1d7: {  	s13 =	simm.s32 $0x10040  }
0x1d8: {  	[tilespmem:s13], [sflag:$0x4] =	stream.linear.gather [spmem:s12], $0x140, $0x200038;
	[tilespmem:$0x1DE00] =	vst v63  }
0x1d9: {  	s12 =	sld [smem:$0x7E0];
	_ =	sdelay $0x1  }
0x1da: {  	s13 =	simm.s32 $0x10180  }
0x1db: {  	[tilespmem:s13], [sflag:$0x4] =	stream.linear.gather [spmem:s12], $0x140, $0x200038;
	[tilespmem:$0x1DE00] =	vst v63  }
0x1dc: {  	s12 =	sld [smem:$0x7E1];
	_ =	sdelay $0x1  }
0x1dd: {  	s13 =	simm.s32 $0x102C0  }
0x1de: {  	[tilespmem:s13], [sflag:$0x4] =	stream.linear.gather [spmem:s12], $0x140, $0x200038;
	[tilespmem:$0x1DE00] =	vst v63  }
0x1df: {  	s12 =	sld [smem:$0x7E2];
	_ =	sdelay $0x1  }
0x1e0: {  	s13 =	simm.s32 $0x10400  }
0x1e1: {  	[tilespmem:s13], [sflag:$0x4] =	stream.linear.gather [spmem:s12], $0x140, $0x200038;
	[tilespmem:$0x1DE00] =	vst v63  }
0x1e2: {  	s12 =	sld [smem:$0x7E3];
	_ =	sdelay $0x1  }
0x1e3: {  	s13 =	simm.s32 $0x10540  }
0x1e4: {  	[tilespmem:s13], [sflag:$0x4] =	stream.linear.gather [spmem:s12], $0x140, $0x200038;
	[tilespmem:$0x1DE00] =	vst v63  }
0x1e5: {  	s12 =	sld [smem:$0x7E4];
	_ =	sdelay $0x1  }
0x1e6: {  	s13 =	simm.s32 $0x10680  }
0x1e7: {  	[tilespmem:s13], [sflag:$0x4] =	stream.linear.gather [spmem:s12], $0x140, $0x200038;
	[tilespmem:$0x1DE00] =	vst v63  }
0x1e8: {  	s12 =	sld [smem:$0x7E5];
	_ =	sdelay $0x1  }
0x1e9: {  	s6 =	sld [smem:$0x7E6];
	s13 =	simm.s32 $0x107C0  }
0x1ea: {  	[tilespmem:s13], [sflag:$0x4] =	stream.linear.gather [spmem:s12], $0x140, $0x200038;
	[tilespmem:$0x1DE00] =	vst v63  }
0x1eb: {  	s12 =	simm.s32 $0x10900;
	s13 =	sld [smem:$0x7E7]  }
0x1ec: {  	[tilespmem:s12], [sflag:$0x4] =	stream.linear.gather [spmem:s6], $0x140, $0x200038;
	[tilespmem:$0x1DE00] =	vst v63  }
0x1ed: {  	s12 =	simm.s32 $0x10A40;
	s6 =	sld [smem:$0x7E8]  }
0x1ee: {  	[tilespmem:s12], [sflag:$0x4] =	stream.linear.gather [spmem:s13], $0x140, $0x200038;
	[tilespmem:$0x1DE00] =	vst v63  }
0x1ef: {  	s13 =	simm.s32 $0x10B80  }
0x1f0: {  	[tilespmem:s13], [sflag:$0x4] =	stream.linear.gather [spmem:s6], $0x140, $0x200038;
	[tilespmem:$0x1DE00] =	vst v63  }
0x1f1: {  	s6 =	sld [smem:$0x7E9];
	_ =	sdelay $0x1  }
0x1f2: {  	s13 =	simm.s32 $0x10CC0  }
0x1f3: {  	[tilespmem:s13], [sflag:$0x4] =	stream.linear.gather [spmem:s6], $0x140, $0x200038;
	[tilespmem:$0x1DE00] =	vst v63  }
0x1f4: {  	s6 =	sld [smem:$0x7EA];
	_ =	sdelay $0x1  }
0x1f5: {  	s13 =	simm.s32 $0x10E00  }
0x1f6: {  	[tilespmem:s13], [sflag:$0x4] =	stream.linear.gather [spmem:s6], $0x140, $0x200038;
	[tilespmem:$0x1DE00] =	vst v63  }
0x1f7: {  	s6 =	sld [smem:$0x7EB];
	_ =	sdelay $0x1  }
0x1f8: {  	s13 =	simm.s32 $0x10F40  }
0x1f9: {  	[tilespmem:s13], [sflag:$0x4] =	stream.linear.gather [spmem:s6], $0x140, $0x200038;
	[tilespmem:$0x1DE00] =	vst v63  }
0x1fa: {  	s6 =	sld [smem:$0x7EC];
	_ =	sdelay $0x1  }
0x1fb: {  	s13 =	simm.s32 $0x11080  }
0x1fc: {  	[tilespmem:s13], [sflag:$0x4] =	stream.linear.gather [spmem:s6], $0x140, $0x200038;
	[tilespmem:$0x1DE00] =	vst v63  }
0x1fd: {  	s6 =	sld [smem:$0x7ED];
	_ =	sdelay $0x1  }
0x1fe: {  	s13 =	simm.s32 $0x111C0  }
0x1ff: {  	[tilespmem:s13], [sflag:$0x4] =	stream.linear.gather [spmem:s6], $0x140, $0x200038;
	[tilespmem:$0x1DE00] =	vst v63  }
0x200: {  	_ =	swait.ge [sflag:s8], $0x140  }
0x201: {  	[sflag:s8] =	ssyncset.done $0x0  }
0x202: {  	[sflag:s8] =	ssyncadd.s32 $0xFFFFFEC0  }
0x203: {  	_ =	swait.ge [sflag:s8], $0x140  }
0x204: {  	[sflag:s8] =	ssyncset.done $0x0  }
0x205: {  	[sflag:s8] =	ssyncadd.s32 $0xFFFFFEC0  }
0x206: {  	_ =	swait.ge [sflag:s8], $0x140  }
0x207: {  	[sflag:s8] =	ssyncset.done $0x0  }
0x208: {  	[sflag:s8] =	ssyncadd.s32 $0xFFFFFEC0  }
0x209: {  	_ =	swait.ge [sflag:s8], $0x140  }
0x20a: {  	[sflag:s8] =	ssyncset.done $0x0  }
0x20b: {  	[sflag:s8] =	ssyncadd.s32 $0xFFFFFEC0  }
0x20c: {  	_ =	swait.ge [sflag:s8], $0x140  }
0x20d: {  	[sflag:s8] =	ssyncset.done $0x0  }
0x20e: {  	[sflag:s8] =	ssyncadd.s32 $0xFFFFFEC0  }
0x20f: {  	_ =	swait.ge [sflag:s8], $0x140  }
0x210: {  	[sflag:s8] =	ssyncset.done $0x0  }
0x211: {  	[sflag:s8] =	ssyncadd.s32 $0xFFFFFEC0  }
0x212: {  	_ =	swait.ge [sflag:s8], $0x140  }
0x213: {  	[sflag:s8] =	ssyncset.done $0x0  }
0x214: {  	[sflag:s8] =	ssyncadd.s32 $0xFFFFFEC0  }
0x215: {  	_ =	swait.ge [sflag:s8], $0x140  }
0x216: {  	[sflag:s8] =	ssyncset.done $0x0  }
0x217: {  	[sflag:s8] =	ssyncadd.s32 $0xFFFFFEC0  }
0x218: {  	_ =	swait.ge [sflag:s8], $0x140  }
0x219: {  	[sflag:s8] =	ssyncset.done $0x0  }
0x21a: {  	[sflag:s8] =	ssyncadd.s32 $0xFFFFFEC0  }
0x21b: {  	_ =	swait.ge [sflag:s8], $0x140  }
0x21c: {  	[sflag:s8] =	ssyncset.done $0x0  }
0x21d: {  	[sflag:s8] =	ssyncadd.s32 $0xFFFFFEC0  }
0x21e: {  	_ =	swait.ge [sflag:s8], $0x140  }
0x21f: {  	[sflag:s8] =	ssyncset.done $0x0  }
0x220: {  	[sflag:s8] =	ssyncadd.s32 $0xFFFFFEC0  }
0x221: {  	_ =	swait.ge [sflag:s8], $0x140  }
0x222: {  	[sflag:s8] =	ssyncset.done $0x0  }
0x223: {  	[sflag:s8] =	ssyncadd.s32 $0xFFFFFEC0  }
0x224: {  	_ =	swait.ge [sflag:s8], $0x140  }
0x225: {  	[sflag:s8] =	ssyncset.done $0x0  }
0x226: {  	[sflag:s8] =	ssyncadd.s32 $0xFFFFFEC0  }
0x227: {  	_ =	swait.ge [sflag:s8], $0x140  }
0x228: {  	[sflag:s8] =	ssyncset.done $0x0  }
0x229: {  	[sflag:s8] =	ssyncadd.s32 $0xFFFFFEC0  }
0x22a: {  	_ =	swait.ge [sflag:s8], $0x140  }
0x22b: {  	[sflag:s8] =	ssyncset.done $0x0  }
0x22c: {  	[sflag:s8] =	ssyncadd.s32 $0xFFFFFEC0  }
0x22d: {  	_ =	swait.ge [sflag:s8], $0x140  }
0x22e: {  	[sflag:s8] =	ssyncset.done $0x0  }
0x22f: {  	[sflag:s8] =	ssyncadd.s32 $0xFFFFFEC0  }
0x230: {  	_ =	strace $0x90000050  }
0x231: {  	_ =	strace $0x80000051  }
0x232: {  	s13 =	simm.s32 $0x0;
	v2 =	vld [tilespmem:s12+$0xFFFFF600]  }
0x233: {  	s3 =	sand.u32 $0x1F0, s13;
	v3 =	vld [tilespmem:s12+$0xFFFFF4C0]  }
0x234: {  	v4 =	vld [tilespmem:s3+$0x10180]  }
0x235: {  	v5 =	vld [tilespmem:s12+$0xFFFFF880]  }
0x236: {  	v58 =	vld [tilespmem:s3+$0x10400]  }
0x237: {  	v59 =	vld [tilespmem:s12+$0xFFFFFB00]  }
0x238: {  	v2 =	vadd.s32 v3, v2;
	v3 =	vld [tilespmem:s3+$0x10680]  }
0x239: {  	v2 =	vadd.s32 v4, v2;
	v4 =	vld [tilespmem:s12+$0xFFFFFD80]  }
0x23a: {  	v2 =	vadd.s32 v5, v2;
	v5 =	vld [tilespmem:s3+$0x10900]  }
0x23b: {  	v60 =	vld [tilespmem:s12+$0x0];
	v2 =	vadd.s32 v58, v2  }
0x23c: {  	v61 =	vld [tilespmem:s3+$0x10B80];
	v2 =	vadd.s32 v59, v2  }
0x23d: {  	v2 =	vadd.s32 v3, v2;
	v3 =	vld [tilespmem:s12+$0x280]  }
0x23e: {  	v2 =	vadd.s32 v4, v2;
	v4 =	vld [tilespmem:s3+$0x10E00]  }
0x23f: {  	v2 =	vadd.s32 v5, v2;
	v5 =	vld [tilespmem:s12+$0x500]  }
0x240: {  	v62 =	vld [tilespmem:s3+$0x11080];
	v2 =	vadd.s32 v60, v2  }
0x241: {  	v63 =	vld [tilespmem:s12+$0x780];
	v2 =	vadd.s32 v61, v2  }
0x242: {  	v2 =	vadd.s32 v3, v2  }
0x243: {  	v2 =	vadd.s32 v4, v2  }
0x244: {  	v2 =	vadd.s32 v5, v2  }
0x245: {  	v2 =	vadd.s32 v62, v2  }
0x246: {  	v2 =	vadd.s32 v63, v2  }
0x247: {  	vm0 =	vlt.s32 v2, $0xFF  }
0x248: {  	s12 =	simm.s32 $0x11300;
	v2 =	vnsel vm0, $0xFF, v2  }
0x249: {  	s13 =	simm.s32 $0x10A50;
	[tilespmem:s12+$0x0] =	vst v2  }
0x24a: {  	s6 =	simm.s32 $0x10;
	v2 =	vld [tilespmem:s13+$0xFFFFF600]  }
0x24b: {  	s3 =	sand.u32 $0x1F0, s6;
	s6 =	simm.s32 $0x20;
	v3 =	vld [tilespmem:s13+$0xFFFFF4C0]  }
.LBB2_12:
0x24c: {  	p5 =	sne.s32 s6, $0x130;
	v4 =	vld [tilespmem:s3+$0x10180]  }
0x24d: {  	v5 =	vld [tilespmem:s13+$0xFFFFF880]  }
0x24e: {  	v6 =	vld [tilespmem:s3+$0x10400]  }
0x24f: {  	v7 =	vld [tilespmem:s13+$0xFFFFFB00]  }
0x250: {  	v2 =	vadd.s32 v3, v2;
	v3 =	vld [tilespmem:s3+$0x10680]  }
0x251: {  	v2 =	vadd.s32 v4, v2;
	v4 =	vld [tilespmem:s13+$0xFFFFFD80]  }
0x252: {  	v2 =	vadd.s32 v5, v2;
	v5 =	vld [tilespmem:s3+$0x10900]  }
0x253: {  	v2 =	vadd.s32 v6, v2;
	v6 =	vld [tilespmem:s13+$0x0]  }
0x254: {  	v2 =	vadd.s32 v7, v2;
	v7 =	vld [tilespmem:s3+$0x10B80]  }
0x255: {  	v2 =	vadd.s32 v3, v2;
	v3 =	vld [tilespmem:s13+$0x280]  }
0x256: {  	v2 =	vadd.s32 v4, v2;
	v4 =	vld [tilespmem:s3+$0x10E00]  }
0x257: {  	v2 =	vadd.s32 v5, v2;
	v5 =	vld [tilespmem:s13+$0x500]  }
0x258: {  	v2 =	vadd.s32 v6, v2;
	v6 =	vld [tilespmem:s3+$0x11080]  }
0x259: {  	v2 =	vadd.s32 v7, v2;
	v7 =	vld [tilespmem:s13+$0x780]  }
0x25a: {  	v2 =	vadd.s32 v3, v2  }
0x25b: {  	v2 =	vadd.s32 v4, v2  }
0x25c: {  	v2 =	vadd.s32 v5, v2  }
0x25d: {  	v2 =	vadd.s32 v6, v2  }
0x25e: {  	v2 =	vadd.s32 v7, v2  }
.Ltmp7:
0x25f: {  	vm0 =	vlt.s32 v2, $0xFF;
	(pc) =	sbr.rel @p5 .LBB2_12-.Ltmp7, $4  }
0x260: {  	s12 =	sadd.s32 $0x10, s12;
	v2 =	vnsel vm0, $0xFF, v2  }
0x261: {  	s13 =	sadd.s32 $0x10, s13;
	[tilespmem:s12+$0x0] =	vst v2  }
0x262: {  	v2 =	vld [tilespmem:s13+$0xFFFFF600]  }
0x263: {  	s3 =	sand.u32 $0x1F0, s6;
	s6 =	sadd.s32 $0x10, s6;
	v3 =	vld [tilespmem:s13+$0xFFFFF4C0]  }
0x264: {  	v4 =	vld [tilespmem:s3+$0x10180]  }
0x265: {  	v5 =	vld [tilespmem:s13+$0xFFFFF880]  }
0x266: {  	v6 =	vld [tilespmem:s3+$0x10400]  }
0x267: {  	v7 =	vld [tilespmem:s13+$0xFFFFFB00]  }
0x268: {  	v2 =	vadd.s32 v3, v2;
	v3 =	vld [tilespmem:s3+$0x10680]  }
0x269: {  	v2 =	vadd.s32 v4, v2;
	v4 =	vld [tilespmem:s13+$0xFFFFFD80]  }
0x26a: {  	v2 =	vadd.s32 v5, v2;
	v5 =	vld [tilespmem:s3+$0x10900]  }
0x26b: {  	v54 =	vld [tilespmem:s13+$0x0];
	v2 =	vadd.s32 v6, v2  }
0x26c: {  	v55 =	vld [tilespmem:s3+$0x10B80];
	v2 =	vadd.s32 v7, v2  }
0x26d: {  	v2 =	vadd.s32 v3, v2;
	v3 =	vld [tilespmem:s13+$0x280]  }
0x26e: {  	v2 =	vadd.s32 v4, v2;
	v4 =	vld [tilespmem:s3+$0x10E00]  }
0x26f: {  	v2 =	vadd.s32 v5, v2;
	v5 =	vld [tilespmem:s13+$0x500]  }
0x270: {  	v56 =	vld [tilespmem:s3+$0x11080];
	v2 =	vadd.s32 v54, v2  }
0x271: {  	v57 =	vld [tilespmem:s13+$0x780];
	v2 =	vadd.s32 v55, v2  }
0x272: {  	v2 =	vadd.s32 v3, v2  }
0x273: {  	v2 =	vadd.s32 v4, v2  }
0x274: {  	v2 =	vadd.s32 v5, v2  }
0x275: {  	v2 =	vadd.s32 v56, v2  }
0x276: {  	v2 =	vadd.s32 v57, v2  }
0x277: {  	vm0 =	vlt.s32 v2, $0xFF  }
0x278: {  	s12 =	sadd.s32 $0x10, s12;
	v2 =	vnsel vm0, $0xFF, v2  }
0x279: {  	[tilespmem:s12+$0x0] =	vst v2  }
0x27a: {  	_ =	strace $0x90000051  }
0x27b: {  	_ =	strace $0x80000052  }
0x27c: {  	s13 =	sld [smem:$0x7EE];
	_ =	sdelay $0x1  }
0x27d: {  	s6 =	simm.s32 $0xFF00;
	s12 =	sld [smem:$0x7EF]  }
0x27e: {  	[tilespmem:s6], [sflag:$0x4] =	stream.linear.gather [spmem:s13], $0x140, $0x200038;
	[tilespmem:$0x1DE00] =	vst v63  }
0x27f: {  	s13 =	simm.s32 $0x10040  }
0x280: {  	[tilespmem:s13], [sflag:$0x4] =	stream.linear.gather [spmem:s12], $0x140, $0x200038;
	[tilespmem:$0x1DE00] =	vst v63  }
0x281: {  	s12 =	sld [smem:$0x7F0];
	_ =	sdelay $0x1  }
0x282: {  	s13 =	simm.s32 $0x10180  }
0x283: {  	[tilespmem:s13], [sflag:$0x4] =	stream.linear.gather [spmem:s12], $0x140, $0x200038;
	[tilespmem:$0x1DE00] =	vst v63  }
0x284: {  	s12 =	sld [smem:$0x7F1];
	_ =	sdelay $0x1  }
0x285: {  	s13 =	simm.s32 $0x102C0  }
0x286: {  	[tilespmem:s13], [sflag:$0x4] =	stream.linear.gather [spmem:s12], $0x140, $0x200038;
	[tilespmem:$0x1DE00] =	vst v63  }
0x287: {  	s12 =	sld [smem:$0x7F2];
	_ =	sdelay $0x1  }
0x288: {  	s13 =	simm.s32 $0x10400  }
0x289: {  	[tilespmem:s13], [sflag:$0x4] =	stream.linear.gather [spmem:s12], $0x140, $0x200038;
	[tilespmem:$0x1DE00] =	vst v63  }
0x28a: {  	s12 =	sld [smem:$0x7F3];
	_ =	sdelay $0x1  }
0x28b: {  	s13 =	simm.s32 $0x10540  }
0x28c: {  	[tilespmem:s13], [sflag:$0x4] =	stream.linear.gather [spmem:s12], $0x140, $0x200038;
	[tilespmem:$0x1DE00] =	vst v63  }
0x28d: {  	s12 =	sld [smem:$0x7F4];
	_ =	sdelay $0x1  }
0x28e: {  	s13 =	simm.s32 $0x10680  }
0x28f: {  	[tilespmem:s13], [sflag:$0x4] =	stream.linear.gather [spmem:s12], $0x140, $0x200038;
	[tilespmem:$0x1DE00] =	vst v63  }
0x290: {  	s12 =	sld [smem:$0x7F5];
	_ =	sdelay $0x1  }
0x291: {  	s6 =	sld [smem:$0x7F6];
	s13 =	simm.s32 $0x107C0  }
0x292: {  	[tilespmem:s13], [sflag:$0x4] =	stream.linear.gather [spmem:s12], $0x140, $0x200038;
	[tilespmem:$0x1DE00] =	vst v63  }
0x293: {  	s12 =	simm.s32 $0x10900;
	s13 =	sld [smem:$0x7F7]  }
0x294: {  	[tilespmem:s12], [sflag:$0x4] =	stream.linear.gather [spmem:s6], $0x140, $0x200038;
	[tilespmem:$0x1DE00] =	vst v63  }
0x295: {  	s12 =	simm.s32 $0x10A40;
	s6 =	sld [smem:$0x7F8]  }
0x296: {  	[tilespmem:s12], [sflag:$0x4] =	stream.linear.gather [spmem:s13], $0x140, $0x200038;
	[tilespmem:$0x1DE00] =	vst v63  }
0x297: {  	s13 =	simm.s32 $0x10B80  }
0x298: {  	[tilespmem:s13], [sflag:$0x4] =	stream.linear.gather [spmem:s6], $0x140, $0x200038;
	[tilespmem:$0x1DE00] =	vst v63  }
0x299: {  	s6 =	sld [smem:$0x7F9];
	_ =	sdelay $0x1  }
0x29a: {  	s13 =	simm.s32 $0x10CC0  }
0x29b: {  	[tilespmem:s13], [sflag:$0x4] =	stream.linear.gather [spmem:s6], $0x140, $0x200038;
	[tilespmem:$0x1DE00] =	vst v63  }
0x29c: {  	s6 =	sld [smem:$0x7FA];
	_ =	sdelay $0x1  }
0x29d: {  	s13 =	simm.s32 $0x10E00  }
0x29e: {  	[tilespmem:s13], [sflag:$0x4] =	stream.linear.gather [spmem:s6], $0x140, $0x200038;
	[tilespmem:$0x1DE00] =	vst v63  }
0x29f: {  	s6 =	sld [smem:$0x7FB];
	_ =	sdelay $0x1  }
0x2a0: {  	s13 =	simm.s32 $0x10F40  }
0x2a1: {  	[tilespmem:s13], [sflag:$0x4] =	stream.linear.gather [spmem:s6], $0x140, $0x200038;
	[tilespmem:$0x1DE00] =	vst v63  }
0x2a2: {  	s6 =	sld [smem:$0x7FC];
	_ =	sdelay $0x1  }
0x2a3: {  	s13 =	simm.s32 $0x11080  }
0x2a4: {  	[tilespmem:s13], [sflag:$0x4] =	stream.linear.gather [spmem:s6], $0x140, $0x200038;
	[tilespmem:$0x1DE00] =	vst v63  }
0x2a5: {  	s6 =	sld [smem:$0x7FD];
	_ =	sdelay $0x1  }
0x2a6: {  	s13 =	simm.s32 $0x111C0  }
0x2a7: {  	[tilespmem:s13], [sflag:$0x4] =	stream.linear.gather [spmem:s6], $0x140, $0x200038;
	[tilespmem:$0x1DE00] =	vst v63  }
0x2a8: {  	_ =	swait.ge [sflag:s8], $0x140  }
0x2a9: {  	[sflag:s8] =	ssyncset.done $0x0  }
0x2aa: {  	[sflag:s8] =	ssyncadd.s32 $0xFFFFFEC0  }
0x2ab: {  	_ =	swait.ge [sflag:s8], $0x140  }
0x2ac: {  	[sflag:s8] =	ssyncset.done $0x0  }
0x2ad: {  	[sflag:s8] =	ssyncadd.s32 $0xFFFFFEC0  }
0x2ae: {  	_ =	swait.ge [sflag:s8], $0x140  }
0x2af: {  	[sflag:s8] =	ssyncset.done $0x0  }
0x2b0: {  	[sflag:s8] =	ssyncadd.s32 $0xFFFFFEC0  }
0x2b1: {  	_ =	swait.ge [sflag:s8], $0x140  }
0x2b2: {  	[sflag:s8] =	ssyncset.done $0x0  }
0x2b3: {  	[sflag:s8] =	ssyncadd.s32 $0xFFFFFEC0  }
0x2b4: {  	_ =	swait.ge [sflag:s8], $0x140  }
0x2b5: {  	[sflag:s8] =	ssyncset.done $0x0  }
0x2b6: {  	[sflag:s8] =	ssyncadd.s32 $0xFFFFFEC0  }
0x2b7: {  	_ =	swait.ge [sflag:s8], $0x140  }
0x2b8: {  	[sflag:s8] =	ssyncset.done $0x0  }
0x2b9: {  	[sflag:s8] =	ssyncadd.s32 $0xFFFFFEC0  }
0x2ba: {  	_ =	swait.ge [sflag:s8], $0x140  }
0x2bb: {  	[sflag:s8] =	ssyncset.done $0x0  }
0x2bc: {  	[sflag:s8] =	ssyncadd.s32 $0xFFFFFEC0  }
0x2bd: {  	_ =	swait.ge [sflag:s8], $0x140  }
0x2be: {  	[sflag:s8] =	ssyncset.done $0x0  }
0x2bf: {  	[sflag:s8] =	ssyncadd.s32 $0xFFFFFEC0  }
0x2c0: {  	_ =	swait.ge [sflag:s8], $0x140  }
0x2c1: {  	[sflag:s8] =	ssyncset.done $0x0  }
0x2c2: {  	[sflag:s8] =	ssyncadd.s32 $0xFFFFFEC0  }
0x2c3: {  	_ =	swait.ge [sflag:s8], $0x140  }
0x2c4: {  	[sflag:s8] =	ssyncset.done $0x0  }
0x2c5: {  	[sflag:s8] =	ssyncadd.s32 $0xFFFFFEC0  }
0x2c6: {  	_ =	swait.ge [sflag:s8], $0x140  }
0x2c7: {  	[sflag:s8] =	ssyncset.done $0x0  }
0x2c8: {  	[sflag:s8] =	ssyncadd.s32 $0xFFFFFEC0  }
0x2c9: {  	_ =	swait.ge [sflag:s8], $0x140  }
0x2ca: {  	[sflag:s8] =	ssyncset.done $0x0  }
0x2cb: {  	[sflag:s8] =	ssyncadd.s32 $0xFFFFFEC0  }
0x2cc: {  	_ =	swait.ge [sflag:s8], $0x140  }
0x2cd: {  	[sflag:s8] =	ssyncset.done $0x0  }
0x2ce: {  	[sflag:s8] =	ssyncadd.s32 $0xFFFFFEC0  }
0x2cf: {  	_ =	swait.ge [sflag:s8], $0x140  }
0x2d0: {  	[sflag:s8] =	ssyncset.done $0x0  }
0x2d1: {  	[sflag:s8] =	ssyncadd.s32 $0xFFFFFEC0  }
0x2d2: {  	_ =	swait.ge [sflag:s8], $0x140  }
0x2d3: {  	[sflag:s8] =	ssyncset.done $0x0  }
0x2d4: {  	[sflag:s8] =	ssyncadd.s32 $0xFFFFFEC0  }
0x2d5: {  	_ =	swait.ge [sflag:s8], $0x140  }
0x2d6: {  	[sflag:s8] =	ssyncset.done $0x0  }
0x2d7: {  	[sflag:s8] =	ssyncadd.s32 $0xFFFFFEC0  }
0x2d8: {  	_ =	strace $0x90000052  }
0x2d9: {  	_ =	strace $0x80000053  }
0x2da: {  	s13 =	simm.s32 $0x0;
	v2 =	vld [tilespmem:s12+$0xFFFFF600]  }
0x2db: {  	s3 =	sand.u32 $0x1F0, s13;
	v3 =	vld [tilespmem:s12+$0xFFFFF4C0]  }
0x2dc: {  	v4 =	vld [tilespmem:s3+$0x10180]  }
0x2dd: {  	v5 =	vld [tilespmem:s12+$0xFFFFF880]  }
0x2de: {  	v58 =	vld [tilespmem:s3+$0x10400]  }
0x2df: {  	v59 =	vld [tilespmem:s12+$0xFFFFFB00]  }
0x2e0: {  	v2 =	vadd.s32 v3, v2;
	v3 =	vld [tilespmem:s3+$0x10680]  }
0x2e1: {  	v2 =	vadd.s32 v4, v2;
	v4 =	vld [tilespmem:s12+$0xFFFFFD80]  }
0x2e2: {  	v2 =	vadd.s32 v5, v2;
	v5 =	vld [tilespmem:s3+$0x10900]  }
0x2e3: {  	v60 =	vld [tilespmem:s12+$0x0];
	v2 =	vadd.s32 v58, v2  }
0x2e4: {  	v61 =	vld [tilespmem:s3+$0x10B80];
	v2 =	vadd.s32 v59, v2  }
0x2e5: {  	v2 =	vadd.s32 v3, v2;
	v3 =	vld [tilespmem:s12+$0x280]  }
0x2e6: {  	v2 =	vadd.s32 v4, v2;
	v4 =	vld [tilespmem:s3+$0x10E00]  }
0x2e7: {  	v2 =	vadd.s32 v5, v2;
	v5 =	vld [tilespmem:s12+$0x500]  }
0x2e8: {  	v62 =	vld [tilespmem:s3+$0x11080];
	v2 =	vadd.s32 v60, v2  }
0x2e9: {  	v63 =	vld [tilespmem:s12+$0x780];
	v2 =	vadd.s32 v61, v2  }
0x2ea: {  	v2 =	vadd.s32 v3, v2  }
0x2eb: {  	v2 =	vadd.s32 v4, v2  }
0x2ec: {  	v2 =	vadd.s32 v5, v2  }
0x2ed: {  	v2 =	vadd.s32 v62, v2  }
0x2ee: {  	v2 =	vadd.s32 v63, v2  }
0x2ef: {  	vm15 =	vlt.s32 v2, $0xFF  }
0x2f0: {  	v2 =	vnsel vm15, $0xFF, v2  }
0x2f1: {  	s12 =	simm.s32 $0x11480;
	v2 =	vadd.s32 $0x100, v2  }
0x2f2: {  	s13 =	simm.s32 $0x10A50;
	[tilespmem:s12+$0x0] =	vst v2  }
0x2f3: {  	s6 =	simm.s32 $0x10;
	v2 =	vld [tilespmem:s13+$0xFFFFF600]  }
0x2f4: {  	s3 =	sand.u32 $0x1F0, s6;
	s6 =	simm.s32 $0x20;
	v3 =	vld [tilespmem:s13+$0xFFFFF4C0]  }
.LBB2_14:
0x2f5: {  	p5 =	sne.s32 s6, $0x130;
	v4 =	vld [tilespmem:s3+$0x10180]  }
0x2f6: {  	v5 =	vld [tilespmem:s13+$0xFFFFF880]  }
0x2f7: {  	v6 =	vld [tilespmem:s3+$0x10400]  }
0x2f8: {  	v7 =	vld [tilespmem:s13+$0xFFFFFB00]  }
0x2f9: {  	v2 =	vadd.s32 v3, v2;
	v3 =	vld [tilespmem:s3+$0x10680]  }
0x2fa: {  	v2 =	vadd.s32 v4, v2;
	v4 =	vld [tilespmem:s13+$0xFFFFFD80]  }
0x2fb: {  	v2 =	vadd.s32 v5, v2;
	v5 =	vld [tilespmem:s3+$0x10900]  }
0x2fc: {  	v2 =	vadd.s32 v6, v2;
	v6 =	vld [tilespmem:s13+$0x0]  }
0x2fd: {  	v2 =	vadd.s32 v7, v2;
	v7 =	vld [tilespmem:s3+$0x10B80]  }
0x2fe: {  	v2 =	vadd.s32 v3, v2;
	v3 =	vld [tilespmem:s13+$0x280]  }
0x2ff: {  	v2 =	vadd.s32 v4, v2;
	v4 =	vld [tilespmem:s3+$0x10E00]  }
0x300: {  	v2 =	vadd.s32 v5, v2;
	v5 =	vld [tilespmem:s13+$0x500]  }
0x301: {  	v2 =	vadd.s32 v6, v2;
	v6 =	vld [tilespmem:s3+$0x11080]  }
0x302: {  	v2 =	vadd.s32 v7, v2;
	v7 =	vld [tilespmem:s13+$0x780]  }
0x303: {  	v2 =	vadd.s32 v3, v2  }
0x304: {  	v2 =	vadd.s32 v4, v2  }
0x305: {  	v2 =	vadd.s32 v5, v2  }
0x306: {  	v2 =	vadd.s32 v6, v2  }
0x307: {  	v2 =	vadd.s32 v7, v2  }
0x308: {  	vm0 =	vlt.s32 v2, $0xFF  }
.Ltmp8:
0x309: {  	v2 =	vnsel vm0, $0xFF, v2;
	(pc) =	sbr.rel @p5 .LBB2_14-.Ltmp8, $4  }
0x30a: {  	s12 =	sadd.s32 $0x10, s12;
	v2 =	vadd.s32 $0x100, v2  }
0x30b: {  	s13 =	sadd.s32 $0x10, s13;
	[tilespmem:s12+$0x0] =	vst v2  }
0x30c: {  	v2 =	vld [tilespmem:s13+$0xFFFFF600]  }
0x30d: {  	s3 =	sand.u32 $0x1F0, s6;
	s6 =	sadd.s32 $0x10, s6;
	v3 =	vld [tilespmem:s13+$0xFFFFF4C0]  }
0x30e: {  	v4 =	vld [tilespmem:s3+$0x10180]  }
0x30f: {  	v5 =	vld [tilespmem:s13+$0xFFFFF880]  }
0x310: {  	v6 =	vld [tilespmem:s3+$0x10400]  }
0x311: {  	v7 =	vld [tilespmem:s13+$0xFFFFFB00]  }
0x312: {  	v2 =	vadd.s32 v3, v2;
	v3 =	vld [tilespmem:s3+$0x10680]  }
0x313: {  	v2 =	vadd.s32 v4, v2;
	v4 =	vld [tilespmem:s13+$0xFFFFFD80]  }
0x314: {  	v2 =	vadd.s32 v5, v2;
	v5 =	vld [tilespmem:s3+$0x10900]  }
0x315: {  	v2 =	vadd.s32 v6, v2;
	v6 =	vld [tilespmem:s13+$0x0]  }
0x316: {  	v2 =	vadd.s32 v7, v2;
	v7 =	vld [tilespmem:s3+$0x10B80]  }
0x317: {  	v2 =	vadd.s32 v3, v2;
	v3 =	vld [tilespmem:s13+$0x280]  }
0x318: {  	v2 =	vadd.s32 v4, v2;
	v4 =	vld [tilespmem:s3+$0x10E00]  }
0x319: {  	v2 =	vadd.s32 v5, v2;
	v5 =	vld [tilespmem:s13+$0x500]  }
0x31a: {  	v2 =	vadd.s32 v6, v2;
	v6 =	vld [tilespmem:s3+$0x11080]  }
0x31b: {  	v2 =	vadd.s32 v7, v2;
	v7 =	vld [tilespmem:s13+$0x780]  }
0x31c: {  	v2 =	vadd.s32 v3, v2  }
0x31d: {  	v2 =	vadd.s32 v4, v2  }
0x31e: {  	v2 =	vadd.s32 v5, v2  }
0x31f: {  	v2 =	vadd.s32 v6, v2  }
0x320: {  	v2 =	vadd.s32 v7, v2  }
0x321: {  	vm0 =	vlt.s32 v2, $0xFF  }
0x322: {  	v2 =	vnsel vm0, $0xFF, v2  }
0x323: {  	s12 =	sadd.s32 $0x10, s12;
	v2 =	vadd.s32 $0x100, v2  }
0x324: {  	[tilespmem:s12+$0x0] =	vst v2  }
0x325: {  	_ =	strace $0x90000053  }
0x326: {  	s6 =	simm.s32 $0x16600;
	s13 =	simm.s32 $0x11300;
	_ =	strace $0x80000054  }
0x327: {  	[tilespmem:s6], [sflag:$0xA] =	stream.indirect.gather [spmem:s2], $0x80, s13, s22, $0x2000b8;
	[tilespmem:$0x1DE00] =	vst v63  }
0x328: {  	s12 =	simm.s32 $0x11480;
	s13 =	simm.s32 $0x1A200  }
0x329: {  	[tilespmem:s13], [sflag:$0xD] =	stream.indirect.gather [spmem:s2], $0x80, s12, s22, $0x2000b8;
	[tilespmem:$0x1DE00] =	vst v63  }
0x32a: {  	s12 =	simm.s32 $0x11328;
	s13 =	simm.s32 $0x17A00  }
0x32b: {  	[tilespmem:s13], [sflag:$0xB] =	stream.indirect.gather [spmem:s2], $0x80, s12, s22, $0x2000b8;
	[tilespmem:$0x1DE00] =	vst v63  }
0x32c: {  	s12 =	simm.s32 $0x114A8;
	s13 =	simm.s32 $0x1B600  }
0x32d: {  	[tilespmem:s13], [sflag:$0xE] =	stream.indirect.gather [spmem:s2], $0x80, s12, s22, $0x2000b8;
	[tilespmem:$0x1DE00] =	vst v63  }
0x32e: {  	s3 =	simm.s32 @!p3 $0x28;
	_ =	strace $0x90000054  }
0x32f: {  	s6 =	simm.s32 @!p3 $0x11350;
	s12 =	simm.s32 @!p3 $0x18E00;
	_ =	strace $0x80000055  }
0x330: {  	[tilespmem:s12], [sflag:$0xC] =	stream.indirect.gather @!p3 [spmem:s2], $0x80, s6, s3, $0x2000b8;
	[tilespmem:$0x1DE00] =	vst v63  }
0x331: {  	s6 =	simm.s32 @!p3 $0x114D0;
	s12 =	simm.s32 @!p3 $0x1CA00  }
0x332: {  	[tilespmem:s12], [sflag:$0xF] =	stream.indirect.gather @!p3 [spmem:s2], $0x80, s6, s3, $0x2000b8;
	[tilespmem:$0x1DE00] =	vst v63  }
0x333: {  	s3 =	simm.s32 @!p3 $0x0;
	s6 =	simm.s32 @!p3 $0x13E00;
	s12 =	rddreg [dreg:$0xc]  }
0x334: {  	[tilespmem:s6], [sflag:$0x8] =	stream.linear.gather @!p3 [hbm4b:s12+s3], $0x1400, $0x200038;
	[tilespmem:$0x1DE00] =	vst v63  }
0x335: {  	_ =	strace $0x80000056  }
0x336: {  	_ =	swait.ge [sflag:s10], $0x1400  }
0x337: {  	[sflag:s10] =	ssyncset.done $0x0  }
0x338: {  	[sflag:s10] =	ssyncadd.s32 $0xFFFFEC00  }
0x339: {  	_ =	strace $0x90000056  }
0x33a: {  	_ =	strace $0x80000057  }
0x33b: {  	_ =	swait.ge [sflag:s4], $0x1400  }
0x33c: {  	[sflag:s4] =	ssyncset.done $0x0  }
0x33d: {  	[sflag:s4] =	ssyncadd.s32 $0xFFFFEC00  }
0x33e: {  	_ =	swait.ge [sflag:s11], $0x1400  }
0x33f: {  	[sflag:s11] =	ssyncset.done $0x0  }
0x340: {  	[sflag:s11] =	ssyncadd.s32 $0xFFFFEC00  }
0x341: {  	_ =	strace $0x90000057  }
0x342: {  	s12 =	simm.s32 $0x0;
	_ =	strace $0x80000058  }
0x343: {  	v7 =	vld [tilespmem:s12+$0x1A200]  }
0x344: {  	v6 =	vld [tilespmem:s12+$0x1A210]  }
0x345: {  	v5 =	vld [tilespmem:s12+$0x1A220]  }
0x346: {  	v4 =	vld [tilespmem:s12+$0x1A230]  }
0x347: {  	v3 =	vld [tilespmem:s12+$0x1A240]  }
0x348: {  	v2 =	vld [tilespmem:s12+$0x1A250]  }
0x349: {  	v14 =	vld [tilespmem:s12+$0x16600]  }
0x34a: {  	v19 =	vld [tilespmem:s12+$0x16610]  }
0x34b: {  	v13 =	vld [tilespmem:s12+$0x16620]  }
0x34c: {  	v12 =	vld [tilespmem:s12+$0x16630]  }
0x34d: {  	v11 =	vld [tilespmem:s12+$0x16640]  }
0x34e: {  	v10 =	vld [tilespmem:s12+$0x16650]  }
0x34f: {  	v9 =	vld [tilespmem:s12+$0x16660]  }
0x350: {  	v8 =	vld [tilespmem:s12+$0x16670]  }
0x351: {  	v20 =	vld [tilespmem:s12+$0x11600]  }
0x352: {  	v21 =	vld [tilespmem:s12+$0x11610]  }
0x353: {  	v18 =	vld [tilespmem:s12+$0x11620]  }
0x354: {  	v17 =	vld [tilespmem:s12+$0x11630]  }
0x355: {  	v16 =	vld [tilespmem:s12+$0x11640]  }
0x356: {  	v15 =	vld [tilespmem:s12+$0x11650];
	v20 =	vadd.f32 v14, v20  }
0x357: {  	s13 =	simm.s32 $0x200;
	v19 =	vadd.f32 v19, v21;
	v14 =	vld [tilespmem:s12+$0x11660]  }
.LBB2_16:
0x358: {  	p5 =	sne.s32 s13, $0x4E00;
	v7 =	vadd.f32 v7, v20;
	v13 =	vadd.f32 v13, v18;
	v18 =	vld [tilespmem:s12+$0x11670]  }
0x359: {  	v6 =	vadd.f32 v6, v19;
	v12 =	vadd.f32 v12, v17;
	v17 =	vld [tilespmem:s12+$0x1A260]  }
0x35a: {  	s3 =	sshra.s32 s13, $0x2;
	[tilespmem:s12+$0x11600] =	vst v7;
	v5 =	vadd.f32 v5, v13;
	v11 =	vadd.f32 v11, v16;
	v13 =	vld [tilespmem:s12+$0x1A270]  }
0x35b: {  	v7 =	vld [tilespmem:s3+$0x1A200];
	[tilespmem:s12+$0x11610] =	vst v6;
	v4 =	vadd.f32 v4, v12;
	v10 =	vadd.f32 v10, v15  }
0x35c: {  	v6 =	vld [tilespmem:s3+$0x1A210];
	[tilespmem:s12+$0x11620] =	vst v5;
	v3 =	vadd.f32 v3, v11;
	v9 =	vadd.f32 v9, v14  }
0x35d: {  	v5 =	vld [tilespmem:s3+$0x1A220];
	[tilespmem:s12+$0x11630] =	vst v4;
	v2 =	vadd.f32 v2, v10;
	v8 =	vadd.f32 v8, v18  }
0x35e: {  	v4 =	vld [tilespmem:s3+$0x1A230];
	[tilespmem:s12+$0x11640] =	vst v3;
	v9 =	vadd.f32 v17, v9  }
0x35f: {  	v3 =	vld [tilespmem:s3+$0x1A240];
	[tilespmem:s12+$0x11650] =	vst v2;
	v8 =	vadd.f32 v13, v8  }
0x360: {  	v2 =	vld [tilespmem:s3+$0x1A250];
	[tilespmem:s12+$0x11660] =	vst v9  }
0x361: {  	v14 =	vld [tilespmem:s3+$0x16600];
	[tilespmem:s12+$0x11670] =	vst v8;
	s12 =	smov.u32 s3  }
0x362: {  	v19 =	vld [tilespmem:s12+$0x16610]  }
0x363: {  	v13 =	vld [tilespmem:s12+$0x16620]  }
0x364: {  	v12 =	vld [tilespmem:s12+$0x16630]  }
0x365: {  	v11 =	vld [tilespmem:s12+$0x16640]  }
0x366: {  	v10 =	vld [tilespmem:s12+$0x16650]  }
0x367: {  	v9 =	vld [tilespmem:s12+$0x16660]  }
0x368: {  	v8 =	vld [tilespmem:s12+$0x16670]  }
0x369: {  	v15 =	vld [tilespmem:s12+$0x11600]  }
0x36a: {  	v21 =	vld [tilespmem:s12+$0x11610]  }
.Ltmp9:
0x36b: {  	v18 =	vld [tilespmem:s12+$0x11620];
	(pc) =	sbr.rel @p5 .LBB2_16-.Ltmp9, $4  }
0x36c: {  	v17 =	vld [tilespmem:s12+$0x11630]  }
0x36d: {  	v16 =	vld [tilespmem:s12+$0x11640]  }
0x36e: {  	v20 =	vadd.f32 v14, v15;
	v15 =	vld [tilespmem:s12+$0x11650]  }
0x36f: {  	s13 =	sadd.s32 $0x200, s13;
	v19 =	vadd.f32 v19, v21;
	v14 =	vld [tilespmem:s12+$0x11660]  }
0x370: {  	v7 =	vadd.f32 v7, v20;
	v20 =	vld [tilespmem:s12+$0x11670];
	v13 =	vadd.f32 v13, v18  }
0x371: {  	v18 =	vld [tilespmem:s12+$0x1A260];
	v6 =	vadd.f32 v6, v19;
	v12 =	vadd.f32 v12, v17  }
0x372: {  	[tilespmem:s12+$0x11600] =	vst v7;
	v5 =	vadd.f32 v5, v13;
	v7 =	vadd.f32 v11, v16;
	v11 =	vld [tilespmem:s12+$0x1A270]  }
0x373: {  	[tilespmem:s12+$0x11610] =	vst v6;
	v4 =	vadd.f32 v4, v12;
	v6 =	vadd.f32 v10, v15  }
0x374: {  	[tilespmem:s12+$0x11620] =	vst v5;
	v3 =	vadd.f32 v3, v7;
	v5 =	vadd.f32 v9, v14  }
0x375: {  	[tilespmem:s12+$0x11630] =	vst v4;
	v2 =	vadd.f32 v2, v6;
	v4 =	vadd.f32 v8, v20  }
0x376: {  	[tilespmem:s12+$0x11640] =	vst v3;
	v3 =	vadd.f32 v18, v5  }
0x377: {  	[tilespmem:s12+$0x11650] =	vst v2;
	v2 =	vadd.f32 v11, v4  }
0x378: {  	[tilespmem:s12+$0x11660] =	vst v3  }
0x379: {  	[tilespmem:s12+$0x11670] =	vst v2  }
0x37a: {  	_ =	strace $0x90000058  }
0x37b: {  	s3 =	rddreg [dreg:$0xd]  }
0x37c: {  	[hbm4b:s3+s23] =	stream.linear.scatter [tilespmem:s14], [sflag:$0x10], $0x1400, $0x200038;
	[tilespmem:$0x1DE00] =	vst v63  }
0x37d: {  	s6 =	simm.s32 @!p3 $0x11378;
	s12 =	simm.s32 @!p3 $0x16600;
	s3 =	simm.s32 @!p3 $0x28  }
0x37e: {  	[tilespmem:s12], [sflag:$0xA] =	stream.indirect.gather @!p3 [spmem:s2], $0x80, s6, s3, $0x2000b8;
	[tilespmem:$0x1DE00] =	vst v63  }
0x37f: {  	s6 =	simm.s32 @!p3 $0x114F8;
	s12 =	simm.s32 @!p3 $0x1A200  }
0x380: {  	[tilespmem:s12], [sflag:$0xD] =	stream.indirect.gather @!p3 [spmem:s2], $0x80, s6, s3, $0x2000b8;
	[tilespmem:$0x1DE00] =	vst v63  }
0x381: {  	s3 =	simm.s32 @!p3 $0x0;
	s6 =	simm.s32 @!p3 $0x15200;
	s12 =	rddreg [dreg:$0xe]  }
0x382: {  	[tilespmem:s6], [sflag:$0x9] =	stream.linear.gather @!p3 [hbm4b:s12+s3], $0x1400, $0x200038;
	[tilespmem:$0x1DE00] =	vst v63  }
0x383: {  	_ =	strace $0x80000059  }
0x384: {  	_ =	swait.ge [sflag:s24], $0x1400  }
0x385: {  	[sflag:s24] =	ssyncset.done $0x0  }
0x386: {  	[sflag:s24] =	ssyncadd.s32 $0xFFFFEC00  }
0x387: {  	_ =	strace $0x90000059  }
0x388: {  	_ =	strace $0x8000005A  }
0x389: {  	_ =	swait.ge [sflag:s25], $0x1400  }
0x38a: {  	[sflag:s25] =	ssyncset.done $0x0  }
0x38b: {  	[sflag:s25] =	ssyncadd.s32 $0xFFFFEC00  }
0x38c: {  	_ =	swait.ge [sflag:s26], $0x1400  }
0x38d: {  	[sflag:s26] =	ssyncset.done $0x0  }
0x38e: {  	[sflag:s26] =	ssyncadd.s32 $0xFFFFEC00  }
0x38f: {  	_ =	strace $0x9000005A  }
0x390: {  	s12 =	simm.s32 $0x0;
	_ =	strace $0x8000005B  }
0x391: {  	v7 =	vld [tilespmem:s12+$0x1B600]  }
0x392: {  	v6 =	vld [tilespmem:s12+$0x1B610]  }
0x393: {  	v5 =	vld [tilespmem:s12+$0x1B620]  }
0x394: {  	v4 =	vld [tilespmem:s12+$0x1B630]  }
0x395: {  	v3 =	vld [tilespmem:s12+$0x1B640]  }
0x396: {  	v2 =	vld [tilespmem:s12+$0x1B650]  }
0x397: {  	v14 =	vld [tilespmem:s12+$0x17A00]  }
0x398: {  	v19 =	vld [tilespmem:s12+$0x17A10]  }
0x399: {  	v13 =	vld [tilespmem:s12+$0x17A20]  }
0x39a: {  	v12 =	vld [tilespmem:s12+$0x17A30]  }
0x39b: {  	v11 =	vld [tilespmem:s12+$0x17A40]  }
0x39c: {  	v10 =	vld [tilespmem:s12+$0x17A50]  }
0x39d: {  	v9 =	vld [tilespmem:s12+$0x17A60]  }
0x39e: {  	v8 =	vld [tilespmem:s12+$0x17A70]  }
0x39f: {  	v20 =	vld [tilespmem:s12+$0x12A00]  }
0x3a0: {  	v21 =	vld [tilespmem:s12+$0x12A10]  }
0x3a1: {  	v18 =	vld [tilespmem:s12+$0x12A20]  }
0x3a2: {  	v17 =	vld [tilespmem:s12+$0x12A30]  }
0x3a3: {  	v16 =	vld [tilespmem:s12+$0x12A40]  }
0x3a4: {  	v15 =	vld [tilespmem:s12+$0x12A50];
	v20 =	vadd.f32 v14, v20  }
0x3a5: {  	s13 =	simm.s32 $0x200;
	v19 =	vadd.f32 v19, v21;
	v14 =	vld [tilespmem:s12+$0x12A60]  }
.LBB2_18:
0x3a6: {  	p5 =	sne.s32 s13, $0x4E00;
	v7 =	vadd.f32 v7, v20;
	v13 =	vadd.f32 v13, v18;
	v18 =	vld [tilespmem:s12+$0x12A70]  }
0x3a7: {  	v6 =	vadd.f32 v6, v19;
	v12 =	vadd.f32 v12, v17;
	v17 =	vld [tilespmem:s12+$0x1B660]  }
0x3a8: {  	s3 =	sshra.s32 s13, $0x2;
	[tilespmem:s12+$0x12A00] =	vst v7;
	v5 =	vadd.f32 v5, v13;
	v11 =	vadd.f32 v11, v16;
	v13 =	vld [tilespmem:s12+$0x1B670]  }
0x3a9: {  	v7 =	vld [tilespmem:s3+$0x1B600];
	[tilespmem:s12+$0x12A10] =	vst v6;
	v4 =	vadd.f32 v4, v12;
	v10 =	vadd.f32 v10, v15  }
0x3aa: {  	v6 =	vld [tilespmem:s3+$0x1B610];
	[tilespmem:s12+$0x12A20] =	vst v5;
	v3 =	vadd.f32 v3, v11;
	v9 =	vadd.f32 v9, v14  }
0x3ab: {  	v5 =	vld [tilespmem:s3+$0x1B620];
	[tilespmem:s12+$0x12A30] =	vst v4;
	v2 =	vadd.f32 v2, v10;
	v8 =	vadd.f32 v8, v18  }
0x3ac: {  	v4 =	vld [tilespmem:s3+$0x1B630];
	[tilespmem:s12+$0x12A40] =	vst v3;
	v9 =	vadd.f32 v17, v9  }
0x3ad: {  	v3 =	vld [tilespmem:s3+$0x1B640];
	[tilespmem:s12+$0x12A50] =	vst v2;
	v8 =	vadd.f32 v13, v8  }
0x3ae: {  	v2 =	vld [tilespmem:s3+$0x1B650];
	[tilespmem:s12+$0x12A60] =	vst v9  }
0x3af: {  	v14 =	vld [tilespmem:s3+$0x17A00];
	[tilespmem:s12+$0x12A70] =	vst v8;
	s12 =	smov.u32 s3  }
0x3b0: {  	v19 =	vld [tilespmem:s12+$0x17A10]  }
0x3b1: {  	v13 =	vld [tilespmem:s12+$0x17A20]  }
0x3b2: {  	v12 =	vld [tilespmem:s12+$0x17A30]  }
0x3b3: {  	v11 =	vld [tilespmem:s12+$0x17A40]  }
0x3b4: {  	v10 =	vld [tilespmem:s12+$0x17A50]  }
0x3b5: {  	v9 =	vld [tilespmem:s12+$0x17A60]  }
0x3b6: {  	v8 =	vld [tilespmem:s12+$0x17A70]  }
0x3b7: {  	v15 =	vld [tilespmem:s12+$0x12A00]  }
0x3b8: {  	v21 =	vld [tilespmem:s12+$0x12A10]  }
.Ltmp10:
0x3b9: {  	v18 =	vld [tilespmem:s12+$0x12A20];
	(pc) =	sbr.rel @p5 .LBB2_18-.Ltmp10, $4  }
0x3ba: {  	v17 =	vld [tilespmem:s12+$0x12A30]  }
0x3bb: {  	v16 =	vld [tilespmem:s12+$0x12A40]  }
0x3bc: {  	v20 =	vadd.f32 v14, v15;
	v15 =	vld [tilespmem:s12+$0x12A50]  }
0x3bd: {  	s13 =	sadd.s32 $0x200, s13;
	v19 =	vadd.f32 v19, v21;
	v14 =	vld [tilespmem:s12+$0x12A60]  }
0x3be: {  	v7 =	vadd.f32 v7, v20;
	v57 =	vld [tilespmem:s12+$0x12A70];
	v13 =	vadd.f32 v13, v18  }
0x3bf: {  	v58 =	vld [tilespmem:s12+$0x1B660];
	v6 =	vadd.f32 v6, v19;
	v12 =	vadd.f32 v12, v17  }
0x3c0: {  	v60 =	vld [tilespmem:s12+$0x1B670];
	[tilespmem:s12+$0x12A00] =	vst v7;
	v5 =	vadd.f32 v5, v13;
	v59 =	vadd.f32 v11, v16  }
0x3c1: {  	[tilespmem:s12+$0x12A10] =	vst v6;
	v4 =	vadd.f32 v4, v12;
	v61 =	vadd.f32 v10, v15  }
0x3c2: {  	[tilespmem:s12+$0x12A20] =	vst v5;
	v3 =	vadd.f32 v3, v59;
	v62 =	vadd.f32 v9, v14  }
0x3c3: {  	[tilespmem:s12+$0x12A30] =	vst v4;
	v2 =	vadd.f32 v2, v61;
	v63 =	vadd.f32 v8, v57  }
0x3c4: {  	[tilespmem:s12+$0x12A40] =	vst v3;
	v3 =	vadd.f32 v58, v62  }
0x3c5: {  	[tilespmem:s12+$0x12A50] =	vst v2;
	v2 =	vadd.f32 v60, v63  }
.Ltmp11:
0x3c6: {  	[tilespmem:s12+$0x12A60] =	vst v3;
	(pc) =	sbr.rel @p3 .LBB2_35-.Ltmp11, $4  }
0x3c7: {  	[tilespmem:s12+$0x12A70] =	vst v2  }
0x3c8: {  	_ =	strace $0x9000005B  }
0x3c9: {  	s3 =	rddreg [dreg:$0xf]  }
0x3ca: {  	[hbm4b:s3+s23] =	stream.linear.scatter [tilespmem:s15], [sflag:$0x11], $0x1400, $0x200038;
	[tilespmem:$0x1DE00] =	vst v63  }
0x3cb: {  	s3 =	simm.s32 $0x17A00;
	s6 =	simm.s32 $0x113A0  }
0x3cc: {  	[tilespmem:s3], [sflag:$0xB] =	stream.indirect.gather [spmem:s2], $0x80, s6, s22, $0x2000b8;
	[tilespmem:$0x1DE00] =	vst v63  }
0x3cd: {  	s12 =	simm.s32 $0x1B600;
	s13 =	simm.s32 $0x11520  }
0x3ce: {  	[tilespmem:s12], [sflag:$0xE] =	stream.indirect.gather [spmem:s2], $0x80, s13, s22, $0x2000b8;
	[tilespmem:$0x1DE00] =	vst v63  }
0x3cf: {  	_ =	swait.ge [sflag:s28], $0x1400  }
0x3d0: {  	[sflag:s28] =	ssyncset.done $0x0  }
0x3d1: {  	s12 =	simm.s32 $0x0;
	s13 =	rddreg [dreg:$0x10];
	[sflag:s28] =	ssyncadd.s32 $0xFFFFEC00  }
0x3d2: {  	[tilespmem:s14], [sflag:$0x6] =	stream.linear.gather [hbm4b:s13+s12], $0x1400, $0x200038;
	[tilespmem:$0x1DE00] =	vst v63  }
0x3d3: {  	_ =	strace $0x8000005C  }
0x3d4: {  	_ =	swait.ge [sflag:s29], $0x1400  }
0x3d5: {  	[sflag:s29] =	ssyncset.done $0x0  }
0x3d6: {  	[sflag:s29] =	ssyncadd.s32 $0xFFFFEC00  }
0x3d7: {  	_ =	strace $0x9000005C  }
0x3d8: {  	_ =	strace $0x8000005D  }
0x3d9: {  	_ =	swait.ge [sflag:s30], $0x1400  }
0x3da: {  	[sflag:s30] =	ssyncset.done $0x0  }
0x3db: {  	[sflag:s30] =	ssyncadd.s32 $0xFFFFEC00  }
0x3dc: {  	_ =	swait.ge [sflag:s31], $0x1400  }
0x3dd: {  	[sflag:s31] =	ssyncset.done $0x0  }
0x3de: {  	[sflag:s31] =	ssyncadd.s32 $0xFFFFEC00  }
0x3df: {  	_ =	strace $0x9000005D  }
0x3e0: {  	s12 =	simm.s32 $0x0;
	_ =	strace $0x8000005E  }
0x3e1: {  	v7 =	vld [tilespmem:s12+$0x1CA00]  }
0x3e2: {  	v6 =	vld [tilespmem:s12+$0x1CA10]  }
0x3e3: {  	v5 =	vld [tilespmem:s12+$0x1CA20]  }
0x3e4: {  	v4 =	vld [tilespmem:s12+$0x1CA30]  }
0x3e5: {  	v3 =	vld [tilespmem:s12+$0x1CA40]  }
0x3e6: {  	v2 =	vld [tilespmem:s12+$0x1CA50]  }
0x3e7: {  	v14 =	vld [tilespmem:s12+$0x18E00]  }
0x3e8: {  	v19 =	vld [tilespmem:s12+$0x18E10]  }
0x3e9: {  	v13 =	vld [tilespmem:s12+$0x18E20]  }
0x3ea: {  	v12 =	vld [tilespmem:s12+$0x18E30]  }
0x3eb: {  	v11 =	vld [tilespmem:s12+$0x18E40]  }
0x3ec: {  	v10 =	vld [tilespmem:s12+$0x18E50]  }
0x3ed: {  	v9 =	vld [tilespmem:s12+$0x18E60]  }
0x3ee: {  	v8 =	vld [tilespmem:s12+$0x18E70]  }
0x3ef: {  	v20 =	vld [tilespmem:s12+$0x13E00]  }
0x3f0: {  	v21 =	vld [tilespmem:s12+$0x13E10]  }
0x3f1: {  	v18 =	vld [tilespmem:s12+$0x13E20]  }
0x3f2: {  	v17 =	vld [tilespmem:s12+$0x13E30]  }
0x3f3: {  	v16 =	vld [tilespmem:s12+$0x13E40]  }
0x3f4: {  	v15 =	vld [tilespmem:s12+$0x13E50];
	v20 =	vadd.f32 v14, v20  }
0x3f5: {  	s13 =	simm.s32 $0x200;
	v19 =	vadd.f32 v19, v21;
	v14 =	vld [tilespmem:s12+$0x13E60]  }
.LBB2_21:
0x3f6: {  	p5 =	sne.s32 s13, $0x4E00;
	v7 =	vadd.f32 v7, v20;
	v13 =	vadd.f32 v13, v18;
	v18 =	vld [tilespmem:s12+$0x13E70]  }
0x3f7: {  	v6 =	vadd.f32 v6, v19;
	v12 =	vadd.f32 v12, v17;
	v17 =	vld [tilespmem:s12+$0x1CA60]  }
0x3f8: {  	s3 =	sshra.s32 s13, $0x2;
	[tilespmem:s12+$0x13E00] =	vst v7;
	v5 =	vadd.f32 v5, v13;
	v11 =	vadd.f32 v11, v16;
	v13 =	vld [tilespmem:s12+$0x1CA70]  }
0x3f9: {  	v7 =	vld [tilespmem:s3+$0x1CA00];
	[tilespmem:s12+$0x13E10] =	vst v6;
	v4 =	vadd.f32 v4, v12;
	v10 =	vadd.f32 v10, v15  }
0x3fa: {  	v6 =	vld [tilespmem:s3+$0x1CA10];
	[tilespmem:s12+$0x13E20] =	vst v5;
	v3 =	vadd.f32 v3, v11;
	v9 =	vadd.f32 v9, v14  }
0x3fb: {  	v5 =	vld [tilespmem:s3+$0x1CA20];
	[tilespmem:s12+$0x13E30] =	vst v4;
	v2 =	vadd.f32 v2, v10;
	v8 =	vadd.f32 v8, v18  }
0x3fc: {  	v4 =	vld [tilespmem:s3+$0x1CA30];
	[tilespmem:s12+$0x13E40] =	vst v3;
	v9 =	vadd.f32 v17, v9  }
0x3fd: {  	v3 =	vld [tilespmem:s3+$0x1CA40];
	[tilespmem:s12+$0x13E50] =	vst v2;
	v8 =	vadd.f32 v13, v8  }
0x3fe: {  	v2 =	vld [tilespmem:s3+$0x1CA50];
	[tilespmem:s12+$0x13E60] =	vst v9  }
0x3ff: {  	v14 =	vld [tilespmem:s3+$0x18E00];
	[tilespmem:s12+$0x13E70] =	vst v8;
	s12 =	smov.u32 s3  }
0x400: {  	v19 =	vld [tilespmem:s12+$0x18E10]  }
0x401: {  	v13 =	vld [tilespmem:s12+$0x18E20]  }
0x402: {  	v12 =	vld [tilespmem:s12+$0x18E30]  }
0x403: {  	v11 =	vld [tilespmem:s12+$0x18E40]  }
0x404: {  	v10 =	vld [tilespmem:s12+$0x18E50]  }
0x405: {  	v9 =	vld [tilespmem:s12+$0x18E60]  }
0x406: {  	v8 =	vld [tilespmem:s12+$0x18E70]  }
0x407: {  	v15 =	vld [tilespmem:s12+$0x13E00]  }
0x408: {  	v21 =	vld [tilespmem:s12+$0x13E10]  }
.Ltmp12:
0x409: {  	v18 =	vld [tilespmem:s12+$0x13E20];
	(pc) =	sbr.rel @p5 .LBB2_21-.Ltmp12, $4  }
0x40a: {  	v17 =	vld [tilespmem:s12+$0x13E30]  }
0x40b: {  	v16 =	vld [tilespmem:s12+$0x13E40]  }
0x40c: {  	v20 =	vadd.f32 v14, v15;
	v15 =	vld [tilespmem:s12+$0x13E50]  }
0x40d: {  	s13 =	sadd.s32 $0x200, s13;
	v19 =	vadd.f32 v19, v21;
	v14 =	vld [tilespmem:s12+$0x13E60]  }
0x40e: {  	v7 =	vadd.f32 v7, v20;
	v20 =	vld [tilespmem:s12+$0x13E70];
	v13 =	vadd.f32 v13, v18  }
0x40f: {  	v18 =	vld [tilespmem:s12+$0x1CA60];
	v6 =	vadd.f32 v6, v19;
	v12 =	vadd.f32 v12, v17  }
0x410: {  	[tilespmem:s12+$0x13E00] =	vst v7;
	v5 =	vadd.f32 v5, v13;
	v7 =	vadd.f32 v11, v16;
	v11 =	vld [tilespmem:s12+$0x1CA70]  }
0x411: {  	[tilespmem:s12+$0x13E10] =	vst v6;
	v4 =	vadd.f32 v4, v12;
	v6 =	vadd.f32 v10, v15  }
0x412: {  	[tilespmem:s12+$0x13E20] =	vst v5;
	v3 =	vadd.f32 v3, v7;
	v5 =	vadd.f32 v9, v14  }
0x413: {  	[tilespmem:s12+$0x13E30] =	vst v4;
	v2 =	vadd.f32 v2, v6;
	v4 =	vadd.f32 v8, v20  }
0x414: {  	[tilespmem:s12+$0x13E40] =	vst v3;
	v3 =	vadd.f32 v18, v5  }
0x415: {  	[tilespmem:s12+$0x13E50] =	vst v2;
	v2 =	vadd.f32 v11, v4  }
0x416: {  	[tilespmem:s12+$0x13E60] =	vst v3  }
0x417: {  	[tilespmem:s12+$0x13E70] =	vst v2  }
0x418: {  	_ =	strace $0x9000005E  }
0x419: {  	s3 =	simm.s32 $0x0;
	s13 =	simm.s32 $0x13E00;
	s6 =	rddreg [dreg:$0x11]  }
0x41a: {  	[hbm4b:s6+s3] =	stream.linear.scatter [tilespmem:s13], [sflag:$0x12], $0x1400, $0x200038;
	[tilespmem:$0x1DE00] =	vst v63  }
0x41b: {  	s12 =	simm.s32 $0x113C8;
	s13 =	simm.s32 $0x18E00  }
0x41c: {  	[tilespmem:s13], [sflag:$0xC] =	stream.indirect.gather [spmem:s2], $0x80, s12, s22, $0x2000b8;
	[tilespmem:$0x1DE00] =	vst v63  }
0x41d: {  	s12 =	simm.s32 $0x11548;
	s13 =	simm.s32 $0x1CA00  }
0x41e: {  	[tilespmem:s13], [sflag:$0xF] =	stream.indirect.gather [spmem:s2], $0x80, s12, s22, $0x2000b8;
	[tilespmem:$0x1DE00] =	vst v63  }
0x41f: {  	_ =	swait.ge [sflag:s9], $0x1400  }
0x420: {  	[sflag:s9] =	ssyncset.done $0x0  }
0x421: {  	s13 =	rddreg [dreg:$0x12];
	[sflag:s9] =	ssyncadd.s32 $0xFFFFEC00  }
0x422: {  	[tilespmem:s15], [sflag:$0x7] =	stream.linear.gather [hbm4b:s13+s3], $0x1400, $0x200038;
	[tilespmem:$0x1DE00] =	vst v63  }
0x423: {  	_ =	strace $0x8000005F  }
0x424: {  	_ =	swait.ge [sflag:s17], $0x1400  }
0x425: {  	[sflag:s17] =	ssyncset.done $0x0  }
0x426: {  	[sflag:s17] =	ssyncadd.s32 $0xFFFFEC00  }
0x427: {  	_ =	strace $0x9000005F  }
0x428: {  	_ =	strace $0x80000060  }
0x429: {  	_ =	swait.ge [sflag:s4], $0x1400  }
0x42a: {  	[sflag:s4] =	ssyncset.done $0x0  }
0x42b: {  	[sflag:s4] =	ssyncadd.s32 $0xFFFFEC00  }
0x42c: {  	_ =	swait.ge [sflag:s11], $0x1400  }
0x42d: {  	[sflag:s11] =	ssyncset.done $0x0  }
0x42e: {  	[sflag:s11] =	ssyncadd.s32 $0xFFFFEC00  }
0x42f: {  	_ =	strace $0x90000060  }
0x430: {  	s12 =	simm.s32 $0x0;
	_ =	strace $0x80000061  }
0x431: {  	v7 =	vld [tilespmem:s12+$0x1A200]  }
0x432: {  	v6 =	vld [tilespmem:s12+$0x1A210]  }
0x433: {  	v5 =	vld [tilespmem:s12+$0x1A220]  }
0x434: {  	v4 =	vld [tilespmem:s12+$0x1A230]  }
0x435: {  	v3 =	vld [tilespmem:s12+$0x1A240]  }
0x436: {  	v2 =	vld [tilespmem:s12+$0x1A250]  }
0x437: {  	v14 =	vld [tilespmem:s12+$0x16600]  }
0x438: {  	v19 =	vld [tilespmem:s12+$0x16610]  }
0x439: {  	v13 =	vld [tilespmem:s12+$0x16620]  }
0x43a: {  	v12 =	vld [tilespmem:s12+$0x16630]  }
0x43b: {  	v11 =	vld [tilespmem:s12+$0x16640]  }
0x43c: {  	v10 =	vld [tilespmem:s12+$0x16650]  }
0x43d: {  	v9 =	vld [tilespmem:s12+$0x16660]  }
0x43e: {  	v8 =	vld [tilespmem:s12+$0x16670]  }
0x43f: {  	v20 =	vld [tilespmem:s12+$0x15200]  }
0x440: {  	v21 =	vld [tilespmem:s12+$0x15210]  }
0x441: {  	v18 =	vld [tilespmem:s12+$0x15220]  }
0x442: {  	v17 =	vld [tilespmem:s12+$0x15230]  }
0x443: {  	v16 =	vld [tilespmem:s12+$0x15240]  }
0x444: {  	v15 =	vld [tilespmem:s12+$0x15250];
	v20 =	vadd.f32 v14, v20  }
0x445: {  	s13 =	simm.s32 $0x200;
	v19 =	vadd.f32 v19, v21;
	v14 =	vld [tilespmem:s12+$0x15260]  }
.LBB2_23:
0x446: {  	p5 =	sne.s32 s13, $0x4E00;
	v7 =	vadd.f32 v7, v20;
	v13 =	vadd.f32 v13, v18;
	v18 =	vld [tilespmem:s12+$0x15270]  }
0x447: {  	v6 =	vadd.f32 v6, v19;
	v12 =	vadd.f32 v12, v17;
	v17 =	vld [tilespmem:s12+$0x1A260]  }
0x448: {  	s3 =	sshra.s32 s13, $0x2;
	[tilespmem:s12+$0x15200] =	vst v7;
	v5 =	vadd.f32 v5, v13;
	v11 =	vadd.f32 v11, v16;
	v13 =	vld [tilespmem:s12+$0x1A270]  }
0x449: {  	v7 =	vld [tilespmem:s3+$0x1A200];
	[tilespmem:s12+$0x15210] =	vst v6;
	v4 =	vadd.f32 v4, v12;
	v10 =	vadd.f32 v10, v15  }
0x44a: {  	v6 =	vld [tilespmem:s3+$0x1A210];
	[tilespmem:s12+$0x15220] =	vst v5;
	v3 =	vadd.f32 v3, v11;
	v9 =	vadd.f32 v9, v14  }
0x44b: {  	v5 =	vld [tilespmem:s3+$0x1A220];
	[tilespmem:s12+$0x15230] =	vst v4;
	v2 =	vadd.f32 v2, v10;
	v8 =	vadd.f32 v8, v18  }
0x44c: {  	v4 =	vld [tilespmem:s3+$0x1A230];
	[tilespmem:s12+$0x15240] =	vst v3;
	v9 =	vadd.f32 v17, v9  }
0x44d: {  	v3 =	vld [tilespmem:s3+$0x1A240];
	[tilespmem:s12+$0x15250] =	vst v2;
	v8 =	vadd.f32 v13, v8  }
0x44e: {  	v2 =	vld [tilespmem:s3+$0x1A250];
	[tilespmem:s12+$0x15260] =	vst v9  }
0x44f: {  	v14 =	vld [tilespmem:s3+$0x16600];
	[tilespmem:s12+$0x15270] =	vst v8;
	s12 =	smov.u32 s3  }
0x450: {  	v19 =	vld [tilespmem:s12+$0x16610]  }
0x451: {  	v13 =	vld [tilespmem:s12+$0x16620]  }
0x452: {  	v12 =	vld [tilespmem:s12+$0x16630]  }
0x453: {  	v11 =	vld [tilespmem:s12+$0x16640]  }
0x454: {  	v10 =	vld [tilespmem:s12+$0x16650]  }
0x455: {  	v9 =	vld [tilespmem:s12+$0x16660]  }
0x456: {  	v8 =	vld [tilespmem:s12+$0x16670]  }
0x457: {  	v15 =	vld [tilespmem:s12+$0x15200]  }
0x458: {  	v21 =	vld [tilespmem:s12+$0x15210]  }
.Ltmp13:
0x459: {  	v18 =	vld [tilespmem:s12+$0x15220];
	(pc) =	sbr.rel @p5 .LBB2_23-.Ltmp13, $4  }
0x45a: {  	v17 =	vld [tilespmem:s12+$0x15230]  }
0x45b: {  	v16 =	vld [tilespmem:s12+$0x15240]  }
0x45c: {  	v20 =	vadd.f32 v14, v15;
	v15 =	vld [tilespmem:s12+$0x15250]  }
0x45d: {  	s13 =	sadd.s32 $0x200, s13;
	v19 =	vadd.f32 v19, v21;
	v14 =	vld [tilespmem:s12+$0x15260]  }
0x45e: {  	v7 =	vadd.f32 v7, v20;
	v20 =	vld [tilespmem:s12+$0x15270];
	v13 =	vadd.f32 v13, v18  }
0x45f: {  	v18 =	vld [tilespmem:s12+$0x1A260];
	v6 =	vadd.f32 v6, v19;
	v12 =	vadd.f32 v12, v17  }
0x460: {  	[tilespmem:s12+$0x15200] =	vst v7;
	v5 =	vadd.f32 v5, v13;
	v7 =	vadd.f32 v11, v16;
	v11 =	vld [tilespmem:s12+$0x1A270]  }
0x461: {  	[tilespmem:s12+$0x15210] =	vst v6;
	v4 =	vadd.f32 v4, v12;
	v6 =	vadd.f32 v10, v15  }
0x462: {  	[tilespmem:s12+$0x15220] =	vst v5;
	v3 =	vadd.f32 v3, v7;
	v5 =	vadd.f32 v9, v14  }
0x463: {  	[tilespmem:s12+$0x15230] =	vst v4;
	v2 =	vadd.f32 v2, v6;
	v4 =	vadd.f32 v8, v20  }
0x464: {  	[tilespmem:s12+$0x15240] =	vst v3;
	v3 =	vadd.f32 v18, v5  }
0x465: {  	[tilespmem:s12+$0x15250] =	vst v2;
	v2 =	vadd.f32 v11, v4  }
0x466: {  	[tilespmem:s12+$0x15260] =	vst v3  }
0x467: {  	[tilespmem:s12+$0x15270] =	vst v2  }
0x468: {  	_ =	strace $0x90000061  }
0x469: {  	s3 =	simm.s32 $0x0;
	s13 =	simm.s32 $0x15200;
	s6 =	rddreg [dreg:$0x13]  }
0x46a: {  	[hbm4b:s6+s3] =	stream.linear.scatter [tilespmem:s13], [sflag:$0x13], $0x1400, $0x200038;
	[tilespmem:$0x1DE00] =	vst v63  }
0x46b: {  	s12 =	simm.s32 $0x16600;
	s13 =	simm.s32 $0x113F0  }
0x46c: {  	[tilespmem:s12], [sflag:$0xA] =	stream.indirect.gather [spmem:s2], $0x80, s13, s22, $0x2000b8;
	[tilespmem:$0x1DE00] =	vst v63  }
0x46d: {  	s12 =	simm.s32 $0x1A200;
	s13 =	simm.s32 $0x11570  }
0x46e: {  	[tilespmem:s12], [sflag:$0xD] =	stream.indirect.gather [spmem:s2], $0x80, s13, s22, $0x2000b8;
	[tilespmem:$0x1DE00] =	vst v63  }
0x46f: {  	_ =	swait.ge [sflag:s0], $0x1400  }
0x470: {  	[sflag:s0] =	ssyncset.done $0x0  }
0x471: {  	s13 =	simm.s32 $0x13E00;
	s12 =	rddreg [dreg:$0x14];
	[sflag:s0] =	ssyncadd.s32 $0xFFFFEC00  }
0x472: {  	[tilespmem:s13], [sflag:$0x8] =	stream.linear.gather [hbm4b:s12+s3], $0x1400, $0x200038;
	[tilespmem:$0x1DE00] =	vst v63  }
0x473: {  	_ =	strace $0x80000062  }
0x474: {  	_ =	swait.ge [sflag:s10], $0x1400  }
0x475: {  	[sflag:s10] =	ssyncset.done $0x0  }
0x476: {  	[sflag:s10] =	ssyncadd.s32 $0xFFFFEC00  }
0x477: {  	_ =	strace $0x90000062  }
0x478: {  	_ =	strace $0x80000063  }
0x479: {  	_ =	swait.ge [sflag:s25], $0x1400  }
0x47a: {  	[sflag:s25] =	ssyncset.done $0x0  }
0x47b: {  	[sflag:s25] =	ssyncadd.s32 $0xFFFFEC00  }
0x47c: {  	_ =	swait.ge [sflag:s26], $0x1400  }
0x47d: {  	[sflag:s26] =	ssyncset.done $0x0  }
0x47e: {  	[sflag:s26] =	ssyncadd.s32 $0xFFFFEC00  }
0x47f: {  	_ =	strace $0x90000063  }
0x480: {  	s12 =	simm.s32 $0x0;
	_ =	strace $0x80000064  }
0x481: {  	v7 =	vld [tilespmem:s12+$0x1B600]  }
0x482: {  	v6 =	vld [tilespmem:s12+$0x1B610]  }
0x483: {  	v5 =	vld [tilespmem:s12+$0x1B620]  }
0x484: {  	v4 =	vld [tilespmem:s12+$0x1B630]  }
0x485: {  	v3 =	vld [tilespmem:s12+$0x1B640]  }
0x486: {  	v2 =	vld [tilespmem:s12+$0x1B650]  }
0x487: {  	v14 =	vld [tilespmem:s12+$0x17A00]  }
0x488: {  	v19 =	vld [tilespmem:s12+$0x17A10]  }
0x489: {  	v13 =	vld [tilespmem:s12+$0x17A20]  }
0x48a: {  	v12 =	vld [tilespmem:s12+$0x17A30]  }
0x48b: {  	v11 =	vld [tilespmem:s12+$0x17A40]  }
0x48c: {  	v10 =	vld [tilespmem:s12+$0x17A50]  }
0x48d: {  	v9 =	vld [tilespmem:s12+$0x17A60]  }
0x48e: {  	v8 =	vld [tilespmem:s12+$0x17A70]  }
0x48f: {  	v20 =	vld [tilespmem:s12+$0x11600]  }
0x490: {  	v21 =	vld [tilespmem:s12+$0x11610]  }
0x491: {  	v18 =	vld [tilespmem:s12+$0x11620]  }
0x492: {  	v17 =	vld [tilespmem:s12+$0x11630]  }
0x493: {  	v16 =	vld [tilespmem:s12+$0x11640]  }
0x494: {  	v15 =	vld [tilespmem:s12+$0x11650];
	v20 =	vadd.f32 v14, v20  }
0x495: {  	s13 =	simm.s32 $0x200;
	v19 =	vadd.f32 v19, v21;
	v14 =	vld [tilespmem:s12+$0x11660]  }
.LBB2_25:
0x496: {  	p5 =	sne.s32 s13, $0x4E00;
	v7 =	vadd.f32 v7, v20;
	v13 =	vadd.f32 v13, v18;
	v18 =	vld [tilespmem:s12+$0x11670]  }
0x497: {  	v6 =	vadd.f32 v6, v19;
	v12 =	vadd.f32 v12, v17;
	v17 =	vld [tilespmem:s12+$0x1B660]  }
0x498: {  	s3 =	sshra.s32 s13, $0x2;
	[tilespmem:s12+$0x11600] =	vst v7;
	v5 =	vadd.f32 v5, v13;
	v11 =	vadd.f32 v11, v16;
	v13 =	vld [tilespmem:s12+$0x1B670]  }
0x499: {  	v7 =	vld [tilespmem:s3+$0x1B600];
	[tilespmem:s12+$0x11610] =	vst v6;
	v4 =	vadd.f32 v4, v12;
	v10 =	vadd.f32 v10, v15  }
0x49a: {  	v6 =	vld [tilespmem:s3+$0x1B610];
	[tilespmem:s12+$0x11620] =	vst v5;
	v3 =	vadd.f32 v3, v11;
	v9 =	vadd.f32 v9, v14  }
0x49b: {  	v5 =	vld [tilespmem:s3+$0x1B620];
	[tilespmem:s12+$0x11630] =	vst v4;
	v2 =	vadd.f32 v2, v10;
	v8 =	vadd.f32 v8, v18  }
0x49c: {  	v4 =	vld [tilespmem:s3+$0x1B630];
	[tilespmem:s12+$0x11640] =	vst v3;
	v9 =	vadd.f32 v17, v9  }
0x49d: {  	v3 =	vld [tilespmem:s3+$0x1B640];
	[tilespmem:s12+$0x11650] =	vst v2;
	v8 =	vadd.f32 v13, v8  }
0x49e: {  	v2 =	vld [tilespmem:s3+$0x1B650];
	[tilespmem:s12+$0x11660] =	vst v9  }
0x49f: {  	v14 =	vld [tilespmem:s3+$0x17A00];
	[tilespmem:s12+$0x11670] =	vst v8;
	s12 =	smov.u32 s3  }
0x4a0: {  	v19 =	vld [tilespmem:s12+$0x17A10]  }
0x4a1: {  	v13 =	vld [tilespmem:s12+$0x17A20]  }
0x4a2: {  	v12 =	vld [tilespmem:s12+$0x17A30]  }
0x4a3: {  	v11 =	vld [tilespmem:s12+$0x17A40]  }
0x4a4: {  	v10 =	vld [tilespmem:s12+$0x17A50]  }
0x4a5: {  	v9 =	vld [tilespmem:s12+$0x17A60]  }
0x4a6: {  	v8 =	vld [tilespmem:s12+$0x17A70]  }
0x4a7: {  	v15 =	vld [tilespmem:s12+$0x11600]  }
0x4a8: {  	v21 =	vld [tilespmem:s12+$0x11610]  }
.Ltmp14:
0x4a9: {  	v18 =	vld [tilespmem:s12+$0x11620];
	(pc) =	sbr.rel @p5 .LBB2_25-.Ltmp14, $4  }
0x4aa: {  	v17 =	vld [tilespmem:s12+$0x11630]  }
0x4ab: {  	v16 =	vld [tilespmem:s12+$0x11640]  }
0x4ac: {  	v20 =	vadd.f32 v14, v15;
	v15 =	vld [tilespmem:s12+$0x11650]  }
0x4ad: {  	s13 =	sadd.s32 $0x200, s13;
	v19 =	vadd.f32 v19, v21;
	v14 =	vld [tilespmem:s12+$0x11660]  }
0x4ae: {  	v7 =	vadd.f32 v7, v20;
	v20 =	vld [tilespmem:s12+$0x11670];
	v13 =	vadd.f32 v13, v18  }
0x4af: {  	v18 =	vld [tilespmem:s12+$0x1B660];
	v6 =	vadd.f32 v6, v19;
	v12 =	vadd.f32 v12, v17  }
0x4b0: {  	[tilespmem:s12+$0x11600] =	vst v7;
	v5 =	vadd.f32 v5, v13;
	v7 =	vadd.f32 v11, v16;
	v11 =	vld [tilespmem:s12+$0x1B670]  }
0x4b1: {  	[tilespmem:s12+$0x11610] =	vst v6;
	v4 =	vadd.f32 v4, v12;
	v6 =	vadd.f32 v10, v15  }
0x4b2: {  	[tilespmem:s12+$0x11620] =	vst v5;
	v3 =	vadd.f32 v3, v7;
	v5 =	vadd.f32 v9, v14  }
0x4b3: {  	[tilespmem:s12+$0x11630] =	vst v4;
	v2 =	vadd.f32 v2, v6;
	v4 =	vadd.f32 v8, v20  }
0x4b4: {  	[tilespmem:s12+$0x11640] =	vst v3;
	v3 =	vadd.f32 v18, v5  }
0x4b5: {  	[tilespmem:s12+$0x11650] =	vst v2;
	v2 =	vadd.f32 v11, v4  }
0x4b6: {  	[tilespmem:s12+$0x11660] =	vst v3  }
0x4b7: {  	[tilespmem:s12+$0x11670] =	vst v2  }
0x4b8: {  	_ =	strace $0x90000064  }
0x4b9: {  	s3 =	simm.s32 $0x0;
	s6 =	rddreg [dreg:$0x15]  }
0x4ba: {  	[hbm4b:s6+s3] =	stream.linear.scatter [tilespmem:s14], [sflag:$0x10], $0x1400, $0x200038;
	[tilespmem:$0x1DE00] =	vst v63  }
0x4bb: {  	s13 =	simm.s32 $0x11418;
	s12 =	simm.s32 $0x17A00  }
0x4bc: {  	[tilespmem:s12], [sflag:$0xB] =	stream.indirect.gather [spmem:s2], $0x80, s13, s22, $0x2000b8;
	[tilespmem:$0x1DE00] =	vst v63  }
0x4bd: {  	s12 =	simm.s32 $0x1B600;
	s13 =	simm.s32 $0x11598  }
0x4be: {  	[tilespmem:s12], [sflag:$0xE] =	stream.indirect.gather [spmem:s2], $0x80, s13, s22, $0x2000b8;
	[tilespmem:$0x1DE00] =	vst v63  }
0x4bf: {  	_ =	swait.ge [sflag:s5], $0x1400  }
0x4c0: {  	[sflag:s5] =	ssyncset.done $0x0  }
0x4c1: {  	s13 =	simm.s32 $0x15200;
	s12 =	rddreg [dreg:$0x16];
	[sflag:s5] =	ssyncadd.s32 $0xFFFFEC00  }
0x4c2: {  	[tilespmem:s13], [sflag:$0x9] =	stream.linear.gather [hbm4b:s12+s3], $0x1400, $0x200038;
	[tilespmem:$0x1DE00] =	vst v63  }
0x4c3: {  	_ =	strace $0x80000065  }
0x4c4: {  	_ =	swait.ge [sflag:s24], $0x1400  }
0x4c5: {  	[sflag:s24] =	ssyncset.done $0x0  }
0x4c6: {  	[sflag:s24] =	ssyncadd.s32 $0xFFFFEC00  }
0x4c7: {  	_ =	strace $0x90000065  }
0x4c8: {  	_ =	strace $0x80000066  }
0x4c9: {  	_ =	swait.ge [sflag:s30], $0x1400  }
0x4ca: {  	[sflag:s30] =	ssyncset.done $0x0  }
0x4cb: {  	[sflag:s30] =	ssyncadd.s32 $0xFFFFEC00  }
0x4cc: {  	_ =	swait.ge [sflag:s31], $0x1400  }
0x4cd: {  	[sflag:s31] =	ssyncset.done $0x0  }
0x4ce: {  	[sflag:s31] =	ssyncadd.s32 $0xFFFFEC00  }
0x4cf: {  	_ =	strace $0x90000066  }
0x4d0: {  	s12 =	simm.s32 $0x0;
	_ =	strace $0x80000067  }
0x4d1: {  	v7 =	vld [tilespmem:s12+$0x1CA00]  }
0x4d2: {  	v6 =	vld [tilespmem:s12+$0x1CA10]  }
0x4d3: {  	v5 =	vld [tilespmem:s12+$0x1CA20]  }
0x4d4: {  	v4 =	vld [tilespmem:s12+$0x1CA30]  }
0x4d5: {  	v3 =	vld [tilespmem:s12+$0x1CA40]  }
0x4d6: {  	v2 =	vld [tilespmem:s12+$0x1CA50]  }
0x4d7: {  	v14 =	vld [tilespmem:s12+$0x18E00]  }
0x4d8: {  	v19 =	vld [tilespmem:s12+$0x18E10]  }
0x4d9: {  	v13 =	vld [tilespmem:s12+$0x18E20]  }
0x4da: {  	v12 =	vld [tilespmem:s12+$0x18E30]  }
0x4db: {  	v11 =	vld [tilespmem:s12+$0x18E40]  }
0x4dc: {  	v10 =	vld [tilespmem:s12+$0x18E50]  }
0x4dd: {  	v9 =	vld [tilespmem:s12+$0x18E60]  }
0x4de: {  	v8 =	vld [tilespmem:s12+$0x18E70]  }
0x4df: {  	v20 =	vld [tilespmem:s12+$0x12A00]  }
0x4e0: {  	v21 =	vld [tilespmem:s12+$0x12A10]  }
0x4e1: {  	v18 =	vld [tilespmem:s12+$0x12A20]  }
0x4e2: {  	v17 =	vld [tilespmem:s12+$0x12A30]  }
0x4e3: {  	v16 =	vld [tilespmem:s12+$0x12A40]  }
0x4e4: {  	v15 =	vld [tilespmem:s12+$0x12A50];
	v20 =	vadd.f32 v14, v20  }
0x4e5: {  	s13 =	simm.s32 $0x200;
	v19 =	vadd.f32 v19, v21;
	v14 =	vld [tilespmem:s12+$0x12A60]  }
.LBB2_27:
0x4e6: {  	p5 =	sne.s32 s13, $0x4E00;
	v7 =	vadd.f32 v7, v20;
	v13 =	vadd.f32 v13, v18;
	v18 =	vld [tilespmem:s12+$0x12A70]  }
0x4e7: {  	v6 =	vadd.f32 v6, v19;
	v12 =	vadd.f32 v12, v17;
	v17 =	vld [tilespmem:s12+$0x1CA60]  }
0x4e8: {  	s3 =	sshra.s32 s13, $0x2;
	[tilespmem:s12+$0x12A00] =	vst v7;
	v5 =	vadd.f32 v5, v13;
	v11 =	vadd.f32 v11, v16;
	v13 =	vld [tilespmem:s12+$0x1CA70]  }
0x4e9: {  	v7 =	vld [tilespmem:s3+$0x1CA00];
	[tilespmem:s12+$0x12A10] =	vst v6;
	v4 =	vadd.f32 v4, v12;
	v10 =	vadd.f32 v10, v15  }
0x4ea: {  	v6 =	vld [tilespmem:s3+$0x1CA10];
	[tilespmem:s12+$0x12A20] =	vst v5;
	v3 =	vadd.f32 v3, v11;
	v9 =	vadd.f32 v9, v14  }
0x4eb: {  	v5 =	vld [tilespmem:s3+$0x1CA20];
	[tilespmem:s12+$0x12A30] =	vst v4;
	v2 =	vadd.f32 v2, v10;
	v8 =	vadd.f32 v8, v18  }
0x4ec: {  	v4 =	vld [tilespmem:s3+$0x1CA30];
	[tilespmem:s12+$0x12A40] =	vst v3;
	v9 =	vadd.f32 v17, v9  }
0x4ed: {  	v3 =	vld [tilespmem:s3+$0x1CA40];
	[tilespmem:s12+$0x12A50] =	vst v2;
	v8 =	vadd.f32 v13, v8  }
0x4ee: {  	v2 =	vld [tilespmem:s3+$0x1CA50];
	[tilespmem:s12+$0x12A60] =	vst v9  }
0x4ef: {  	v14 =	vld [tilespmem:s3+$0x18E00];
	[tilespmem:s12+$0x12A70] =	vst v8;
	s12 =	smov.u32 s3  }
0x4f0: {  	v19 =	vld [tilespmem:s12+$0x18E10]  }
0x4f1: {  	v13 =	vld [tilespmem:s12+$0x18E20]  }
0x4f2: {  	v12 =	vld [tilespmem:s12+$0x18E30]  }
0x4f3: {  	v11 =	vld [tilespmem:s12+$0x18E40]  }
0x4f4: {  	v10 =	vld [tilespmem:s12+$0x18E50]  }
0x4f5: {  	v9 =	vld [tilespmem:s12+$0x18E60]  }
0x4f6: {  	v8 =	vld [tilespmem:s12+$0x18E70]  }
0x4f7: {  	v15 =	vld [tilespmem:s12+$0x12A00]  }
0x4f8: {  	v21 =	vld [tilespmem:s12+$0x12A10]  }
.Ltmp15:
0x4f9: {  	v18 =	vld [tilespmem:s12+$0x12A20];
	(pc) =	sbr.rel @p5 .LBB2_27-.Ltmp15, $4  }
0x4fa: {  	v17 =	vld [tilespmem:s12+$0x12A30]  }
0x4fb: {  	v16 =	vld [tilespmem:s12+$0x12A40]  }
0x4fc: {  	v20 =	vadd.f32 v14, v15;
	v15 =	vld [tilespmem:s12+$0x12A50]  }
0x4fd: {  	s13 =	sadd.s32 $0x200, s13;
	v19 =	vadd.f32 v19, v21;
	v14 =	vld [tilespmem:s12+$0x12A60]  }
0x4fe: {  	v7 =	vadd.f32 v7, v20;
	v20 =	vld [tilespmem:s12+$0x12A70];
	v13 =	vadd.f32 v13, v18  }
0x4ff: {  	v18 =	vld [tilespmem:s12+$0x1CA60];
	v6 =	vadd.f32 v6, v19;
	v12 =	vadd.f32 v12, v17  }
0x500: {  	[tilespmem:s12+$0x12A00] =	vst v7;
	v5 =	vadd.f32 v5, v13;
	v7 =	vadd.f32 v11, v16;
	v11 =	vld [tilespmem:s12+$0x1CA70]  }
0x501: {  	[tilespmem:s12+$0x12A10] =	vst v6;
	v4 =	vadd.f32 v4, v12;
	v6 =	vadd.f32 v10, v15  }
0x502: {  	[tilespmem:s12+$0x12A20] =	vst v5;
	v3 =	vadd.f32 v3, v7;
	v5 =	vadd.f32 v9, v14  }
0x503: {  	[tilespmem:s12+$0x12A30] =	vst v4;
	v2 =	vadd.f32 v2, v6;
	v4 =	vadd.f32 v8, v20  }
0x504: {  	[tilespmem:s12+$0x12A40] =	vst v3;
	v3 =	vadd.f32 v18, v5  }
0x505: {  	[tilespmem:s12+$0x12A50] =	vst v2;
	v2 =	vadd.f32 v11, v4  }
0x506: {  	[tilespmem:s12+$0x12A60] =	vst v3  }
0x507: {  	[tilespmem:s12+$0x12A70] =	vst v2  }
0x508: {  	_ =	strace $0x90000067  }
0x509: {  	s3 =	simm.s32 $0x0;
	s6 =	rddreg [dreg:$0x17]  }
0x50a: {  	[hbm4b:s6+s3] =	stream.linear.scatter [tilespmem:s15], [sflag:$0x11], $0x1400, $0x200038;
	[tilespmem:$0x1DE00] =	vst v63  }
0x50b: {  	_ =	strace $0x80000068  }
0x50c: {  	_ =	swait.ge [sflag:s29], $0x1400  }
0x50d: {  	[sflag:s29] =	ssyncset.done $0x0  }
0x50e: {  	[sflag:s29] =	ssyncadd.s32 $0xFFFFEC00  }
0x50f: {  	_ =	strace $0x90000068  }
0x510: {  	_ =	strace $0x80000069  }
0x511: {  	_ =	swait.ge [sflag:s4], $0x1400  }
0x512: {  	[sflag:s4] =	ssyncset.done $0x0  }
0x513: {  	[sflag:s4] =	ssyncadd.s32 $0xFFFFEC00  }
0x514: {  	_ =	swait.ge [sflag:s11], $0x1400  }
0x515: {  	[sflag:s11] =	ssyncset.done $0x0  }
0x516: {  	[sflag:s11] =	ssyncadd.s32 $0xFFFFEC00  }
0x517: {  	_ =	strace $0x90000069  }
0x518: {  	s12 =	simm.s32 $0x0;
	_ =	strace $0x8000006A  }
0x519: {  	v7 =	vld [tilespmem:s12+$0x1A200]  }
0x51a: {  	v6 =	vld [tilespmem:s12+$0x1A210]  }
0x51b: {  	v5 =	vld [tilespmem:s12+$0x1A220]  }
0x51c: {  	v4 =	vld [tilespmem:s12+$0x1A230]  }
0x51d: {  	v3 =	vld [tilespmem:s12+$0x1A240]  }
0x51e: {  	v2 =	vld [tilespmem:s12+$0x1A250]  }
0x51f: {  	v14 =	vld [tilespmem:s12+$0x16600]  }
0x520: {  	v19 =	vld [tilespmem:s12+$0x16610]  }
0x521: {  	v13 =	vld [tilespmem:s12+$0x16620]  }
0x522: {  	v12 =	vld [tilespmem:s12+$0x16630]  }
0x523: {  	v11 =	vld [tilespmem:s12+$0x16640]  }
0x524: {  	v10 =	vld [tilespmem:s12+$0x16650]  }
0x525: {  	v9 =	vld [tilespmem:s12+$0x16660]  }
0x526: {  	v8 =	vld [tilespmem:s12+$0x16670]  }
0x527: {  	v20 =	vld [tilespmem:s12+$0x13E00]  }
0x528: {  	v21 =	vld [tilespmem:s12+$0x13E10]  }
0x529: {  	v18 =	vld [tilespmem:s12+$0x13E20]  }
0x52a: {  	v17 =	vld [tilespmem:s12+$0x13E30]  }
0x52b: {  	v16 =	vld [tilespmem:s12+$0x13E40]  }
0x52c: {  	v15 =	vld [tilespmem:s12+$0x13E50];
	v20 =	vadd.f32 v14, v20  }
0x52d: {  	s13 =	simm.s32 $0x200;
	v19 =	vadd.f32 v19, v21;
	v14 =	vld [tilespmem:s12+$0x13E60]  }
.LBB2_29:
0x52e: {  	p5 =	sne.s32 s13, $0x4E00;
	v7 =	vadd.f32 v7, v20;
	v13 =	vadd.f32 v13, v18;
	v18 =	vld [tilespmem:s12+$0x13E70]  }
0x52f: {  	v6 =	vadd.f32 v6, v19;
	v12 =	vadd.f32 v12, v17;
	v17 =	vld [tilespmem:s12+$0x1A260]  }
0x530: {  	s3 =	sshra.s32 s13, $0x2;
	[tilespmem:s12+$0x13E00] =	vst v7;
	v5 =	vadd.f32 v5, v13;
	v11 =	vadd.f32 v11, v16;
	v13 =	vld [tilespmem:s12+$0x1A270]  }
0x531: {  	v7 =	vld [tilespmem:s3+$0x1A200];
	[tilespmem:s12+$0x13E10] =	vst v6;
	v4 =	vadd.f32 v4, v12;
	v10 =	vadd.f32 v10, v15  }
0x532: {  	v6 =	vld [tilespmem:s3+$0x1A210];
	[tilespmem:s12+$0x13E20] =	vst v5;
	v3 =	vadd.f32 v3, v11;
	v9 =	vadd.f32 v9, v14  }
0x533: {  	v5 =	vld [tilespmem:s3+$0x1A220];
	[tilespmem:s12+$0x13E30] =	vst v4;
	v2 =	vadd.f32 v2, v10;
	v8 =	vadd.f32 v8, v18  }
0x534: {  	v4 =	vld [tilespmem:s3+$0x1A230];
	[tilespmem:s12+$0x13E40] =	vst v3;
	v9 =	vadd.f32 v17, v9  }
0x535: {  	v3 =	vld [tilespmem:s3+$0x1A240];
	[tilespmem:s12+$0x13E50] =	vst v2;
	v8 =	vadd.f32 v13, v8  }
0x536: {  	v2 =	vld [tilespmem:s3+$0x1A250];
	[tilespmem:s12+$0x13E60] =	vst v9  }
0x537: {  	v14 =	vld [tilespmem:s3+$0x16600];
	[tilespmem:s12+$0x13E70] =	vst v8;
	s12 =	smov.u32 s3  }
0x538: {  	v19 =	vld [tilespmem:s12+$0x16610]  }
0x539: {  	v13 =	vld [tilespmem:s12+$0x16620]  }
0x53a: {  	v12 =	vld [tilespmem:s12+$0x16630]  }
0x53b: {  	v11 =	vld [tilespmem:s12+$0x16640]  }
0x53c: {  	v10 =	vld [tilespmem:s12+$0x16650]  }
0x53d: {  	v9 =	vld [tilespmem:s12+$0x16660]  }
0x53e: {  	v8 =	vld [tilespmem:s12+$0x16670]  }
0x53f: {  	v15 =	vld [tilespmem:s12+$0x13E00]  }
0x540: {  	v21 =	vld [tilespmem:s12+$0x13E10]  }
.Ltmp16:
0x541: {  	v18 =	vld [tilespmem:s12+$0x13E20];
	(pc) =	sbr.rel @p5 .LBB2_29-.Ltmp16, $4  }
0x542: {  	v17 =	vld [tilespmem:s12+$0x13E30]  }
0x543: {  	v16 =	vld [tilespmem:s12+$0x13E40]  }
0x544: {  	v20 =	vadd.f32 v14, v15;
	v15 =	vld [tilespmem:s12+$0x13E50]  }
0x545: {  	s13 =	sadd.s32 $0x200, s13;
	v19 =	vadd.f32 v19, v21;
	v14 =	vld [tilespmem:s12+$0x13E60]  }
0x546: {  	v7 =	vadd.f32 v7, v20;
	v20 =	vld [tilespmem:s12+$0x13E70];
	v13 =	vadd.f32 v13, v18  }
0x547: {  	v18 =	vld [tilespmem:s12+$0x1A260];
	v6 =	vadd.f32 v6, v19;
	v12 =	vadd.f32 v12, v17  }
0x548: {  	[tilespmem:s12+$0x13E00] =	vst v7;
	v5 =	vadd.f32 v5, v13;
	v7 =	vadd.f32 v11, v16;
	v11 =	vld [tilespmem:s12+$0x1A270]  }
0x549: {  	[tilespmem:s12+$0x13E10] =	vst v6;
	v4 =	vadd.f32 v4, v12;
	v6 =	vadd.f32 v10, v15  }
0x54a: {  	[tilespmem:s12+$0x13E20] =	vst v5;
	v3 =	vadd.f32 v3, v7;
	v5 =	vadd.f32 v9, v14  }
0x54b: {  	[tilespmem:s12+$0x13E30] =	vst v4;
	v2 =	vadd.f32 v2, v6;
	v4 =	vadd.f32 v8, v20  }
0x54c: {  	[tilespmem:s12+$0x13E40] =	vst v3;
	v3 =	vadd.f32 v18, v5  }
0x54d: {  	[tilespmem:s12+$0x13E50] =	vst v2;
	v2 =	vadd.f32 v11, v4  }
0x54e: {  	[tilespmem:s12+$0x13E60] =	vst v3  }
0x54f: {  	[tilespmem:s12+$0x13E70] =	vst v2  }
0x550: {  	_ =	strace $0x9000006A  }
0x551: {  	s3 =	simm.s32 $0x0;
	s13 =	simm.s32 $0x13E00;
	s6 =	rddreg [dreg:$0x18]  }
0x552: {  	[hbm4b:s6+s3] =	stream.linear.scatter [tilespmem:s13], [sflag:$0x12], $0x1400, $0x200038;
	[tilespmem:$0x1DE00] =	vst v63  }
0x553: {  	_ =	strace $0x8000006B  }
0x554: {  	_ =	swait.ge [sflag:s17], $0x1400  }
0x555: {  	[sflag:s17] =	ssyncset.done $0x0  }
0x556: {  	[sflag:s17] =	ssyncadd.s32 $0xFFFFEC00  }
0x557: {  	_ =	strace $0x9000006B  }
0x558: {  	_ =	strace $0x8000006C  }
0x559: {  	_ =	swait.ge [sflag:s25], $0x1400  }
0x55a: {  	[sflag:s25] =	ssyncset.done $0x0  }
0x55b: {  	[sflag:s25] =	ssyncadd.s32 $0xFFFFEC00  }
0x55c: {  	_ =	swait.ge [sflag:s26], $0x1400  }
0x55d: {  	[sflag:s26] =	ssyncset.done $0x0  }
0x55e: {  	[sflag:s26] =	ssyncadd.s32 $0xFFFFEC00  }
0x55f: {  	_ =	strace $0x9000006C  }
0x560: {  	s12 =	simm.s32 $0x0;
	_ =	strace $0x8000006D  }
0x561: {  	v7 =	vld [tilespmem:s12+$0x1B600]  }
0x562: {  	v6 =	vld [tilespmem:s12+$0x1B610]  }
0x563: {  	v5 =	vld [tilespmem:s12+$0x1B620]  }
0x564: {  	v4 =	vld [tilespmem:s12+$0x1B630]  }
0x565: {  	v3 =	vld [tilespmem:s12+$0x1B640]  }
0x566: {  	v2 =	vld [tilespmem:s12+$0x1B650]  }
0x567: {  	v14 =	vld [tilespmem:s12+$0x17A00]  }
0x568: {  	v19 =	vld [tilespmem:s12+$0x17A10]  }
0x569: {  	v13 =	vld [tilespmem:s12+$0x17A20]  }
0x56a: {  	v12 =	vld [tilespmem:s12+$0x17A30]  }
0x56b: {  	v11 =	vld [tilespmem:s12+$0x17A40]  }
0x56c: {  	v10 =	vld [tilespmem:s12+$0x17A50]  }
0x56d: {  	v9 =	vld [tilespmem:s12+$0x17A60]  }
0x56e: {  	v8 =	vld [tilespmem:s12+$0x17A70]  }
0x56f: {  	v20 =	vld [tilespmem:s12+$0x15200]  }
0x570: {  	v21 =	vld [tilespmem:s12+$0x15210]  }
0x571: {  	v18 =	vld [tilespmem:s12+$0x15220]  }
0x572: {  	v17 =	vld [tilespmem:s12+$0x15230]  }
0x573: {  	v16 =	vld [tilespmem:s12+$0x15240]  }
0x574: {  	v15 =	vld [tilespmem:s12+$0x15250];
	v20 =	vadd.f32 v14, v20  }
0x575: {  	s13 =	simm.s32 $0x200;
	v19 =	vadd.f32 v19, v21;
	v14 =	vld [tilespmem:s12+$0x15260]  }
.LBB2_31:
0x576: {  	p5 =	seq.s32 s13, $0x4E00;
	v7 =	vadd.f32 v7, v20;
	v13 =	vadd.f32 v13, v18;
	v18 =	vld [tilespmem:s12+$0x15270]  }
0x577: {  	v6 =	vadd.f32 v6, v19;
	v12 =	vadd.f32 v12, v17;
	v17 =	vld [tilespmem:s12+$0x1B660]  }
0x578: {  	s3 =	sshra.s32 s13, $0x2;
	[tilespmem:s12+$0x15200] =	vst v7;
	v5 =	vadd.f32 v5, v13;
	v11 =	vadd.f32 v11, v16;
	v13 =	vld [tilespmem:s12+$0x1B670]  }
0x579: {  	v7 =	vld [tilespmem:s3+$0x1B600];
	[tilespmem:s12+$0x15210] =	vst v6;
	v4 =	vadd.f32 v4, v12;
	v10 =	vadd.f32 v10, v15  }
0x57a: {  	v6 =	vld [tilespmem:s3+$0x1B610];
	[tilespmem:s12+$0x15220] =	vst v5;
	v3 =	vadd.f32 v3, v11;
	v9 =	vadd.f32 v9, v14  }
0x57b: {  	v5 =	vld [tilespmem:s3+$0x1B620];
	[tilespmem:s12+$0x15230] =	vst v4;
	v2 =	vadd.f32 v2, v10;
	v8 =	vadd.f32 v8, v18  }
0x57c: {  	v4 =	vld [tilespmem:s3+$0x1B630];
	[tilespmem:s12+$0x15240] =	vst v3;
	v9 =	vadd.f32 v17, v9  }
0x57d: {  	v3 =	vld [tilespmem:s3+$0x1B640];
	[tilespmem:s12+$0x15250] =	vst v2;
	v8 =	vadd.f32 v13, v8  }
0x57e: {  	v2 =	vld [tilespmem:s3+$0x1B650];
	[tilespmem:s12+$0x15260] =	vst v9  }
0x57f: {  	v14 =	vld [tilespmem:s3+$0x17A00];
	[tilespmem:s12+$0x15270] =	vst v8;
	s12 =	smov.u32 s3  }
0x580: {  	v19 =	vld [tilespmem:s12+$0x17A10]  }
0x581: {  	v13 =	vld [tilespmem:s12+$0x17A20]  }
0x582: {  	v12 =	vld [tilespmem:s12+$0x17A30]  }
0x583: {  	v11 =	vld [tilespmem:s12+$0x17A40]  }
0x584: {  	v10 =	vld [tilespmem:s12+$0x17A50]  }
0x585: {  	v9 =	vld [tilespmem:s12+$0x17A60]  }
0x586: {  	v8 =	vld [tilespmem:s12+$0x17A70]  }
0x587: {  	v15 =	vld [tilespmem:s12+$0x15200]  }
0x588: {  	v21 =	vld [tilespmem:s12+$0x15210]  }
.Ltmp17:
0x589: {  	v18 =	vld [tilespmem:s12+$0x15220];
	(pc) =	sbr.rel @!p5 .LBB2_31-.Ltmp17, $4  }
0x58a: {  	v17 =	vld [tilespmem:s12+$0x15230]  }
0x58b: {  	v16 =	vld [tilespmem:s12+$0x15240]  }
0x58c: {  	v20 =	vadd.f32 v14, v15;
	v15 =	vld [tilespmem:s12+$0x15250]  }
0x58d: {  	s13 =	sadd.s32 $0x200, s13;
	v19 =	vadd.f32 v19, v21;
	v14 =	vld [tilespmem:s12+$0x15260]  }
0x58e: {  	v7 =	vadd.f32 v7, v20;
	v57 =	vld [tilespmem:s12+$0x15270];
	v13 =	vadd.f32 v13, v18  }
0x58f: {  	v58 =	vld [tilespmem:s12+$0x1B660];
	v6 =	vadd.f32 v6, v19;
	v12 =	vadd.f32 v12, v17  }
0x590: {  	v60 =	vld [tilespmem:s12+$0x1B670];
	[tilespmem:s12+$0x15200] =	vst v7;
	v5 =	vadd.f32 v5, v13;
	v59 =	vadd.f32 v11, v16  }
0x591: {  	[tilespmem:s12+$0x15210] =	vst v6;
	v4 =	vadd.f32 v4, v12;
	v61 =	vadd.f32 v10, v15  }
0x592: {  	[tilespmem:s12+$0x15220] =	vst v5;
	v3 =	vadd.f32 v3, v59;
	v62 =	vadd.f32 v9, v14  }
0x593: {  	[tilespmem:s12+$0x15230] =	vst v4;
	v2 =	vadd.f32 v2, v61;
	v63 =	vadd.f32 v8, v57  }
0x594: {  	[tilespmem:s12+$0x15240] =	vst v3;
	v3 =	vadd.f32 v58, v62  }
0x595: {  	[tilespmem:s12+$0x15250] =	vst v2;
	v2 =	vadd.f32 v60, v63  }
0x596: {  	[tilespmem:s12+$0x15260] =	vst v3  }
0x597: {  	[tilespmem:s12+$0x15270] =	vst v2  }
0x598: {  	_ =	strace $0x9000006D  }
0x599: {  	s6 =	simm.s32 $0x15200;
	s3 =	rddreg [dreg:$0x19]  }
0x59a: {  	[hbm4b:s3+s23] =	stream.linear.scatter [tilespmem:s6], [sflag:$0x13], $0x1400, $0x200038;
	[tilespmem:$0x1DE00] =	vst v63  }
0x59b: {  	_ =	strace $0x90000055  }
0x59c: {  	_ =	swait.ge [sflag:s28], $0x1400  }
0x59d: {  	[sflag:s28] =	ssyncset.done $0x0  }
0x59e: {  	[sflag:s28] =	ssyncadd.s32 $0xFFFFEC00  }
0x59f: {  	_ =	swait.ge [sflag:s9], $0x1400  }
0x5a0: {  	[sflag:s9] =	ssyncset.done $0x0  }
0x5a1: {  	[sflag:s9] =	ssyncadd.s32 $0xFFFFEC00  }
0x5a2: {  	_ =	swait.ge [sflag:s0], $0x1400  }
.Ltmp18:
0x5a3: {  	[sflag:s0] =	ssyncset.done $0x0;
	(pc) =	sbr.rel .LBB2_33-.Ltmp18, $4  }
0x5a4: {  	[sflag:s0] =	ssyncadd.s32 $0xFFFFEC00  }
0x5a5: {  	_ =	swait.ge [sflag:s5], $0x1400  }
0x5a6: {  	[sflag:s5] =	ssyncset.done $0x0  }
0x5a7: {  	s13 =	simm.s32 $0x2700;
	[sflag:s5] =	ssyncadd.s32 $0xFFFFEC00  }
.LBB2_34:
0x5a8: {  	_ =	sfence.sel $0x180000  }
0x5a9: {  	[bflag:$0x0] =	sbarrier.arrive $0xFFFF  }
0x5aa: {  	_ =	strace $0x90000047  }
0x5ab: {  	[bflag:$0x2] =	sbarrier.arrive $0xFFFF  }
0x5ac: {  	s0 =	rddreg [dreg:$0x7]  }
0x5ad: {  	s0 =	sadd.s32 @!p0 $0x100000, s0  }
0x5ae: {  	[sflag:s0] =	ssyncadd.tile.s32 @!p0 $0x1;
	_ =	shalt  }
.Lfunc_end2:
_tile_overlayer_lowered:
.L_overlay_start_2:
0x5af: {  	(tag) =	ssettag $0x2  }
0x5b0: {  	s0 =	rddreg [dreg:$0x0];
	s2 =	stileid.u32  }
0x5b1: {  	s1 =	rddreg [dreg:$0x1];
	p0 =	sne.s32 s2, $0x0  }
0x5b2: {  	s3 =	rddreg [dreg:$0x2];
	[bflag:$0x3] =	sbarrier.arrive $0xFFFF;
	s2 =	simm.s32 @!p0 $0x1C14  }
0x5b3: {  	[timem:s3], [sflag:s2] =	dma.local @!p0 [hbm:s0], s1  }
0x5b4: {  	s0 =	simm.s32 @!p0 $0x14  }
0x5b5: {  	_ =	swait.ge @!p0 [sflag:s0], s1  }
0x5b6: {  	s1 =	ssub.s32 @!p0 $0x0, s1;
	[sflag:s0] =	ssyncset.done @!p0 $0x0  }
0x5b7: {  	[sflag:s0] =	ssyncadd.s32 @!p0 s1  }
0x5b8: {  	[bflag:$0x3] =	sbarrier.arrive $0xFFFF  }
0x5b9: {  	_ =	shalt  }

</sc_bundles>
